<compile_context>
chip_gen: v7x
topology: tpu7x:2x2x1
jax: 0.10.2.dev20260603
libtpu: 0.0.44.dev20260713+nightly
codegen_flags: <defaults>
</compile_context>

<pallas_src>
import functools

import jax
import jax.numpy as jnp
from jax import lax
from jax.experimental import pallas as pl
from jax.experimental.pallas import tpu as pltpu
from jax.experimental.pallas import tpu_sc as plsc

_N = 10000
_E = 320000
_D = 128
_H = 128
_OUT = 16
_NUM_GIN = 6
_EPS = 1e-5

_NC = 2
_NS = 16
_NW = _NC * _NS
_K = 128
_EPT = _E // _NW
_NCHUNK = 79
_PAD = _NCHUNK * _K - _EPT
_NPAD = 16
_RPT = 624
_RPT_LAST = _N - 15 * _RPT


def _sc_agg_body(h_hbm, zeros_hbm, src_hbm, dst_hbm, out0_hbm, out1_hbm,
                 src_v, dst_v, rows_v, acc_sh, gsem):
  c = lax.axis_index("c")
  s = lax.axis_index("s")
  wid = c * _NS + s
  row0 = pl.multiple_of(s * _RPT, 8)

  def _init_rows(src_ref):
    @pl.when(s < _NS - 1)
    def _():
      pltpu.sync_copy(src_ref.at[pl.ds(row0, _RPT)],
                      acc_sh.at[pl.ds(row0, _RPT)])

    @pl.when(s == _NS - 1)
    def _():
      pltpu.sync_copy(src_ref.at[pl.ds(15 * _RPT, _RPT_LAST)],
                      acc_sh.at[pl.ds(15 * _RPT, _RPT_LAST)])

  @pl.when(c == 0)
  def _():
    _init_rows(h_hbm)

  @pl.when(c == 1)
  def _():
    _init_rows(zeros_hbm)

  @pl.when(jnp.logical_and(c == 0, s == 0))
  def _():
    pltpu.sync_copy(zeros_hbm.at[pl.ds(_N, _NPAD)],
                    acc_sh.at[pl.ds(_N, _NPAD)])

  pltpu.sync_copy(src_hbm.at[wid], src_v)
  pltpu.sync_copy(dst_hbm.at[wid], dst_v)
  plsc.subcore_barrier()

  def chunk(j, carry):
    pltpu.async_copy(h_hbm.at[src_v.at[j]], rows_v, gsem).wait()
    pltpu.sync_copy(rows_v, acc_sh.at[dst_v.at[j]], add=True)
    return carry

  lax.fori_loop(0, _NCHUNK, chunk, 0)
  plsc.subcore_barrier()

  def _write_rows(out_ref):
    @pl.when(s < _NS - 1)
    def _():
      pltpu.sync_copy(acc_sh.at[pl.ds(row0, _RPT)],
                      out_ref.at[pl.ds(row0, _RPT)])

    @pl.when(s == _NS - 1)
    def _():
      pltpu.sync_copy(acc_sh.at[pl.ds(15 * _RPT, _RPT_LAST)],
                      out_ref.at[pl.ds(15 * _RPT, _RPT_LAST)])

  @pl.when(c == 0)
  def _():
    _write_rows(out0_hbm)

  @pl.when(c == 1)
  def _():
    _write_rows(out1_hbm)


@functools.lru_cache(maxsize=None)
def _make_sc_agg():
  return pl.kernel(
      _sc_agg_body,
      out_type=(jax.ShapeDtypeStruct((_N, _D), jnp.float32),
                jax.ShapeDtypeStruct((_N, _D), jnp.float32)),
      mesh=plsc.VectorSubcoreMesh(core_axis_name="c", subcore_axis_name="s",
                                  num_cores=_NC, num_subcores=_NS),
      scratch_types=[
          pltpu.VMEM((_NCHUNK, _K), jnp.int32),
          pltpu.VMEM((_NCHUNK, _K), jnp.int32),
          pltpu.VMEM((_K, _D), jnp.float32),
          pltpu.VMEM_SHARED((_N + _NPAD, _D), jnp.float32),
          pltpu.SemaphoreType.DMA,
      ],
  )


def _sc_agg(h, zeros, src, dst):
  return _make_sc_agg()(h, zeros, src, dst)


def _mlp_bn(z, w1t, bng, bnb, w2t, bg, bb):
  z1 = jnp.dot(z, w1t, preferred_element_type=jnp.float32)
  m = jnp.mean(z1, axis=0, keepdims=True)
  d = z1 - m
  v = jnp.mean(d * d, axis=0, keepdims=True)
  a = jnp.maximum(d * lax.rsqrt(v + _EPS) * bng + bnb, 0.0)
  z2 = jnp.dot(a, w2t, preferred_element_type=jnp.float32)
  m2 = jnp.mean(z2, axis=0, keepdims=True)
  d2 = z2 - m2
  v2 = jnp.mean(d2 * d2, axis=0, keepdims=True)
  return jnp.maximum(d2 * lax.rsqrt(v2 + _EPS) * bg + bb, 0.0)


def _tc_layer_body(p0, p1, w1t, bng, bnb, w2t, bg, bb, pwt, h_out, part):
  ho = _mlp_bn(p0[...] + p1[...], w1t[...], bng[...], bnb[...],
               w2t[...], bg[...], bb[...])
  h_out[...] = ho
  pooled = jnp.sum(ho, axis=0, keepdims=True)
  part[...] = jnp.dot(pooled, pwt[...], preferred_element_type=jnp.float32)


def _tc_last_body(p0, p1, w1t, bng, bnb, w2t, bg, bb, pwt, parts, biases,
                  out):
  ho = _mlp_bn(p0[...] + p1[...], w1t[...], bng[...], bnb[...],
               w2t[...], bg[...], bb[...])
  pooled = jnp.sum(ho, axis=0, keepdims=True)
  part = jnp.dot(pooled, pwt[...], preferred_element_type=jnp.float32)
  score = (part + jnp.sum(parts[...], axis=0, keepdims=True)
           + jnp.sum(biases[...], axis=0, keepdims=True))
  mx = jnp.max(score, axis=-1, keepdims=True)
  sh = score - mx
  out[...] = sh - jnp.log(jnp.sum(jnp.exp(sh), axis=-1, keepdims=True))


def _tc_last(p0, p1, w1t, bng, bnb, w2t, bg, bb, pwt, parts, biases):
  return pl.pallas_call(
      _tc_last_body,
      out_shape=jax.ShapeDtypeStruct((1, _OUT), jnp.float32),
  )(p0, p1, w1t, bng, bnb, w2t, bg, bb, pwt, parts, biases)


def _tc_layer0_body(x, p0, p1, w1t, bng, bnb, w2t, bg, bb, pw0t, pwt,
                    h_out, part0, part1):
  px = jnp.sum(x[...], axis=0, keepdims=True)
  part0[...] = jnp.dot(px, pw0t[...], preferred_element_type=jnp.float32)
  ho = _mlp_bn(p0[...] + p1[...], w1t[...], bng[...], bnb[...],
               w2t[...], bg[...], bb[...])
  h_out[...] = ho
  pooled = jnp.sum(ho, axis=0, keepdims=True)
  part1[...] = jnp.dot(pooled, pwt[...], preferred_element_type=jnp.float32)


def _tc_layer(p0, p1, w1t, bng, bnb, w2t, bg, bb, pwt):
  out_d = w2t.shape[1]
  return pl.pallas_call(
      _tc_layer_body,
      out_shape=(jax.ShapeDtypeStruct((_N, out_d), jnp.float32),
                 jax.ShapeDtypeStruct((1, _OUT), jnp.float32)),
  )(p0, p1, w1t, bng, bnb, w2t, bg, bb, pwt)


def _tc_layer0(x, p0, p1, w1t, bng, bnb, w2t, bg, bb, pw0t, pwt):
  return pl.pallas_call(
      _tc_layer0_body,
      out_shape=(jax.ShapeDtypeStruct((_N, _H), jnp.float32),
                 jax.ShapeDtypeStruct((1, _OUT), jnp.float32),
                 jax.ShapeDtypeStruct((1, _OUT), jnp.float32)),
  )(x, p0, p1, w1t, bng, bnb, w2t, bg, bb, pw0t, pwt)


def kernel(x, edge_index, params):
  x = x.astype(jnp.float32)
  src = edge_index[0].astype(jnp.int32).reshape(_NW, _EPT)
  dst = edge_index[1].astype(jnp.int32).reshape(_NW, _EPT)
  src = jnp.pad(src, ((0, 0), (0, _PAD))).reshape(_NW, _NCHUNK, _K)
  dst = jnp.pad(dst, ((0, 0), (0, _PAD)),
                constant_values=_N).reshape(_NW, _NCHUNK, _K)
  zeros = jnp.zeros((_N + _NPAD, _D), jnp.float32)

  biases = jnp.stack([params[f"pred{i}_b"] for i in range(_NUM_GIN + 1)],
                     axis=0)

  parts = []
  h = x
  for i in range(_NUM_GIN):
    out_d = 1 if i == _NUM_GIN - 1 else _H
    p0, p1 = _sc_agg(h, zeros, src, dst)
    w1t = params[f"gin{i}_W1"].T
    w2t = params[f"gin{i}_W2"].T
    bng = params[f"gin{i}_bng"].reshape(1, _H)
    bnb = params[f"gin{i}_bnb"].reshape(1, _H)
    bg = params[f"bn{i}_g"].reshape(1, out_d)
    bb = params[f"bn{i}_b"].reshape(1, out_d)
    pwt = params[f"pred{i + 1}_W"].T
    if i == 0:
      h, part0, part1 = _tc_layer0(x, p0, p1, w1t, bng, bnb, w2t, bg, bb,
                                   params["pred0_W"].T, pwt)
      parts += [part0, part1]
    elif i < _NUM_GIN - 1:
      h, part = _tc_layer(p0, p1, w1t, bng, bnb, w2t, bg, bb, pwt)
      parts.append(part)
    else:
      parts_all = jnp.concatenate(parts, axis=0)
      return _tc_last(p0, p1, w1t, bng, bnb, w2t, bg, bb, pwt,
                      parts_all, biases)

# --- scband reference (transcript-rebuilt; emitter-appended) ---
"""Pipeline reference for scband-gin-34531537060539 (READ-ONLY COPY).

The authoritative reference and input builder live on the scoring server;
editing this copy changes nothing except your own understanding.
"""

import jax, jax.numpy as jnp
import numpy as np

N = 10000
E = 320000
IN = 128
H = 128
OUT = 16
NUM_GIN = 6  # num_layers=5 hidden GIN layers + 1 final GIN layer with out dim 1


def setup_inputs(seed: int = 0) -> dict:
    key = jax.random.key(seed)
    ks = jax.random.split(key, 64)
    x = jax.random.normal(ks[0], (N, IN), dtype=jnp.float32)
    edge_index = jax.random.randint(ks[1], (2, E), 0, N)
    params = {}
    k = 2
    for i in range(NUM_GIN):
        in_d = IN if i == 0 else H
        out_d = 1 if i == NUM_GIN - 1 else H
        params[f"gin{i}_W1"] = jax.random.normal(ks[k], (H, in_d), dtype=jnp.float32) * 0.05; k += 1
        params[f"gin{i}_W2"] = jax.random.normal(ks[k], (out_d, H), dtype=jnp.float32) * 0.05; k += 1
        params[f"gin{i}_bng"] = jnp.ones((H,), dtype=jnp.float32)
        params[f"gin{i}_bnb"] = jnp.zeros((H,), dtype=jnp.float32)
        bn_d = 1 if i == NUM_GIN - 1 else H
        params[f"bn{i}_g"] = jnp.ones((bn_d,), dtype=jnp.float32)
        params[f"bn{i}_b"] = jnp.zeros((bn_d,), dtype=jnp.float32)
    for i in range(NUM_GIN + 1):
        in_d = IN if i == 0 else (1 if i == NUM_GIN else H)
        params[f"pred{i}_W"] = jax.random.normal(ks[k], (OUT, in_d), dtype=jnp.float32) * 0.05; k += 1
        params[f"pred{i}_b"] = jnp.zeros((OUT,), dtype=jnp.float32)
    return {"x": x, "edge_index": edge_index, "params": params}


def _bn(h, g, b, eps=1e-5):
    # BatchNorm1d in training mode: biased batch statistics over the node dim
    m = jnp.mean(h, axis=0)
    v = jnp.var(h, axis=0)
    return (h - m) / jnp.sqrt(v + eps) * g + b


def _forward(x, params, edge_index):
    src = edge_index[0]
    dst = edge_index[1]
    h = x
    hidden_rep = [h]
    for i in range(NUM_GIN):
        # GINConv, learn_eps=False (eps=0), sum aggregation:
        # h' = MLP(h + sum_{j in N(i)} h_j)
        agg = jnp.zeros((h.shape[0], h.shape[1]), dtype=h.dtype).at[dst].add(h[src])
        z = h + agg
        # MLP: Linear(no bias) -> BN -> ReLU -> Linear(no bias)
        z = z @ params[f"gin{i}_W1"].T
        z = jax.nn.relu(_bn(z, params[f"gin{i}_bng"], params[f"gin{i}_bnb"]))
        z = z @ params[f"gin{i}_W2"].T
        # outer batch norm + relu
        h = jax.nn.relu(_bn(z, params[f"bn{i}_g"], params[f"bn{i}_b"]))
        hidden_rep.append(h)
    score = jnp.zeros((1, OUT), dtype=x.dtype)
    for i, hh in enumerate(hidden_rep):
        pooled = jnp.sum(hh, axis=0, keepdims=True)  # SumPooling over the single graph
        score = score + pooled @ params[f"pred{i}_W"].T + params[f"pred{i}_b"]
    return jax.nn.log_softmax(score, axis=-1)


def reference(x, edge_index, params):
    return _forward(x, params, edge_index)

if __name__ == "__main__":
    import jax
    _d = setup_inputs()
    print(jax.jit(kernel)(*tuple(_d.values())))

</pallas_src>

<mosaic_0001>
#map = affine_map<(d0, d1) -> (0, 0)>
#map1 = affine_map<(d0, d1) -> (0, 0, 0)>
module attributes {stable_mosaic.version = 14 : i64} {
  func.func @_sc_agg_body(%arg0: i32, %arg1: i32, %arg2: memref<10000x128xf32, #tpu.memory_space<hbm>>, %arg3: memref<10016x128xf32, #tpu.memory_space<hbm>>, %arg4: memref<32x79x128xi32, #tpu.memory_space<hbm>>, %arg5: memref<32x79x128xi32, #tpu.memory_space<hbm>>, %arg6: memref<10000x128xf32, #tpu.memory_space<hbm>>, %arg7: memref<10000x128xf32, #tpu.memory_space<hbm>>, %arg8: memref<79x128xi32, #tpu.memory_space<vmem>>, %arg9: memref<79x128xi32, #tpu.memory_space<vmem>>, %arg10: memref<128x128xf32, #tpu.memory_space<vmem>>, %arg11: memref<10016x128xf32, #tpu.memory_space<vmem_shared>>, %arg12: memref<!tpu.dma_semaphore, #tpu.memory_space<semaphore_mem>>) attributes {dimension_semantics = [#tpu.dimension_semantics<core_parallel>, #tpu.dimension_semantics<subcore_parallel>], iteration_bounds = array<i64: 2, 16>, scalar_prefetch = 0 : i64, scratch_operands = 5 : i64, tpu.core_type = #tpu.core_type<sc_vector_subcore>, window_params = [{transform_indices = #map}, {transform_indices = #map}, {transform_indices = #map1}, {transform_indices = #map1}, {transform_indices = #map}, {transform_indices = #map}]} {
    %mul3A = arith.constant 16 : i32
    %mul3A_0 = arith.muli %arg0, %mul3A : i32
    %add3A = arith.addi %mul3A_0, %arg1 : i32
    %mul3A_1 = arith.constant 624 : i32
    %mul3A_2 = arith.muli %arg1, %mul3A_1 : i32
    %multiple_of3A = tpu.assume_multiple %mul3A_2, 8 : i32
    %eq3A = arith.constant 0 : i32
    %eq3A_3 = arith.cmpi eq, %arg0, %eq3A : i32
    %convert_element_type3A = arith.extui %eq3A_3 : i1 to i32
    %cond3A = arith.constant 0 : i32
    %cond3A_4 = arith.cmpi ne, %convert_element_type3A, %cond3A : i32
    scf.if %cond3A_4 {
      %lt3A = arith.constant 15 : i32
      %lt3A_33 = arith.cmpi slt, %arg1, %lt3A : i32
      %convert_element_type3A_34 = arith.extui %lt3A_33 : i1 to i32
      %cond3A_35 = arith.constant 0 : i32
      %cond3A_36 = arith.cmpi ne, %convert_element_type3A_34, %cond3A_35 : i32
      scf.if %cond3A_36 {
        "tpu.region"() ({
          %run_scoped3A = tpu.sem_alloc : memref<!tpu.dma_semaphore, #tpu.memory_space<semaphore_mem>>
          %dma_start3A = arith.constant 0 : i32
          %dma_start3A_42 = tpu.memref_slice %arg11[%multiple_of3A, %dma_start3A] : memref<10016x128xf32, #tpu.memory_space<vmem_shared>> -> memref<624x128xf32, #tpu.memory_space<vmem_shared>>
          %dma_start3A_43 = arith.constant 0 : i32
          %dma_start3A_44 = tpu.memref_slice %arg2[%multiple_of3A, %dma_start3A_43] : memref<10000x128xf32, #tpu.memory_space<hbm>> -> memref<624x128xf32, #tpu.memory_space<hbm>>
          tpu.enqueue_dma source(%dma_start3A_44 : memref<624x128xf32, #tpu.memory_space<hbm>>) target(%dma_start3A_42 : memref<624x128xf32, #tpu.memory_space<vmem_shared>>) target_semaphore(%run_scoped3A : memref<!tpu.dma_semaphore, #tpu.memory_space<semaphore_mem>>)
          %dma_wait3A = arith.constant 0 : i32
          %dma_wait3A_45 = tpu.memref_slice %arg11[%multiple_of3A, %dma_wait3A] : memref<10016x128xf32, #tpu.memory_space<vmem_shared>> -> memref<624x128xf32, #tpu.memory_space<vmem_shared>>
          %dma_wait3A_46 = arith.constant 0 : i32
          %dma_wait3A_47 = tpu.memref_slice %arg2[%multiple_of3A, %dma_wait3A_46] : memref<10000x128xf32, #tpu.memory_space<hbm>> -> memref<624x128xf32, #tpu.memory_space<hbm>>
          tpu.wait_dma2 semaphore(%run_scoped3A : memref<!tpu.dma_semaphore, #tpu.memory_space<semaphore_mem>>) src(%dma_wait3A_47 : memref<624x128xf32, #tpu.memory_space<hbm>>) dst(%dma_wait3A_45 : memref<624x128xf32, #tpu.memory_space<vmem_shared>>)
          tpu.yield
        }) : () -> ()
      } else {
      }
      %eq3A_37 = arith.constant 15 : i32
      %eq3A_38 = arith.cmpi eq, %arg1, %eq3A_37 : i32
      %convert_element_type3A_39 = arith.extui %eq3A_38 : i1 to i32
      %cond3A_40 = arith.constant 0 : i32
      %cond3A_41 = arith.cmpi ne, %convert_element_type3A_39, %cond3A_40 : i32
      scf.if %cond3A_41 {
        "tpu.region"() ({
          %run_scoped3A = tpu.sem_alloc : memref<!tpu.dma_semaphore, #tpu.memory_space<semaphore_mem>>
          %dma_start3A = arith.constant 9360 : i32
          %dma_start3A_42 = arith.constant 0 : i32
          %dma_start3A_43 = tpu.memref_slice %arg11[%dma_start3A, %dma_start3A_42] : memref<10016x128xf32, #tpu.memory_space<vmem_shared>> -> memref<640x128xf32, #tpu.memory_space<vmem_shared>>
          %dma_start3A_44 = arith.constant 9360 : i32
          %dma_start3A_45 = arith.constant 0 : i32
          %dma_start3A_46 = tpu.memref_slice %arg2[%dma_start3A_44, %dma_start3A_45] : memref<10000x128xf32, #tpu.memory_space<hbm>> -> memref<640x128xf32, #tpu.memory_space<hbm>>
          tpu.enqueue_dma source(%dma_start3A_46 : memref<640x128xf32, #tpu.memory_space<hbm>>) target(%dma_start3A_43 : memref<640x128xf32, #tpu.memory_space<vmem_shared>>) target_semaphore(%run_scoped3A : memref<!tpu.dma_semaphore, #tpu.memory_space<semaphore_mem>>)
          %dma_wait3A = arith.constant 9360 : i32
          %dma_wait3A_47 = arith.constant 0 : i32
          %dma_wait3A_48 = tpu.memref_slice %arg11[%dma_wait3A, %dma_wait3A_47] : memref<10016x128xf32, #tpu.memory_space<vmem_shared>> -> memref<640x128xf32, #tpu.memory_space<vmem_shared>>
          %dma_wait3A_49 = arith.constant 9360 : i32
          %dma_wait3A_50 = arith.constant 0 : i32
          %dma_wait3A_51 = tpu.memref_slice %arg2[%dma_wait3A_49, %dma_wait3A_50] : memref<10000x128xf32, #tpu.memory_space<hbm>> -> memref<640x128xf32, #tpu.memory_space<hbm>>
          tpu.wait_dma2 semaphore(%run_scoped3A : memref<!tpu.dma_semaphore, #tpu.memory_space<semaphore_mem>>) src(%dma_wait3A_51 : memref<640x128xf32, #tpu.memory_space<hbm>>) dst(%dma_wait3A_48 : memref<640x128xf32, #tpu.memory_space<vmem_shared>>)
          tpu.yield
        }) : () -> ()
      } else {
      }
    } else {
    }
    %eq3A_5 = arith.constant 1 : i32
    %eq3A_6 = arith.cmpi eq, %arg0, %eq3A_5 : i32
    %convert_element_type3A_7 = arith.extui %eq3A_6 : i1 to i32
    %cond3A_8 = arith.constant 0 : i32
    %cond3A_9 = arith.cmpi ne, %convert_element_type3A_7, %cond3A_8 : i32
    scf.if %cond3A_9 {
      %lt3A = arith.constant 15 : i32
      %lt3A_33 = arith.cmpi slt, %arg1, %lt3A : i32
      %convert_element_type3A_34 = arith.extui %lt3A_33 : i1 to i32
      %cond3A_35 = arith.constant 0 : i32
      %cond3A_36 = arith.cmpi ne, %convert_element_type3A_34, %cond3A_35 : i32
      scf.if %cond3A_36 {
        "tpu.region"() ({
          %run_scoped3A = tpu.sem_alloc : memref<!tpu.dma_semaphore, #tpu.memory_space<semaphore_mem>>
          %dma_start3A = arith.constant 0 : i32
          %dma_start3A_42 = tpu.memref_slice %arg11[%multiple_of3A, %dma_start3A] : memref<10016x128xf32, #tpu.memory_space<vmem_shared>> -> memref<624x128xf32, #tpu.memory_space<vmem_shared>>
          %dma_start3A_43 = arith.constant 0 : i32
          %dma_start3A_44 = tpu.memref_slice %arg3[%multiple_of3A, %dma_start3A_43] : memref<10016x128xf32, #tpu.memory_space<hbm>> -> memref<624x128xf32, #tpu.memory_space<hbm>>
          tpu.enqueue_dma source(%dma_start3A_44 : memref<624x128xf32, #tpu.memory_space<hbm>>) target(%dma_start3A_42 : memref<624x128xf32, #tpu.memory_space<vmem_shared>>) target_semaphore(%run_scoped3A : memref<!tpu.dma_semaphore, #tpu.memory_space<semaphore_mem>>)
          %dma_wait3A = arith.constant 0 : i32
          %dma_wait3A_45 = tpu.memref_slice %arg11[%multiple_of3A, %dma_wait3A] : memref<10016x128xf32, #tpu.memory_space<vmem_shared>> -> memref<624x128xf32, #tpu.memory_space<vmem_shared>>
          %dma_wait3A_46 = arith.constant 0 : i32
          %dma_wait3A_47 = tpu.memref_slice %arg3[%multiple_of3A, %dma_wait3A_46] : memref<10016x128xf32, #tpu.memory_space<hbm>> -> memref<624x128xf32, #tpu.memory_space<hbm>>
          tpu.wait_dma2 semaphore(%run_scoped3A : memref<!tpu.dma_semaphore, #tpu.memory_space<semaphore_mem>>) src(%dma_wait3A_47 : memref<624x128xf32, #tpu.memory_space<hbm>>) dst(%dma_wait3A_45 : memref<624x128xf32, #tpu.memory_space<vmem_shared>>)
          tpu.yield
        }) : () -> ()
      } else {
      }
      %eq3A_37 = arith.constant 15 : i32
      %eq3A_38 = arith.cmpi eq, %arg1, %eq3A_37 : i32
      %convert_element_type3A_39 = arith.extui %eq3A_38 : i1 to i32
      %cond3A_40 = arith.constant 0 : i32
      %cond3A_41 = arith.cmpi ne, %convert_element_type3A_39, %cond3A_40 : i32
      scf.if %cond3A_41 {
        "tpu.region"() ({
          %run_scoped3A = tpu.sem_alloc : memref<!tpu.dma_semaphore, #tpu.memory_space<semaphore_mem>>
          %dma_start3A = arith.constant 9360 : i32
          %dma_start3A_42 = arith.constant 0 : i32
          %dma_start3A_43 = tpu.memref_slice %arg11[%dma_start3A, %dma_start3A_42] : memref<10016x128xf32, #tpu.memory_space<vmem_shared>> -> memref<640x128xf32, #tpu.memory_space<vmem_shared>>
          %dma_start3A_44 = arith.constant 9360 : i32
          %dma_start3A_45 = arith.constant 0 : i32
          %dma_start3A_46 = tpu.memref_slice %arg3[%dma_start3A_44, %dma_start3A_45] : memref<10016x128xf32, #tpu.memory_space<hbm>> -> memref<640x128xf32, #tpu.memory_space<hbm>>
          tpu.enqueue_dma source(%dma_start3A_46 : memref<640x128xf32, #tpu.memory_space<hbm>>) target(%dma_start3A_43 : memref<640x128xf32, #tpu.memory_space<vmem_shared>>) target_semaphore(%run_scoped3A : memref<!tpu.dma_semaphore, #tpu.memory_space<semaphore_mem>>)
          %dma_wait3A = arith.constant 9360 : i32
          %dma_wait3A_47 = arith.constant 0 : i32
          %dma_wait3A_48 = tpu.memref_slice %arg11[%dma_wait3A, %dma_wait3A_47] : memref<10016x128xf32, #tpu.memory_space<vmem_shared>> -> memref<640x128xf32, #tpu.memory_space<vmem_shared>>
          %dma_wait3A_49 = arith.constant 9360 : i32
          %dma_wait3A_50 = arith.constant 0 : i32
          %dma_wait3A_51 = tpu.memref_slice %arg3[%dma_wait3A_49, %dma_wait3A_50] : memref<10016x128xf32, #tpu.memory_space<hbm>> -> memref<640x128xf32, #tpu.memory_space<hbm>>
          tpu.wait_dma2 semaphore(%run_scoped3A : memref<!tpu.dma_semaphore, #tpu.memory_space<semaphore_mem>>) src(%dma_wait3A_51 : memref<640x128xf32, #tpu.memory_space<hbm>>) dst(%dma_wait3A_48 : memref<640x128xf32, #tpu.memory_space<vmem_shared>>)
          tpu.yield
        }) : () -> ()
      } else {
      }
    } else {
    }
    %eq3A_10 = arith.constant 0 : i32
    %eq3A_11 = arith.cmpi eq, %arg0, %eq3A_10 : i32
    %eq3A_12 = arith.constant 0 : i32
    %eq3A_13 = arith.cmpi eq, %arg1, %eq3A_12 : i32
    %and3A = arith.andi %eq3A_11, %eq3A_13 : i1
    %convert_element_type3A_14 = arith.extui %and3A : i1 to i32
    %cond3A_15 = arith.constant 0 : i32
    %cond3A_16 = arith.cmpi ne, %convert_element_type3A_14, %cond3A_15 : i32
    scf.if %cond3A_16 {
      "tpu.region"() ({
        %run_scoped3A = tpu.sem_alloc : memref<!tpu.dma_semaphore, #tpu.memory_space<semaphore_mem>>
        %dma_start3A = arith.constant 10000 : i32
        %dma_start3A_33 = arith.constant 0 : i32
        %dma_start3A_34 = tpu.memref_slice %arg11[%dma_start3A, %dma_start3A_33] : memref<10016x128xf32, #tpu.memory_space<vmem_shared>> -> memref<16x128xf32, #tpu.memory_space<vmem_shared>>
        %dma_start3A_35 = arith.constant 10000 : i32
        %dma_start3A_36 = arith.constant 0 : i32
        %dma_start3A_37 = tpu.memref_slice %arg3[%dma_start3A_35, %dma_start3A_36] : memref<10016x128xf32, #tpu.memory_space<hbm>> -> memref<16x128xf32, #tpu.memory_space<hbm>>
        tpu.enqueue_dma source(%dma_start3A_37 : memref<16x128xf32, #tpu.memory_space<hbm>>) target(%dma_start3A_34 : memref<16x128xf32, #tpu.memory_space<vmem_shared>>) target_semaphore(%run_scoped3A : memref<!tpu.dma_semaphore, #tpu.memory_space<semaphore_mem>>)
        %dma_wait3A = arith.constant 10000 : i32
        %dma_wait3A_38 = arith.constant 0 : i32
        %dma_wait3A_39 = tpu.memref_slice %arg11[%dma_wait3A, %dma_wait3A_38] : memref<10016x128xf32, #tpu.memory_space<vmem_shared>> -> memref<16x128xf32, #tpu.memory_space<vmem_shared>>
        %dma_wait3A_40 = arith.constant 10000 : i32
        %dma_wait3A_41 = arith.constant 0 : i32
        %dma_wait3A_42 = tpu.memref_slice %arg3[%dma_wait3A_40, %dma_wait3A_41] : memref<10016x128xf32, #tpu.memory_space<hbm>> -> memref<16x128xf32, #tpu.memory_space<hbm>>
        tpu.wait_dma2 semaphore(%run_scoped3A : memref<!tpu.dma_semaphore, #tpu.memory_space<semaphore_mem>>) src(%dma_wait3A_42 : memref<16x128xf32, #tpu.memory_space<hbm>>) dst(%dma_wait3A_39 : memref<16x128xf32, #tpu.memory_space<vmem_shared>>)
        tpu.yield
      }) : () -> ()
    } else {
    }
    "tpu.region"() ({
      %run_scoped3A = tpu.sem_alloc : memref<!tpu.dma_semaphore, #tpu.memory_space<semaphore_mem>>
      %dma_start3A = arith.constant 0 : i32
      %dma_start3A_33 = arith.constant 0 : i32
      %dma_start3A_34 = tpu.memref_slice %arg4[%add3A, %dma_start3A, %dma_start3A_33] : memref<32x79x128xi32, #tpu.memory_space<hbm>> -> memref<1x79x128xi32, #tpu.memory_space<hbm>>
      %dma_start3A_35 = tpu.memref_squeeze %dma_start3A_34 : memref<1x79x128xi32, #tpu.memory_space<hbm>> -> memref<79x128xi32, #tpu.memory_space<hbm>>
      %dma_start3A_36 = arith.constant 0 : i32
      %dma_start3A_37 = arith.constant 0 : i32
      %dma_start3A_38 = tpu.memref_slice %arg4[%add3A, %dma_start3A_36, %dma_start3A_37] : memref<32x79x128xi32, #tpu.memory_space<hbm>> -> memref<1x79x128xi32, #tpu.memory_space<hbm>>
      %dma_start3A_39 = tpu.memref_squeeze %dma_start3A_38 : memref<1x79x128xi32, #tpu.memory_space<hbm>> -> memref<79x128xi32, #tpu.memory_space<hbm>>
      tpu.enqueue_dma source(%dma_start3A_39 : memref<79x128xi32, #tpu.memory_space<hbm>>) target(%arg8 : memref<79x128xi32, #tpu.memory_space<vmem>>) target_semaphore(%run_scoped3A : memref<!tpu.dma_semaphore, #tpu.memory_space<semaphore_mem>>)
      %dma_wait3A = arith.constant 0 : i32
      %dma_wait3A_40 = arith.constant 0 : i32
      %dma_wait3A_41 = tpu.memref_slice %arg4[%add3A, %dma_wait3A, %dma_wait3A_40] : memref<32x79x128xi32, #tpu.memory_space<hbm>> -> memref<1x79x128xi32, #tpu.memory_space<hbm>>
      %dma_wait3A_42 = tpu.memref_squeeze %dma_wait3A_41 : memref<1x79x128xi32, #tpu.memory_space<hbm>> -> memref<79x128xi32, #tpu.memory_space<hbm>>
      %dma_wait3A_43 = arith.constant 0 : i32
      %dma_wait3A_44 = arith.constant 0 : i32
      %dma_wait3A_45 = tpu.memref_slice %arg4[%add3A, %dma_wait3A_43, %dma_wait3A_44] : memref<32x79x128xi32, #tpu.memory_space<hbm>> -> memref<1x79x128xi32, #tpu.memory_space<hbm>>
      %dma_wait3A_46 = tpu.memref_squeeze %dma_wait3A_45 : memref<1x79x128xi32, #tpu.memory_space<hbm>> -> memref<79x128xi32, #tpu.memory_space<hbm>>
      tpu.wait_dma2 semaphore(%run_scoped3A : memref<!tpu.dma_semaphore, #tpu.memory_space<semaphore_mem>>) src(%dma_wait3A_46 : memref<79x128xi32, #tpu.memory_space<hbm>>) dst(%arg8 : memref<79x128xi32, #tpu.memory_space<vmem>>)
      tpu.yield
    }) : () -> ()
    "tpu.region"() ({
      %run_scoped3A = tpu.sem_alloc : memref<!tpu.dma_semaphore, #tpu.memory_space<semaphore_mem>>
      %dma_start3A = arith.constant 0 : i32
      %dma_start3A_33 = arith.constant 0 : i32
      %dma_start3A_34 = tpu.memref_slice %arg5[%add3A, %dma_start3A, %dma_start3A_33] : memref<32x79x128xi32, #tpu.memory_space<hbm>> -> memref<1x79x128xi32, #tpu.memory_space<hbm>>
      %dma_start3A_35 = tpu.memref_squeeze %dma_start3A_34 : memref<1x79x128xi32, #tpu.memory_space<hbm>> -> memref<79x128xi32, #tpu.memory_space<hbm>>
      %dma_start3A_36 = arith.constant 0 : i32
      %dma_start3A_37 = arith.constant 0 : i32
      %dma_start3A_38 = tpu.memref_slice %arg5[%add3A, %dma_start3A_36, %dma_start3A_37] : memref<32x79x128xi32, #tpu.memory_space<hbm>> -> memref<1x79x128xi32, #tpu.memory_space<hbm>>
      %dma_start3A_39 = tpu.memref_squeeze %dma_start3A_38 : memref<1x79x128xi32, #tpu.memory_space<hbm>> -> memref<79x128xi32, #tpu.memory_space<hbm>>
      tpu.enqueue_dma source(%dma_start3A_39 : memref<79x128xi32, #tpu.memory_space<hbm>>) target(%arg9 : memref<79x128xi32, #tpu.memory_space<vmem>>) target_semaphore(%run_scoped3A : memref<!tpu.dma_semaphore, #tpu.memory_space<semaphore_mem>>)
      %dma_wait3A = arith.constant 0 : i32
      %dma_wait3A_40 = arith.constant 0 : i32
      %dma_wait3A_41 = tpu.memref_slice %arg5[%add3A, %dma_wait3A, %dma_wait3A_40] : memref<32x79x128xi32, #tpu.memory_space<hbm>> -> memref<1x79x128xi32, #tpu.memory_space<hbm>>
      %dma_wait3A_42 = tpu.memref_squeeze %dma_wait3A_41 : memref<1x79x128xi32, #tpu.memory_space<hbm>> -> memref<79x128xi32, #tpu.memory_space<hbm>>
      %dma_wait3A_43 = arith.constant 0 : i32
      %dma_wait3A_44 = arith.constant 0 : i32
      %dma_wait3A_45 = tpu.memref_slice %arg5[%add3A, %dma_wait3A_43, %dma_wait3A_44] : memref<32x79x128xi32, #tpu.memory_space<hbm>> -> memref<1x79x128xi32, #tpu.memory_space<hbm>>
      %dma_wait3A_46 = tpu.memref_squeeze %dma_wait3A_45 : memref<1x79x128xi32, #tpu.memory_space<hbm>> -> memref<79x128xi32, #tpu.memory_space<hbm>>
      tpu.wait_dma2 semaphore(%run_scoped3A : memref<!tpu.dma_semaphore, #tpu.memory_space<semaphore_mem>>) src(%dma_wait3A_46 : memref<79x128xi32, #tpu.memory_space<hbm>>) dst(%arg9 : memref<79x128xi32, #tpu.memory_space<vmem>>)
      tpu.yield
    }) : () -> ()
    %barrier3A = arith.constant 0 : index
    tpu.barrier barrier_id(%barrier3A)
    %scan3A = arith.constant 0 : i32
    %scan3A_17 = arith.constant 0 : i32
    %scan3A_18 = arith.constant 79 : i32
    %scan3A_19 = arith.addi %scan3A_17, %scan3A_18 : i32
    %scan3A_20 = arith.constant 1 : i32
    scf.for %scan3A_33 = %scan3A_17 to %scan3A_19 step %scan3A_20  : i32 {
      %dma_start3A = arith.constant 0 : i32
      %dma_start3A_34 = tpu.memref_slice %arg8[%scan3A_33, %dma_start3A] : memref<79x128xi32, #tpu.memory_space<vmem>> -> memref<1x128xi32, #tpu.memory_space<vmem>>
      %dma_start3A_35 = tpu.memref_squeeze %dma_start3A_34 : memref<1x128xi32, #tpu.memory_space<vmem>> -> memref<128xi32, #tpu.memory_space<vmem>>
      %dma_start3A_36 = arith.constant 0 : i32
      %dma_start3A_37 = arith.constant 0 : i32
      %dma_start3A_38 = tpu.memref_slice %arg2[%dma_start3A_36, %dma_start3A_37] : memref<10000x128xf32, #tpu.memory_space<hbm>> -> memref<10000x128xf32, #tpu.memory_space<hbm>>
      tpu.enqueue_indirect_dma source(%dma_start3A_38 : memref<10000x128xf32, #tpu.memory_space<hbm>>) target(%arg10 : memref<128x128xf32, #tpu.memory_space<vmem>>) offsets(%dma_start3A_35 : memref<128xi32, #tpu.memory_space<vmem>>) semaphore(%arg12 : memref<!tpu.dma_semaphore, #tpu.memory_space<semaphore_mem>>)
      %dma_wait3A = arith.constant 0 : i32
      %dma_wait3A_39 = tpu.memref_slice %arg8[%scan3A_33, %dma_wait3A] : memref<79x128xi32, #tpu.memory_space<vmem>> -> memref<1x128xi32, #tpu.memory_space<vmem>>
      %dma_wait3A_40 = tpu.memref_squeeze %dma_wait3A_39 : memref<1x128xi32, #tpu.memory_space<vmem>> -> memref<128xi32, #tpu.memory_space<vmem>>
      %dma_wait3A_41 = arith.constant 0 : i32
      %dma_wait3A_42 = arith.constant 0 : i32
      %dma_wait3A_43 = tpu.memref_slice %arg2[%dma_wait3A_41, %dma_wait3A_42] : memref<10000x128xf32, #tpu.memory_space<hbm>> -> memref<10000x128xf32, #tpu.memory_space<hbm>>
      tpu.wait_indirect_dma semaphore(%arg12 : memref<!tpu.dma_semaphore, #tpu.memory_space<semaphore_mem>>) src(%dma_wait3A_43 : memref<10000x128xf32, #tpu.memory_space<hbm>>) dst(%arg10 : memref<128x128xf32, #tpu.memory_space<vmem>>)
      "tpu.region"() ({
        %run_scoped3A = tpu.sem_alloc : memref<!tpu.dma_semaphore, #tpu.memory_space<semaphore_mem>>
        %dma_start3A_44 = arith.constant 0 : i32
        %dma_start3A_45 = tpu.memref_slice %arg9[%scan3A_33, %dma_start3A_44] : memref<79x128xi32, #tpu.memory_space<vmem>> -> memref<1x128xi32, #tpu.memory_space<vmem>>
        %dma_start3A_46 = tpu.memref_squeeze %dma_start3A_45 : memref<1x128xi32, #tpu.memory_space<vmem>> -> memref<128xi32, #tpu.memory_space<vmem>>
        %dma_start3A_47 = arith.constant 0 : i32
        %dma_start3A_48 = arith.constant 0 : i32
        %dma_start3A_49 = tpu.memref_slice %arg11[%dma_start3A_47, %dma_start3A_48] : memref<10016x128xf32, #tpu.memory_space<vmem_shared>> -> memref<10016x128xf32, #tpu.memory_space<vmem_shared>>
        tpu.enqueue_indirect_dma source(%arg10 : memref<128x128xf32, #tpu.memory_space<vmem>>) target(%dma_start3A_49 : memref<10016x128xf32, #tpu.memory_space<vmem_shared>>) offsets(%dma_start3A_46 : memref<128xi32, #tpu.memory_space<vmem>>) semaphore(%run_scoped3A : memref<!tpu.dma_semaphore, #tpu.memory_space<semaphore_mem>>) {add = true}
        %dma_wait3A_50 = arith.constant 0 : i32
        %dma_wait3A_51 = tpu.memref_slice %arg9[%scan3A_33, %dma_wait3A_50] : memref<79x128xi32, #tpu.memory_space<vmem>> -> memref<1x128xi32, #tpu.memory_space<vmem>>
        %dma_wait3A_52 = tpu.memref_squeeze %dma_wait3A_51 : memref<1x128xi32, #tpu.memory_space<vmem>> -> memref<128xi32, #tpu.memory_space<vmem>>
        %dma_wait3A_53 = arith.constant 0 : i32
        %dma_wait3A_54 = arith.constant 0 : i32
        %dma_wait3A_55 = tpu.memref_slice %arg11[%dma_wait3A_53, %dma_wait3A_54] : memref<10016x128xf32, #tpu.memory_space<vmem_shared>> -> memref<10016x128xf32, #tpu.memory_space<vmem_shared>>
        tpu.wait_indirect_dma semaphore(%run_scoped3A : memref<!tpu.dma_semaphore, #tpu.memory_space<semaphore_mem>>) src(%arg10 : memref<128x128xf32, #tpu.memory_space<vmem>>) dst(%dma_wait3A_55 : memref<10016x128xf32, #tpu.memory_space<vmem_shared>>)
        tpu.yield
      }) : () -> ()
    }
    %scan3A_21 = arith.constant 79 : i32
    %barrier3A_22 = arith.constant 0 : index
    tpu.barrier barrier_id(%barrier3A_22)
    %eq3A_23 = arith.constant 0 : i32
    %eq3A_24 = arith.cmpi eq, %arg0, %eq3A_23 : i32
    %convert_element_type3A_25 = arith.extui %eq3A_24 : i1 to i32
    %cond3A_26 = arith.constant 0 : i32
    %cond3A_27 = arith.cmpi ne, %convert_element_type3A_25, %cond3A_26 : i32
    scf.if %cond3A_27 {
      %lt3A = arith.constant 15 : i32
      %lt3A_33 = arith.cmpi slt, %arg1, %lt3A : i32
      %convert_element_type3A_34 = arith.extui %lt3A_33 : i1 to i32
      %cond3A_35 = arith.constant 0 : i32
      %cond3A_36 = arith.cmpi ne, %convert_element_type3A_34, %cond3A_35 : i32
      scf.if %cond3A_36 {
        "tpu.region"() ({
          %run_scoped3A = tpu.sem_alloc : memref<!tpu.dma_semaphore, #tpu.memory_space<semaphore_mem>>
          %dma_start3A = arith.constant 0 : i32
          %dma_start3A_42 = tpu.memref_slice %arg6[%multiple_of3A, %dma_start3A] : memref<10000x128xf32, #tpu.memory_space<hbm>> -> memref<624x128xf32, #tpu.memory_space<hbm>>
          %dma_start3A_43 = arith.constant 0 : i32
          %dma_start3A_44 = tpu.memref_slice %arg11[%multiple_of3A, %dma_start3A_43] : memref<10016x128xf32, #tpu.memory_space<vmem_shared>> -> memref<624x128xf32, #tpu.memory_space<vmem_shared>>
          tpu.enqueue_dma source(%dma_start3A_44 : memref<624x128xf32, #tpu.memory_space<vmem_shared>>) target(%dma_start3A_42 : memref<624x128xf32, #tpu.memory_space<hbm>>) target_semaphore(%run_scoped3A : memref<!tpu.dma_semaphore, #tpu.memory_space<semaphore_mem>>)
          %dma_wait3A = arith.constant 0 : i32
          %dma_wait3A_45 = tpu.memref_slice %arg6[%multiple_of3A, %dma_wait3A] : memref<10000x128xf32, #tpu.memory_space<hbm>> -> memref<624x128xf32, #tpu.memory_space<hbm>>
          %dma_wait3A_46 = arith.constant 0 : i32
          %dma_wait3A_47 = tpu.memref_slice %arg11[%multiple_of3A, %dma_wait3A_46] : memref<10016x128xf32, #tpu.memory_space<vmem_shared>> -> memref<624x128xf32, #tpu.memory_space<vmem_shared>>
          tpu.wait_dma2 semaphore(%run_scoped3A : memref<!tpu.dma_semaphore, #tpu.memory_space<semaphore_mem>>) src(%dma_wait3A_47 : memref<624x128xf32, #tpu.memory_space<vmem_shared>>) dst(%dma_wait3A_45 : memref<624x128xf32, #tpu.memory_space<hbm>>)
          tpu.yield
        }) : () -> ()
      } else {
      }
      %eq3A_37 = arith.constant 15 : i32
      %eq3A_38 = arith.cmpi eq, %arg1, %eq3A_37 : i32
      %convert_element_type3A_39 = arith.extui %eq3A_38 : i1 to i32
      %cond3A_40 = arith.constant 0 : i32
      %cond3A_41 = arith.cmpi ne, %convert_element_type3A_39, %cond3A_40 : i32
      scf.if %cond3A_41 {
        "tpu.region"() ({
          %run_scoped3A = tpu.sem_alloc : memref<!tpu.dma_semaphore, #tpu.memory_space<semaphore_mem>>
          %dma_start3A = arith.constant 9360 : i32
          %dma_start3A_42 = arith.constant 0 : i32
          %dma_start3A_43 = tpu.memref_slice %arg6[%dma_start3A, %dma_start3A_42] : memref<10000x128xf32, #tpu.memory_space<hbm>> -> memref<640x128xf32, #tpu.memory_space<hbm>>
          %dma_start3A_44 = arith.constant 9360 : i32
          %dma_start3A_45 = arith.constant 0 : i32
          %dma_start3A_46 = tpu.memref_slice %arg11[%dma_start3A_44, %dma_start3A_45] : memref<10016x128xf32, #tpu.memory_space<vmem_shared>> -> memref<640x128xf32, #tpu.memory_space<vmem_shared>>
          tpu.enqueue_dma source(%dma_start3A_46 : memref<640x128xf32, #tpu.memory_space<vmem_shared>>) target(%dma_start3A_43 : memref<640x128xf32, #tpu.memory_space<hbm>>) target_semaphore(%run_scoped3A : memref<!tpu.dma_semaphore, #tpu.memory_space<semaphore_mem>>)
          %dma_wait3A = arith.constant 9360 : i32
          %dma_wait3A_47 = arith.constant 0 : i32
          %dma_wait3A_48 = tpu.memref_slice %arg6[%dma_wait3A, %dma_wait3A_47] : memref<10000x128xf32, #tpu.memory_space<hbm>> -> memref<640x128xf32, #tpu.memory_space<hbm>>
          %dma_wait3A_49 = arith.constant 9360 : i32
          %dma_wait3A_50 = arith.constant 0 : i32
          %dma_wait3A_51 = tpu.memref_slice %arg11[%dma_wait3A_49, %dma_wait3A_50] : memref<10016x128xf32, #tpu.memory_space<vmem_shared>> -> memref<640x128xf32, #tpu.memory_space<vmem_shared>>
          tpu.wait_dma2 semaphore(%run_scoped3A : memref<!tpu.dma_semaphore, #tpu.memory_space<semaphore_mem>>) src(%dma_wait3A_51 : memref<640x128xf32, #tpu.memory_space<vmem_shared>>) dst(%dma_wait3A_48 : memref<640x128xf32, #tpu.memory_space<hbm>>)
          tpu.yield
        }) : () -> ()
      } else {
      }
    } else {
    }
    %eq3A_28 = arith.constant 1 : i32
    %eq3A_29 = arith.cmpi eq, %arg0, %eq3A_28 : i32
    %convert_element_type3A_30 = arith.extui %eq3A_29 : i1 to i32
    %cond3A_31 = arith.constant 0 : i32
    %cond3A_32 = arith.cmpi ne, %convert_element_type3A_30, %cond3A_31 : i32
    scf.if %cond3A_32 {
      %lt3A = arith.constant 15 : i32
      %lt3A_33 = arith.cmpi slt, %arg1, %lt3A : i32
      %convert_element_type3A_34 = arith.extui %lt3A_33 : i1 to i32
      %cond3A_35 = arith.constant 0 : i32
      %cond3A_36 = arith.cmpi ne, %convert_element_type3A_34, %cond3A_35 : i32
      scf.if %cond3A_36 {
        "tpu.region"() ({
          %run_scoped3A = tpu.sem_alloc : memref<!tpu.dma_semaphore, #tpu.memory_space<semaphore_mem>>
          %dma_start3A = arith.constant 0 : i32
          %dma_start3A_42 = tpu.memref_slice %arg7[%multiple_of3A, %dma_start3A] : memref<10000x128xf32, #tpu.memory_space<hbm>> -> memref<624x128xf32, #tpu.memory_space<hbm>>
          %dma_start3A_43 = arith.constant 0 : i32
          %dma_start3A_44 = tpu.memref_slice %arg11[%multiple_of3A, %dma_start3A_43] : memref<10016x128xf32, #tpu.memory_space<vmem_shared>> -> memref<624x128xf32, #tpu.memory_space<vmem_shared>>
          tpu.enqueue_dma source(%dma_start3A_44 : memref<624x128xf32, #tpu.memory_space<vmem_shared>>) target(%dma_start3A_42 : memref<624x128xf32, #tpu.memory_space<hbm>>) target_semaphore(%run_scoped3A : memref<!tpu.dma_semaphore, #tpu.memory_space<semaphore_mem>>)
          %dma_wait3A = arith.constant 0 : i32
          %dma_wait3A_45 = tpu.memref_slice %arg7[%multiple_of3A, %dma_wait3A] : memref<10000x128xf32, #tpu.memory_space<hbm>> -> memref<624x128xf32, #tpu.memory_space<hbm>>
          %dma_wait3A_46 = arith.constant 0 : i32
          %dma_wait3A_47 = tpu.memref_slice %arg11[%multiple_of3A, %dma_wait3A_46] : memref<10016x128xf32, #tpu.memory_space<vmem_shared>> -> memref<624x128xf32, #tpu.memory_space<vmem_shared>>
          tpu.wait_dma2 semaphore(%run_scoped3A : memref<!tpu.dma_semaphore, #tpu.memory_space<semaphore_mem>>) src(%dma_wait3A_47 : memref<624x128xf32, #tpu.memory_space<vmem_shared>>) dst(%dma_wait3A_45 : memref<624x128xf32, #tpu.memory_space<hbm>>)
          tpu.yield
        }) : () -> ()
      } else {
      }
      %eq3A_37 = arith.constant 15 : i32
      %eq3A_38 = arith.cmpi eq, %arg1, %eq3A_37 : i32
      %convert_element_type3A_39 = arith.extui %eq3A_38 : i1 to i32
      %cond3A_40 = arith.constant 0 : i32
      %cond3A_41 = arith.cmpi ne, %convert_element_type3A_39, %cond3A_40 : i32
      scf.if %cond3A_41 {
        "tpu.region"() ({
          %run_scoped3A = tpu.sem_alloc : memref<!tpu.dma_semaphore, #tpu.memory_space<semaphore_mem>>
          %dma_start3A = arith.constant 9360 : i32
          %dma_start3A_42 = arith.constant 0 : i32
          %dma_start3A_43 = tpu.memref_slice %arg7[%dma_start3A, %dma_start3A_42] : memref<10000x128xf32, #tpu.memory_space<hbm>> -> memref<640x128xf32, #tpu.memory_space<hbm>>
          %dma_start3A_44 = arith.constant 9360 : i32
          %dma_start3A_45 = arith.constant 0 : i32
          %dma_start3A_46 = tpu.memref_slice %arg11[%dma_start3A_44, %dma_start3A_45] : memref<10016x128xf32, #tpu.memory_space<vmem_shared>> -> memref<640x128xf32, #tpu.memory_space<vmem_shared>>
          tpu.enqueue_dma source(%dma_start3A_46 : memref<640x128xf32, #tpu.memory_space<vmem_shared>>) target(%dma_start3A_43 : memref<640x128xf32, #tpu.memory_space<hbm>>) target_semaphore(%run_scoped3A : memref<!tpu.dma_semaphore, #tpu.memory_space<semaphore_mem>>)
          %dma_wait3A = arith.constant 9360 : i32
          %dma_wait3A_47 = arith.constant 0 : i32
          %dma_wait3A_48 = tpu.memref_slice %arg7[%dma_wait3A, %dma_wait3A_47] : memref<10000x128xf32, #tpu.memory_space<hbm>> -> memref<640x128xf32, #tpu.memory_space<hbm>>
          %dma_wait3A_49 = arith.constant 9360 : i32
          %dma_wait3A_50 = arith.constant 0 : i32
          %dma_wait3A_51 = tpu.memref_slice %arg11[%dma_wait3A_49, %dma_wait3A_50] : memref<10016x128xf32, #tpu.memory_space<vmem_shared>> -> memref<640x128xf32, #tpu.memory_space<vmem_shared>>
          tpu.wait_dma2 semaphore(%run_scoped3A : memref<!tpu.dma_semaphore, #tpu.memory_space<semaphore_mem>>) src(%dma_wait3A_51 : memref<640x128xf32, #tpu.memory_space<vmem_shared>>) dst(%dma_wait3A_48 : memref<640x128xf32, #tpu.memory_space<hbm>>)
          tpu.yield
        }) : () -> ()
      } else {
      }
    } else {
    }
    return
  }
}

#map = affine_map<(d0, d1) -> (0, 0)>
#map1 = affine_map<(d0, d1) -> (0, 0, 0)>
module attributes {stable_mosaic.version = 14 : i64} {
  func.func @_sc_agg_body(%arg0: i32, %arg1: i32, %arg2: memref<10000x128xf32, #tpu.memory_space<hbm>>, %arg3: memref<10016x128xf32, #tpu.memory_space<hbm>>, %arg4: memref<32x79x128xi32, #tpu.memory_space<hbm>>, %arg5: memref<32x79x128xi32, #tpu.memory_space<hbm>>, %arg6: memref<10000x128xf32, #tpu.memory_space<hbm>>, %arg7: memref<10000x128xf32, #tpu.memory_space<hbm>>, %arg8: memref<79x128xi32, #tpu.memory_space<vmem>>, %arg9: memref<79x128xi32, #tpu.memory_space<vmem>>, %arg10: memref<128x128xf32, #tpu.memory_space<vmem>>, %arg11: memref<10016x128xf32, #tpu.memory_space<vmem_shared>>, %arg12: memref<!tpu.dma_semaphore, #tpu.memory_space<semaphore_mem>>) attributes {dimension_semantics = [#tpu.dimension_semantics<core_parallel>, #tpu.dimension_semantics<subcore_parallel>], iteration_bounds = array<i64: 2, 16>, scalar_prefetch = 0 : i64, scratch_operands = 5 : i64, tpu.core_type = #tpu.core_type<sc_vector_subcore>, window_params = [{transform_indices = #map}, {transform_indices = #map}, {transform_indices = #map1}, {transform_indices = #map1}, {transform_indices = #map}, {transform_indices = #map}]} {
    %mul3A = arith.constant 16 : i32
    %mul3A_0 = arith.muli %arg0, %mul3A : i32
    %add3A = arith.addi %mul3A_0, %arg1 : i32
    %mul3A_1 = arith.constant 624 : i32
    %mul3A_2 = arith.muli %arg1, %mul3A_1 : i32
    %multiple_of3A = tpu.assume_multiple %mul3A_2, 8 : i32
    %eq3A = arith.constant 0 : i32
    %eq3A_3 = arith.cmpi eq, %arg0, %eq3A : i32
    %convert_element_type3A = arith.extui %eq3A_3 : i1 to i32
    %cond3A = arith.constant 0 : i32
    %cond3A_4 = arith.cmpi ne, %convert_element_type3A, %cond3A : i32
    scf.if %cond3A_4 {
      %lt3A = arith.constant 15 : i32
      %lt3A_33 = arith.cmpi slt, %arg1, %lt3A : i32
      %convert_element_type3A_34 = arith.extui %lt3A_33 : i1 to i32
      %cond3A_35 = arith.constant 0 : i32
      %cond3A_36 = arith.cmpi ne, %convert_element_type3A_34, %cond3A_35 : i32
      scf.if %cond3A_36 {
        "tpu.region"() ({
          %run_scoped3A = tpu.sem_alloc : memref<!tpu.dma_semaphore, #tpu.memory_space<semaphore_mem>>
          %dma_start3A = arith.constant 0 : i32
          %dma_start3A_42 = tpu.memref_slice %arg11[%multiple_of3A, %dma_start3A] : memref<10016x128xf32, #tpu.memory_space<vmem_shared>> -> memref<624x128xf32, #tpu.memory_space<vmem_shared>>
          %dma_start3A_43 = arith.constant 0 : i32
          %dma_start3A_44 = tpu.memref_slice %arg2[%multiple_of3A, %dma_start3A_43] : memref<10000x128xf32, #tpu.memory_space<hbm>> -> memref<624x128xf32, #tpu.memory_space<hbm>>
          tpu.enqueue_dma source(%dma_start3A_44 : memref<624x128xf32, #tpu.memory_space<hbm>>) target(%dma_start3A_42 : memref<624x128xf32, #tpu.memory_space<vmem_shared>>) target_semaphore(%run_scoped3A : memref<!tpu.dma_semaphore, #tpu.memory_space<semaphore_mem>>)
          %dma_wait3A = arith.constant 0 : i32
          %dma_wait3A_45 = tpu.memref_slice %arg11[%multiple_of3A, %dma_wait3A] : memref<10016x128xf32, #tpu.memory_space<vmem_shared>> -> memref<624x128xf32, #tpu.memory_space<vmem_shared>>
          %dma_wait3A_46 = arith.constant 0 : i32
          %dma_wait3A_47 = tpu.memref_slice %arg2[%multiple_of3A, %dma_wait3A_46] : memref<10000x128xf32, #tpu.memory_space<hbm>> -> memref<624x128xf32, #tpu.memory_space<hbm>>
          tpu.wait_dma2 semaphore(%run_scoped3A : memref<!tpu.dma_semaphore, #tpu.memory_space<semaphore_mem>>) src(%dma_wait3A_47 : memref<624x128xf32, #tpu.memory_space<hbm>>) dst(%dma_wait3A_45 : memref<624x128xf32, #tpu.memory_space<vmem_shared>>)
          tpu.yield
        }) : () -> ()
      } else {
      }
      %eq3A_37 = arith.constant 15 : i32
      %eq3A_38 = arith.cmpi eq, %arg1, %eq3A_37 : i32
      %convert_element_type3A_39 = arith.extui %eq3A_38 : i1 to i32
      %cond3A_40 = arith.constant 0 : i32
      %cond3A_41 = arith.cmpi ne, %convert_element_type3A_39, %cond3A_40 : i32
      scf.if %cond3A_41 {
        "tpu.region"() ({
          %run_scoped3A = tpu.sem_alloc : memref<!tpu.dma_semaphore, #tpu.memory_space<semaphore_mem>>
          %dma_start3A = arith.constant 9360 : i32
          %dma_start3A_42 = arith.constant 0 : i32
          %dma_start3A_43 = tpu.memref_slice %arg11[%dma_start3A, %dma_start3A_42] : memref<10016x128xf32, #tpu.memory_space<vmem_shared>> -> memref<640x128xf32, #tpu.memory_space<vmem_shared>>
          %dma_start3A_44 = arith.constant 9360 : i32
          %dma_start3A_45 = arith.constant 0 : i32
          %dma_start3A_46 = tpu.memref_slice %arg2[%dma_start3A_44, %dma_start3A_45] : memref<10000x128xf32, #tpu.memory_space<hbm>> -> memref<640x128xf32, #tpu.memory_space<hbm>>
          tpu.enqueue_dma source(%dma_start3A_46 : memref<640x128xf32, #tpu.memory_space<hbm>>) target(%dma_start3A_43 : memref<640x128xf32, #tpu.memory_space<vmem_shared>>) target_semaphore(%run_scoped3A : memref<!tpu.dma_semaphore, #tpu.memory_space<semaphore_mem>>)
          %dma_wait3A = arith.constant 9360 : i32
          %dma_wait3A_47 = arith.constant 0 : i32
          %dma_wait3A_48 = tpu.memref_slice %arg11[%dma_wait3A, %dma_wait3A_47] : memref<10016x128xf32, #tpu.memory_space<vmem_shared>> -> memref<640x128xf32, #tpu.memory_space<vmem_shared>>
          %dma_wait3A_49 = arith.constant 9360 : i32
          %dma_wait3A_50 = arith.constant 0 : i32
          %dma_wait3A_51 = tpu.memref_slice %arg2[%dma_wait3A_49, %dma_wait3A_50] : memref<10000x128xf32, #tpu.memory_space<hbm>> -> memref<640x128xf32, #tpu.memory_space<hbm>>
          tpu.wait_dma2 semaphore(%run_scoped3A : memref<!tpu.dma_semaphore, #tpu.memory_space<semaphore_mem>>) src(%dma_wait3A_51 : memref<640x128xf32, #tpu.memory_space<hbm>>) dst(%dma_wait3A_48 : memref<640x128xf32, #tpu.memory_space<vmem_shared>>)
          tpu.yield
        }) : () -> ()
      } else {
      }
    } else {
    }
    %eq3A_5 = arith.constant 1 : i32
    %eq3A_6 = arith.cmpi eq, %arg0, %eq3A_5 : i32
    %convert_element_type3A_7 = arith.extui %eq3A_6 : i1 to i32
    %cond3A_8 = arith.constant 0 : i32
    %cond3A_9 = arith.cmpi ne, %convert_element_type3A_7, %cond3A_8 : i32
    scf.if %cond3A_9 {
      %lt3A = arith.constant 15 : i32
      %lt3A_33 = arith.cmpi slt, %arg1, %lt3A : i32
      %convert_element_type3A_34 = arith.extui %lt3A_33 : i1 to i32
      %cond3A_35 = arith.constant 0 : i32
      %cond3A_36 = arith.cmpi ne, %convert_element_type3A_34, %cond3A_35 : i32
      scf.if %cond3A_36 {
        "tpu.region"() ({
          %run_scoped3A = tpu.sem_alloc : memref<!tpu.dma_semaphore, #tpu.memory_space<semaphore_mem>>
          %dma_start3A = arith.constant 0 : i32
          %dma_start3A_42 = tpu.memref_slice %arg11[%multiple_of3A, %dma_start3A] : memref<10016x128xf32, #tpu.memory_space<vmem_shared>> -> memref<624x128xf32, #tpu.memory_space<vmem_shared>>
          %dma_start3A_43 = arith.constant 0 : i32
          %dma_start3A_44 = tpu.memref_slice %arg3[%multiple_of3A, %dma_start3A_43] : memref<10016x128xf32, #tpu.memory_space<hbm>> -> memref<624x128xf32, #tpu.memory_space<hbm>>
          tpu.enqueue_dma source(%dma_start3A_44 : memref<624x128xf32, #tpu.memory_space<hbm>>) target(%dma_start3A_42 : memref<624x128xf32, #tpu.memory_space<vmem_shared>>) target_semaphore(%run_scoped3A : memref<!tpu.dma_semaphore, #tpu.memory_space<semaphore_mem>>)
          %dma_wait3A = arith.constant 0 : i32
          %dma_wait3A_45 = tpu.memref_slice %arg11[%multiple_of3A, %dma_wait3A] : memref<10016x128xf32, #tpu.memory_space<vmem_shared>> -> memref<624x128xf32, #tpu.memory_space<vmem_shared>>
          %dma_wait3A_46 = arith.constant 0 : i32
          %dma_wait3A_47 = tpu.memref_slice %arg3[%multiple_of3A, %dma_wait3A_46] : memref<10016x128xf32, #tpu.memory_space<hbm>> -> memref<624x128xf32, #tpu.memory_space<hbm>>
          tpu.wait_dma2 semaphore(%run_scoped3A : memref<!tpu.dma_semaphore, #tpu.memory_space<semaphore_mem>>) src(%dma_wait3A_47 : memref<624x128xf32, #tpu.memory_space<hbm>>) dst(%dma_wait3A_45 : memref<624x128xf32, #tpu.memory_space<vmem_shared>>)
          tpu.yield
        }) : () -> ()
      } else {
      }
      %eq3A_37 = arith.constant 15 : i32
      %eq3A_38 = arith.cmpi eq, %arg1, %eq3A_37 : i32
      %convert_element_type3A_39 = arith.extui %eq3A_38 : i1 to i32
      %cond3A_40 = arith.constant 0 : i32
      %cond3A_41 = arith.cmpi ne, %convert_element_type3A_39, %cond3A_40 : i32
      scf.if %cond3A_41 {
        "tpu.region"() ({
          %run_scoped3A = tpu.sem_alloc : memref<!tpu.dma_semaphore, #tpu.memory_space<semaphore_mem>>
          %dma_start3A = arith.constant 9360 : i32
          %dma_start3A_42 = arith.constant 0 : i32
          %dma_start3A_43 = tpu.memref_slice %arg11[%dma_start3A, %dma_start3A_42] : memref<10016x128xf32, #tpu.memory_space<vmem_shared>> -> memref<640x128xf32, #tpu.memory_space<vmem_shared>>
          %dma_start3A_44 = arith.constant 9360 : i32
          %dma_start3A_45 = arith.constant 0 : i32
          %dma_start3A_46 = tpu.memref_slice %arg3[%dma_start3A_44, %dma_start3A_45] : memref<10016x128xf32, #tpu.memory_space<hbm>> -> memref<640x128xf32, #tpu.memory_space<hbm>>
          tpu.enqueue_dma source(%dma_start3A_46 : memref<640x128xf32, #tpu.memory_space<hbm>>) target(%dma_start3A_43 : memref<640x128xf32, #tpu.memory_space<vmem_shared>>) target_semaphore(%run_scoped3A : memref<!tpu.dma_semaphore, #tpu.memory_space<semaphore_mem>>)
          %dma_wait3A = arith.constant 9360 : i32
          %dma_wait3A_47 = arith.constant 0 : i32
          %dma_wait3A_48 = tpu.memref_slice %arg11[%dma_wait3A, %dma_wait3A_47] : memref<10016x128xf32, #tpu.memory_space<vmem_shared>> -> memref<640x128xf32, #tpu.memory_space<vmem_shared>>
          %dma_wait3A_49 = arith.constant 9360 : i32
          %dma_wait3A_50 = arith.constant 0 : i32
          %dma_wait3A_51 = tpu.memref_slice %arg3[%dma_wait3A_49, %dma_wait3A_50] : memref<10016x128xf32, #tpu.memory_space<hbm>> -> memref<640x128xf32, #tpu.memory_space<hbm>>
          tpu.wait_dma2 semaphore(%run_scoped3A : memref<!tpu.dma_semaphore, #tpu.memory_space<semaphore_mem>>) src(%dma_wait3A_51 : memref<640x128xf32, #tpu.memory_space<hbm>>) dst(%dma_wait3A_48 : memref<640x128xf32, #tpu.memory_space<vmem_shared>>)
          tpu.yield
        }) : () -> ()
      } else {
      }
    } else {
    }
    %eq3A_10 = arith.constant 0 : i32
    %eq3A_11 = arith.cmpi eq, %arg0, %eq3A_10 : i32
    %eq3A_12 = arith.constant 0 : i32
    %eq3A_13 = arith.cmpi eq, %arg1, %eq3A_12 : i32
    %and3A = arith.andi %eq3A_11, %eq3A_13 : i1
    %convert_element_type3A_14 = arith.extui %and3A : i1 to i32
    %cond3A_15 = arith.constant 0 : i32
    %cond3A_16 = arith.cmpi ne, %convert_element_type3A_14, %cond3A_15 : i32
    scf.if %cond3A_16 {
      "tpu.region"() ({
        %run_scoped3A = tpu.sem_alloc : memref<!tpu.dma_semaphore, #tpu.memory_space<semaphore_mem>>
        %dma_start3A = arith.constant 10000 : i32
        %dma_start3A_33 = arith.constant 0 : i32
        %dma_start3A_34 = tpu.memref_slice %arg11[%dma_start3A, %dma_start3A_33] : memref<10016x128xf32, #tpu.memory_space<vmem_shared>> -> memref<16x128xf32, #tpu.memory_space<vmem_shared>>
        %dma_start3A_35 = arith.constant 10000 : i32
        %dma_start3A_36 = arith.constant 0 : i32
        %dma_start3A_37 = tpu.memref_slice %arg3[%dma_start3A_35, %dma_start3A_36] : memref<10016x128xf32, #tpu.memory_space<hbm>> -> memref<16x128xf32, #tpu.memory_space<hbm>>
        tpu.enqueue_dma source(%dma_start3A_37 : memref<16x128xf32, #tpu.memory_space<hbm>>) target(%dma_start3A_34 : memref<16x128xf32, #tpu.memory_space<vmem_shared>>) target_semaphore(%run_scoped3A : memref<!tpu.dma_semaphore, #tpu.memory_space<semaphore_mem>>)
        %dma_wait3A = arith.constant 10000 : i32
        %dma_wait3A_38 = arith.constant 0 : i32
        %dma_wait3A_39 = tpu.memref_slice %arg11[%dma_wait3A, %dma_wait3A_38] : memref<10016x128xf32, #tpu.memory_space<vmem_shared>> -> memref<16x128xf32, #tpu.memory_space<vmem_shared>>
        %dma_wait3A_40 = arith.constant 10000 : i32
        %dma_wait3A_41 = arith.constant 0 : i32
        %dma_wait3A_42 = tpu.memref_slice %arg3[%dma_wait3A_40, %dma_wait3A_41] : memref<10016x128xf32, #tpu.memory_space<hbm>> -> memref<16x128xf32, #tpu.memory_space<hbm>>
        tpu.wait_dma2 semaphore(%run_scoped3A : memref<!tpu.dma_semaphore, #tpu.memory_space<semaphore_mem>>) src(%dma_wait3A_42 : memref<16x128xf32, #tpu.memory_space<hbm>>) dst(%dma_wait3A_39 : memref<16x128xf32, #tpu.memory_space<vmem_shared>>)
        tpu.yield
      }) : () -> ()
    } else {
    }
    "tpu.region"() ({
      %run_scoped3A = tpu.sem_alloc : memref<!tpu.dma_semaphore, #tpu.memory_space<semaphore_mem>>
      %dma_start3A = arith.constant 0 : i32
      %dma_start3A_33 = arith.constant 0 : i32
      %dma_start3A_34 = tpu.memref_slice %arg4[%add3A, %dma_start3A, %dma_start3A_33] : memref<32x79x128xi32, #tpu.memory_space<hbm>> -> memref<1x79x128xi32, #tpu.memory_space<hbm>>
      %dma_start3A_35 = tpu.memref_squeeze %dma_start3A_34 : memref<1x79x128xi32, #tpu.memory_space<hbm>> -> memref<79x128xi32, #tpu.memory_space<hbm>>
      %dma_start3A_36 = arith.constant 0 : i32
      %dma_start3A_37 = arith.constant 0 : i32
      %dma_start3A_38 = tpu.memref_slice %arg4[%add3A, %dma_start3A_36, %dma_start3A_37] : memref<32x79x128xi32, #tpu.memory_space<hbm>> -> memref<1x79x128xi32, #tpu.memory_space<hbm>>
      %dma_start3A_39 = tpu.memref_squeeze %dma_start3A_38 : memref<1x79x128xi32, #tpu.memory_space<hbm>> -> memref<79x128xi32, #tpu.memory_space<hbm>>
      tpu.enqueue_dma source(%dma_start3A_39 : memref<79x128xi32, #tpu.memory_space<hbm>>) target(%arg8 : memref<79x128xi32, #tpu.memory_space<vmem>>) target_semaphore(%run_scoped3A : memref<!tpu.dma_semaphore, #tpu.memory_space<semaphore_mem>>)
      %dma_wait3A = arith.constant 0 : i32
      %dma_wait3A_40 = arith.constant 0 : i32
      %dma_wait3A_41 = tpu.memref_slice %arg4[%add3A, %dma_wait3A, %dma_wait3A_40] : memref<32x79x128xi32, #tpu.memory_space<hbm>> -> memref<1x79x128xi32, #tpu.memory_space<hbm>>
      %dma_wait3A_42 = tpu.memref_squeeze %dma_wait3A_41 : memref<1x79x128xi32, #tpu.memory_space<hbm>> -> memref<79x128xi32, #tpu.memory_space<hbm>>
      %dma_wait3A_43 = arith.constant 0 : i32
      %dma_wait3A_44 = arith.constant 0 : i32
      %dma_wait3A_45 = tpu.memref_slice %arg4[%add3A, %dma_wait3A_43, %dma_wait3A_44] : memref<32x79x128xi32, #tpu.memory_space<hbm>> -> memref<1x79x128xi32, #tpu.memory_space<hbm>>
      %dma_wait3A_46 = tpu.memref_squeeze %dma_wait3A_45 : memref<1x79x128xi32, #tpu.memory_space<hbm>> -> memref<79x128xi32, #tpu.memory_space<hbm>>
      tpu.wait_dma2 semaphore(%run_scoped3A : memref<!tpu.dma_semaphore, #tpu.memory_space<semaphore_mem>>) src(%dma_wait3A_46 : memref<79x128xi32, #tpu.memory_space<hbm>>) dst(%arg8 : memref<79x128xi32, #tpu.memory_space<vmem>>)
      tpu.yield
    }) : () -> ()
    "tpu.region"() ({
      %run_scoped3A = tpu.sem_alloc : memref<!tpu.dma_semaphore, #tpu.memory_space<semaphore_mem>>
      %dma_start3A = arith.constant 0 : i32
      %dma_start3A_33 = arith.constant 0 : i32
      %dma_start3A_34 = tpu.memref_slice %arg5[%add3A, %dma_start3A, %dma_start3A_33] : memref<32x79x128xi32, #tpu.memory_space<hbm>> -> memref<1x79x128xi32, #tpu.memory_space<hbm>>
      %dma_start3A_35 = tpu.memref_squeeze %dma_start3A_34 : memref<1x79x128xi32, #tpu.memory_space<hbm>> -> memref<79x128xi32, #tpu.memory_space<hbm>>
      %dma_start3A_36 = arith.constant 0 : i32
      %dma_start3A_37 = arith.constant 0 : i32
      %dma_start3A_38 = tpu.memref_slice %arg5[%add3A, %dma_start3A_36, %dma_start3A_37] : memref<32x79x128xi32, #tpu.memory_space<hbm>> -> memref<1x79x128xi32, #tpu.memory_space<hbm>>
      %dma_start3A_39 = tpu.memref_squeeze %dma_start3A_38 : memref<1x79x128xi32, #tpu.memory_space<hbm>> -> memref<79x128xi32, #tpu.memory_space<hbm>>
      tpu.enqueue_dma source(%dma_start3A_39 : memref<79x128xi32, #tpu.memory_space<hbm>>) target(%arg9 : memref<79x128xi32, #tpu.memory_space<vmem>>) target_semaphore(%run_scoped3A : memref<!tpu.dma_semaphore, #tpu.memory_space<semaphore_mem>>)
      %dma_wait3A = arith.constant 0 : i32
      %dma_wait3A_40 = arith.constant 0 : i32
      %dma_wait3A_41 = tpu.memref_slice %arg5[%add3A, %dma_wait3A, %dma_wait3A_40] : memref<32x79x128xi32, #tpu.memory_space<hbm>> -> memref<1x79x128xi32, #tpu.memory_space<hbm>>
      %dma_wait3A_42 = tpu.memref_squeeze %dma_wait3A_41 : memref<1x79x128xi32, #tpu.memory_space<hbm>> -> memref<79x128xi32, #tpu.memory_space<hbm>>
      %dma_wait3A_43 = arith.constant 0 : i32
      %dma_wait3A_44 = arith.constant 0 : i32
      %dma_wait3A_45 = tpu.memref_slice %arg5[%add3A, %dma_wait3A_43, %dma_wait3A_44] : memref<32x79x128xi32, #tpu.memory_space<hbm>> -> memref<1x79x128xi32, #tpu.memory_space<hbm>>
      %dma_wait3A_46 = tpu.memref_squeeze %dma_wait3A_45 : memref<1x79x128xi32, #tpu.memory_space<hbm>> -> memref<79x128xi32, #tpu.memory_space<hbm>>
      tpu.wait_dma2 semaphore(%run_scoped3A : memref<!tpu.dma_semaphore, #tpu.memory_space<semaphore_mem>>) src(%dma_wait3A_46 : memref<79x128xi32, #tpu.memory_space<hbm>>) dst(%arg9 : memref<79x128xi32, #tpu.memory_space<vmem>>)
      tpu.yield
    }) : () -> ()
    %barrier3A = arith.constant 0 : index
    tpu.barrier barrier_id(%barrier3A)
    %scan3A = arith.constant 0 : i32
    %scan3A_17 = arith.constant 0 : i32
    %scan3A_18 = arith.constant 79 : i32
    %scan3A_19 = arith.addi %scan3A_17, %scan3A_18 : i32
    %scan3A_20 = arith.constant 1 : i32
    scf.for %scan3A_33 = %scan3A_17 to %scan3A_19 step %scan3A_20  : i32 {
      %dma_start3A = arith.constant 0 : i32
      %dma_start3A_34 = tpu.memref_slice %arg8[%scan3A_33, %dma_start3A] : memref<79x128xi32, #tpu.memory_space<vmem>> -> memref<1x128xi32, #tpu.memory_space<vmem>>
      %dma_start3A_35 = tpu.memref_squeeze %dma_start3A_34 : memref<1x128xi32, #tpu.memory_space<vmem>> -> memref<128xi32, #tpu.memory_space<vmem>>
      %dma_start3A_36 = arith.constant 0 : i32
      %dma_start3A_37 = arith.constant 0 : i32
      %dma_start3A_38 = tpu.memref_slice %arg2[%dma_start3A_36, %dma_start3A_37] : memref<10000x128xf32, #tpu.memory_space<hbm>> -> memref<10000x128xf32, #tpu.memory_space<hbm>>
      tpu.enqueue_indirect_dma source(%dma_start3A_38 : memref<10000x128xf32, #tpu.memory_space<hbm>>) target(%arg10 : memref<128x128xf32, #tpu.memory_space<vmem>>) offsets(%dma_start3A_35 : memref<128xi32, #tpu.memory_space<vmem>>) semaphore(%arg12 : memref<!tpu.dma_semaphore, #tpu.memory_space<semaphore_mem>>)
      %dma_wait3A = arith.constant 0 : i32
      %dma_wait3A_39 = tpu.memref_slice %arg8[%scan3A_33, %dma_wait3A] : memref<79x128xi32, #tpu.memory_space<vmem>> -> memref<1x128xi32, #tpu.memory_space<vmem>>
      %dma_wait3A_40 = tpu.memref_squeeze %dma_wait3A_39 : memref<1x128xi32, #tpu.memory_space<vmem>> -> memref<128xi32, #tpu.memory_space<vmem>>
      %dma_wait3A_41 = arith.constant 0 : i32
      %dma_wait3A_42 = arith.constant 0 : i32
      %dma_wait3A_43 = tpu.memref_slice %arg2[%dma_wait3A_41, %dma_wait3A_42] : memref<10000x128xf32, #tpu.memory_space<hbm>> -> memref<10000x128xf32, #tpu.memory_space<hbm>>
      tpu.wait_indirect_dma semaphore(%arg12 : memref<!tpu.dma_semaphore, #tpu.memory_space<semaphore_mem>>) src(%dma_wait3A_43 : memref<10000x128xf32, #tpu.memory_space<hbm>>) dst(%arg10 : memref<128x128xf32, #tpu.memory_space<vmem>>)
      "tpu.region"() ({
        %run_scoped3A = tpu.sem_alloc : memref<!tpu.dma_semaphore, #tpu.memory_space<semaphore_mem>>
        %dma_start3A_44 = arith.constant 0 : i32
        %dma_start3A_45 = tpu.memref_slice %arg9[%scan3A_33, %dma_start3A_44] : memref<79x128xi32, #tpu.memory_space<vmem>> -> memref<1x128xi32, #tpu.memory_space<vmem>>
        %dma_start3A_46 = tpu.memref_squeeze %dma_start3A_45 : memref<1x128xi32, #tpu.memory_space<vmem>> -> memref<128xi32, #tpu.memory_space<vmem>>
        %dma_start3A_47 = arith.constant 0 : i32
        %dma_start3A_48 = arith.constant 0 : i32
        %dma_start3A_49 = tpu.memref_slice %arg11[%dma_start3A_47, %dma_start3A_48] : memref<10016x128xf32, #tpu.memory_space<vmem_shared>> -> memref<10016x128xf32, #tpu.memory_space<vmem_shared>>
        tpu.enqueue_indirect_dma source(%arg10 : memref<128x128xf32, #tpu.memory_space<vmem>>) target(%dma_start3A_49 : memref<10016x128xf32, #tpu.memory_space<vmem_shared>>) offsets(%dma_start3A_46 : memref<128xi32, #tpu.memory_space<vmem>>) semaphore(%run_scoped3A : memref<!tpu.dma_semaphore, #tpu.memory_space<semaphore_mem>>) {add = true}
        %dma_wait3A_50 = arith.constant 0 : i32
        %dma_wait3A_51 = tpu.memref_slice %arg9[%scan3A_33, %dma_wait3A_50] : memref<79x128xi32, #tpu.memory_space<vmem>> -> memref<1x128xi32, #tpu.memory_space<vmem>>
        %dma_wait3A_52 = tpu.memref_squeeze %dma_wait3A_51 : memref<1x128xi32, #tpu.memory_space<vmem>> -> memref<128xi32, #tpu.memory_space<vmem>>
        %dma_wait3A_53 = arith.constant 0 : i32
        %dma_wait3A_54 = arith.constant 0 : i32
        %dma_wait3A_55 = tpu.memref_slice %arg11[%dma_wait3A_53, %dma_wait3A_54] : memref<10016x128xf32, #tpu.memory_space<vmem_shared>> -> memref<10016x128xf32, #tpu.memory_space<vmem_shared>>
        tpu.wait_indirect_dma semaphore(%run_scoped3A : memref<!tpu.dma_semaphore, #tpu.memory_space<semaphore_mem>>) src(%arg10 : memref<128x128xf32, #tpu.memory_space<vmem>>) dst(%dma_wait3A_55 : memref<10016x128xf32, #tpu.memory_space<vmem_shared>>)
        tpu.yield
      }) : () -> ()
    }
    %scan3A_21 = arith.constant 79 : i32
    %barrier3A_22 = arith.constant 0 : index
    tpu.barrier barrier_id(%barrier3A_22)
    %eq3A_23 = arith.constant 0 : i32
    %eq3A_24 = arith.cmpi eq, %arg0, %eq3A_23 : i32
    %convert_element_type3A_25 = arith.extui %eq3A_24 : i1 to i32
    %cond3A_26 = arith.constant 0 : i32
    %cond3A_27 = arith.cmpi ne, %convert_element_type3A_25, %cond3A_26 : i32
    scf.if %cond3A_27 {
      %lt3A = arith.constant 15 : i32
      %lt3A_33 = arith.cmpi slt, %arg1, %lt3A : i32
      %convert_element_type3A_34 = arith.extui %lt3A_33 : i1 to i32
      %cond3A_35 = arith.constant 0 : i32
      %cond3A_36 = arith.cmpi ne, %convert_element_type3A_34, %cond3A_35 : i32
      scf.if %cond3A_36 {
        "tpu.region"() ({
          %run_scoped3A = tpu.sem_alloc : memref<!tpu.dma_semaphore, #tpu.memory_space<semaphore_mem>>
          %dma_start3A = arith.constant 0 : i32
          %dma_start3A_42 = tpu.memref_slice %arg6[%multiple_of3A, %dma_start3A] : memref<10000x128xf32, #tpu.memory_space<hbm>> -> memref<624x128xf32, #tpu.memory_space<hbm>>
          %dma_start3A_43 = arith.constant 0 : i32
          %dma_start3A_44 = tpu.memref_slice %arg11[%multiple_of3A, %dma_start3A_43] : memref<10016x128xf32, #tpu.memory_space<vmem_shared>> -> memref<624x128xf32, #tpu.memory_space<vmem_shared>>
          tpu.enqueue_dma source(%dma_start3A_44 : memref<624x128xf32, #tpu.memory_space<vmem_shared>>) target(%dma_start3A_42 : memref<624x128xf32, #tpu.memory_space<hbm>>) target_semaphore(%run_scoped3A : memref<!tpu.dma_semaphore, #tpu.memory_space<semaphore_mem>>)
          %dma_wait3A = arith.constant 0 : i32
          %dma_wait3A_45 = tpu.memref_slice %arg6[%multiple_of3A, %dma_wait3A] : memref<10000x128xf32, #tpu.memory_space<hbm>> -> memref<624x128xf32, #tpu.memory_space<hbm>>
          %dma_wait3A_46 = arith.constant 0 : i32
          %dma_wait3A_47 = tpu.memref_slice %arg11[%multiple_of3A, %dma_wait3A_46] : memref<10016x128xf32, #tpu.memory_space<vmem_shared>> -> memref<624x128xf32, #tpu.memory_space<vmem_shared>>
          tpu.wait_dma2 semaphore(%run_scoped3A : memref<!tpu.dma_semaphore, #tpu.memory_space<semaphore_mem>>) src(%dma_wait3A_47 : memref<624x128xf32, #tpu.memory_space<vmem_shared>>) dst(%dma_wait3A_45 : memref<624x128xf32, #tpu.memory_space<hbm>>)
          tpu.yield
        }) : () -> ()
      } else {
      }
      %eq3A_37 = arith.constant 15 : i32
      %eq3A_38 = arith.cmpi eq, %arg1, %eq3A_37 : i32
      %convert_element_type3A_39 = arith.extui %eq3A_38 : i1 to i32
      %cond3A_40 = arith.constant 0 : i32
      %cond3A_41 = arith.cmpi ne, %convert_element_type3A_39, %cond3A_40 : i32
      scf.if %cond3A_41 {
        "tpu.region"() ({
          %run_scoped3A = tpu.sem_alloc : memref<!tpu.dma_semaphore, #tpu.memory_space<semaphore_mem>>
          %dma_start3A = arith.constant 9360 : i32
          %dma_start3A_42 = arith.constant 0 : i32
          %dma_start3A_43 = tpu.memref_slice %arg6[%dma_start3A, %dma_start3A_42] : memref<10000x128xf32, #tpu.memory_space<hbm>> -> memref<640x128xf32, #tpu.memory_space<hbm>>
          %dma_start3A_44 = arith.constant 9360 : i32
          %dma_start3A_45 = arith.constant 0 : i32
          %dma_start3A_46 = tpu.memref_slice %arg11[%dma_start3A_44, %dma_start3A_45] : memref<10016x128xf32, #tpu.memory_space<vmem_shared>> -> memref<640x128xf32, #tpu.memory_space<vmem_shared>>
          tpu.enqueue_dma source(%dma_start3A_46 : memref<640x128xf32, #tpu.memory_space<vmem_shared>>) target(%dma_start3A_43 : memref<640x128xf32, #tpu.memory_space<hbm>>) target_semaphore(%run_scoped3A : memref<!tpu.dma_semaphore, #tpu.memory_space<semaphore_mem>>)
          %dma_wait3A = arith.constant 9360 : i32
          %dma_wait3A_47 = arith.constant 0 : i32
          %dma_wait3A_48 = tpu.memref_slice %arg6[%dma_wait3A, %dma_wait3A_47] : memref<10000x128xf32, #tpu.memory_space<hbm>> -> memref<640x128xf32, #tpu.memory_space<hbm>>
          %dma_wait3A_49 = arith.constant 9360 : i32
          %dma_wait3A_50 = arith.constant 0 : i32
          %dma_wait3A_51 = tpu.memref_slice %arg11[%dma_wait3A_49, %dma_wait3A_50] : memref<10016x128xf32, #tpu.memory_space<vmem_shared>> -> memref<640x128xf32, #tpu.memory_space<vmem_shared>>
          tpu.wait_dma2 semaphore(%run_scoped3A : memref<!tpu.dma_semaphore, #tpu.memory_space<semaphore_mem>>) src(%dma_wait3A_51 : memref<640x128xf32, #tpu.memory_space<vmem_shared>>) dst(%dma_wait3A_48 : memref<640x128xf32, #tpu.memory_space<hbm>>)
          tpu.yield
        }) : () -> ()
      } else {
      }
    } else {
    }
    %eq3A_28 = arith.constant 1 : i32
    %eq3A_29 = arith.cmpi eq, %arg0, %eq3A_28 : i32
    %convert_element_type3A_30 = arith.extui %eq3A_29 : i1 to i32
    %cond3A_31 = arith.constant 0 : i32
    %cond3A_32 = arith.cmpi ne, %convert_element_type3A_30, %cond3A_31 : i32
    scf.if %cond3A_32 {
      %lt3A = arith.constant 15 : i32
      %lt3A_33 = arith.cmpi slt, %arg1, %lt3A : i32
      %convert_element_type3A_34 = arith.extui %lt3A_33 : i1 to i32
      %cond3A_35 = arith.constant 0 : i32
      %cond3A_36 = arith.cmpi ne, %convert_element_type3A_34, %cond3A_35 : i32
      scf.if %cond3A_36 {
        "tpu.region"() ({
          %run_scoped3A = tpu.sem_alloc : memref<!tpu.dma_semaphore, #tpu.memory_space<semaphore_mem>>
          %dma_start3A = arith.constant 0 : i32
          %dma_start3A_42 = tpu.memref_slice %arg7[%multiple_of3A, %dma_start3A] : memref<10000x128xf32, #tpu.memory_space<hbm>> -> memref<624x128xf32, #tpu.memory_space<hbm>>
          %dma_start3A_43 = arith.constant 0 : i32
          %dma_start3A_44 = tpu.memref_slice %arg11[%multiple_of3A, %dma_start3A_43] : memref<10016x128xf32, #tpu.memory_space<vmem_shared>> -> memref<624x128xf32, #tpu.memory_space<vmem_shared>>
          tpu.enqueue_dma source(%dma_start3A_44 : memref<624x128xf32, #tpu.memory_space<vmem_shared>>) target(%dma_start3A_42 : memref<624x128xf32, #tpu.memory_space<hbm>>) target_semaphore(%run_scoped3A : memref<!tpu.dma_semaphore, #tpu.memory_space<semaphore_mem>>)
          %dma_wait3A = arith.constant 0 : i32
          %dma_wait3A_45 = tpu.memref_slice %arg7[%multiple_of3A, %dma_wait3A] : memref<10000x128xf32, #tpu.memory_space<hbm>> -> memref<624x128xf32, #tpu.memory_space<hbm>>
          %dma_wait3A_46 = arith.constant 0 : i32
          %dma_wait3A_47 = tpu.memref_slice %arg11[%multiple_of3A, %dma_wait3A_46] : memref<10016x128xf32, #tpu.memory_space<vmem_shared>> -> memref<624x128xf32, #tpu.memory_space<vmem_shared>>
          tpu.wait_dma2 semaphore(%run_scoped3A : memref<!tpu.dma_semaphore, #tpu.memory_space<semaphore_mem>>) src(%dma_wait3A_47 : memref<624x128xf32, #tpu.memory_space<vmem_shared>>) dst(%dma_wait3A_45 : memref<624x128xf32, #tpu.memory_space<hbm>>)
          tpu.yield
        }) : () -> ()
      } else {
      }
      %eq3A_37 = arith.constant 15 : i32
      %eq3A_38 = arith.cmpi eq, %arg1, %eq3A_37 : i32
      %convert_element_type3A_39 = arith.extui %eq3A_38 : i1 to i32
      %cond3A_40 = arith.constant 0 : i32
      %cond3A_41 = arith.cmpi ne, %convert_element_type3A_39, %cond3A_40 : i32
      scf.if %cond3A_41 {
        "tpu.region"() ({
          %run_scoped3A = tpu.sem_alloc : memref<!tpu.dma_semaphore, #tpu.memory_space<semaphore_mem>>
          %dma_start3A = arith.constant 9360 : i32
          %dma_start3A_42 = arith.constant 0 : i32
          %dma_start3A_43 = tpu.memref_slice %arg7[%dma_start3A, %dma_start3A_42] : memref<10000x128xf32, #tpu.memory_space<hbm>> -> memref<640x128xf32, #tpu.memory_space<hbm>>
          %dma_start3A_44 = arith.constant 9360 : i32
          %dma_start3A_45 = arith.constant 0 : i32
          %dma_start3A_46 = tpu.memref_slice %arg11[%dma_start3A_44, %dma_start3A_45] : memref<10016x128xf32, #tpu.memory_space<vmem_shared>> -> memref<640x128xf32, #tpu.memory_space<vmem_shared>>
          tpu.enqueue_dma source(%dma_start3A_46 : memref<640x128xf32, #tpu.memory_space<vmem_shared>>) target(%dma_start3A_43 : memref<640x128xf32, #tpu.memory_space<hbm>>) target_semaphore(%run_scoped3A : memref<!tpu.dma_semaphore, #tpu.memory_space<semaphore_mem>>)
          %dma_wait3A = arith.constant 9360 : i32
          %dma_wait3A_47 = arith.constant 0 : i32
          %dma_wait3A_48 = tpu.memref_slice %arg7[%dma_wait3A, %dma_wait3A_47] : memref<10000x128xf32, #tpu.memory_space<hbm>> -> memref<640x128xf32, #tpu.memory_space<hbm>>
          %dma_wait3A_49 = arith.constant 9360 : i32
          %dma_wait3A_50 = arith.constant 0 : i32
          %dma_wait3A_51 = tpu.memref_slice %arg11[%dma_wait3A_49, %dma_wait3A_50] : memref<10016x128xf32, #tpu.memory_space<vmem_shared>> -> memref<640x128xf32, #tpu.memory_space<vmem_shared>>
          tpu.wait_dma2 semaphore(%run_scoped3A : memref<!tpu.dma_semaphore, #tpu.memory_space<semaphore_mem>>) src(%dma_wait3A_51 : memref<640x128xf32, #tpu.memory_space<vmem_shared>>) dst(%dma_wait3A_48 : memref<640x128xf32, #tpu.memory_space<hbm>>)
          tpu.yield
        }) : () -> ()
      } else {
      }
    } else {
    }
    return
  }
}

#map = affine_map<(d0, d1) -> (0, 0)>
#map1 = affine_map<(d0, d1) -> (0, 0, 0)>
module attributes {stable_mosaic.version = 14 : i64} {
  func.func @_sc_agg_body(%arg0: i32, %arg1: i32, %arg2: memref<10000x128xf32, #tpu.memory_space<hbm>>, %arg3: memref<10016x128xf32, #tpu.memory_space<hbm>>, %arg4: memref<32x79x128xi32, #tpu.memory_space<hbm>>, %arg5: memref<32x79x128xi32, #tpu.memory_space<hbm>>, %arg6: memref<10000x128xf32, #tpu.memory_space<hbm>>, %arg7: memref<10000x128xf32, #tpu.memory_space<hbm>>, %arg8: memref<79x128xi32, #tpu.memory_space<vmem>>, %arg9: memref<79x128xi32, #tpu.memory_space<vmem>>, %arg10: memref<128x128xf32, #tpu.memory_space<vmem>>, %arg11: memref<10016x128xf32, #tpu.memory_space<vmem_shared>>, %arg12: memref<!tpu.dma_semaphore, #tpu.memory_space<semaphore_mem>>) attributes {dimension_semantics = [#tpu.dimension_semantics<core_parallel>, #tpu.dimension_semantics<subcore_parallel>], iteration_bounds = array<i64: 2, 16>, scalar_prefetch = 0 : i64, scratch_operands = 5 : i64, tpu.core_type = #tpu.core_type<sc_vector_subcore>, window_params = [{transform_indices = #map}, {transform_indices = #map}, {transform_indices = #map1}, {transform_indices = #map1}, {transform_indices = #map}, {transform_indices = #map}]} {
    %mul3A = arith.constant 16 : i32
    %mul3A_0 = arith.muli %arg0, %mul3A : i32
    %add3A = arith.addi %mul3A_0, %arg1 : i32
    %mul3A_1 = arith.constant 624 : i32
    %mul3A_2 = arith.muli %arg1, %mul3A_1 : i32
    %multiple_of3A = tpu.assume_multiple %mul3A_2, 8 : i32
    %eq3A = arith.constant 0 : i32
    %eq3A_3 = arith.cmpi eq, %arg0, %eq3A : i32
    %convert_element_type3A = arith.extui %eq3A_3 : i1 to i32
    %cond3A = arith.constant 0 : i32
    %cond3A_4 = arith.cmpi ne, %convert_element_type3A, %cond3A : i32
    scf.if %cond3A_4 {
      %lt3A = arith.constant 15 : i32
      %lt3A_33 = arith.cmpi slt, %arg1, %lt3A : i32
      %convert_element_type3A_34 = arith.extui %lt3A_33 : i1 to i32
      %cond3A_35 = arith.constant 0 : i32
      %cond3A_36 = arith.cmpi ne, %convert_element_type3A_34, %cond3A_35 : i32
      scf.if %cond3A_36 {
        "tpu.region"() ({
          %run_scoped3A = tpu.sem_alloc : memref<!tpu.dma_semaphore, #tpu.memory_space<semaphore_mem>>
          %dma_start3A = arith.constant 0 : i32
          %dma_start3A_42 = tpu.memref_slice %arg11[%multiple_of3A, %dma_start3A] : memref<10016x128xf32, #tpu.memory_space<vmem_shared>> -> memref<624x128xf32, #tpu.memory_space<vmem_shared>>
          %dma_start3A_43 = arith.constant 0 : i32
          %dma_start3A_44 = tpu.memref_slice %arg2[%multiple_of3A, %dma_start3A_43] : memref<10000x128xf32, #tpu.memory_space<hbm>> -> memref<624x128xf32, #tpu.memory_space<hbm>>
          tpu.enqueue_dma source(%dma_start3A_44 : memref<624x128xf32, #tpu.memory_space<hbm>>) target(%dma_start3A_42 : memref<624x128xf32, #tpu.memory_space<vmem_shared>>) target_semaphore(%run_scoped3A : memref<!tpu.dma_semaphore, #tpu.memory_space<semaphore_mem>>)
          %dma_wait3A = arith.constant 0 : i32
          %dma_wait3A_45 = tpu.memref_slice %arg11[%multiple_of3A, %dma_wait3A] : memref<10016x128xf32, #tpu.memory_space<vmem_shared>> -> memref<624x128xf32, #tpu.memory_space<vmem_shared>>
          %dma_wait3A_46 = arith.constant 0 : i32
          %dma_wait3A_47 = tpu.memref_slice %arg2[%multiple_of3A, %dma_wait3A_46] : memref<10000x128xf32, #tpu.memory_space<hbm>> -> memref<624x128xf32, #tpu.memory_space<hbm>>
          tpu.wait_dma2 semaphore(%run_scoped3A : memref<!tpu.dma_semaphore, #tpu.memory_space<semaphore_mem>>) src(%dma_wait3A_47 : memref<624x128xf32, #tpu.memory_space<hbm>>) dst(%dma_wait3A_45 : memref<624x128xf32, #tpu.memory_space<vmem_shared>>)
          tpu.yield
        }) : () -> ()
      } else {
      }
      %eq3A_37 = arith.constant 15 : i32
      %eq3A_38 = arith.cmpi eq, %arg1, %eq3A_37 : i32
      %convert_element_type3A_39 = arith.extui %eq3A_38 : i1 to i32
      %cond3A_40 = arith.constant 0 : i32
      %cond3A_41 = arith.cmpi ne, %convert_element_type3A_39, %cond3A_40 : i32
      scf.if %cond3A_41 {
        "tpu.region"() ({
          %run_scoped3A = tpu.sem_alloc : memref<!tpu.dma_semaphore, #tpu.memory_space<semaphore_mem>>
          %dma_start3A = arith.constant 9360 : i32
          %dma_start3A_42 = arith.constant 0 : i32
          %dma_start3A_43 = tpu.memref_slice %arg11[%dma_start3A, %dma_start3A_42] : memref<10016x128xf32, #tpu.memory_space<vmem_shared>> -> memref<640x128xf32, #tpu.memory_space<vmem_shared>>
          %dma_start3A_44 = arith.constant 9360 : i32
          %dma_start3A_45 = arith.constant 0 : i32
          %dma_start3A_46 = tpu.memref_slice %arg2[%dma_start3A_44, %dma_start3A_45] : memref<10000x128xf32, #tpu.memory_space<hbm>> -> memref<640x128xf32, #tpu.memory_space<hbm>>
          tpu.enqueue_dma source(%dma_start3A_46 : memref<640x128xf32, #tpu.memory_space<hbm>>) target(%dma_start3A_43 : memref<640x128xf32, #tpu.memory_space<vmem_shared>>) target_semaphore(%run_scoped3A : memref<!tpu.dma_semaphore, #tpu.memory_space<semaphore_mem>>)
          %dma_wait3A = arith.constant 9360 : i32
          %dma_wait3A_47 = arith.constant 0 : i32
          %dma_wait3A_48 = tpu.memref_slice %arg11[%dma_wait3A, %dma_wait3A_47] : memref<10016x128xf32, #tpu.memory_space<vmem_shared>> -> memref<640x128xf32, #tpu.memory_space<vmem_shared>>
          %dma_wait3A_49 = arith.constant 9360 : i32
          %dma_wait3A_50 = arith.constant 0 : i32
          %dma_wait3A_51 = tpu.memref_slice %arg2[%dma_wait3A_49, %dma_wait3A_50] : memref<10000x128xf32, #tpu.memory_space<hbm>> -> memref<640x128xf32, #tpu.memory_space<hbm>>
          tpu.wait_dma2 semaphore(%run_scoped3A : memref<!tpu.dma_semaphore, #tpu.memory_space<semaphore_mem>>) src(%dma_wait3A_51 : memref<640x128xf32, #tpu.memory_space<hbm>>) dst(%dma_wait3A_48 : memref<640x128xf32, #tpu.memory_space<vmem_shared>>)
          tpu.yield
        }) : () -> ()
      } else {
      }
    } else {
    }
    %eq3A_5 = arith.constant 1 : i32
    %eq3A_6 = arith.cmpi eq, %arg0, %eq3A_5 : i32
    %convert_element_type3A_7 = arith.extui %eq3A_6 : i1 to i32
    %cond3A_8 = arith.constant 0 : i32
    %cond3A_9 = arith.cmpi ne, %convert_element_type3A_7, %cond3A_8 : i32
    scf.if %cond3A_9 {
      %lt3A = arith.constant 15 : i32
      %lt3A_33 = arith.cmpi slt, %arg1, %lt3A : i32
      %convert_element_type3A_34 = arith.extui %lt3A_33 : i1 to i32
      %cond3A_35 = arith.constant 0 : i32
      %cond3A_36 = arith.cmpi ne, %convert_element_type3A_34, %cond3A_35 : i32
      scf.if %cond3A_36 {
        "tpu.region"() ({
          %run_scoped3A = tpu.sem_alloc : memref<!tpu.dma_semaphore, #tpu.memory_space<semaphore_mem>>
          %dma_start3A = arith.constant 0 : i32
          %dma_start3A_42 = tpu.memref_slice %arg11[%multiple_of3A, %dma_start3A] : memref<10016x128xf32, #tpu.memory_space<vmem_shared>> -> memref<624x128xf32, #tpu.memory_space<vmem_shared>>
          %dma_start3A_43 = arith.constant 0 : i32
          %dma_start3A_44 = tpu.memref_slice %arg3[%multiple_of3A, %dma_start3A_43] : memref<10016x128xf32, #tpu.memory_space<hbm>> -> memref<624x128xf32, #tpu.memory_space<hbm>>
          tpu.enqueue_dma source(%dma_start3A_44 : memref<624x128xf32, #tpu.memory_space<hbm>>) target(%dma_start3A_42 : memref<624x128xf32, #tpu.memory_space<vmem_shared>>) target_semaphore(%run_scoped3A : memref<!tpu.dma_semaphore, #tpu.memory_space<semaphore_mem>>)
          %dma_wait3A = arith.constant 0 : i32
          %dma_wait3A_45 = tpu.memref_slice %arg11[%multiple_of3A, %dma_wait3A] : memref<10016x128xf32, #tpu.memory_space<vmem_shared>> -> memref<624x128xf32, #tpu.memory_space<vmem_shared>>
          %dma_wait3A_46 = arith.constant 0 : i32
          %dma_wait3A_47 = tpu.memref_slice %arg3[%multiple_of3A, %dma_wait3A_46] : memref<10016x128xf32, #tpu.memory_space<hbm>> -> memref<624x128xf32, #tpu.memory_space<hbm>>
          tpu.wait_dma2 semaphore(%run_scoped3A : memref<!tpu.dma_semaphore, #tpu.memory_space<semaphore_mem>>) src(%dma_wait3A_47 : memref<624x128xf32, #tpu.memory_space<hbm>>) dst(%dma_wait3A_45 : memref<624x128xf32, #tpu.memory_space<vmem_shared>>)
          tpu.yield
        }) : () -> ()
      } else {
      }
      %eq3A_37 = arith.constant 15 : i32
      %eq3A_38 = arith.cmpi eq, %arg1, %eq3A_37 : i32
      %convert_element_type3A_39 = arith.extui %eq3A_38 : i1 to i32
      %cond3A_40 = arith.constant 0 : i32
      %cond3A_41 = arith.cmpi ne, %convert_element_type3A_39, %cond3A_40 : i32
      scf.if %cond3A_41 {
        "tpu.region"() ({
          %run_scoped3A = tpu.sem_alloc : memref<!tpu.dma_semaphore, #tpu.memory_space<semaphore_mem>>
          %dma_start3A = arith.constant 9360 : i32
          %dma_start3A_42 = arith.constant 0 : i32
          %dma_start3A_43 = tpu.memref_slice %arg11[%dma_start3A, %dma_start3A_42] : memref<10016x128xf32, #tpu.memory_space<vmem_shared>> -> memref<640x128xf32, #tpu.memory_space<vmem_shared>>
          %dma_start3A_44 = arith.constant 9360 : i32
          %dma_start3A_45 = arith.constant 0 : i32
          %dma_start3A_46 = tpu.memref_slice %arg3[%dma_start3A_44, %dma_start3A_45] : memref<10016x128xf32, #tpu.memory_space<hbm>> -> memref<640x128xf32, #tpu.memory_space<hbm>>
          tpu.enqueue_dma source(%dma_start3A_46 : memref<640x128xf32, #tpu.memory_space<hbm>>) target(%dma_start3A_43 : memref<640x128xf32, #tpu.memory_space<vmem_shared>>) target_semaphore(%run_scoped3A : memref<!tpu.dma_semaphore, #tpu.memory_space<semaphore_mem>>)
          %dma_wait3A = arith.constant 9360 : i32
          %dma_wait3A_47 = arith.constant 0 : i32
          %dma_wait3A_48 = tpu.memref_slice %arg11[%dma_wait3A, %dma_wait3A_47] : memref<10016x128xf32, #tpu.memory_space<vmem_shared>> -> memref<640x128xf32, #tpu.memory_space<vmem_shared>>
          %dma_wait3A_49 = arith.constant 9360 : i32
          %dma_wait3A_50 = arith.constant 0 : i32
          %dma_wait3A_51 = tpu.memref_slice %arg3[%dma_wait3A_49, %dma_wait3A_50] : memref<10016x128xf32, #tpu.memory_space<hbm>> -> memref<640x128xf32, #tpu.memory_space<hbm>>
          tpu.wait_dma2 semaphore(%run_scoped3A : memref<!tpu.dma_semaphore, #tpu.memory_space<semaphore_mem>>) src(%dma_wait3A_51 : memref<640x128xf32, #tpu.memory_space<hbm>>) dst(%dma_wait3A_48 : memref<640x128xf32, #tpu.memory_space<vmem_shared>>)
          tpu.yield
        }) : () -> ()
      } else {
      }
    } else {
    }
    %eq3A_10 = arith.constant 0 : i32
    %eq3A_11 = arith.cmpi eq, %arg0, %eq3A_10 : i32
    %eq3A_12 = arith.constant 0 : i32
    %eq3A_13 = arith.cmpi eq, %arg1, %eq3A_12 : i32
    %and3A = arith.andi %eq3A_11, %eq3A_13 : i1
    %convert_element_type3A_14 = arith.extui %and3A : i1 to i32
    %cond3A_15 = arith.constant 0 : i32
    %cond3A_16 = arith.cmpi ne, %convert_element_type3A_14, %cond3A_15 : i32
    scf.if %cond3A_16 {
      "tpu.region"() ({
        %run_scoped3A = tpu.sem_alloc : memref<!tpu.dma_semaphore, #tpu.memory_space<semaphore_mem>>
        %dma_start3A = arith.constant 10000 : i32
        %dma_start3A_33 = arith.constant 0 : i32
        %dma_start3A_34 = tpu.memref_slice %arg11[%dma_start3A, %dma_start3A_33] : memref<10016x128xf32, #tpu.memory_space<vmem_shared>> -> memref<16x128xf32, #tpu.memory_space<vmem_shared>>
        %dma_start3A_35 = arith.constant 10000 : i32
        %dma_start3A_36 = arith.constant 0 : i32
        %dma_start3A_37 = tpu.memref_slice %arg3[%dma_start3A_35, %dma_start3A_36] : memref<10016x128xf32, #tpu.memory_space<hbm>> -> memref<16x128xf32, #tpu.memory_space<hbm>>
        tpu.enqueue_dma source(%dma_start3A_37 : memref<16x128xf32, #tpu.memory_space<hbm>>) target(%dma_start3A_34 : memref<16x128xf32, #tpu.memory_space<vmem_shared>>) target_semaphore(%run_scoped3A : memref<!tpu.dma_semaphore, #tpu.memory_space<semaphore_mem>>)
        %dma_wait3A = arith.constant 10000 : i32
        %dma_wait3A_38 = arith.constant 0 : i32
        %dma_wait3A_39 = tpu.memref_slice %arg11[%dma_wait3A, %dma_wait3A_38] : memref<10016x128xf32, #tpu.memory_space<vmem_shared>> -> memref<16x128xf32, #tpu.memory_space<vmem_shared>>
        %dma_wait3A_40 = arith.constant 10000 : i32
        %dma_wait3A_41 = arith.constant 0 : i32
        %dma_wait3A_42 = tpu.memref_slice %arg3[%dma_wait3A_40, %dma_wait3A_41] : memref<10016x128xf32, #tpu.memory_space<hbm>> -> memref<16x128xf32, #tpu.memory_space<hbm>>
        tpu.wait_dma2 semaphore(%run_scoped3A : memref<!tpu.dma_semaphore, #tpu.memory_space<semaphore_mem>>) src(%dma_wait3A_42 : memref<16x128xf32, #tpu.memory_space<hbm>>) dst(%dma_wait3A_39 : memref<16x128xf32, #tpu.memory_space<vmem_shared>>)
        tpu.yield
      }) : () -> ()
    } else {
    }
    "tpu.region"() ({
      %run_scoped3A = tpu.sem_alloc : memref<!tpu.dma_semaphore, #tpu.memory_space<semaphore_mem>>
      %dma_start3A = arith.constant 0 : i32
      %dma_start3A_33 = arith.constant 0 : i32
      %dma_start3A_34 = tpu.memref_slice %arg4[%add3A, %dma_start3A, %dma_start3A_33] : memref<32x79x128xi32, #tpu.memory_space<hbm>> -> memref<1x79x128xi32, #tpu.memory_space<hbm>>
      %dma_start3A_35 = tpu.memref_squeeze %dma_start3A_34 : memref<1x79x128xi32, #tpu.memory_space<hbm>> -> memref<79x128xi32, #tpu.memory_space<hbm>>
      %dma_start3A_36 = arith.constant 0 : i32
      %dma_start3A_37 = arith.constant 0 : i32
      %dma_start3A_38 = tpu.memref_slice %arg4[%add3A, %dma_start3A_36, %dma_start3A_37] : memref<32x79x128xi32, #tpu.memory_space<hbm>> -> memref<1x79x128xi32, #tpu.memory_space<hbm>>
      %dma_start3A_39 = tpu.memref_squeeze %dma_start3A_38 : memref<1x79x128xi32, #tpu.memory_space<hbm>> -> memref<79x128xi32, #tpu.memory_space<hbm>>
      tpu.enqueue_dma source(%dma_start3A_39 : memref<79x128xi32, #tpu.memory_space<hbm>>) target(%arg8 : memref<79x128xi32, #tpu.memory_space<vmem>>) target_semaphore(%run_scoped3A : memref<!tpu.dma_semaphore, #tpu.memory_space<semaphore_mem>>)
      %dma_wait3A = arith.constant 0 : i32
      %dma_wait3A_40 = arith.constant 0 : i32
      %dma_wait3A_41 = tpu.memref_slice %arg4[%add3A, %dma_wait3A, %dma_wait3A_40] : memref<32x79x128xi32, #tpu.memory_space<hbm>> -> memref<1x79x128xi32, #tpu.memory_space<hbm>>
      %dma_wait3A_42 = tpu.memref_squeeze %dma_wait3A_41 : memref<1x79x128xi32, #tpu.memory_space<hbm>> -> memref<79x128xi32, #tpu.memory_space<hbm>>
      %dma_wait3A_43 = arith.constant 0 : i32
      %dma_wait3A_44 = arith.constant 0 : i32
      %dma_wait3A_45 = tpu.memref_slice %arg4[%add3A, %dma_wait3A_43, %dma_wait3A_44] : memref<32x79x128xi32, #tpu.memory_space<hbm>> -> memref<1x79x128xi32, #tpu.memory_space<hbm>>
      %dma_wait3A_46 = tpu.memref_squeeze %dma_wait3A_45 : memref<1x79x128xi32, #tpu.memory_space<hbm>> -> memref<79x128xi32, #tpu.memory_space<hbm>>
      tpu.wait_dma2 semaphore(%run_scoped3A : memref<!tpu.dma_semaphore, #tpu.memory_space<semaphore_mem>>) src(%dma_wait3A_46 : memref<79x128xi32, #tpu.memory_space<hbm>>) dst(%arg8 : memref<79x128xi32, #tpu.memory_space<vmem>>)
      tpu.yield
    }) : () -> ()
    "tpu.region"() ({
      %run_scoped3A = tpu.sem_alloc : memref<!tpu.dma_semaphore, #tpu.memory_space<semaphore_mem>>
      %dma_start3A = arith.constant 0 : i32
      %dma_start3A_33 = arith.constant 0 : i32
      %dma_start3A_34 = tpu.memref_slice %arg5[%add3A, %dma_start3A, %dma_start3A_33] : memref<32x79x128xi32, #tpu.memory_space<hbm>> -> memref<1x79x128xi32, #tpu.memory_space<hbm>>
      %dma_start3A_35 = tpu.memref_squeeze %dma_start3A_34 : memref<1x79x128xi32, #tpu.memory_space<hbm>> -> memref<79x128xi32, #tpu.memory_space<hbm>>
      %dma_start3A_36 = arith.constant 0 : i32
      %dma_start3A_37 = arith.constant 0 : i32
      %dma_start3A_38 = tpu.memref_slice %arg5[%add3A, %dma_start3A_36, %dma_start3A_37] : memref<32x79x128xi32, #tpu.memory_space<hbm>> -> memref<1x79x128xi32, #tpu.memory_space<hbm>>
      %dma_start3A_39 = tpu.memref_squeeze %dma_start3A_38 : memref<1x79x128xi32, #tpu.memory_space<hbm>> -> memref<79x128xi32, #tpu.memory_space<hbm>>
      tpu.enqueue_dma source(%dma_start3A_39 : memref<79x128xi32, #tpu.memory_space<hbm>>) target(%arg9 : memref<79x128xi32, #tpu.memory_space<vmem>>) target_semaphore(%run_scoped3A : memref<!tpu.dma_semaphore, #tpu.memory_space<semaphore_mem>>)
      %dma_wait3A = arith.constant 0 : i32
      %dma_wait3A_40 = arith.constant 0 : i32
      %dma_wait3A_41 = tpu.memref_slice %arg5[%add3A, %dma_wait3A, %dma_wait3A_40] : memref<32x79x128xi32, #tpu.memory_space<hbm>> -> memref<1x79x128xi32, #tpu.memory_space<hbm>>
      %dma_wait3A_42 = tpu.memref_squeeze %dma_wait3A_41 : memref<1x79x128xi32, #tpu.memory_space<hbm>> -> memref<79x128xi32, #tpu.memory_space<hbm>>
      %dma_wait3A_43 = arith.constant 0 : i32
      %dma_wait3A_44 = arith.constant 0 : i32
      %dma_wait3A_45 = tpu.memref_slice %arg5[%add3A, %dma_wait3A_43, %dma_wait3A_44] : memref<32x79x128xi32, #tpu.memory_space<hbm>> -> memref<1x79x128xi32, #tpu.memory_space<hbm>>
      %dma_wait3A_46 = tpu.memref_squeeze %dma_wait3A_45 : memref<1x79x128xi32, #tpu.memory_space<hbm>> -> memref<79x128xi32, #tpu.memory_space<hbm>>
      tpu.wait_dma2 semaphore(%run_scoped3A : memref<!tpu.dma_semaphore, #tpu.memory_space<semaphore_mem>>) src(%dma_wait3A_46 : memref<79x128xi32, #tpu.memory_space<hbm>>) dst(%arg9 : memref<79x128xi32, #tpu.memory_space<vmem>>)
      tpu.yield
    }) : () -> ()
    %barrier3A = arith.constant 0 : index
    tpu.barrier barrier_id(%barrier3A)
    %scan3A = arith.constant 0 : i32
    %scan3A_17 = arith.constant 0 : i32
    %scan3A_18 = arith.constant 79 : i32
    %scan3A_19 = arith.addi %scan3A_17, %scan3A_18 : i32
    %scan3A_20 = arith.constant 1 : i32
    scf.for %scan3A_33 = %scan3A_17 to %scan3A_19 step %scan3A_20  : i32 {
      %dma_start3A = arith.constant 0 : i32
      %dma_start3A_34 = tpu.memref_slice %arg8[%scan3A_33, %dma_start3A] : memref<79x128xi32, #tpu.memory_space<vmem>> -> memref<1x128xi32, #tpu.memory_space<vmem>>
      %dma_start3A_35 = tpu.memref_squeeze %dma_start3A_34 : memref<1x128xi32, #tpu.memory_space<vmem>> -> memref<128xi32, #tpu.memory_space<vmem>>
      %dma_start3A_36 = arith.constant 0 : i32
      %dma_start3A_37 = arith.constant 0 : i32
      %dma_start3A_38 = tpu.memref_slice %arg2[%dma_start3A_36, %dma_start3A_37] : memref<10000x128xf32, #tpu.memory_space<hbm>> -> memref<10000x128xf32, #tpu.memory_space<hbm>>
      tpu.enqueue_indirect_dma source(%dma_start3A_38 : memref<10000x128xf32, #tpu.memory_space<hbm>>) target(%arg10 : memref<128x128xf32, #tpu.memory_space<vmem>>) offsets(%dma_start3A_35 : memref<128xi32, #tpu.memory_space<vmem>>) semaphore(%arg12 : memref<!tpu.dma_semaphore, #tpu.memory_space<semaphore_mem>>)
      %dma_wait3A = arith.constant 0 : i32
      %dma_wait3A_39 = tpu.memref_slice %arg8[%scan3A_33, %dma_wait3A] : memref<79x128xi32, #tpu.memory_space<vmem>> -> memref<1x128xi32, #tpu.memory_space<vmem>>
      %dma_wait3A_40 = tpu.memref_squeeze %dma_wait3A_39 : memref<1x128xi32, #tpu.memory_space<vmem>> -> memref<128xi32, #tpu.memory_space<vmem>>
      %dma_wait3A_41 = arith.constant 0 : i32
      %dma_wait3A_42 = arith.constant 0 : i32
      %dma_wait3A_43 = tpu.memref_slice %arg2[%dma_wait3A_41, %dma_wait3A_42] : memref<10000x128xf32, #tpu.memory_space<hbm>> -> memref<10000x128xf32, #tpu.memory_space<hbm>>
      tpu.wait_indirect_dma semaphore(%arg12 : memref<!tpu.dma_semaphore, #tpu.memory_space<semaphore_mem>>) src(%dma_wait3A_43 : memref<10000x128xf32, #tpu.memory_space<hbm>>) dst(%arg10 : memref<128x128xf32, #tpu.memory_space<vmem>>)
      "tpu.region"() ({
        %run_scoped3A = tpu.sem_alloc : memref<!tpu.dma_semaphore, #tpu.memory_space<semaphore_mem>>
        %dma_start3A_44 = arith.constant 0 : i32
        %dma_start3A_45 = tpu.memref_slice %arg9[%scan3A_33, %dma_start3A_44] : memref<79x128xi32, #tpu.memory_space<vmem>> -> memref<1x128xi32, #tpu.memory_space<vmem>>
        %dma_start3A_46 = tpu.memref_squeeze %dma_start3A_45 : memref<1x128xi32, #tpu.memory_space<vmem>> -> memref<128xi32, #tpu.memory_space<vmem>>
        %dma_start3A_47 = arith.constant 0 : i32
        %dma_start3A_48 = arith.constant 0 : i32
        %dma_start3A_49 = tpu.memref_slice %arg11[%dma_start3A_47, %dma_start3A_48] : memref<10016x128xf32, #tpu.memory_space<vmem_shared>> -> memref<10016x128xf32, #tpu.memory_space<vmem_shared>>
        tpu.enqueue_indirect_dma source(%arg10 : memref<128x128xf32, #tpu.memory_space<vmem>>) target(%dma_start3A_49 : memref<10016x128xf32, #tpu.memory_space<vmem_shared>>) offsets(%dma_start3A_46 : memref<128xi32, #tpu.memory_space<vmem>>) semaphore(%run_scoped3A : memref<!tpu.dma_semaphore, #tpu.memory_space<semaphore_mem>>) {add = true}
        %dma_wait3A_50 = arith.constant 0 : i32
        %dma_wait3A_51 = tpu.memref_slice %arg9[%scan3A_33, %dma_wait3A_50] : memref<79x128xi32, #tpu.memory_space<vmem>> -> memref<1x128xi32, #tpu.memory_space<vmem>>
        %dma_wait3A_52 = tpu.memref_squeeze %dma_wait3A_51 : memref<1x128xi32, #tpu.memory_space<vmem>> -> memref<128xi32, #tpu.memory_space<vmem>>
        %dma_wait3A_53 = arith.constant 0 : i32
        %dma_wait3A_54 = arith.constant 0 : i32
        %dma_wait3A_55 = tpu.memref_slice %arg11[%dma_wait3A_53, %dma_wait3A_54] : memref<10016x128xf32, #tpu.memory_space<vmem_shared>> -> memref<10016x128xf32, #tpu.memory_space<vmem_shared>>
        tpu.wait_indirect_dma semaphore(%run_scoped3A : memref<!tpu.dma_semaphore, #tpu.memory_space<semaphore_mem>>) src(%arg10 : memref<128x128xf32, #tpu.memory_space<vmem>>) dst(%dma_wait3A_55 : memref<10016x128xf32, #tpu.memory_space<vmem_shared>>)
        tpu.yield
      }) : () -> ()
    }
    %scan3A_21 = arith.constant 79 : i32
    %barrier3A_22 = arith.constant 0 : index
    tpu.barrier barrier_id(%barrier3A_22)
    %eq3A_23 = arith.constant 0 : i32
    %eq3A_24 = arith.cmpi eq, %arg0, %eq3A_23 : i32
    %convert_element_type3A_25 = arith.extui %eq3A_24 : i1 to i32
    %cond3A_26 = arith.constant 0 : i32
    %cond3A_27 = arith.cmpi ne, %convert_element_type3A_25, %cond3A_26 : i32
    scf.if %cond3A_27 {
      %lt3A = arith.constant 15 : i32
      %lt3A_33 = arith.cmpi slt, %arg1, %lt3A : i32
      %convert_element_type3A_34 = arith.extui %lt3A_33 : i1 to i32
      %cond3A_35 = arith.constant 0 : i32
      %cond3A_36 = arith.cmpi ne, %convert_element_type3A_34, %cond3A_35 : i32
      scf.if %cond3A_36 {
        "tpu.region"() ({
          %run_scoped3A = tpu.sem_alloc : memref<!tpu.dma_semaphore, #tpu.memory_space<semaphore_mem>>
          %dma_start3A = arith.constant 0 : i32
          %dma_start3A_42 = tpu.memref_slice %arg6[%multiple_of3A, %dma_start3A] : memref<10000x128xf32, #tpu.memory_space<hbm>> -> memref<624x128xf32, #tpu.memory_space<hbm>>
          %dma_start3A_43 = arith.constant 0 : i32
          %dma_start3A_44 = tpu.memref_slice %arg11[%multiple_of3A, %dma_start3A_43] : memref<10016x128xf32, #tpu.memory_space<vmem_shared>> -> memref<624x128xf32, #tpu.memory_space<vmem_shared>>
          tpu.enqueue_dma source(%dma_start3A_44 : memref<624x128xf32, #tpu.memory_space<vmem_shared>>) target(%dma_start3A_42 : memref<624x128xf32, #tpu.memory_space<hbm>>) target_semaphore(%run_scoped3A : memref<!tpu.dma_semaphore, #tpu.memory_space<semaphore_mem>>)
          %dma_wait3A = arith.constant 0 : i32
          %dma_wait3A_45 = tpu.memref_slice %arg6[%multiple_of3A, %dma_wait3A] : memref<10000x128xf32, #tpu.memory_space<hbm>> -> memref<624x128xf32, #tpu.memory_space<hbm>>
          %dma_wait3A_46 = arith.constant 0 : i32
          %dma_wait3A_47 = tpu.memref_slice %arg11[%multiple_of3A, %dma_wait3A_46] : memref<10016x128xf32, #tpu.memory_space<vmem_shared>> -> memref<624x128xf32, #tpu.memory_space<vmem_shared>>
          tpu.wait_dma2 semaphore(%run_scoped3A : memref<!tpu.dma_semaphore, #tpu.memory_space<semaphore_mem>>) src(%dma_wait3A_47 : memref<624x128xf32, #tpu.memory_space<vmem_shared>>) dst(%dma_wait3A_45 : memref<624x128xf32, #tpu.memory_space<hbm>>)
          tpu.yield
        }) : () -> ()
      } else {
      }
      %eq3A_37 = arith.constant 15 : i32
      %eq3A_38 = arith.cmpi eq, %arg1, %eq3A_37 : i32
      %convert_element_type3A_39 = arith.extui %eq3A_38 : i1 to i32
      %cond3A_40 = arith.constant 0 : i32
      %cond3A_41 = arith.cmpi ne, %convert_element_type3A_39, %cond3A_40 : i32
      scf.if %cond3A_41 {
        "tpu.region"() ({
          %run_scoped3A = tpu.sem_alloc : memref<!tpu.dma_semaphore, #tpu.memory_space<semaphore_mem>>
          %dma_start3A = arith.constant 9360 : i32
          %dma_start3A_42 = arith.constant 0 : i32
          %dma_start3A_43 = tpu.memref_slice %arg6[%dma_start3A, %dma_start3A_42] : memref<10000x128xf32, #tpu.memory_space<hbm>> -> memref<640x128xf32, #tpu.memory_space<hbm>>
          %dma_start3A_44 = arith.constant 9360 : i32
          %dma_start3A_45 = arith.constant 0 : i32
          %dma_start3A_46 = tpu.memref_slice %arg11[%dma_start3A_44, %dma_start3A_45] : memref<10016x128xf32, #tpu.memory_space<vmem_shared>> -> memref<640x128xf32, #tpu.memory_space<vmem_shared>>
          tpu.enqueue_dma source(%dma_start3A_46 : memref<640x128xf32, #tpu.memory_space<vmem_shared>>) target(%dma_start3A_43 : memref<640x128xf32, #tpu.memory_space<hbm>>) target_semaphore(%run_scoped3A : memref<!tpu.dma_semaphore, #tpu.memory_space<semaphore_mem>>)
          %dma_wait3A = arith.constant 9360 : i32
          %dma_wait3A_47 = arith.constant 0 : i32
          %dma_wait3A_48 = tpu.memref_slice %arg6[%dma_wait3A, %dma_wait3A_47] : memref<10000x128xf32, #tpu.memory_space<hbm>> -> memref<640x128xf32, #tpu.memory_space<hbm>>
          %dma_wait3A_49 = arith.constant 9360 : i32
          %dma_wait3A_50 = arith.constant 0 : i32
          %dma_wait3A_51 = tpu.memref_slice %arg11[%dma_wait3A_49, %dma_wait3A_50] : memref<10016x128xf32, #tpu.memory_space<vmem_shared>> -> memref<640x128xf32, #tpu.memory_space<vmem_shared>>
          tpu.wait_dma2 semaphore(%run_scoped3A : memref<!tpu.dma_semaphore, #tpu.memory_space<semaphore_mem>>) src(%dma_wait3A_51 : memref<640x128xf32, #tpu.memory_space<vmem_shared>>) dst(%dma_wait3A_48 : memref<640x128xf32, #tpu.memory_space<hbm>>)
          tpu.yield
        }) : () -> ()
      } else {
      }
    } else {
    }
    %eq3A_28 = arith.constant 1 : i32
    %eq3A_29 = arith.cmpi eq, %arg0, %eq3A_28 : i32
    %convert_element_type3A_30 = arith.extui %eq3A_29 : i1 to i32
    %cond3A_31 = arith.constant 0 : i32
    %cond3A_32 = arith.cmpi ne, %convert_element_type3A_30, %cond3A_31 : i32
    scf.if %cond3A_32 {
      %lt3A = arith.constant 15 : i32
      %lt3A_33 = arith.cmpi slt, %arg1, %lt3A : i32
      %convert_element_type3A_34 = arith.extui %lt3A_33 : i1 to i32
      %cond3A_35 = arith.constant 0 : i32
      %cond3A_36 = arith.cmpi ne, %convert_element_type3A_34, %cond3A_35 : i32
      scf.if %cond3A_36 {
        "tpu.region"() ({
          %run_scoped3A = tpu.sem_alloc : memref<!tpu.dma_semaphore, #tpu.memory_space<semaphore_mem>>
          %dma_start3A = arith.constant 0 : i32
          %dma_start3A_42 = tpu.memref_slice %arg7[%multiple_of3A, %dma_start3A] : memref<10000x128xf32, #tpu.memory_space<hbm>> -> memref<624x128xf32, #tpu.memory_space<hbm>>
          %dma_start3A_43 = arith.constant 0 : i32
          %dma_start3A_44 = tpu.memref_slice %arg11[%multiple_of3A, %dma_start3A_43] : memref<10016x128xf32, #tpu.memory_space<vmem_shared>> -> memref<624x128xf32, #tpu.memory_space<vmem_shared>>
          tpu.enqueue_dma source(%dma_start3A_44 : memref<624x128xf32, #tpu.memory_space<vmem_shared>>) target(%dma_start3A_42 : memref<624x128xf32, #tpu.memory_space<hbm>>) target_semaphore(%run_scoped3A : memref<!tpu.dma_semaphore, #tpu.memory_space<semaphore_mem>>)
          %dma_wait3A = arith.constant 0 : i32
          %dma_wait3A_45 = tpu.memref_slice %arg7[%multiple_of3A, %dma_wait3A] : memref<10000x128xf32, #tpu.memory_space<hbm>> -> memref<624x128xf32, #tpu.memory_space<hbm>>
          %dma_wait3A_46 = arith.constant 0 : i32
          %dma_wait3A_47 = tpu.memref_slice %arg11[%multiple_of3A, %dma_wait3A_46] : memref<10016x128xf32, #tpu.memory_space<vmem_shared>> -> memref<624x128xf32, #tpu.memory_space<vmem_shared>>
          tpu.wait_dma2 semaphore(%run_scoped3A : memref<!tpu.dma_semaphore, #tpu.memory_space<semaphore_mem>>) src(%dma_wait3A_47 : memref<624x128xf32, #tpu.memory_space<vmem_shared>>) dst(%dma_wait3A_45 : memref<624x128xf32, #tpu.memory_space<hbm>>)
          tpu.yield
        }) : () -> ()
      } else {
      }
      %eq3A_37 = arith.constant 15 : i32
      %eq3A_38 = arith.cmpi eq, %arg1, %eq3A_37 : i32
      %convert_element_type3A_39 = arith.extui %eq3A_38 : i1 to i32
      %cond3A_40 = arith.constant 0 : i32
      %cond3A_41 = arith.cmpi ne, %convert_element_type3A_39, %cond3A_40 : i32
      scf.if %cond3A_41 {
        "tpu.region"() ({
          %run_scoped3A = tpu.sem_alloc : memref<!tpu.dma_semaphore, #tpu.memory_space<semaphore_mem>>
          %dma_start3A = arith.constant 9360 : i32
          %dma_start3A_42 = arith.constant 0 : i32
          %dma_start3A_43 = tpu.memref_slice %arg7[%dma_start3A, %dma_start3A_42] : memref<10000x128xf32, #tpu.memory_space<hbm>> -> memref<640x128xf32, #tpu.memory_space<hbm>>
          %dma_start3A_44 = arith.constant 9360 : i32
          %dma_start3A_45 = arith.constant 0 : i32
          %dma_start3A_46 = tpu.memref_slice %arg11[%dma_start3A_44, %dma_start3A_45] : memref<10016x128xf32, #tpu.memory_space<vmem_shared>> -> memref<640x128xf32, #tpu.memory_space<vmem_shared>>
          tpu.enqueue_dma source(%dma_start3A_46 : memref<640x128xf32, #tpu.memory_space<vmem_shared>>) target(%dma_start3A_43 : memref<640x128xf32, #tpu.memory_space<hbm>>) target_semaphore(%run_scoped3A : memref<!tpu.dma_semaphore, #tpu.memory_space<semaphore_mem>>)
          %dma_wait3A = arith.constant 9360 : i32
          %dma_wait3A_47 = arith.constant 0 : i32
          %dma_wait3A_48 = tpu.memref_slice %arg7[%dma_wait3A, %dma_wait3A_47] : memref<10000x128xf32, #tpu.memory_space<hbm>> -> memref<640x128xf32, #tpu.memory_space<hbm>>
          %dma_wait3A_49 = arith.constant 9360 : i32
          %dma_wait3A_50 = arith.constant 0 : i32
          %dma_wait3A_51 = tpu.memref_slice %arg11[%dma_wait3A_49, %dma_wait3A_50] : memref<10016x128xf32, #tpu.memory_space<vmem_shared>> -> memref<640x128xf32, #tpu.memory_space<vmem_shared>>
          tpu.wait_dma2 semaphore(%run_scoped3A : memref<!tpu.dma_semaphore, #tpu.memory_space<semaphore_mem>>) src(%dma_wait3A_51 : memref<640x128xf32, #tpu.memory_space<vmem_shared>>) dst(%dma_wait3A_48 : memref<640x128xf32, #tpu.memory_space<hbm>>)
          tpu.yield
        }) : () -> ()
      } else {
      }
    } else {
    }
    return
  }
}

#map = affine_map<(d0, d1) -> (0, 0)>
#map1 = affine_map<(d0, d1) -> (0, 0, 0)>
module attributes {stable_mosaic.version = 14 : i64} {
  func.func @_sc_agg_body(%arg0: i32, %arg1: i32, %arg2: memref<10000x128xf32, #tpu.memory_space<hbm>>, %arg3: memref<10016x128xf32, #tpu.memory_space<hbm>>, %arg4: memref<32x79x128xi32, #tpu.memory_space<hbm>>, %arg5: memref<32x79x128xi32, #tpu.memory_space<hbm>>, %arg6: memref<10000x128xf32, #tpu.memory_space<hbm>>, %arg7: memref<10000x128xf32, #tpu.memory_space<hbm>>, %arg8: memref<79x128xi32, #tpu.memory_space<vmem>>, %arg9: memref<79x128xi32, #tpu.memory_space<vmem>>, %arg10: memref<128x128xf32, #tpu.memory_space<vmem>>, %arg11: memref<10016x128xf32, #tpu.memory_space<vmem_shared>>, %arg12: memref<!tpu.dma_semaphore, #tpu.memory_space<semaphore_mem>>) attributes {dimension_semantics = [#tpu.dimension_semantics<core_parallel>, #tpu.dimension_semantics<subcore_parallel>], iteration_bounds = array<i64: 2, 16>, scalar_prefetch = 0 : i64, scratch_operands = 5 : i64, tpu.core_type = #tpu.core_type<sc_vector_subcore>, window_params = [{transform_indices = #map}, {transform_indices = #map}, {transform_indices = #map1}, {transform_indices = #map1}, {transform_indices = #map}, {transform_indices = #map}]} {
    %mul3A = arith.constant 16 : i32
    %mul3A_0 = arith.muli %arg0, %mul3A : i32
    %add3A = arith.addi %mul3A_0, %arg1 : i32
    %mul3A_1 = arith.constant 624 : i32
    %mul3A_2 = arith.muli %arg1, %mul3A_1 : i32
    %multiple_of3A = tpu.assume_multiple %mul3A_2, 8 : i32
    %eq3A = arith.constant 0 : i32
    %eq3A_3 = arith.cmpi eq, %arg0, %eq3A : i32
    %convert_element_type3A = arith.extui %eq3A_3 : i1 to i32
    %cond3A = arith.constant 0 : i32
    %cond3A_4 = arith.cmpi ne, %convert_element_type3A, %cond3A : i32
    scf.if %cond3A_4 {
      %lt3A = arith.constant 15 : i32
      %lt3A_33 = arith.cmpi slt, %arg1, %lt3A : i32
      %convert_element_type3A_34 = arith.extui %lt3A_33 : i1 to i32
      %cond3A_35 = arith.constant 0 : i32
      %cond3A_36 = arith.cmpi ne, %convert_element_type3A_34, %cond3A_35 : i32
      scf.if %cond3A_36 {
        "tpu.region"() ({
          %run_scoped3A = tpu.sem_alloc : memref<!tpu.dma_semaphore, #tpu.memory_space<semaphore_mem>>
          %dma_start3A = arith.constant 0 : i32
          %dma_start3A_42 = tpu.memref_slice %arg11[%multiple_of3A, %dma_start3A] : memref<10016x128xf32, #tpu.memory_space<vmem_shared>> -> memref<624x128xf32, #tpu.memory_space<vmem_shared>>
          %dma_start3A_43 = arith.constant 0 : i32
          %dma_start3A_44 = tpu.memref_slice %arg2[%multiple_of3A, %dma_start3A_43] : memref<10000x128xf32, #tpu.memory_space<hbm>> -> memref<624x128xf32, #tpu.memory_space<hbm>>
          tpu.enqueue_dma source(%dma_start3A_44 : memref<624x128xf32, #tpu.memory_space<hbm>>) target(%dma_start3A_42 : memref<624x128xf32, #tpu.memory_space<vmem_shared>>) target_semaphore(%run_scoped3A : memref<!tpu.dma_semaphore, #tpu.memory_space<semaphore_mem>>)
          %dma_wait3A = arith.constant 0 : i32
          %dma_wait3A_45 = tpu.memref_slice %arg11[%multiple_of3A, %dma_wait3A] : memref<10016x128xf32, #tpu.memory_space<vmem_shared>> -> memref<624x128xf32, #tpu.memory_space<vmem_shared>>
          %dma_wait3A_46 = arith.constant 0 : i32
          %dma_wait3A_47 = tpu.memref_slice %arg2[%multiple_of3A, %dma_wait3A_46] : memref<10000x128xf32, #tpu.memory_space<hbm>> -> memref<624x128xf32, #tpu.memory_space<hbm>>
          tpu.wait_dma2 semaphore(%run_scoped3A : memref<!tpu.dma_semaphore, #tpu.memory_space<semaphore_mem>>) src(%dma_wait3A_47 : memref<624x128xf32, #tpu.memory_space<hbm>>) dst(%dma_wait3A_45 : memref<624x128xf32, #tpu.memory_space<vmem_shared>>)
          tpu.yield
        }) : () -> ()
      } else {
      }
      %eq3A_37 = arith.constant 15 : i32
      %eq3A_38 = arith.cmpi eq, %arg1, %eq3A_37 : i32
      %convert_element_type3A_39 = arith.extui %eq3A_38 : i1 to i32
      %cond3A_40 = arith.constant 0 : i32
      %cond3A_41 = arith.cmpi ne, %convert_element_type3A_39, %cond3A_40 : i32
      scf.if %cond3A_41 {
        "tpu.region"() ({
          %run_scoped3A = tpu.sem_alloc : memref<!tpu.dma_semaphore, #tpu.memory_space<semaphore_mem>>
          %dma_start3A = arith.constant 9360 : i32
          %dma_start3A_42 = arith.constant 0 : i32
          %dma_start3A_43 = tpu.memref_slice %arg11[%dma_start3A, %dma_start3A_42] : memref<10016x128xf32, #tpu.memory_space<vmem_shared>> -> memref<640x128xf32, #tpu.memory_space<vmem_shared>>
          %dma_start3A_44 = arith.constant 9360 : i32
          %dma_start3A_45 = arith.constant 0 : i32
          %dma_start3A_46 = tpu.memref_slice %arg2[%dma_start3A_44, %dma_start3A_45] : memref<10000x128xf32, #tpu.memory_space<hbm>> -> memref<640x128xf32, #tpu.memory_space<hbm>>
          tpu.enqueue_dma source(%dma_start3A_46 : memref<640x128xf32, #tpu.memory_space<hbm>>) target(%dma_start3A_43 : memref<640x128xf32, #tpu.memory_space<vmem_shared>>) target_semaphore(%run_scoped3A : memref<!tpu.dma_semaphore, #tpu.memory_space<semaphore_mem>>)
          %dma_wait3A = arith.constant 9360 : i32
          %dma_wait3A_47 = arith.constant 0 : i32
          %dma_wait3A_48 = tpu.memref_slice %arg11[%dma_wait3A, %dma_wait3A_47] : memref<10016x128xf32, #tpu.memory_space<vmem_shared>> -> memref<640x128xf32, #tpu.memory_space<vmem_shared>>
          %dma_wait3A_49 = arith.constant 9360 : i32
          %dma_wait3A_50 = arith.constant 0 : i32
          %dma_wait3A_51 = tpu.memref_slice %arg2[%dma_wait3A_49, %dma_wait3A_50] : memref<10000x128xf32, #tpu.memory_space<hbm>> -> memref<640x128xf32, #tpu.memory_space<hbm>>
          tpu.wait_dma2 semaphore(%run_scoped3A : memref<!tpu.dma_semaphore, #tpu.memory_space<semaphore_mem>>) src(%dma_wait3A_51 : memref<640x128xf32, #tpu.memory_space<hbm>>) dst(%dma_wait3A_48 : memref<640x128xf32, #tpu.memory_space<vmem_shared>>)
          tpu.yield
        }) : () -> ()
      } else {
      }
    } else {
    }
    %eq3A_5 = arith.constant 1 : i32
    %eq3A_6 = arith.cmpi eq, %arg0, %eq3A_5 : i32
    %convert_element_type3A_7 = arith.extui %eq3A_6 : i1 to i32
    %cond3A_8 = arith.constant 0 : i32
    %cond3A_9 = arith.cmpi ne, %convert_element_type3A_7, %cond3A_8 : i32
    scf.if %cond3A_9 {
      %lt3A = arith.constant 15 : i32
      %lt3A_33 = arith.cmpi slt, %arg1, %lt3A : i32
      %convert_element_type3A_34 = arith.extui %lt3A_33 : i1 to i32
      %cond3A_35 = arith.constant 0 : i32
      %cond3A_36 = arith.cmpi ne, %convert_element_type3A_34, %cond3A_35 : i32
      scf.if %cond3A_36 {
        "tpu.region"() ({
          %run_scoped3A = tpu.sem_alloc : memref<!tpu.dma_semaphore, #tpu.memory_space<semaphore_mem>>
          %dma_start3A = arith.constant 0 : i32
          %dma_start3A_42 = tpu.memref_slice %arg11[%multiple_of3A, %dma_start3A] : memref<10016x128xf32, #tpu.memory_space<vmem_shared>> -> memref<624x128xf32, #tpu.memory_space<vmem_shared>>
          %dma_start3A_43 = arith.constant 0 : i32
          %dma_start3A_44 = tpu.memref_slice %arg3[%multiple_of3A, %dma_start3A_43] : memref<10016x128xf32, #tpu.memory_space<hbm>> -> memref<624x128xf32, #tpu.memory_space<hbm>>
          tpu.enqueue_dma source(%dma_start3A_44 : memref<624x128xf32, #tpu.memory_space<hbm>>) target(%dma_start3A_42 : memref<624x128xf32, #tpu.memory_space<vmem_shared>>) target_semaphore(%run_scoped3A : memref<!tpu.dma_semaphore, #tpu.memory_space<semaphore_mem>>)
          %dma_wait3A = arith.constant 0 : i32
          %dma_wait3A_45 = tpu.memref_slice %arg11[%multiple_of3A, %dma_wait3A] : memref<10016x128xf32, #tpu.memory_space<vmem_shared>> -> memref<624x128xf32, #tpu.memory_space<vmem_shared>>
          %dma_wait3A_46 = arith.constant 0 : i32
          %dma_wait3A_47 = tpu.memref_slice %arg3[%multiple_of3A, %dma_wait3A_46] : memref<10016x128xf32, #tpu.memory_space<hbm>> -> memref<624x128xf32, #tpu.memory_space<hbm>>
          tpu.wait_dma2 semaphore(%run_scoped3A : memref<!tpu.dma_semaphore, #tpu.memory_space<semaphore_mem>>) src(%dma_wait3A_47 : memref<624x128xf32, #tpu.memory_space<hbm>>) dst(%dma_wait3A_45 : memref<624x128xf32, #tpu.memory_space<vmem_shared>>)
          tpu.yield
        }) : () -> ()
      } else {
      }
      %eq3A_37 = arith.constant 15 : i32
      %eq3A_38 = arith.cmpi eq, %arg1, %eq3A_37 : i32
      %convert_element_type3A_39 = arith.extui %eq3A_38 : i1 to i32
      %cond3A_40 = arith.constant 0 : i32
      %cond3A_41 = arith.cmpi ne, %convert_element_type3A_39, %cond3A_40 : i32
      scf.if %cond3A_41 {
        "tpu.region"() ({
          %run_scoped3A = tpu.sem_alloc : memref<!tpu.dma_semaphore, #tpu.memory_space<semaphore_mem>>
          %dma_start3A = arith.constant 9360 : i32
          %dma_start3A_42 = arith.constant 0 : i32
          %dma_start3A_43 = tpu.memref_slice %arg11[%dma_start3A, %dma_start3A_42] : memref<10016x128xf32, #tpu.memory_space<vmem_shared>> -> memref<640x128xf32, #tpu.memory_space<vmem_shared>>
          %dma_start3A_44 = arith.constant 9360 : i32
          %dma_start3A_45 = arith.constant 0 : i32
          %dma_start3A_46 = tpu.memref_slice %arg3[%dma_start3A_44, %dma_start3A_45] : memref<10016x128xf32, #tpu.memory_space<hbm>> -> memref<640x128xf32, #tpu.memory_space<hbm>>
          tpu.enqueue_dma source(%dma_start3A_46 : memref<640x128xf32, #tpu.memory_space<hbm>>) target(%dma_start3A_43 : memref<640x128xf32, #tpu.memory_space<vmem_shared>>) target_semaphore(%run_scoped3A : memref<!tpu.dma_semaphore, #tpu.memory_space<semaphore_mem>>)
          %dma_wait3A = arith.constant 9360 : i32
          %dma_wait3A_47 = arith.constant 0 : i32
          %dma_wait3A_48 = tpu.memref_slice %arg11[%dma_wait3A, %dma_wait3A_47] : memref<10016x128xf32, #tpu.memory_space<vmem_shared>> -> memref<640x128xf32, #tpu.memory_space<vmem_shared>>
          %dma_wait3A_49 = arith.constant 9360 : i32
          %dma_wait3A_50 = arith.constant 0 : i32
          %dma_wait3A_51 = tpu.memref_slice %arg3[%dma_wait3A_49, %dma_wait3A_50] : memref<10016x128xf32, #tpu.memory_space<hbm>> -> memref<640x128xf32, #tpu.memory_space<hbm>>
          tpu.wait_dma2 semaphore(%run_scoped3A : memref<!tpu.dma_semaphore, #tpu.memory_space<semaphore_mem>>) src(%dma_wait3A_51 : memref<640x128xf32, #tpu.memory_space<hbm>>) dst(%dma_wait3A_48 : memref<640x128xf32, #tpu.memory_space<vmem_shared>>)
          tpu.yield
        }) : () -> ()
      } else {
      }
    } else {
    }
    %eq3A_10 = arith.constant 0 : i32
    %eq3A_11 = arith.cmpi eq, %arg0, %eq3A_10 : i32
    %eq3A_12 = arith.constant 0 : i32
    %eq3A_13 = arith.cmpi eq, %arg1, %eq3A_12 : i32
    %and3A = arith.andi %eq3A_11, %eq3A_13 : i1
    %convert_element_type3A_14 = arith.extui %and3A : i1 to i32
    %cond3A_15 = arith.constant 0 : i32
    %cond3A_16 = arith.cmpi ne, %convert_element_type3A_14, %cond3A_15 : i32
    scf.if %cond3A_16 {
      "tpu.region"() ({
        %run_scoped3A = tpu.sem_alloc : memref<!tpu.dma_semaphore, #tpu.memory_space<semaphore_mem>>
        %dma_start3A = arith.constant 10000 : i32
        %dma_start3A_33 = arith.constant 0 : i32
        %dma_start3A_34 = tpu.memref_slice %arg11[%dma_start3A, %dma_start3A_33] : memref<10016x128xf32, #tpu.memory_space<vmem_shared>> -> memref<16x128xf32, #tpu.memory_space<vmem_shared>>
        %dma_start3A_35 = arith.constant 10000 : i32
        %dma_start3A_36 = arith.constant 0 : i32
        %dma_start3A_37 = tpu.memref_slice %arg3[%dma_start3A_35, %dma_start3A_36] : memref<10016x128xf32, #tpu.memory_space<hbm>> -> memref<16x128xf32, #tpu.memory_space<hbm>>
        tpu.enqueue_dma source(%dma_start3A_37 : memref<16x128xf32, #tpu.memory_space<hbm>>) target(%dma_start3A_34 : memref<16x128xf32, #tpu.memory_space<vmem_shared>>) target_semaphore(%run_scoped3A : memref<!tpu.dma_semaphore, #tpu.memory_space<semaphore_mem>>)
        %dma_wait3A = arith.constant 10000 : i32
        %dma_wait3A_38 = arith.constant 0 : i32
        %dma_wait3A_39 = tpu.memref_slice %arg11[%dma_wait3A, %dma_wait3A_38] : memref<10016x128xf32, #tpu.memory_space<vmem_shared>> -> memref<16x128xf32, #tpu.memory_space<vmem_shared>>
        %dma_wait3A_40 = arith.constant 10000 : i32
        %dma_wait3A_41 = arith.constant 0 : i32
        %dma_wait3A_42 = tpu.memref_slice %arg3[%dma_wait3A_40, %dma_wait3A_41] : memref<10016x128xf32, #tpu.memory_space<hbm>> -> memref<16x128xf32, #tpu.memory_space<hbm>>
        tpu.wait_dma2 semaphore(%run_scoped3A : memref<!tpu.dma_semaphore, #tpu.memory_space<semaphore_mem>>) src(%dma_wait3A_42 : memref<16x128xf32, #tpu.memory_space<hbm>>) dst(%dma_wait3A_39 : memref<16x128xf32, #tpu.memory_space<vmem_shared>>)
        tpu.yield
      }) : () -> ()
    } else {
    }
    "tpu.region"() ({
      %run_scoped3A = tpu.sem_alloc : memref<!tpu.dma_semaphore, #tpu.memory_space<semaphore_mem>>
      %dma_start3A = arith.constant 0 : i32
      %dma_start3A_33 = arith.constant 0 : i32
      %dma_start3A_34 = tpu.memref_slice %arg4[%add3A, %dma_start3A, %dma_start3A_33] : memref<32x79x128xi32, #tpu.memory_space<hbm>> -> memref<1x79x128xi32, #tpu.memory_space<hbm>>
      %dma_start3A_35 = tpu.memref_squeeze %dma_start3A_34 : memref<1x79x128xi32, #tpu.memory_space<hbm>> -> memref<79x128xi32, #tpu.memory_space<hbm>>
      %dma_start3A_36 = arith.constant 0 : i32
      %dma_start3A_37 = arith.constant 0 : i32
      %dma_start3A_38 = tpu.memref_slice %arg4[%add3A, %dma_start3A_36, %dma_start3A_37] : memref<32x79x128xi32, #tpu.memory_space<hbm>> -> memref<1x79x128xi32, #tpu.memory_space<hbm>>
      %dma_start3A_39 = tpu.memref_squeeze %dma_start3A_38 : memref<1x79x128xi32, #tpu.memory_space<hbm>> -> memref<79x128xi32, #tpu.memory_space<hbm>>
      tpu.enqueue_dma source(%dma_start3A_39 : memref<79x128xi32, #tpu.memory_space<hbm>>) target(%arg8 : memref<79x128xi32, #tpu.memory_space<vmem>>) target_semaphore(%run_scoped3A : memref<!tpu.dma_semaphore, #tpu.memory_space<semaphore_mem>>)
      %dma_wait3A = arith.constant 0 : i32
      %dma_wait3A_40 = arith.constant 0 : i32
      %dma_wait3A_41 = tpu.memref_slice %arg4[%add3A, %dma_wait3A, %dma_wait3A_40] : memref<32x79x128xi32, #tpu.memory_space<hbm>> -> memref<1x79x128xi32, #tpu.memory_space<hbm>>
      %dma_wait3A_42 = tpu.memref_squeeze %dma_wait3A_41 : memref<1x79x128xi32, #tpu.memory_space<hbm>> -> memref<79x128xi32, #tpu.memory_space<hbm>>
      %dma_wait3A_43 = arith.constant 0 : i32
      %dma_wait3A_44 = arith.constant 0 : i32
      %dma_wait3A_45 = tpu.memref_slice %arg4[%add3A, %dma_wait3A_43, %dma_wait3A_44] : memref<32x79x128xi32, #tpu.memory_space<hbm>> -> memref<1x79x128xi32, #tpu.memory_space<hbm>>
      %dma_wait3A_46 = tpu.memref_squeeze %dma_wait3A_45 : memref<1x79x128xi32, #tpu.memory_space<hbm>> -> memref<79x128xi32, #tpu.memory_space<hbm>>
      tpu.wait_dma2 semaphore(%run_scoped3A : memref<!tpu.dma_semaphore, #tpu.memory_space<semaphore_mem>>) src(%dma_wait3A_46 : memref<79x128xi32, #tpu.memory_space<hbm>>) dst(%arg8 : memref<79x128xi32, #tpu.memory_space<vmem>>)
      tpu.yield
    }) : () -> ()
    "tpu.region"() ({
      %run_scoped3A = tpu.sem_alloc : memref<!tpu.dma_semaphore, #tpu.memory_space<semaphore_mem>>
      %dma_start3A = arith.constant 0 : i32
      %dma_start3A_33 = arith.constant 0 : i32
      %dma_start3A_34 = tpu.memref_slice %arg5[%add3A, %dma_start3A, %dma_start3A_33] : memref<32x79x128xi32, #tpu.memory_space<hbm>> -> memref<1x79x128xi32, #tpu.memory_space<hbm>>
      %dma_start3A_35 = tpu.memref_squeeze %dma_start3A_34 : memref<1x79x128xi32, #tpu.memory_space<hbm>> -> memref<79x128xi32, #tpu.memory_space<hbm>>
      %dma_start3A_36 = arith.constant 0 : i32
      %dma_start3A_37 = arith.constant 0 : i32
      %dma_start3A_38 = tpu.memref_slice %arg5[%add3A, %dma_start3A_36, %dma_start3A_37] : memref<32x79x128xi32, #tpu.memory_space<hbm>> -> memref<1x79x128xi32, #tpu.memory_space<hbm>>
      %dma_start3A_39 = tpu.memref_squeeze %dma_start3A_38 : memref<1x79x128xi32, #tpu.memory_space<hbm>> -> memref<79x128xi32, #tpu.memory_space<hbm>>
      tpu.enqueue_dma source(%dma_start3A_39 : memref<79x128xi32, #tpu.memory_space<hbm>>) target(%arg9 : memref<79x128xi32, #tpu.memory_space<vmem>>) target_semaphore(%run_scoped3A : memref<!tpu.dma_semaphore, #tpu.memory_space<semaphore_mem>>)
      %dma_wait3A = arith.constant 0 : i32
      %dma_wait3A_40 = arith.constant 0 : i32
      %dma_wait3A_41 = tpu.memref_slice %arg5[%add3A, %dma_wait3A, %dma_wait3A_40] : memref<32x79x128xi32, #tpu.memory_space<hbm>> -> memref<1x79x128xi32, #tpu.memory_space<hbm>>
      %dma_wait3A_42 = tpu.memref_squeeze %dma_wait3A_41 : memref<1x79x128xi32, #tpu.memory_space<hbm>> -> memref<79x128xi32, #tpu.memory_space<hbm>>
      %dma_wait3A_43 = arith.constant 0 : i32
      %dma_wait3A_44 = arith.constant 0 : i32
      %dma_wait3A_45 = tpu.memref_slice %arg5[%add3A, %dma_wait3A_43, %dma_wait3A_44] : memref<32x79x128xi32, #tpu.memory_space<hbm>> -> memref<1x79x128xi32, #tpu.memory_space<hbm>>
      %dma_wait3A_46 = tpu.memref_squeeze %dma_wait3A_45 : memref<1x79x128xi32, #tpu.memory_space<hbm>> -> memref<79x128xi32, #tpu.memory_space<hbm>>
      tpu.wait_dma2 semaphore(%run_scoped3A : memref<!tpu.dma_semaphore, #tpu.memory_space<semaphore_mem>>) src(%dma_wait3A_46 : memref<79x128xi32, #tpu.memory_space<hbm>>) dst(%arg9 : memref<79x128xi32, #tpu.memory_space<vmem>>)
      tpu.yield
    }) : () -> ()
    %barrier3A = arith.constant 0 : index
    tpu.barrier barrier_id(%barrier3A)
    %scan3A = arith.constant 0 : i32
    %scan3A_17 = arith.constant 0 : i32
    %scan3A_18 = arith.constant 79 : i32
    %scan3A_19 = arith.addi %scan3A_17, %scan3A_18 : i32
    %scan3A_20 = arith.constant 1 : i32
    scf.for %scan3A_33 = %scan3A_17 to %scan3A_19 step %scan3A_20  : i32 {
      %dma_start3A = arith.constant 0 : i32
      %dma_start3A_34 = tpu.memref_slice %arg8[%scan3A_33, %dma_start3A] : memref<79x128xi32, #tpu.memory_space<vmem>> -> memref<1x128xi32, #tpu.memory_space<vmem>>
      %dma_start3A_35 = tpu.memref_squeeze %dma_start3A_34 : memref<1x128xi32, #tpu.memory_space<vmem>> -> memref<128xi32, #tpu.memory_space<vmem>>
      %dma_start3A_36 = arith.constant 0 : i32
      %dma_start3A_37 = arith.constant 0 : i32
      %dma_start3A_38 = tpu.memref_slice %arg2[%dma_start3A_36, %dma_start3A_37] : memref<10000x128xf32, #tpu.memory_space<hbm>> -> memref<10000x128xf32, #tpu.memory_space<hbm>>
      tpu.enqueue_indirect_dma source(%dma_start3A_38 : memref<10000x128xf32, #tpu.memory_space<hbm>>) target(%arg10 : memref<128x128xf32, #tpu.memory_space<vmem>>) offsets(%dma_start3A_35 : memref<128xi32, #tpu.memory_space<vmem>>) semaphore(%arg12 : memref<!tpu.dma_semaphore, #tpu.memory_space<semaphore_mem>>)
      %dma_wait3A = arith.constant 0 : i32
      %dma_wait3A_39 = tpu.memref_slice %arg8[%scan3A_33, %dma_wait3A] : memref<79x128xi32, #tpu.memory_space<vmem>> -> memref<1x128xi32, #tpu.memory_space<vmem>>
      %dma_wait3A_40 = tpu.memref_squeeze %dma_wait3A_39 : memref<1x128xi32, #tpu.memory_space<vmem>> -> memref<128xi32, #tpu.memory_space<vmem>>
      %dma_wait3A_41 = arith.constant 0 : i32
      %dma_wait3A_42 = arith.constant 0 : i32
      %dma_wait3A_43 = tpu.memref_slice %arg2[%dma_wait3A_41, %dma_wait3A_42] : memref<10000x128xf32, #tpu.memory_space<hbm>> -> memref<10000x128xf32, #tpu.memory_space<hbm>>
      tpu.wait_indirect_dma semaphore(%arg12 : memref<!tpu.dma_semaphore, #tpu.memory_space<semaphore_mem>>) src(%dma_wait3A_43 : memref<10000x128xf32, #tpu.memory_space<hbm>>) dst(%arg10 : memref<128x128xf32, #tpu.memory_space<vmem>>)
      "tpu.region"() ({
        %run_scoped3A = tpu.sem_alloc : memref<!tpu.dma_semaphore, #tpu.memory_space<semaphore_mem>>
        %dma_start3A_44 = arith.constant 0 : i32
        %dma_start3A_45 = tpu.memref_slice %arg9[%scan3A_33, %dma_start3A_44] : memref<79x128xi32, #tpu.memory_space<vmem>> -> memref<1x128xi32, #tpu.memory_space<vmem>>
        %dma_start3A_46 = tpu.memref_squeeze %dma_start3A_45 : memref<1x128xi32, #tpu.memory_space<vmem>> -> memref<128xi32, #tpu.memory_space<vmem>>
        %dma_start3A_47 = arith.constant 0 : i32
        %dma_start3A_48 = arith.constant 0 : i32
        %dma_start3A_49 = tpu.memref_slice %arg11[%dma_start3A_47, %dma_start3A_48] : memref<10016x128xf32, #tpu.memory_space<vmem_shared>> -> memref<10016x128xf32, #tpu.memory_space<vmem_shared>>
        tpu.enqueue_indirect_dma source(%arg10 : memref<128x128xf32, #tpu.memory_space<vmem>>) target(%dma_start3A_49 : memref<10016x128xf32, #tpu.memory_space<vmem_shared>>) offsets(%dma_start3A_46 : memref<128xi32, #tpu.memory_space<vmem>>) semaphore(%run_scoped3A : memref<!tpu.dma_semaphore, #tpu.memory_space<semaphore_mem>>) {add = true}
        %dma_wait3A_50 = arith.constant 0 : i32
        %dma_wait3A_51 = tpu.memref_slice %arg9[%scan3A_33, %dma_wait3A_50] : memref<79x128xi32, #tpu.memory_space<vmem>> -> memref<1x128xi32, #tpu.memory_space<vmem>>
        %dma_wait3A_52 = tpu.memref_squeeze %dma_wait3A_51 : memref<1x128xi32, #tpu.memory_space<vmem>> -> memref<128xi32, #tpu.memory_space<vmem>>
        %dma_wait3A_53 = arith.constant 0 : i32
        %dma_wait3A_54 = arith.constant 0 : i32
        %dma_wait3A_55 = tpu.memref_slice %arg11[%dma_wait3A_53, %dma_wait3A_54] : memref<10016x128xf32, #tpu.memory_space<vmem_shared>> -> memref<10016x128xf32, #tpu.memory_space<vmem_shared>>
        tpu.wait_indirect_dma semaphore(%run_scoped3A : memref<!tpu.dma_semaphore, #tpu.memory_space<semaphore_mem>>) src(%arg10 : memref<128x128xf32, #tpu.memory_space<vmem>>) dst(%dma_wait3A_55 : memref<10016x128xf32, #tpu.memory_space<vmem_shared>>)
        tpu.yield
      }) : () -> ()
    }
    %scan3A_21 = arith.constant 79 : i32
    %barrier3A_22 = arith.constant 0 : index
    tpu.barrier barrier_id(%barrier3A_22)
    %eq3A_23 = arith.constant 0 : i32
    %eq3A_24 = arith.cmpi eq, %arg0, %eq3A_23 : i32
    %convert_element_type3A_25 = arith.extui %eq3A_24 : i1 to i32
    %cond3A_26 = arith.constant 0 : i32
    %cond3A_27 = arith.cmpi ne, %convert_element_type3A_25, %cond3A_26 : i32
    scf.if %cond3A_27 {
      %lt3A = arith.constant 15 : i32
      %lt3A_33 = arith.cmpi slt, %arg1, %lt3A : i32
      %convert_element_type3A_34 = arith.extui %lt3A_33 : i1 to i32
      %cond3A_35 = arith.constant 0 : i32
      %cond3A_36 = arith.cmpi ne, %convert_element_type3A_34, %cond3A_35 : i32
      scf.if %cond3A_36 {
        "tpu.region"() ({
          %run_scoped3A = tpu.sem_alloc : memref<!tpu.dma_semaphore, #tpu.memory_space<semaphore_mem>>
          %dma_start3A = arith.constant 0 : i32
          %dma_start3A_42 = tpu.memref_slice %arg6[%multiple_of3A, %dma_start3A] : memref<10000x128xf32, #tpu.memory_space<hbm>> -> memref<624x128xf32, #tpu.memory_space<hbm>>
          %dma_start3A_43 = arith.constant 0 : i32
          %dma_start3A_44 = tpu.memref_slice %arg11[%multiple_of3A, %dma_start3A_43] : memref<10016x128xf32, #tpu.memory_space<vmem_shared>> -> memref<624x128xf32, #tpu.memory_space<vmem_shared>>
          tpu.enqueue_dma source(%dma_start3A_44 : memref<624x128xf32, #tpu.memory_space<vmem_shared>>) target(%dma_start3A_42 : memref<624x128xf32, #tpu.memory_space<hbm>>) target_semaphore(%run_scoped3A : memref<!tpu.dma_semaphore, #tpu.memory_space<semaphore_mem>>)
          %dma_wait3A = arith.constant 0 : i32
          %dma_wait3A_45 = tpu.memref_slice %arg6[%multiple_of3A, %dma_wait3A] : memref<10000x128xf32, #tpu.memory_space<hbm>> -> memref<624x128xf32, #tpu.memory_space<hbm>>
          %dma_wait3A_46 = arith.constant 0 : i32
          %dma_wait3A_47 = tpu.memref_slice %arg11[%multiple_of3A, %dma_wait3A_46] : memref<10016x128xf32, #tpu.memory_space<vmem_shared>> -> memref<624x128xf32, #tpu.memory_space<vmem_shared>>
          tpu.wait_dma2 semaphore(%run_scoped3A : memref<!tpu.dma_semaphore, #tpu.memory_space<semaphore_mem>>) src(%dma_wait3A_47 : memref<624x128xf32, #tpu.memory_space<vmem_shared>>) dst(%dma_wait3A_45 : memref<624x128xf32, #tpu.memory_space<hbm>>)
          tpu.yield
        }) : () -> ()
      } else {
      }
      %eq3A_37 = arith.constant 15 : i32
      %eq3A_38 = arith.cmpi eq, %arg1, %eq3A_37 : i32
      %convert_element_type3A_39 = arith.extui %eq3A_38 : i1 to i32
      %cond3A_40 = arith.constant 0 : i32
      %cond3A_41 = arith.cmpi ne, %convert_element_type3A_39, %cond3A_40 : i32
      scf.if %cond3A_41 {
        "tpu.region"() ({
          %run_scoped3A = tpu.sem_alloc : memref<!tpu.dma_semaphore, #tpu.memory_space<semaphore_mem>>
          %dma_start3A = arith.constant 9360 : i32
          %dma_start3A_42 = arith.constant 0 : i32
          %dma_start3A_43 = tpu.memref_slice %arg6[%dma_start3A, %dma_start3A_42] : memref<10000x128xf32, #tpu.memory_space<hbm>> -> memref<640x128xf32, #tpu.memory_space<hbm>>
          %dma_start3A_44 = arith.constant 9360 : i32
          %dma_start3A_45 = arith.constant 0 : i32
          %dma_start3A_46 = tpu.memref_slice %arg11[%dma_start3A_44, %dma_start3A_45] : memref<10016x128xf32, #tpu.memory_space<vmem_shared>> -> memref<640x128xf32, #tpu.memory_space<vmem_shared>>
          tpu.enqueue_dma source(%dma_start3A_46 : memref<640x128xf32, #tpu.memory_space<vmem_shared>>) target(%dma_start3A_43 : memref<640x128xf32, #tpu.memory_space<hbm>>) target_semaphore(%run_scoped3A : memref<!tpu.dma_semaphore, #tpu.memory_space<semaphore_mem>>)
          %dma_wait3A = arith.constant 9360 : i32
          %dma_wait3A_47 = arith.constant 0 : i32
          %dma_wait3A_48 = tpu.memref_slice %arg6[%dma_wait3A, %dma_wait3A_47] : memref<10000x128xf32, #tpu.memory_space<hbm>> -> memref<640x128xf32, #tpu.memory_space<hbm>>
          %dma_wait3A_49 = arith.constant 9360 : i32
          %dma_wait3A_50 = arith.constant 0 : i32
          %dma_wait3A_51 = tpu.memref_slice %arg11[%dma_wait3A_49, %dma_wait3A_50] : memref<10016x128xf32, #tpu.memory_space<vmem_shared>> -> memref<640x128xf32, #tpu.memory_space<vmem_shared>>
          tpu.wait_dma2 semaphore(%run_scoped3A : memref<!tpu.dma_semaphore, #tpu.memory_space<semaphore_mem>>) src(%dma_wait3A_51 : memref<640x128xf32, #tpu.memory_space<vmem_shared>>) dst(%dma_wait3A_48 : memref<640x128xf32, #tpu.memory_space<hbm>>)
          tpu.yield
        }) : () -> ()
      } else {
      }
    } else {
    }
    %eq3A_28 = arith.constant 1 : i32
    %eq3A_29 = arith.cmpi eq, %arg0, %eq3A_28 : i32
    %convert_element_type3A_30 = arith.extui %eq3A_29 : i1 to i32
    %cond3A_31 = arith.constant 0 : i32
    %cond3A_32 = arith.cmpi ne, %convert_element_type3A_30, %cond3A_31 : i32
    scf.if %cond3A_32 {
      %lt3A = arith.constant 15 : i32
      %lt3A_33 = arith.cmpi slt, %arg1, %lt3A : i32
      %convert_element_type3A_34 = arith.extui %lt3A_33 : i1 to i32
      %cond3A_35 = arith.constant 0 : i32
      %cond3A_36 = arith.cmpi ne, %convert_element_type3A_34, %cond3A_35 : i32
      scf.if %cond3A_36 {
        "tpu.region"() ({
          %run_scoped3A = tpu.sem_alloc : memref<!tpu.dma_semaphore, #tpu.memory_space<semaphore_mem>>
          %dma_start3A = arith.constant 0 : i32
          %dma_start3A_42 = tpu.memref_slice %arg7[%multiple_of3A, %dma_start3A] : memref<10000x128xf32, #tpu.memory_space<hbm>> -> memref<624x128xf32, #tpu.memory_space<hbm>>
          %dma_start3A_43 = arith.constant 0 : i32
          %dma_start3A_44 = tpu.memref_slice %arg11[%multiple_of3A, %dma_start3A_43] : memref<10016x128xf32, #tpu.memory_space<vmem_shared>> -> memref<624x128xf32, #tpu.memory_space<vmem_shared>>
          tpu.enqueue_dma source(%dma_start3A_44 : memref<624x128xf32, #tpu.memory_space<vmem_shared>>) target(%dma_start3A_42 : memref<624x128xf32, #tpu.memory_space<hbm>>) target_semaphore(%run_scoped3A : memref<!tpu.dma_semaphore, #tpu.memory_space<semaphore_mem>>)
          %dma_wait3A = arith.constant 0 : i32
          %dma_wait3A_45 = tpu.memref_slice %arg7[%multiple_of3A, %dma_wait3A] : memref<10000x128xf32, #tpu.memory_space<hbm>> -> memref<624x128xf32, #tpu.memory_space<hbm>>
          %dma_wait3A_46 = arith.constant 0 : i32
          %dma_wait3A_47 = tpu.memref_slice %arg11[%multiple_of3A, %dma_wait3A_46] : memref<10016x128xf32, #tpu.memory_space<vmem_shared>> -> memref<624x128xf32, #tpu.memory_space<vmem_shared>>
          tpu.wait_dma2 semaphore(%run_scoped3A : memref<!tpu.dma_semaphore, #tpu.memory_space<semaphore_mem>>) src(%dma_wait3A_47 : memref<624x128xf32, #tpu.memory_space<vmem_shared>>) dst(%dma_wait3A_45 : memref<624x128xf32, #tpu.memory_space<hbm>>)
          tpu.yield
        }) : () -> ()
      } else {
      }
      %eq3A_37 = arith.constant 15 : i32
      %eq3A_38 = arith.cmpi eq, %arg1, %eq3A_37 : i32
      %convert_element_type3A_39 = arith.extui %eq3A_38 : i1 to i32
      %cond3A_40 = arith.constant 0 : i32
      %cond3A_41 = arith.cmpi ne, %convert_element_type3A_39, %cond3A_40 : i32
      scf.if %cond3A_41 {
        "tpu.region"() ({
          %run_scoped3A = tpu.sem_alloc : memref<!tpu.dma_semaphore, #tpu.memory_space<semaphore_mem>>
          %dma_start3A = arith.constant 9360 : i32
          %dma_start3A_42 = arith.constant 0 : i32
          %dma_start3A_43 = tpu.memref_slice %arg7[%dma_start3A, %dma_start3A_42] : memref<10000x128xf32, #tpu.memory_space<hbm>> -> memref<640x128xf32, #tpu.memory_space<hbm>>
          %dma_start3A_44 = arith.constant 9360 : i32
          %dma_start3A_45 = arith.constant 0 : i32
          %dma_start3A_46 = tpu.memref_slice %arg11[%dma_start3A_44, %dma_start3A_45] : memref<10016x128xf32, #tpu.memory_space<vmem_shared>> -> memref<640x128xf32, #tpu.memory_space<vmem_shared>>
          tpu.enqueue_dma source(%dma_start3A_46 : memref<640x128xf32, #tpu.memory_space<vmem_shared>>) target(%dma_start3A_43 : memref<640x128xf32, #tpu.memory_space<hbm>>) target_semaphore(%run_scoped3A : memref<!tpu.dma_semaphore, #tpu.memory_space<semaphore_mem>>)
          %dma_wait3A = arith.constant 9360 : i32
          %dma_wait3A_47 = arith.constant 0 : i32
          %dma_wait3A_48 = tpu.memref_slice %arg7[%dma_wait3A, %dma_wait3A_47] : memref<10000x128xf32, #tpu.memory_space<hbm>> -> memref<640x128xf32, #tpu.memory_space<hbm>>
          %dma_wait3A_49 = arith.constant 9360 : i32
          %dma_wait3A_50 = arith.constant 0 : i32
          %dma_wait3A_51 = tpu.memref_slice %arg11[%dma_wait3A_49, %dma_wait3A_50] : memref<10016x128xf32, #tpu.memory_space<vmem_shared>> -> memref<640x128xf32, #tpu.memory_space<vmem_shared>>
          tpu.wait_dma2 semaphore(%run_scoped3A : memref<!tpu.dma_semaphore, #tpu.memory_space<semaphore_mem>>) src(%dma_wait3A_51 : memref<640x128xf32, #tpu.memory_space<vmem_shared>>) dst(%dma_wait3A_48 : memref<640x128xf32, #tpu.memory_space<hbm>>)
          tpu.yield
        }) : () -> ()
      } else {
      }
    } else {
    }
    return
  }
}

#map = affine_map<(d0, d1) -> (0, 0)>
#map1 = affine_map<(d0, d1) -> (0, 0, 0)>
module attributes {stable_mosaic.version = 14 : i64} {
  func.func @_sc_agg_body(%arg0: i32, %arg1: i32, %arg2: memref<10000x128xf32, #tpu.memory_space<hbm>>, %arg3: memref<10016x128xf32, #tpu.memory_space<hbm>>, %arg4: memref<32x79x128xi32, #tpu.memory_space<hbm>>, %arg5: memref<32x79x128xi32, #tpu.memory_space<hbm>>, %arg6: memref<10000x128xf32, #tpu.memory_space<hbm>>, %arg7: memref<10000x128xf32, #tpu.memory_space<hbm>>, %arg8: memref<79x128xi32, #tpu.memory_space<vmem>>, %arg9: memref<79x128xi32, #tpu.memory_space<vmem>>, %arg10: memref<128x128xf32, #tpu.memory_space<vmem>>, %arg11: memref<10016x128xf32, #tpu.memory_space<vmem_shared>>, %arg12: memref<!tpu.dma_semaphore, #tpu.memory_space<semaphore_mem>>) attributes {dimension_semantics = [#tpu.dimension_semantics<core_parallel>, #tpu.dimension_semantics<subcore_parallel>], iteration_bounds = array<i64: 2, 16>, scalar_prefetch = 0 : i64, scratch_operands = 5 : i64, tpu.core_type = #tpu.core_type<sc_vector_subcore>, window_params = [{transform_indices = #map}, {transform_indices = #map}, {transform_indices = #map1}, {transform_indices = #map1}, {transform_indices = #map}, {transform_indices = #map}]} {
    %mul3A = arith.constant 16 : i32
    %mul3A_0 = arith.muli %arg0, %mul3A : i32
    %add3A = arith.addi %mul3A_0, %arg1 : i32
    %mul3A_1 = arith.constant 624 : i32
    %mul3A_2 = arith.muli %arg1, %mul3A_1 : i32
    %multiple_of3A = tpu.assume_multiple %mul3A_2, 8 : i32
    %eq3A = arith.constant 0 : i32
    %eq3A_3 = arith.cmpi eq, %arg0, %eq3A : i32
    %convert_element_type3A = arith.extui %eq3A_3 : i1 to i32
    %cond3A = arith.constant 0 : i32
    %cond3A_4 = arith.cmpi ne, %convert_element_type3A, %cond3A : i32
    scf.if %cond3A_4 {
      %lt3A = arith.constant 15 : i32
      %lt3A_33 = arith.cmpi slt, %arg1, %lt3A : i32
      %convert_element_type3A_34 = arith.extui %lt3A_33 : i1 to i32
      %cond3A_35 = arith.constant 0 : i32
      %cond3A_36 = arith.cmpi ne, %convert_element_type3A_34, %cond3A_35 : i32
      scf.if %cond3A_36 {
        "tpu.region"() ({
          %run_scoped3A = tpu.sem_alloc : memref<!tpu.dma_semaphore, #tpu.memory_space<semaphore_mem>>
          %dma_start3A = arith.constant 0 : i32
          %dma_start3A_42 = tpu.memref_slice %arg11[%multiple_of3A, %dma_start3A] : memref<10016x128xf32, #tpu.memory_space<vmem_shared>> -> memref<624x128xf32, #tpu.memory_space<vmem_shared>>
          %dma_start3A_43 = arith.constant 0 : i32
          %dma_start3A_44 = tpu.memref_slice %arg2[%multiple_of3A, %dma_start3A_43] : memref<10000x128xf32, #tpu.memory_space<hbm>> -> memref<624x128xf32, #tpu.memory_space<hbm>>
          tpu.enqueue_dma source(%dma_start3A_44 : memref<624x128xf32, #tpu.memory_space<hbm>>) target(%dma_start3A_42 : memref<624x128xf32, #tpu.memory_space<vmem_shared>>) target_semaphore(%run_scoped3A : memref<!tpu.dma_semaphore, #tpu.memory_space<semaphore_mem>>)
          %dma_wait3A = arith.constant 0 : i32
          %dma_wait3A_45 = tpu.memref_slice %arg11[%multiple_of3A, %dma_wait3A] : memref<10016x128xf32, #tpu.memory_space<vmem_shared>> -> memref<624x128xf32, #tpu.memory_space<vmem_shared>>
          %dma_wait3A_46 = arith.constant 0 : i32
          %dma_wait3A_47 = tpu.memref_slice %arg2[%multiple_of3A, %dma_wait3A_46] : memref<10000x128xf32, #tpu.memory_space<hbm>> -> memref<624x128xf32, #tpu.memory_space<hbm>>
          tpu.wait_dma2 semaphore(%run_scoped3A : memref<!tpu.dma_semaphore, #tpu.memory_space<semaphore_mem>>) src(%dma_wait3A_47 : memref<624x128xf32, #tpu.memory_space<hbm>>) dst(%dma_wait3A_45 : memref<624x128xf32, #tpu.memory_space<vmem_shared>>)
          tpu.yield
        }) : () -> ()
      } else {
      }
      %eq3A_37 = arith.constant 15 : i32
      %eq3A_38 = arith.cmpi eq, %arg1, %eq3A_37 : i32
      %convert_element_type3A_39 = arith.extui %eq3A_38 : i1 to i32
      %cond3A_40 = arith.constant 0 : i32
      %cond3A_41 = arith.cmpi ne, %convert_element_type3A_39, %cond3A_40 : i32
      scf.if %cond3A_41 {
        "tpu.region"() ({
          %run_scoped3A = tpu.sem_alloc : memref<!tpu.dma_semaphore, #tpu.memory_space<semaphore_mem>>
          %dma_start3A = arith.constant 9360 : i32
          %dma_start3A_42 = arith.constant 0 : i32
          %dma_start3A_43 = tpu.memref_slice %arg11[%dma_start3A, %dma_start3A_42] : memref<10016x128xf32, #tpu.memory_space<vmem_shared>> -> memref<640x128xf32, #tpu.memory_space<vmem_shared>>
          %dma_start3A_44 = arith.constant 9360 : i32
          %dma_start3A_45 = arith.constant 0 : i32
          %dma_start3A_46 = tpu.memref_slice %arg2[%dma_start3A_44, %dma_start3A_45] : memref<10000x128xf32, #tpu.memory_space<hbm>> -> memref<640x128xf32, #tpu.memory_space<hbm>>
          tpu.enqueue_dma source(%dma_start3A_46 : memref<640x128xf32, #tpu.memory_space<hbm>>) target(%dma_start3A_43 : memref<640x128xf32, #tpu.memory_space<vmem_shared>>) target_semaphore(%run_scoped3A : memref<!tpu.dma_semaphore, #tpu.memory_space<semaphore_mem>>)
          %dma_wait3A = arith.constant 9360 : i32
          %dma_wait3A_47 = arith.constant 0 : i32
          %dma_wait3A_48 = tpu.memref_slice %arg11[%dma_wait3A, %dma_wait3A_47] : memref<10016x128xf32, #tpu.memory_space<vmem_shared>> -> memref<640x128xf32, #tpu.memory_space<vmem_shared>>
          %dma_wait3A_49 = arith.constant 9360 : i32
          %dma_wait3A_50 = arith.constant 0 : i32
          %dma_wait3A_51 = tpu.memref_slice %arg2[%dma_wait3A_49, %dma_wait3A_50] : memref<10000x128xf32, #tpu.memory_space<hbm>> -> memref<640x128xf32, #tpu.memory_space<hbm>>
          tpu.wait_dma2 semaphore(%run_scoped3A : memref<!tpu.dma_semaphore, #tpu.memory_space<semaphore_mem>>) src(%dma_wait3A_51 : memref<640x128xf32, #tpu.memory_space<hbm>>) dst(%dma_wait3A_48 : memref<640x128xf32, #tpu.memory_space<vmem_shared>>)
          tpu.yield
        }) : () -> ()
      } else {
      }
    } else {
    }
    %eq3A_5 = arith.constant 1 : i32
    %eq3A_6 = arith.cmpi eq, %arg0, %eq3A_5 : i32
    %convert_element_type3A_7 = arith.extui %eq3A_6 : i1 to i32
    %cond3A_8 = arith.constant 0 : i32
    %cond3A_9 = arith.cmpi ne, %convert_element_type3A_7, %cond3A_8 : i32
    scf.if %cond3A_9 {
      %lt3A = arith.constant 15 : i32
      %lt3A_33 = arith.cmpi slt, %arg1, %lt3A : i32
      %convert_element_type3A_34 = arith.extui %lt3A_33 : i1 to i32
      %cond3A_35 = arith.constant 0 : i32
      %cond3A_36 = arith.cmpi ne, %convert_element_type3A_34, %cond3A_35 : i32
      scf.if %cond3A_36 {
        "tpu.region"() ({
          %run_scoped3A = tpu.sem_alloc : memref<!tpu.dma_semaphore, #tpu.memory_space<semaphore_mem>>
          %dma_start3A = arith.constant 0 : i32
          %dma_start3A_42 = tpu.memref_slice %arg11[%multiple_of3A, %dma_start3A] : memref<10016x128xf32, #tpu.memory_space<vmem_shared>> -> memref<624x128xf32, #tpu.memory_space<vmem_shared>>
          %dma_start3A_43 = arith.constant 0 : i32
          %dma_start3A_44 = tpu.memref_slice %arg3[%multiple_of3A, %dma_start3A_43] : memref<10016x128xf32, #tpu.memory_space<hbm>> -> memref<624x128xf32, #tpu.memory_space<hbm>>
          tpu.enqueue_dma source(%dma_start3A_44 : memref<624x128xf32, #tpu.memory_space<hbm>>) target(%dma_start3A_42 : memref<624x128xf32, #tpu.memory_space<vmem_shared>>) target_semaphore(%run_scoped3A : memref<!tpu.dma_semaphore, #tpu.memory_space<semaphore_mem>>)
          %dma_wait3A = arith.constant 0 : i32
          %dma_wait3A_45 = tpu.memref_slice %arg11[%multiple_of3A, %dma_wait3A] : memref<10016x128xf32, #tpu.memory_space<vmem_shared>> -> memref<624x128xf32, #tpu.memory_space<vmem_shared>>
          %dma_wait3A_46 = arith.constant 0 : i32
          %dma_wait3A_47 = tpu.memref_slice %arg3[%multiple_of3A, %dma_wait3A_46] : memref<10016x128xf32, #tpu.memory_space<hbm>> -> memref<624x128xf32, #tpu.memory_space<hbm>>
          tpu.wait_dma2 semaphore(%run_scoped3A : memref<!tpu.dma_semaphore, #tpu.memory_space<semaphore_mem>>) src(%dma_wait3A_47 : memref<624x128xf32, #tpu.memory_space<hbm>>) dst(%dma_wait3A_45 : memref<624x128xf32, #tpu.memory_space<vmem_shared>>)
          tpu.yield
        }) : () -> ()
      } else {
      }
      %eq3A_37 = arith.constant 15 : i32
      %eq3A_38 = arith.cmpi eq, %arg1, %eq3A_37 : i32
      %convert_element_type3A_39 = arith.extui %eq3A_38 : i1 to i32
      %cond3A_40 = arith.constant 0 : i32
      %cond3A_41 = arith.cmpi ne, %convert_element_type3A_39, %cond3A_40 : i32
      scf.if %cond3A_41 {
        "tpu.region"() ({
          %run_scoped3A = tpu.sem_alloc : memref<!tpu.dma_semaphore, #tpu.memory_space<semaphore_mem>>
          %dma_start3A = arith.constant 9360 : i32
          %dma_start3A_42 = arith.constant 0 : i32
          %dma_start3A_43 = tpu.memref_slice %arg11[%dma_start3A, %dma_start3A_42] : memref<10016x128xf32, #tpu.memory_space<vmem_shared>> -> memref<640x128xf32, #tpu.memory_space<vmem_shared>>
          %dma_start3A_44 = arith.constant 9360 : i32
          %dma_start3A_45 = arith.constant 0 : i32
          %dma_start3A_46 = tpu.memref_slice %arg3[%dma_start3A_44, %dma_start3A_45] : memref<10016x128xf32, #tpu.memory_space<hbm>> -> memref<640x128xf32, #tpu.memory_space<hbm>>
          tpu.enqueue_dma source(%dma_start3A_46 : memref<640x128xf32, #tpu.memory_space<hbm>>) target(%dma_start3A_43 : memref<640x128xf32, #tpu.memory_space<vmem_shared>>) target_semaphore(%run_scoped3A : memref<!tpu.dma_semaphore, #tpu.memory_space<semaphore_mem>>)
          %dma_wait3A = arith.constant 9360 : i32
          %dma_wait3A_47 = arith.constant 0 : i32
          %dma_wait3A_48 = tpu.memref_slice %arg11[%dma_wait3A, %dma_wait3A_47] : memref<10016x128xf32, #tpu.memory_space<vmem_shared>> -> memref<640x128xf32, #tpu.memory_space<vmem_shared>>
          %dma_wait3A_49 = arith.constant 9360 : i32
          %dma_wait3A_50 = arith.constant 0 : i32
          %dma_wait3A_51 = tpu.memref_slice %arg3[%dma_wait3A_49, %dma_wait3A_50] : memref<10016x128xf32, #tpu.memory_space<hbm>> -> memref<640x128xf32, #tpu.memory_space<hbm>>
          tpu.wait_dma2 semaphore(%run_scoped3A : memref<!tpu.dma_semaphore, #tpu.memory_space<semaphore_mem>>) src(%dma_wait3A_51 : memref<640x128xf32, #tpu.memory_space<hbm>>) dst(%dma_wait3A_48 : memref<640x128xf32, #tpu.memory_space<vmem_shared>>)
          tpu.yield
        }) : () -> ()
      } else {
      }
    } else {
    }
    %eq3A_10 = arith.constant 0 : i32
    %eq3A_11 = arith.cmpi eq, %arg0, %eq3A_10 : i32
    %eq3A_12 = arith.constant 0 : i32
    %eq3A_13 = arith.cmpi eq, %arg1, %eq3A_12 : i32
    %and3A = arith.andi %eq3A_11, %eq3A_13 : i1
    %convert_element_type3A_14 = arith.extui %and3A : i1 to i32
    %cond3A_15 = arith.constant 0 : i32
    %cond3A_16 = arith.cmpi ne, %convert_element_type3A_14, %cond3A_15 : i32
    scf.if %cond3A_16 {
      "tpu.region"() ({
        %run_scoped3A = tpu.sem_alloc : memref<!tpu.dma_semaphore, #tpu.memory_space<semaphore_mem>>
        %dma_start3A = arith.constant 10000 : i32
        %dma_start3A_33 = arith.constant 0 : i32
        %dma_start3A_34 = tpu.memref_slice %arg11[%dma_start3A, %dma_start3A_33] : memref<10016x128xf32, #tpu.memory_space<vmem_shared>> -> memref<16x128xf32, #tpu.memory_space<vmem_shared>>
        %dma_start3A_35 = arith.constant 10000 : i32
        %dma_start3A_36 = arith.constant 0 : i32
        %dma_start3A_37 = tpu.memref_slice %arg3[%dma_start3A_35, %dma_start3A_36] : memref<10016x128xf32, #tpu.memory_space<hbm>> -> memref<16x128xf32, #tpu.memory_space<hbm>>
        tpu.enqueue_dma source(%dma_start3A_37 : memref<16x128xf32, #tpu.memory_space<hbm>>) target(%dma_start3A_34 : memref<16x128xf32, #tpu.memory_space<vmem_shared>>) target_semaphore(%run_scoped3A : memref<!tpu.dma_semaphore, #tpu.memory_space<semaphore_mem>>)
        %dma_wait3A = arith.constant 10000 : i32
        %dma_wait3A_38 = arith.constant 0 : i32
        %dma_wait3A_39 = tpu.memref_slice %arg11[%dma_wait3A, %dma_wait3A_38] : memref<10016x128xf32, #tpu.memory_space<vmem_shared>> -> memref<16x128xf32, #tpu.memory_space<vmem_shared>>
        %dma_wait3A_40 = arith.constant 10000 : i32
        %dma_wait3A_41 = arith.constant 0 : i32
        %dma_wait3A_42 = tpu.memref_slice %arg3[%dma_wait3A_40, %dma_wait3A_41] : memref<10016x128xf32, #tpu.memory_space<hbm>> -> memref<16x128xf32, #tpu.memory_space<hbm>>
        tpu.wait_dma2 semaphore(%run_scoped3A : memref<!tpu.dma_semaphore, #tpu.memory_space<semaphore_mem>>) src(%dma_wait3A_42 : memref<16x128xf32, #tpu.memory_space<hbm>>) dst(%dma_wait3A_39 : memref<16x128xf32, #tpu.memory_space<vmem_shared>>)
        tpu.yield
      }) : () -> ()
    } else {
    }
    "tpu.region"() ({
      %run_scoped3A = tpu.sem_alloc : memref<!tpu.dma_semaphore, #tpu.memory_space<semaphore_mem>>
      %dma_start3A = arith.constant 0 : i32
      %dma_start3A_33 = arith.constant 0 : i32
      %dma_start3A_34 = tpu.memref_slice %arg4[%add3A, %dma_start3A, %dma_start3A_33] : memref<32x79x128xi32, #tpu.memory_space<hbm>> -> memref<1x79x128xi32, #tpu.memory_space<hbm>>
      %dma_start3A_35 = tpu.memref_squeeze %dma_start3A_34 : memref<1x79x128xi32, #tpu.memory_space<hbm>> -> memref<79x128xi32, #tpu.memory_space<hbm>>
      %dma_start3A_36 = arith.constant 0 : i32
      %dma_start3A_37 = arith.constant 0 : i32
      %dma_start3A_38 = tpu.memref_slice %arg4[%add3A, %dma_start3A_36, %dma_start3A_37] : memref<32x79x128xi32, #tpu.memory_space<hbm>> -> memref<1x79x128xi32, #tpu.memory_space<hbm>>
      %dma_start3A_39 = tpu.memref_squeeze %dma_start3A_38 : memref<1x79x128xi32, #tpu.memory_space<hbm>> -> memref<79x128xi32, #tpu.memory_space<hbm>>
      tpu.enqueue_dma source(%dma_start3A_39 : memref<79x128xi32, #tpu.memory_space<hbm>>) target(%arg8 : memref<79x128xi32, #tpu.memory_space<vmem>>) target_semaphore(%run_scoped3A : memref<!tpu.dma_semaphore, #tpu.memory_space<semaphore_mem>>)
      %dma_wait3A = arith.constant 0 : i32
      %dma_wait3A_40 = arith.constant 0 : i32
      %dma_wait3A_41 = tpu.memref_slice %arg4[%add3A, %dma_wait3A, %dma_wait3A_40] : memref<32x79x128xi32, #tpu.memory_space<hbm>> -> memref<1x79x128xi32, #tpu.memory_space<hbm>>
      %dma_wait3A_42 = tpu.memref_squeeze %dma_wait3A_41 : memref<1x79x128xi32, #tpu.memory_space<hbm>> -> memref<79x128xi32, #tpu.memory_space<hbm>>
      %dma_wait3A_43 = arith.constant 0 : i32
      %dma_wait3A_44 = arith.constant 0 : i32
      %dma_wait3A_45 = tpu.memref_slice %arg4[%add3A, %dma_wait3A_43, %dma_wait3A_44] : memref<32x79x128xi32, #tpu.memory_space<hbm>> -> memref<1x79x128xi32, #tpu.memory_space<hbm>>
      %dma_wait3A_46 = tpu.memref_squeeze %dma_wait3A_45 : memref<1x79x128xi32, #tpu.memory_space<hbm>> -> memref<79x128xi32, #tpu.memory_space<hbm>>
      tpu.wait_dma2 semaphore(%run_scoped3A : memref<!tpu.dma_semaphore, #tpu.memory_space<semaphore_mem>>) src(%dma_wait3A_46 : memref<79x128xi32, #tpu.memory_space<hbm>>) dst(%arg8 : memref<79x128xi32, #tpu.memory_space<vmem>>)
      tpu.yield
    }) : () -> ()
    "tpu.region"() ({
      %run_scoped3A = tpu.sem_alloc : memref<!tpu.dma_semaphore, #tpu.memory_space<semaphore_mem>>
      %dma_start3A = arith.constant 0 : i32
      %dma_start3A_33 = arith.constant 0 : i32
      %dma_start3A_34 = tpu.memref_slice %arg5[%add3A, %dma_start3A, %dma_start3A_33] : memref<32x79x128xi32, #tpu.memory_space<hbm>> -> memref<1x79x128xi32, #tpu.memory_space<hbm>>
      %dma_start3A_35 = tpu.memref_squeeze %dma_start3A_34 : memref<1x79x128xi32, #tpu.memory_space<hbm>> -> memref<79x128xi32, #tpu.memory_space<hbm>>
      %dma_start3A_36 = arith.constant 0 : i32
      %dma_start3A_37 = arith.constant 0 : i32
      %dma_start3A_38 = tpu.memref_slice %arg5[%add3A, %dma_start3A_36, %dma_start3A_37] : memref<32x79x128xi32, #tpu.memory_space<hbm>> -> memref<1x79x128xi32, #tpu.memory_space<hbm>>
      %dma_start3A_39 = tpu.memref_squeeze %dma_start3A_38 : memref<1x79x128xi32, #tpu.memory_space<hbm>> -> memref<79x128xi32, #tpu.memory_space<hbm>>
      tpu.enqueue_dma source(%dma_start3A_39 : memref<79x128xi32, #tpu.memory_space<hbm>>) target(%arg9 : memref<79x128xi32, #tpu.memory_space<vmem>>) target_semaphore(%run_scoped3A : memref<!tpu.dma_semaphore, #tpu.memory_space<semaphore_mem>>)
      %dma_wait3A = arith.constant 0 : i32
      %dma_wait3A_40 = arith.constant 0 : i32
      %dma_wait3A_41 = tpu.memref_slice %arg5[%add3A, %dma_wait3A, %dma_wait3A_40] : memref<32x79x128xi32, #tpu.memory_space<hbm>> -> memref<1x79x128xi32, #tpu.memory_space<hbm>>
      %dma_wait3A_42 = tpu.memref_squeeze %dma_wait3A_41 : memref<1x79x128xi32, #tpu.memory_space<hbm>> -> memref<79x128xi32, #tpu.memory_space<hbm>>
      %dma_wait3A_43 = arith.constant 0 : i32
      %dma_wait3A_44 = arith.constant 0 : i32
      %dma_wait3A_45 = tpu.memref_slice %arg5[%add3A, %dma_wait3A_43, %dma_wait3A_44] : memref<32x79x128xi32, #tpu.memory_space<hbm>> -> memref<1x79x128xi32, #tpu.memory_space<hbm>>
      %dma_wait3A_46 = tpu.memref_squeeze %dma_wait3A_45 : memref<1x79x128xi32, #tpu.memory_space<hbm>> -> memref<79x128xi32, #tpu.memory_space<hbm>>
      tpu.wait_dma2 semaphore(%run_scoped3A : memref<!tpu.dma_semaphore, #tpu.memory_space<semaphore_mem>>) src(%dma_wait3A_46 : memref<79x128xi32, #tpu.memory_space<hbm>>) dst(%arg9 : memref<79x128xi32, #tpu.memory_space<vmem>>)
      tpu.yield
    }) : () -> ()
    %barrier3A = arith.constant 0 : index
    tpu.barrier barrier_id(%barrier3A)
    %scan3A = arith.constant 0 : i32
    %scan3A_17 = arith.constant 0 : i32
    %scan3A_18 = arith.constant 79 : i32
    %scan3A_19 = arith.addi %scan3A_17, %scan3A_18 : i32
    %scan3A_20 = arith.constant 1 : i32
    scf.for %scan3A_33 = %scan3A_17 to %scan3A_19 step %scan3A_20  : i32 {
      %dma_start3A = arith.constant 0 : i32
      %dma_start3A_34 = tpu.memref_slice %arg8[%scan3A_33, %dma_start3A] : memref<79x128xi32, #tpu.memory_space<vmem>> -> memref<1x128xi32, #tpu.memory_space<vmem>>
      %dma_start3A_35 = tpu.memref_squeeze %dma_start3A_34 : memref<1x128xi32, #tpu.memory_space<vmem>> -> memref<128xi32, #tpu.memory_space<vmem>>
      %dma_start3A_36 = arith.constant 0 : i32
      %dma_start3A_37 = arith.constant 0 : i32
      %dma_start3A_38 = tpu.memref_slice %arg2[%dma_start3A_36, %dma_start3A_37] : memref<10000x128xf32, #tpu.memory_space<hbm>> -> memref<10000x128xf32, #tpu.memory_space<hbm>>
      tpu.enqueue_indirect_dma source(%dma_start3A_38 : memref<10000x128xf32, #tpu.memory_space<hbm>>) target(%arg10 : memref<128x128xf32, #tpu.memory_space<vmem>>) offsets(%dma_start3A_35 : memref<128xi32, #tpu.memory_space<vmem>>) semaphore(%arg12 : memref<!tpu.dma_semaphore, #tpu.memory_space<semaphore_mem>>)
      %dma_wait3A = arith.constant 0 : i32
      %dma_wait3A_39 = tpu.memref_slice %arg8[%scan3A_33, %dma_wait3A] : memref<79x128xi32, #tpu.memory_space<vmem>> -> memref<1x128xi32, #tpu.memory_space<vmem>>
      %dma_wait3A_40 = tpu.memref_squeeze %dma_wait3A_39 : memref<1x128xi32, #tpu.memory_space<vmem>> -> memref<128xi32, #tpu.memory_space<vmem>>
      %dma_wait3A_41 = arith.constant 0 : i32
      %dma_wait3A_42 = arith.constant 0 : i32
      %dma_wait3A_43 = tpu.memref_slice %arg2[%dma_wait3A_41, %dma_wait3A_42] : memref<10000x128xf32, #tpu.memory_space<hbm>> -> memref<10000x128xf32, #tpu.memory_space<hbm>>
      tpu.wait_indirect_dma semaphore(%arg12 : memref<!tpu.dma_semaphore, #tpu.memory_space<semaphore_mem>>) src(%dma_wait3A_43 : memref<10000x128xf32, #tpu.memory_space<hbm>>) dst(%arg10 : memref<128x128xf32, #tpu.memory_space<vmem>>)
      "tpu.region"() ({
        %run_scoped3A = tpu.sem_alloc : memref<!tpu.dma_semaphore, #tpu.memory_space<semaphore_mem>>
        %dma_start3A_44 = arith.constant 0 : i32
        %dma_start3A_45 = tpu.memref_slice %arg9[%scan3A_33, %dma_start3A_44] : memref<79x128xi32, #tpu.memory_space<vmem>> -> memref<1x128xi32, #tpu.memory_space<vmem>>
        %dma_start3A_46 = tpu.memref_squeeze %dma_start3A_45 : memref<1x128xi32, #tpu.memory_space<vmem>> -> memref<128xi32, #tpu.memory_space<vmem>>
        %dma_start3A_47 = arith.constant 0 : i32
        %dma_start3A_48 = arith.constant 0 : i32
        %dma_start3A_49 = tpu.memref_slice %arg11[%dma_start3A_47, %dma_start3A_48] : memref<10016x128xf32, #tpu.memory_space<vmem_shared>> -> memref<10016x128xf32, #tpu.memory_space<vmem_shared>>
        tpu.enqueue_indirect_dma source(%arg10 : memref<128x128xf32, #tpu.memory_space<vmem>>) target(%dma_start3A_49 : memref<10016x128xf32, #tpu.memory_space<vmem_shared>>) offsets(%dma_start3A_46 : memref<128xi32, #tpu.memory_space<vmem>>) semaphore(%run_scoped3A : memref<!tpu.dma_semaphore, #tpu.memory_space<semaphore_mem>>) {add = true}
        %dma_wait3A_50 = arith.constant 0 : i32
        %dma_wait3A_51 = tpu.memref_slice %arg9[%scan3A_33, %dma_wait3A_50] : memref<79x128xi32, #tpu.memory_space<vmem>> -> memref<1x128xi32, #tpu.memory_space<vmem>>
        %dma_wait3A_52 = tpu.memref_squeeze %dma_wait3A_51 : memref<1x128xi32, #tpu.memory_space<vmem>> -> memref<128xi32, #tpu.memory_space<vmem>>
        %dma_wait3A_53 = arith.constant 0 : i32
        %dma_wait3A_54 = arith.constant 0 : i32
        %dma_wait3A_55 = tpu.memref_slice %arg11[%dma_wait3A_53, %dma_wait3A_54] : memref<10016x128xf32, #tpu.memory_space<vmem_shared>> -> memref<10016x128xf32, #tpu.memory_space<vmem_shared>>
        tpu.wait_indirect_dma semaphore(%run_scoped3A : memref<!tpu.dma_semaphore, #tpu.memory_space<semaphore_mem>>) src(%arg10 : memref<128x128xf32, #tpu.memory_space<vmem>>) dst(%dma_wait3A_55 : memref<10016x128xf32, #tpu.memory_space<vmem_shared>>)
        tpu.yield
      }) : () -> ()
    }
    %scan3A_21 = arith.constant 79 : i32
    %barrier3A_22 = arith.constant 0 : index
    tpu.barrier barrier_id(%barrier3A_22)
    %eq3A_23 = arith.constant 0 : i32
    %eq3A_24 = arith.cmpi eq, %arg0, %eq3A_23 : i32
    %convert_element_type3A_25 = arith.extui %eq3A_24 : i1 to i32
    %cond3A_26 = arith.constant 0 : i32
    %cond3A_27 = arith.cmpi ne, %convert_element_type3A_25, %cond3A_26 : i32
    scf.if %cond3A_27 {
      %lt3A = arith.constant 15 : i32
      %lt3A_33 = arith.cmpi slt, %arg1, %lt3A : i32
      %convert_element_type3A_34 = arith.extui %lt3A_33 : i1 to i32
      %cond3A_35 = arith.constant 0 : i32
      %cond3A_36 = arith.cmpi ne, %convert_element_type3A_34, %cond3A_35 : i32
      scf.if %cond3A_36 {
        "tpu.region"() ({
          %run_scoped3A = tpu.sem_alloc : memref<!tpu.dma_semaphore, #tpu.memory_space<semaphore_mem>>
          %dma_start3A = arith.constant 0 : i32
          %dma_start3A_42 = tpu.memref_slice %arg6[%multiple_of3A, %dma_start3A] : memref<10000x128xf32, #tpu.memory_space<hbm>> -> memref<624x128xf32, #tpu.memory_space<hbm>>
          %dma_start3A_43 = arith.constant 0 : i32
          %dma_start3A_44 = tpu.memref_slice %arg11[%multiple_of3A, %dma_start3A_43] : memref<10016x128xf32, #tpu.memory_space<vmem_shared>> -> memref<624x128xf32, #tpu.memory_space<vmem_shared>>
          tpu.enqueue_dma source(%dma_start3A_44 : memref<624x128xf32, #tpu.memory_space<vmem_shared>>) target(%dma_start3A_42 : memref<624x128xf32, #tpu.memory_space<hbm>>) target_semaphore(%run_scoped3A : memref<!tpu.dma_semaphore, #tpu.memory_space<semaphore_mem>>)
          %dma_wait3A = arith.constant 0 : i32
          %dma_wait3A_45 = tpu.memref_slice %arg6[%multiple_of3A, %dma_wait3A] : memref<10000x128xf32, #tpu.memory_space<hbm>> -> memref<624x128xf32, #tpu.memory_space<hbm>>
          %dma_wait3A_46 = arith.constant 0 : i32
          %dma_wait3A_47 = tpu.memref_slice %arg11[%multiple_of3A, %dma_wait3A_46] : memref<10016x128xf32, #tpu.memory_space<vmem_shared>> -> memref<624x128xf32, #tpu.memory_space<vmem_shared>>
          tpu.wait_dma2 semaphore(%run_scoped3A : memref<!tpu.dma_semaphore, #tpu.memory_space<semaphore_mem>>) src(%dma_wait3A_47 : memref<624x128xf32, #tpu.memory_space<vmem_shared>>) dst(%dma_wait3A_45 : memref<624x128xf32, #tpu.memory_space<hbm>>)
          tpu.yield
        }) : () -> ()
      } else {
      }
      %eq3A_37 = arith.constant 15 : i32
      %eq3A_38 = arith.cmpi eq, %arg1, %eq3A_37 : i32
      %convert_element_type3A_39 = arith.extui %eq3A_38 : i1 to i32
      %cond3A_40 = arith.constant 0 : i32
      %cond3A_41 = arith.cmpi ne, %convert_element_type3A_39, %cond3A_40 : i32
      scf.if %cond3A_41 {
        "tpu.region"() ({
          %run_scoped3A = tpu.sem_alloc : memref<!tpu.dma_semaphore, #tpu.memory_space<semaphore_mem>>
          %dma_start3A = arith.constant 9360 : i32
          %dma_start3A_42 = arith.constant 0 : i32
          %dma_start3A_43 = tpu.memref_slice %arg6[%dma_start3A, %dma_start3A_42] : memref<10000x128xf32, #tpu.memory_space<hbm>> -> memref<640x128xf32, #tpu.memory_space<hbm>>
          %dma_start3A_44 = arith.constant 9360 : i32
          %dma_start3A_45 = arith.constant 0 : i32
          %dma_start3A_46 = tpu.memref_slice %arg11[%dma_start3A_44, %dma_start3A_45] : memref<10016x128xf32, #tpu.memory_space<vmem_shared>> -> memref<640x128xf32, #tpu.memory_space<vmem_shared>>
          tpu.enqueue_dma source(%dma_start3A_46 : memref<640x128xf32, #tpu.memory_space<vmem_shared>>) target(%dma_start3A_43 : memref<640x128xf32, #tpu.memory_space<hbm>>) target_semaphore(%run_scoped3A : memref<!tpu.dma_semaphore, #tpu.memory_space<semaphore_mem>>)
          %dma_wait3A = arith.constant 9360 : i32
          %dma_wait3A_47 = arith.constant 0 : i32
          %dma_wait3A_48 = tpu.memref_slice %arg6[%dma_wait3A, %dma_wait3A_47] : memref<10000x128xf32, #tpu.memory_space<hbm>> -> memref<640x128xf32, #tpu.memory_space<hbm>>
          %dma_wait3A_49 = arith.constant 9360 : i32
          %dma_wait3A_50 = arith.constant 0 : i32
          %dma_wait3A_51 = tpu.memref_slice %arg11[%dma_wait3A_49, %dma_wait3A_50] : memref<10016x128xf32, #tpu.memory_space<vmem_shared>> -> memref<640x128xf32, #tpu.memory_space<vmem_shared>>
          tpu.wait_dma2 semaphore(%run_scoped3A : memref<!tpu.dma_semaphore, #tpu.memory_space<semaphore_mem>>) src(%dma_wait3A_51 : memref<640x128xf32, #tpu.memory_space<vmem_shared>>) dst(%dma_wait3A_48 : memref<640x128xf32, #tpu.memory_space<hbm>>)
          tpu.yield
        }) : () -> ()
      } else {
      }
    } else {
    }
    %eq3A_28 = arith.constant 1 : i32
    %eq3A_29 = arith.cmpi eq, %arg0, %eq3A_28 : i32
    %convert_element_type3A_30 = arith.extui %eq3A_29 : i1 to i32
    %cond3A_31 = arith.constant 0 : i32
    %cond3A_32 = arith.cmpi ne, %convert_element_type3A_30, %cond3A_31 : i32
    scf.if %cond3A_32 {
      %lt3A = arith.constant 15 : i32
      %lt3A_33 = arith.cmpi slt, %arg1, %lt3A : i32
      %convert_element_type3A_34 = arith.extui %lt3A_33 : i1 to i32
      %cond3A_35 = arith.constant 0 : i32
      %cond3A_36 = arith.cmpi ne, %convert_element_type3A_34, %cond3A_35 : i32
      scf.if %cond3A_36 {
        "tpu.region"() ({
          %run_scoped3A = tpu.sem_alloc : memref<!tpu.dma_semaphore, #tpu.memory_space<semaphore_mem>>
          %dma_start3A = arith.constant 0 : i32
          %dma_start3A_42 = tpu.memref_slice %arg7[%multiple_of3A, %dma_start3A] : memref<10000x128xf32, #tpu.memory_space<hbm>> -> memref<624x128xf32, #tpu.memory_space<hbm>>
          %dma_start3A_43 = arith.constant 0 : i32
          %dma_start3A_44 = tpu.memref_slice %arg11[%multiple_of3A, %dma_start3A_43] : memref<10016x128xf32, #tpu.memory_space<vmem_shared>> -> memref<624x128xf32, #tpu.memory_space<vmem_shared>>
          tpu.enqueue_dma source(%dma_start3A_44 : memref<624x128xf32, #tpu.memory_space<vmem_shared>>) target(%dma_start3A_42 : memref<624x128xf32, #tpu.memory_space<hbm>>) target_semaphore(%run_scoped3A : memref<!tpu.dma_semaphore, #tpu.memory_space<semaphore_mem>>)
          %dma_wait3A = arith.constant 0 : i32
          %dma_wait3A_45 = tpu.memref_slice %arg7[%multiple_of3A, %dma_wait3A] : memref<10000x128xf32, #tpu.memory_space<hbm>> -> memref<624x128xf32, #tpu.memory_space<hbm>>
          %dma_wait3A_46 = arith.constant 0 : i32
          %dma_wait3A_47 = tpu.memref_slice %arg11[%multiple_of3A, %dma_wait3A_46] : memref<10016x128xf32, #tpu.memory_space<vmem_shared>> -> memref<624x128xf32, #tpu.memory_space<vmem_shared>>
          tpu.wait_dma2 semaphore(%run_scoped3A : memref<!tpu.dma_semaphore, #tpu.memory_space<semaphore_mem>>) src(%dma_wait3A_47 : memref<624x128xf32, #tpu.memory_space<vmem_shared>>) dst(%dma_wait3A_45 : memref<624x128xf32, #tpu.memory_space<hbm>>)
          tpu.yield
        }) : () -> ()
      } else {
      }
      %eq3A_37 = arith.constant 15 : i32
      %eq3A_38 = arith.cmpi eq, %arg1, %eq3A_37 : i32
      %convert_element_type3A_39 = arith.extui %eq3A_38 : i1 to i32
      %cond3A_40 = arith.constant 0 : i32
      %cond3A_41 = arith.cmpi ne, %convert_element_type3A_39, %cond3A_40 : i32
      scf.if %cond3A_41 {
        "tpu.region"() ({
          %run_scoped3A = tpu.sem_alloc : memref<!tpu.dma_semaphore, #tpu.memory_space<semaphore_mem>>
          %dma_start3A = arith.constant 9360 : i32
          %dma_start3A_42 = arith.constant 0 : i32
          %dma_start3A_43 = tpu.memref_slice %arg7[%dma_start3A, %dma_start3A_42] : memref<10000x128xf32, #tpu.memory_space<hbm>> -> memref<640x128xf32, #tpu.memory_space<hbm>>
          %dma_start3A_44 = arith.constant 9360 : i32
          %dma_start3A_45 = arith.constant 0 : i32
          %dma_start3A_46 = tpu.memref_slice %arg11[%dma_start3A_44, %dma_start3A_45] : memref<10016x128xf32, #tpu.memory_space<vmem_shared>> -> memref<640x128xf32, #tpu.memory_space<vmem_shared>>
          tpu.enqueue_dma source(%dma_start3A_46 : memref<640x128xf32, #tpu.memory_space<vmem_shared>>) target(%dma_start3A_43 : memref<640x128xf32, #tpu.memory_space<hbm>>) target_semaphore(%run_scoped3A : memref<!tpu.dma_semaphore, #tpu.memory_space<semaphore_mem>>)
          %dma_wait3A = arith.constant 9360 : i32
          %dma_wait3A_47 = arith.constant 0 : i32
          %dma_wait3A_48 = tpu.memref_slice %arg7[%dma_wait3A, %dma_wait3A_47] : memref<10000x128xf32, #tpu.memory_space<hbm>> -> memref<640x128xf32, #tpu.memory_space<hbm>>
          %dma_wait3A_49 = arith.constant 9360 : i32
          %dma_wait3A_50 = arith.constant 0 : i32
          %dma_wait3A_51 = tpu.memref_slice %arg11[%dma_wait3A_49, %dma_wait3A_50] : memref<10016x128xf32, #tpu.memory_space<vmem_shared>> -> memref<640x128xf32, #tpu.memory_space<vmem_shared>>
          tpu.wait_dma2 semaphore(%run_scoped3A : memref<!tpu.dma_semaphore, #tpu.memory_space<semaphore_mem>>) src(%dma_wait3A_51 : memref<640x128xf32, #tpu.memory_space<vmem_shared>>) dst(%dma_wait3A_48 : memref<640x128xf32, #tpu.memory_space<hbm>>)
          tpu.yield
        }) : () -> ()
      } else {
      }
    } else {
    }
    return
  }
}

#map = affine_map<(d0, d1) -> (0, 0)>
#map1 = affine_map<(d0, d1) -> (0, 0, 0)>
module attributes {stable_mosaic.version = 14 : i64} {
  func.func @_sc_agg_body(%arg0: i32, %arg1: i32, %arg2: memref<10000x128xf32, #tpu.memory_space<hbm>>, %arg3: memref<10016x128xf32, #tpu.memory_space<hbm>>, %arg4: memref<32x79x128xi32, #tpu.memory_space<hbm>>, %arg5: memref<32x79x128xi32, #tpu.memory_space<hbm>>, %arg6: memref<10000x128xf32, #tpu.memory_space<hbm>>, %arg7: memref<10000x128xf32, #tpu.memory_space<hbm>>, %arg8: memref<79x128xi32, #tpu.memory_space<vmem>>, %arg9: memref<79x128xi32, #tpu.memory_space<vmem>>, %arg10: memref<128x128xf32, #tpu.memory_space<vmem>>, %arg11: memref<10016x128xf32, #tpu.memory_space<vmem_shared>>, %arg12: memref<!tpu.dma_semaphore, #tpu.memory_space<semaphore_mem>>) attributes {dimension_semantics = [#tpu.dimension_semantics<core_parallel>, #tpu.dimension_semantics<subcore_parallel>], iteration_bounds = array<i64: 2, 16>, scalar_prefetch = 0 : i64, scratch_operands = 5 : i64, tpu.core_type = #tpu.core_type<sc_vector_subcore>, window_params = [{transform_indices = #map}, {transform_indices = #map}, {transform_indices = #map1}, {transform_indices = #map1}, {transform_indices = #map}, {transform_indices = #map}]} {
    %mul3A = arith.constant 16 : i32
    %mul3A_0 = arith.muli %arg0, %mul3A : i32
    %add3A = arith.addi %mul3A_0, %arg1 : i32
    %mul3A_1 = arith.constant 624 : i32
    %mul3A_2 = arith.muli %arg1, %mul3A_1 : i32
    %multiple_of3A = tpu.assume_multiple %mul3A_2, 8 : i32
    %eq3A = arith.constant 0 : i32
    %eq3A_3 = arith.cmpi eq, %arg0, %eq3A : i32
    %convert_element_type3A = arith.extui %eq3A_3 : i1 to i32
    %cond3A = arith.constant 0 : i32
    %cond3A_4 = arith.cmpi ne, %convert_element_type3A, %cond3A : i32
    scf.if %cond3A_4 {
      %lt3A = arith.constant 15 : i32
      %lt3A_33 = arith.cmpi slt, %arg1, %lt3A : i32
      %convert_element_type3A_34 = arith.extui %lt3A_33 : i1 to i32
      %cond3A_35 = arith.constant 0 : i32
      %cond3A_36 = arith.cmpi ne, %convert_element_type3A_34, %cond3A_35 : i32
      scf.if %cond3A_36 {
        "tpu.region"() ({
          %run_scoped3A = tpu.sem_alloc : memref<!tpu.dma_semaphore, #tpu.memory_space<semaphore_mem>>
          %dma_start3A = arith.constant 0 : i32
          %dma_start3A_42 = tpu.memref_slice %arg11[%multiple_of3A, %dma_start3A] : memref<10016x128xf32, #tpu.memory_space<vmem_shared>> -> memref<624x128xf32, #tpu.memory_space<vmem_shared>>
          %dma_start3A_43 = arith.constant 0 : i32
          %dma_start3A_44 = tpu.memref_slice %arg2[%multiple_of3A, %dma_start3A_43] : memref<10000x128xf32, #tpu.memory_space<hbm>> -> memref<624x128xf32, #tpu.memory_space<hbm>>
          tpu.enqueue_dma source(%dma_start3A_44 : memref<624x128xf32, #tpu.memory_space<hbm>>) target(%dma_start3A_42 : memref<624x128xf32, #tpu.memory_space<vmem_shared>>) target_semaphore(%run_scoped3A : memref<!tpu.dma_semaphore, #tpu.memory_space<semaphore_mem>>)
          %dma_wait3A = arith.constant 0 : i32
          %dma_wait3A_45 = tpu.memref_slice %arg11[%multiple_of3A, %dma_wait3A] : memref<10016x128xf32, #tpu.memory_space<vmem_shared>> -> memref<624x128xf32, #tpu.memory_space<vmem_shared>>
          %dma_wait3A_46 = arith.constant 0 : i32
          %dma_wait3A_47 = tpu.memref_slice %arg2[%multiple_of3A, %dma_wait3A_46] : memref<10000x128xf32, #tpu.memory_space<hbm>> -> memref<624x128xf32, #tpu.memory_space<hbm>>
          tpu.wait_dma2 semaphore(%run_scoped3A : memref<!tpu.dma_semaphore, #tpu.memory_space<semaphore_mem>>) src(%dma_wait3A_47 : memref<624x128xf32, #tpu.memory_space<hbm>>) dst(%dma_wait3A_45 : memref<624x128xf32, #tpu.memory_space<vmem_shared>>)
          tpu.yield
        }) : () -> ()
      } else {
      }
      %eq3A_37 = arith.constant 15 : i32
      %eq3A_38 = arith.cmpi eq, %arg1, %eq3A_37 : i32
      %convert_element_type3A_39 = arith.extui %eq3A_38 : i1 to i32
      %cond3A_40 = arith.constant 0 : i32
      %cond3A_41 = arith.cmpi ne, %convert_element_type3A_39, %cond3A_40 : i32
      scf.if %cond3A_41 {
        "tpu.region"() ({
          %run_scoped3A = tpu.sem_alloc : memref<!tpu.dma_semaphore, #tpu.memory_space<semaphore_mem>>
          %dma_start3A = arith.constant 9360 : i32
          %dma_start3A_42 = arith.constant 0 : i32
          %dma_start3A_43 = tpu.memref_slice %arg11[%dma_start3A, %dma_start3A_42] : memref<10016x128xf32, #tpu.memory_space<vmem_shared>> -> memref<640x128xf32, #tpu.memory_space<vmem_shared>>
          %dma_start3A_44 = arith.constant 9360 : i32
          %dma_start3A_45 = arith.constant 0 : i32
          %dma_start3A_46 = tpu.memref_slice %arg2[%dma_start3A_44, %dma_start3A_45] : memref<10000x128xf32, #tpu.memory_space<hbm>> -> memref<640x128xf32, #tpu.memory_space<hbm>>
          tpu.enqueue_dma source(%dma_start3A_46 : memref<640x128xf32, #tpu.memory_space<hbm>>) target(%dma_start3A_43 : memref<640x128xf32, #tpu.memory_space<vmem_shared>>) target_semaphore(%run_scoped3A : memref<!tpu.dma_semaphore, #tpu.memory_space<semaphore_mem>>)
          %dma_wait3A = arith.constant 9360 : i32
          %dma_wait3A_47 = arith.constant 0 : i32
          %dma_wait3A_48 = tpu.memref_slice %arg11[%dma_wait3A, %dma_wait3A_47] : memref<10016x128xf32, #tpu.memory_space<vmem_shared>> -> memref<640x128xf32, #tpu.memory_space<vmem_shared>>
          %dma_wait3A_49 = arith.constant 9360 : i32
          %dma_wait3A_50 = arith.constant 0 : i32
          %dma_wait3A_51 = tpu.memref_slice %arg2[%dma_wait3A_49, %dma_wait3A_50] : memref<10000x128xf32, #tpu.memory_space<hbm>> -> memref<640x128xf32, #tpu.memory_space<hbm>>
          tpu.wait_dma2 semaphore(%run_scoped3A : memref<!tpu.dma_semaphore, #tpu.memory_space<semaphore_mem>>) src(%dma_wait3A_51 : memref<640x128xf32, #tpu.memory_space<hbm>>) dst(%dma_wait3A_48 : memref<640x128xf32, #tpu.memory_space<vmem_shared>>)
          tpu.yield
        }) : () -> ()
      } else {
      }
    } else {
    }
    %eq3A_5 = arith.constant 1 : i32
    %eq3A_6 = arith.cmpi eq, %arg0, %eq3A_5 : i32
    %convert_element_type3A_7 = arith.extui %eq3A_6 : i1 to i32
    %cond3A_8 = arith.constant 0 : i32
    %cond3A_9 = arith.cmpi ne, %convert_element_type3A_7, %cond3A_8 : i32
    scf.if %cond3A_9 {
      %lt3A = arith.constant 15 : i32
      %lt3A_33 = arith.cmpi slt, %arg1, %lt3A : i32
      %convert_element_type3A_34 = arith.extui %lt3A_33 : i1 to i32
      %cond3A_35 = arith.constant 0 : i32
      %cond3A_36 = arith.cmpi ne, %convert_element_type3A_34, %cond3A_35 : i32
      scf.if %cond3A_36 {
        "tpu.region"() ({
          %run_scoped3A = tpu.sem_alloc : memref<!tpu.dma_semaphore, #tpu.memory_space<semaphore_mem>>
          %dma_start3A = arith.constant 0 : i32
          %dma_start3A_42 = tpu.memref_slice %arg11[%multiple_of3A, %dma_start3A] : memref<10016x128xf32, #tpu.memory_space<vmem_shared>> -> memref<624x128xf32, #tpu.memory_space<vmem_shared>>
          %dma_start3A_43 = arith.constant 0 : i32
          %dma_start3A_44 = tpu.memref_slice %arg3[%multiple_of3A, %dma_start3A_43] : memref<10016x128xf32, #tpu.memory_space<hbm>> -> memref<624x128xf32, #tpu.memory_space<hbm>>
          tpu.enqueue_dma source(%dma_start3A_44 : memref<624x128xf32, #tpu.memory_space<hbm>>) target(%dma_start3A_42 : memref<624x128xf32, #tpu.memory_space<vmem_shared>>) target_semaphore(%run_scoped3A : memref<!tpu.dma_semaphore, #tpu.memory_space<semaphore_mem>>)
          %dma_wait3A = arith.constant 0 : i32
          %dma_wait3A_45 = tpu.memref_slice %arg11[%multiple_of3A, %dma_wait3A] : memref<10016x128xf32, #tpu.memory_space<vmem_shared>> -> memref<624x128xf32, #tpu.memory_space<vmem_shared>>
          %dma_wait3A_46 = arith.constant 0 : i32
          %dma_wait3A_47 = tpu.memref_slice %arg3[%multiple_of3A, %dma_wait3A_46] : memref<10016x128xf32, #tpu.memory_space<hbm>> -> memref<624x128xf32, #tpu.memory_space<hbm>>
          tpu.wait_dma2 semaphore(%run_scoped3A : memref<!tpu.dma_semaphore, #tpu.memory_space<semaphore_mem>>) src(%dma_wait3A_47 : memref<624x128xf32, #tpu.memory_space<hbm>>) dst(%dma_wait3A_45 : memref<624x128xf32, #tpu.memory_space<vmem_shared>>)
          tpu.yield
        }) : () -> ()
      } else {
      }
      %eq3A_37 = arith.constant 15 : i32
      %eq3A_38 = arith.cmpi eq, %arg1, %eq3A_37 : i32
      %convert_element_type3A_39 = arith.extui %eq3A_38 : i1 to i32
      %cond3A_40 = arith.constant 0 : i32
      %cond3A_41 = arith.cmpi ne, %convert_element_type3A_39, %cond3A_40 : i32
      scf.if %cond3A_41 {
        "tpu.region"() ({
          %run_scoped3A = tpu.sem_alloc : memref<!tpu.dma_semaphore, #tpu.memory_space<semaphore_mem>>
          %dma_start3A = arith.constant 9360 : i32
          %dma_start3A_42 = arith.constant 0 : i32
          %dma_start3A_43 = tpu.memref_slice %arg11[%dma_start3A, %dma_start3A_42] : memref<10016x128xf32, #tpu.memory_space<vmem_shared>> -> memref<640x128xf32, #tpu.memory_space<vmem_shared>>
          %dma_start3A_44 = arith.constant 9360 : i32
          %dma_start3A_45 = arith.constant 0 : i32
          %dma_start3A_46 = tpu.memref_slice %arg3[%dma_start3A_44, %dma_start3A_45] : memref<10016x128xf32, #tpu.memory_space<hbm>> -> memref<640x128xf32, #tpu.memory_space<hbm>>
          tpu.enqueue_dma source(%dma_start3A_46 : memref<640x128xf32, #tpu.memory_space<hbm>>) target(%dma_start3A_43 : memref<640x128xf32, #tpu.memory_space<vmem_shared>>) target_semaphore(%run_scoped3A : memref<!tpu.dma_semaphore, #tpu.memory_space<semaphore_mem>>)
          %dma_wait3A = arith.constant 9360 : i32
          %dma_wait3A_47 = arith.constant 0 : i32
          %dma_wait3A_48 = tpu.memref_slice %arg11[%dma_wait3A, %dma_wait3A_47] : memref<10016x128xf32, #tpu.memory_space<vmem_shared>> -> memref<640x128xf32, #tpu.memory_space<vmem_shared>>
          %dma_wait3A_49 = arith.constant 9360 : i32
          %dma_wait3A_50 = arith.constant 0 : i32
          %dma_wait3A_51 = tpu.memref_slice %arg3[%dma_wait3A_49, %dma_wait3A_50] : memref<10016x128xf32, #tpu.memory_space<hbm>> -> memref<640x128xf32, #tpu.memory_space<hbm>>
          tpu.wait_dma2 semaphore(%run_scoped3A : memref<!tpu.dma_semaphore, #tpu.memory_space<semaphore_mem>>) src(%dma_wait3A_51 : memref<640x128xf32, #tpu.memory_space<hbm>>) dst(%dma_wait3A_48 : memref<640x128xf32, #tpu.memory_space<vmem_shared>>)
          tpu.yield
        }) : () -> ()
      } else {
      }
    } else {
    }
    %eq3A_10 = arith.constant 0 : i32
    %eq3A_11 = arith.cmpi eq, %arg0, %eq3A_10 : i32
    %eq3A_12 = arith.constant 0 : i32
    %eq3A_13 = arith.cmpi eq, %arg1, %eq3A_12 : i32
    %and3A = arith.andi %eq3A_11, %eq3A_13 : i1
    %convert_element_type3A_14 = arith.extui %and3A : i1 to i32
    %cond3A_15 = arith.constant 0 : i32
    %cond3A_16 = arith.cmpi ne, %convert_element_type3A_14, %cond3A_15 : i32
    scf.if %cond3A_16 {
      "tpu.region"() ({
        %run_scoped3A = tpu.sem_alloc : memref<!tpu.dma_semaphore, #tpu.memory_space<semaphore_mem>>
        %dma_start3A = arith.constant 10000 : i32
        %dma_start3A_33 = arith.constant 0 : i32
        %dma_start3A_34 = tpu.memref_slice %arg11[%dma_start3A, %dma_start3A_33] : memref<10016x128xf32, #tpu.memory_space<vmem_shared>> -> memref<16x128xf32, #tpu.memory_space<vmem_shared>>
        %dma_start3A_35 = arith.constant 10000 : i32
        %dma_start3A_36 = arith.constant 0 : i32
        %dma_start3A_37 = tpu.memref_slice %arg3[%dma_start3A_35, %dma_start3A_36] : memref<10016x128xf32, #tpu.memory_space<hbm>> -> memref<16x128xf32, #tpu.memory_space<hbm>>
        tpu.enqueue_dma source(%dma_start3A_37 : memref<16x128xf32, #tpu.memory_space<hbm>>) target(%dma_start3A_34 : memref<16x128xf32, #tpu.memory_space<vmem_shared>>) target_semaphore(%run_scoped3A : memref<!tpu.dma_semaphore, #tpu.memory_space<semaphore_mem>>)
        %dma_wait3A = arith.constant 10000 : i32
        %dma_wait3A_38 = arith.constant 0 : i32
        %dma_wait3A_39 = tpu.memref_slice %arg11[%dma_wait3A, %dma_wait3A_38] : memref<10016x128xf32, #tpu.memory_space<vmem_shared>> -> memref<16x128xf32, #tpu.memory_space<vmem_shared>>
        %dma_wait3A_40 = arith.constant 10000 : i32
        %dma_wait3A_41 = arith.constant 0 : i32
        %dma_wait3A_42 = tpu.memref_slice %arg3[%dma_wait3A_40, %dma_wait3A_41] : memref<10016x128xf32, #tpu.memory_space<hbm>> -> memref<16x128xf32, #tpu.memory_space<hbm>>
        tpu.wait_dma2 semaphore(%run_scoped3A : memref<!tpu.dma_semaphore, #tpu.memory_space<semaphore_mem>>) src(%dma_wait3A_42 : memref<16x128xf32, #tpu.memory_space<hbm>>) dst(%dma_wait3A_39 : memref<16x128xf32, #tpu.memory_space<vmem_shared>>)
        tpu.yield
      }) : () -> ()
    } else {
    }
    "tpu.region"() ({
      %run_scoped3A = tpu.sem_alloc : memref<!tpu.dma_semaphore, #tpu.memory_space<semaphore_mem>>
      %dma_start3A = arith.constant 0 : i32
      %dma_start3A_33 = arith.constant 0 : i32
      %dma_start3A_34 = tpu.memref_slice %arg4[%add3A, %dma_start3A, %dma_start3A_33] : memref<32x79x128xi32, #tpu.memory_space<hbm>> -> memref<1x79x128xi32, #tpu.memory_space<hbm>>
      %dma_start3A_35 = tpu.memref_squeeze %dma_start3A_34 : memref<1x79x128xi32, #tpu.memory_space<hbm>> -> memref<79x128xi32, #tpu.memory_space<hbm>>
      %dma_start3A_36 = arith.constant 0 : i32
      %dma_start3A_37 = arith.constant 0 : i32
      %dma_start3A_38 = tpu.memref_slice %arg4[%add3A, %dma_start3A_36, %dma_start3A_37] : memref<32x79x128xi32, #tpu.memory_space<hbm>> -> memref<1x79x128xi32, #tpu.memory_space<hbm>>
      %dma_start3A_39 = tpu.memref_squeeze %dma_start3A_38 : memref<1x79x128xi32, #tpu.memory_space<hbm>> -> memref<79x128xi32, #tpu.memory_space<hbm>>
      tpu.enqueue_dma source(%dma_start3A_39 : memref<79x128xi32, #tpu.memory_space<hbm>>) target(%arg8 : memref<79x128xi32, #tpu.memory_space<vmem>>) target_semaphore(%run_scoped3A : memref<!tpu.dma_semaphore, #tpu.memory_space<semaphore_mem>>)
      %dma_wait3A = arith.constant 0 : i32
      %dma_wait3A_40 = arith.constant 0 : i32
      %dma_wait3A_41 = tpu.memref_slice %arg4[%add3A, %dma_wait3A, %dma_wait3A_40] : memref<32x79x128xi32, #tpu.memory_space<hbm>> -> memref<1x79x128xi32, #tpu.memory_space<hbm>>
      %dma_wait3A_42 = tpu.memref_squeeze %dma_wait3A_41 : memref<1x79x128xi32, #tpu.memory_space<hbm>> -> memref<79x128xi32, #tpu.memory_space<hbm>>
      %dma_wait3A_43 = arith.constant 0 : i32
      %dma_wait3A_44 = arith.constant 0 : i32
      %dma_wait3A_45 = tpu.memref_slice %arg4[%add3A, %dma_wait3A_43, %dma_wait3A_44] : memref<32x79x128xi32, #tpu.memory_space<hbm>> -> memref<1x79x128xi32, #tpu.memory_space<hbm>>
      %dma_wait3A_46 = tpu.memref_squeeze %dma_wait3A_45 : memref<1x79x128xi32, #tpu.memory_space<hbm>> -> memref<79x128xi32, #tpu.memory_space<hbm>>
      tpu.wait_dma2 semaphore(%run_scoped3A : memref<!tpu.dma_semaphore, #tpu.memory_space<semaphore_mem>>) src(%dma_wait3A_46 : memref<79x128xi32, #tpu.memory_space<hbm>>) dst(%arg8 : memref<79x128xi32, #tpu.memory_space<vmem>>)
      tpu.yield
    }) : () -> ()
    "tpu.region"() ({
      %run_scoped3A = tpu.sem_alloc : memref<!tpu.dma_semaphore, #tpu.memory_space<semaphore_mem>>
      %dma_start3A = arith.constant 0 : i32
      %dma_start3A_33 = arith.constant 0 : i32
      %dma_start3A_34 = tpu.memref_slice %arg5[%add3A, %dma_start3A, %dma_start3A_33] : memref<32x79x128xi32, #tpu.memory_space<hbm>> -> memref<1x79x128xi32, #tpu.memory_space<hbm>>
      %dma_start3A_35 = tpu.memref_squeeze %dma_start3A_34 : memref<1x79x128xi32, #tpu.memory_space<hbm>> -> memref<79x128xi32, #tpu.memory_space<hbm>>
      %dma_start3A_36 = arith.constant 0 : i32
      %dma_start3A_37 = arith.constant 0 : i32
      %dma_start3A_38 = tpu.memref_slice %arg5[%add3A, %dma_start3A_36, %dma_start3A_37] : memref<32x79x128xi32, #tpu.memory_space<hbm>> -> memref<1x79x128xi32, #tpu.memory_space<hbm>>
      %dma_start3A_39 = tpu.memref_squeeze %dma_start3A_38 : memref<1x79x128xi32, #tpu.memory_space<hbm>> -> memref<79x128xi32, #tpu.memory_space<hbm>>
      tpu.enqueue_dma source(%dma_start3A_39 : memref<79x128xi32, #tpu.memory_space<hbm>>) target(%arg9 : memref<79x128xi32, #tpu.memory_space<vmem>>) target_semaphore(%run_scoped3A : memref<!tpu.dma_semaphore, #tpu.memory_space<semaphore_mem>>)
      %dma_wait3A = arith.constant 0 : i32
      %dma_wait3A_40 = arith.constant 0 : i32
      %dma_wait3A_41 = tpu.memref_slice %arg5[%add3A, %dma_wait3A, %dma_wait3A_40] : memref<32x79x128xi32, #tpu.memory_space<hbm>> -> memref<1x79x128xi32, #tpu.memory_space<hbm>>
      %dma_wait3A_42 = tpu.memref_squeeze %dma_wait3A_41 : memref<1x79x128xi32, #tpu.memory_space<hbm>> -> memref<79x128xi32, #tpu.memory_space<hbm>>
      %dma_wait3A_43 = arith.constant 0 : i32
      %dma_wait3A_44 = arith.constant 0 : i32
      %dma_wait3A_45 = tpu.memref_slice %arg5[%add3A, %dma_wait3A_43, %dma_wait3A_44] : memref<32x79x128xi32, #tpu.memory_space<hbm>> -> memref<1x79x128xi32, #tpu.memory_space<hbm>>
      %dma_wait3A_46 = tpu.memref_squeeze %dma_wait3A_45 : memref<1x79x128xi32, #tpu.memory_space<hbm>> -> memref<79x128xi32, #tpu.memory_space<hbm>>
      tpu.wait_dma2 semaphore(%run_scoped3A : memref<!tpu.dma_semaphore, #tpu.memory_space<semaphore_mem>>) src(%dma_wait3A_46 : memref<79x128xi32, #tpu.memory_space<hbm>>) dst(%arg9 : memref<79x128xi32, #tpu.memory_space<vmem>>)
      tpu.yield
    }) : () -> ()
    %barrier3A = arith.constant 0 : index
    tpu.barrier barrier_id(%barrier3A)
    %scan3A = arith.constant 0 : i32
    %scan3A_17 = arith.constant 0 : i32
    %scan3A_18 = arith.constant 79 : i32
    %scan3A_19 = arith.addi %scan3A_17, %scan3A_18 : i32
    %scan3A_20 = arith.constant 1 : i32
    scf.for %scan3A_33 = %scan3A_17 to %scan3A_19 step %scan3A_20  : i32 {
      %dma_start3A = arith.constant 0 : i32
      %dma_start3A_34 = tpu.memref_slice %arg8[%scan3A_33, %dma_start3A] : memref<79x128xi32, #tpu.memory_space<vmem>> -> memref<1x128xi32, #tpu.memory_space<vmem>>
      %dma_start3A_35 = tpu.memref_squeeze %dma_start3A_34 : memref<1x128xi32, #tpu.memory_space<vmem>> -> memref<128xi32, #tpu.memory_space<vmem>>
      %dma_start3A_36 = arith.constant 0 : i32
      %dma_start3A_37 = arith.constant 0 : i32
      %dma_start3A_38 = tpu.memref_slice %arg2[%dma_start3A_36, %dma_start3A_37] : memref<10000x128xf32, #tpu.memory_space<hbm>> -> memref<10000x128xf32, #tpu.memory_space<hbm>>
      tpu.enqueue_indirect_dma source(%dma_start3A_38 : memref<10000x128xf32, #tpu.memory_space<hbm>>) target(%arg10 : memref<128x128xf32, #tpu.memory_space<vmem>>) offsets(%dma_start3A_35 : memref<128xi32, #tpu.memory_space<vmem>>) semaphore(%arg12 : memref<!tpu.dma_semaphore, #tpu.memory_space<semaphore_mem>>)
      %dma_wait3A = arith.constant 0 : i32
      %dma_wait3A_39 = tpu.memref_slice %arg8[%scan3A_33, %dma_wait3A] : memref<79x128xi32, #tpu.memory_space<vmem>> -> memref<1x128xi32, #tpu.memory_space<vmem>>
      %dma_wait3A_40 = tpu.memref_squeeze %dma_wait3A_39 : memref<1x128xi32, #tpu.memory_space<vmem>> -> memref<128xi32, #tpu.memory_space<vmem>>
      %dma_wait3A_41 = arith.constant 0 : i32
      %dma_wait3A_42 = arith.constant 0 : i32
      %dma_wait3A_43 = tpu.memref_slice %arg2[%dma_wait3A_41, %dma_wait3A_42] : memref<10000x128xf32, #tpu.memory_space<hbm>> -> memref<10000x128xf32, #tpu.memory_space<hbm>>
      tpu.wait_indirect_dma semaphore(%arg12 : memref<!tpu.dma_semaphore, #tpu.memory_space<semaphore_mem>>) src(%dma_wait3A_43 : memref<10000x128xf32, #tpu.memory_space<hbm>>) dst(%arg10 : memref<128x128xf32, #tpu.memory_space<vmem>>)
      "tpu.region"() ({
        %run_scoped3A = tpu.sem_alloc : memref<!tpu.dma_semaphore, #tpu.memory_space<semaphore_mem>>
        %dma_start3A_44 = arith.constant 0 : i32
        %dma_start3A_45 = tpu.memref_slice %arg9[%scan3A_33, %dma_start3A_44] : memref<79x128xi32, #tpu.memory_space<vmem>> -> memref<1x128xi32, #tpu.memory_space<vmem>>
        %dma_start3A_46 = tpu.memref_squeeze %dma_start3A_45 : memref<1x128xi32, #tpu.memory_space<vmem>> -> memref<128xi32, #tpu.memory_space<vmem>>
        %dma_start3A_47 = arith.constant 0 : i32
        %dma_start3A_48 = arith.constant 0 : i32
        %dma_start3A_49 = tpu.memref_slice %arg11[%dma_start3A_47, %dma_start3A_48] : memref<10016x128xf32, #tpu.memory_space<vmem_shared>> -> memref<10016x128xf32, #tpu.memory_space<vmem_shared>>
        tpu.enqueue_indirect_dma source(%arg10 : memref<128x128xf32, #tpu.memory_space<vmem>>) target(%dma_start3A_49 : memref<10016x128xf32, #tpu.memory_space<vmem_shared>>) offsets(%dma_start3A_46 : memref<128xi32, #tpu.memory_space<vmem>>) semaphore(%run_scoped3A : memref<!tpu.dma_semaphore, #tpu.memory_space<semaphore_mem>>) {add = true}
        %dma_wait3A_50 = arith.constant 0 : i32
        %dma_wait3A_51 = tpu.memref_slice %arg9[%scan3A_33, %dma_wait3A_50] : memref<79x128xi32, #tpu.memory_space<vmem>> -> memref<1x128xi32, #tpu.memory_space<vmem>>
        %dma_wait3A_52 = tpu.memref_squeeze %dma_wait3A_51 : memref<1x128xi32, #tpu.memory_space<vmem>> -> memref<128xi32, #tpu.memory_space<vmem>>
        %dma_wait3A_53 = arith.constant 0 : i32
        %dma_wait3A_54 = arith.constant 0 : i32
        %dma_wait3A_55 = tpu.memref_slice %arg11[%dma_wait3A_53, %dma_wait3A_54] : memref<10016x128xf32, #tpu.memory_space<vmem_shared>> -> memref<10016x128xf32, #tpu.memory_space<vmem_shared>>
        tpu.wait_indirect_dma semaphore(%run_scoped3A : memref<!tpu.dma_semaphore, #tpu.memory_space<semaphore_mem>>) src(%arg10 : memref<128x128xf32, #tpu.memory_space<vmem>>) dst(%dma_wait3A_55 : memref<10016x128xf32, #tpu.memory_space<vmem_shared>>)
        tpu.yield
      }) : () -> ()
    }
    %scan3A_21 = arith.constant 79 : i32
    %barrier3A_22 = arith.constant 0 : index
    tpu.barrier barrier_id(%barrier3A_22)
    %eq3A_23 = arith.constant 0 : i32
    %eq3A_24 = arith.cmpi eq, %arg0, %eq3A_23 : i32
    %convert_element_type3A_25 = arith.extui %eq3A_24 : i1 to i32
    %cond3A_26 = arith.constant 0 : i32
    %cond3A_27 = arith.cmpi ne, %convert_element_type3A_25, %cond3A_26 : i32
    scf.if %cond3A_27 {
      %lt3A = arith.constant 15 : i32
      %lt3A_33 = arith.cmpi slt, %arg1, %lt3A : i32
      %convert_element_type3A_34 = arith.extui %lt3A_33 : i1 to i32
      %cond3A_35 = arith.constant 0 : i32
      %cond3A_36 = arith.cmpi ne, %convert_element_type3A_34, %cond3A_35 : i32
      scf.if %cond3A_36 {
        "tpu.region"() ({
          %run_scoped3A = tpu.sem_alloc : memref<!tpu.dma_semaphore, #tpu.memory_space<semaphore_mem>>
          %dma_start3A = arith.constant 0 : i32
          %dma_start3A_42 = tpu.memref_slice %arg6[%multiple_of3A, %dma_start3A] : memref<10000x128xf32, #tpu.memory_space<hbm>> -> memref<624x128xf32, #tpu.memory_space<hbm>>
          %dma_start3A_43 = arith.constant 0 : i32
          %dma_start3A_44 = tpu.memref_slice %arg11[%multiple_of3A, %dma_start3A_43] : memref<10016x128xf32, #tpu.memory_space<vmem_shared>> -> memref<624x128xf32, #tpu.memory_space<vmem_shared>>
          tpu.enqueue_dma source(%dma_start3A_44 : memref<624x128xf32, #tpu.memory_space<vmem_shared>>) target(%dma_start3A_42 : memref<624x128xf32, #tpu.memory_space<hbm>>) target_semaphore(%run_scoped3A : memref<!tpu.dma_semaphore, #tpu.memory_space<semaphore_mem>>)
          %dma_wait3A = arith.constant 0 : i32
          %dma_wait3A_45 = tpu.memref_slice %arg6[%multiple_of3A, %dma_wait3A] : memref<10000x128xf32, #tpu.memory_space<hbm>> -> memref<624x128xf32, #tpu.memory_space<hbm>>
          %dma_wait3A_46 = arith.constant 0 : i32
          %dma_wait3A_47 = tpu.memref_slice %arg11[%multiple_of3A, %dma_wait3A_46] : memref<10016x128xf32, #tpu.memory_space<vmem_shared>> -> memref<624x128xf32, #tpu.memory_space<vmem_shared>>
          tpu.wait_dma2 semaphore(%run_scoped3A : memref<!tpu.dma_semaphore, #tpu.memory_space<semaphore_mem>>) src(%dma_wait3A_47 : memref<624x128xf32, #tpu.memory_space<vmem_shared>>) dst(%dma_wait3A_45 : memref<624x128xf32, #tpu.memory_space<hbm>>)
          tpu.yield
        }) : () -> ()
      } else {
      }
      %eq3A_37 = arith.constant 15 : i32
      %eq3A_38 = arith.cmpi eq, %arg1, %eq3A_37 : i32
      %convert_element_type3A_39 = arith.extui %eq3A_38 : i1 to i32
      %cond3A_40 = arith.constant 0 : i32
      %cond3A_41 = arith.cmpi ne, %convert_element_type3A_39, %cond3A_40 : i32
      scf.if %cond3A_41 {
        "tpu.region"() ({
          %run_scoped3A = tpu.sem_alloc : memref<!tpu.dma_semaphore, #tpu.memory_space<semaphore_mem>>
          %dma_start3A = arith.constant 9360 : i32
          %dma_start3A_42 = arith.constant 0 : i32
          %dma_start3A_43 = tpu.memref_slice %arg6[%dma_start3A, %dma_start3A_42] : memref<10000x128xf32, #tpu.memory_space<hbm>> -> memref<640x128xf32, #tpu.memory_space<hbm>>
          %dma_start3A_44 = arith.constant 9360 : i32
          %dma_start3A_45 = arith.constant 0 : i32
          %dma_start3A_46 = tpu.memref_slice %arg11[%dma_start3A_44, %dma_start3A_45] : memref<10016x128xf32, #tpu.memory_space<vmem_shared>> -> memref<640x128xf32, #tpu.memory_space<vmem_shared>>
          tpu.enqueue_dma source(%dma_start3A_46 : memref<640x128xf32, #tpu.memory_space<vmem_shared>>) target(%dma_start3A_43 : memref<640x128xf32, #tpu.memory_space<hbm>>) target_semaphore(%run_scoped3A : memref<!tpu.dma_semaphore, #tpu.memory_space<semaphore_mem>>)
          %dma_wait3A = arith.constant 9360 : i32
          %dma_wait3A_47 = arith.constant 0 : i32
          %dma_wait3A_48 = tpu.memref_slice %arg6[%dma_wait3A, %dma_wait3A_47] : memref<10000x128xf32, #tpu.memory_space<hbm>> -> memref<640x128xf32, #tpu.memory_space<hbm>>
          %dma_wait3A_49 = arith.constant 9360 : i32
          %dma_wait3A_50 = arith.constant 0 : i32
          %dma_wait3A_51 = tpu.memref_slice %arg11[%dma_wait3A_49, %dma_wait3A_50] : memref<10016x128xf32, #tpu.memory_space<vmem_shared>> -> memref<640x128xf32, #tpu.memory_space<vmem_shared>>
          tpu.wait_dma2 semaphore(%run_scoped3A : memref<!tpu.dma_semaphore, #tpu.memory_space<semaphore_mem>>) src(%dma_wait3A_51 : memref<640x128xf32, #tpu.memory_space<vmem_shared>>) dst(%dma_wait3A_48 : memref<640x128xf32, #tpu.memory_space<hbm>>)
          tpu.yield
        }) : () -> ()
      } else {
      }
    } else {
    }
    %eq3A_28 = arith.constant 1 : i32
    %eq3A_29 = arith.cmpi eq, %arg0, %eq3A_28 : i32
    %convert_element_type3A_30 = arith.extui %eq3A_29 : i1 to i32
    %cond3A_31 = arith.constant 0 : i32
    %cond3A_32 = arith.cmpi ne, %convert_element_type3A_30, %cond3A_31 : i32
    scf.if %cond3A_32 {
      %lt3A = arith.constant 15 : i32
      %lt3A_33 = arith.cmpi slt, %arg1, %lt3A : i32
      %convert_element_type3A_34 = arith.extui %lt3A_33 : i1 to i32
      %cond3A_35 = arith.constant 0 : i32
      %cond3A_36 = arith.cmpi ne, %convert_element_type3A_34, %cond3A_35 : i32
      scf.if %cond3A_36 {
        "tpu.region"() ({
          %run_scoped3A = tpu.sem_alloc : memref<!tpu.dma_semaphore, #tpu.memory_space<semaphore_mem>>
          %dma_start3A = arith.constant 0 : i32
          %dma_start3A_42 = tpu.memref_slice %arg7[%multiple_of3A, %dma_start3A] : memref<10000x128xf32, #tpu.memory_space<hbm>> -> memref<624x128xf32, #tpu.memory_space<hbm>>
          %dma_start3A_43 = arith.constant 0 : i32
          %dma_start3A_44 = tpu.memref_slice %arg11[%multiple_of3A, %dma_start3A_43] : memref<10016x128xf32, #tpu.memory_space<vmem_shared>> -> memref<624x128xf32, #tpu.memory_space<vmem_shared>>
          tpu.enqueue_dma source(%dma_start3A_44 : memref<624x128xf32, #tpu.memory_space<vmem_shared>>) target(%dma_start3A_42 : memref<624x128xf32, #tpu.memory_space<hbm>>) target_semaphore(%run_scoped3A : memref<!tpu.dma_semaphore, #tpu.memory_space<semaphore_mem>>)
          %dma_wait3A = arith.constant 0 : i32
          %dma_wait3A_45 = tpu.memref_slice %arg7[%multiple_of3A, %dma_wait3A] : memref<10000x128xf32, #tpu.memory_space<hbm>> -> memref<624x128xf32, #tpu.memory_space<hbm>>
          %dma_wait3A_46 = arith.constant 0 : i32
          %dma_wait3A_47 = tpu.memref_slice %arg11[%multiple_of3A, %dma_wait3A_46] : memref<10016x128xf32, #tpu.memory_space<vmem_shared>> -> memref<624x128xf32, #tpu.memory_space<vmem_shared>>
          tpu.wait_dma2 semaphore(%run_scoped3A : memref<!tpu.dma_semaphore, #tpu.memory_space<semaphore_mem>>) src(%dma_wait3A_47 : memref<624x128xf32, #tpu.memory_space<vmem_shared>>) dst(%dma_wait3A_45 : memref<624x128xf32, #tpu.memory_space<hbm>>)
          tpu.yield
        }) : () -> ()
      } else {
      }
      %eq3A_37 = arith.constant 15 : i32
      %eq3A_38 = arith.cmpi eq, %arg1, %eq3A_37 : i32
      %convert_element_type3A_39 = arith.extui %eq3A_38 : i1 to i32
      %cond3A_40 = arith.constant 0 : i32
      %cond3A_41 = arith.cmpi ne, %convert_element_type3A_39, %cond3A_40 : i32
      scf.if %cond3A_41 {
        "tpu.region"() ({
          %run_scoped3A = tpu.sem_alloc : memref<!tpu.dma_semaphore, #tpu.memory_space<semaphore_mem>>
          %dma_start3A = arith.constant 9360 : i32
          %dma_start3A_42 = arith.constant 0 : i32
          %dma_start3A_43 = tpu.memref_slice %arg7[%dma_start3A, %dma_start3A_42] : memref<10000x128xf32, #tpu.memory_space<hbm>> -> memref<640x128xf32, #tpu.memory_space<hbm>>
          %dma_start3A_44 = arith.constant 9360 : i32
          %dma_start3A_45 = arith.constant 0 : i32
          %dma_start3A_46 = tpu.memref_slice %arg11[%dma_start3A_44, %dma_start3A_45] : memref<10016x128xf32, #tpu.memory_space<vmem_shared>> -> memref<640x128xf32, #tpu.memory_space<vmem_shared>>
          tpu.enqueue_dma source(%dma_start3A_46 : memref<640x128xf32, #tpu.memory_space<vmem_shared>>) target(%dma_start3A_43 : memref<640x128xf32, #tpu.memory_space<hbm>>) target_semaphore(%run_scoped3A : memref<!tpu.dma_semaphore, #tpu.memory_space<semaphore_mem>>)
          %dma_wait3A = arith.constant 9360 : i32
          %dma_wait3A_47 = arith.constant 0 : i32
          %dma_wait3A_48 = tpu.memref_slice %arg7[%dma_wait3A, %dma_wait3A_47] : memref<10000x128xf32, #tpu.memory_space<hbm>> -> memref<640x128xf32, #tpu.memory_space<hbm>>
          %dma_wait3A_49 = arith.constant 9360 : i32
          %dma_wait3A_50 = arith.constant 0 : i32
          %dma_wait3A_51 = tpu.memref_slice %arg11[%dma_wait3A_49, %dma_wait3A_50] : memref<10016x128xf32, #tpu.memory_space<vmem_shared>> -> memref<640x128xf32, #tpu.memory_space<vmem_shared>>
          tpu.wait_dma2 semaphore(%run_scoped3A : memref<!tpu.dma_semaphore, #tpu.memory_space<semaphore_mem>>) src(%dma_wait3A_51 : memref<640x128xf32, #tpu.memory_space<vmem_shared>>) dst(%dma_wait3A_48 : memref<640x128xf32, #tpu.memory_space<hbm>>)
          tpu.yield
        }) : () -> ()
      } else {
      }
    } else {
    }
    return
  }
}

module attributes {stable_mosaic.version = 14 : i64} {
  func.func @_tc_layer0_body(%arg0: memref<10000x128xf32, #tpu.memory_space<vmem>>, %arg1: memref<10000x128xf32, #tpu.memory_space<vmem>>, %arg2: memref<10000x128xf32, #tpu.memory_space<vmem>>, %arg3: memref<128x128xf32, #tpu.memory_space<vmem>>, %arg4: memref<1x128xf32, #tpu.memory_space<vmem>>, %arg5: memref<1x128xf32, #tpu.memory_space<vmem>>, %arg6: memref<128x128xf32, #tpu.memory_space<vmem>>, %arg7: memref<1x128xf32, #tpu.memory_space<vmem>>, %arg8: memref<1x128xf32, #tpu.memory_space<vmem>>, %arg9: memref<128x16xf32, #tpu.memory_space<vmem>>, %arg10: memref<128x16xf32, #tpu.memory_space<vmem>>, %arg11: memref<10000x128xf32, #tpu.memory_space<vmem>>, %arg12: memref<1x16xf32, #tpu.memory_space<vmem>>, %arg13: memref<1x16xf32, #tpu.memory_space<vmem>>) attributes {dimension_semantics = [], scalar_prefetch = 0 : i64, scratch_operands = 0 : i64, tpu.core_type = #tpu.core_type<tc>} {
    %get3A = arith.constant 0 : index
    %get3A_0 = arith.constant 0 : index
    %get3A_1 = vector.load %arg0[%get3A, %get3A_0] : memref<10000x128xf32, #tpu.memory_space<vmem>>, vector<10000x128xf32>
    %reduce_sum3A = arith.constant dense<0.000000e+00> : vector<128xf32>
    %reduce_sum3A_2 = vector.multi_reduction <add>, %get3A_1, %reduce_sum3A [0] : vector<10000x128xf32> to vector<128xf32>
    %broadcast_in_dim3A = vector.shape_cast %reduce_sum3A_2 : vector<128xf32> to vector<1x128xf32>
    %get3A_3 = arith.constant 0 : index
    %get3A_4 = arith.constant 0 : index
    %get3A_5 = vector.load %arg9[%get3A_3, %get3A_4] : memref<128x16xf32, #tpu.memory_space<vmem>>, vector<128x16xf32>
    %dot_general3A = arith.constant dense<0.000000e+00> : vector<1x16xf32>
    %dot_general3A_6 = tpu.matmul %broadcast_in_dim3A, %get3A_5, %dot_general3A {dimension_numbers = #tpu.dot_dimension_numbers<[1], [0], [0], [1], [0, 0, 1, 1], [], []>, transpose_lhs_hint = false} : vector<1x128xf32>, vector<128x16xf32>, vector<1x16xf32> -> vector<1x16xf32>
    %swap3A = arith.constant 0 : index
    %swap3A_7 = arith.constant 0 : index
    %swap3A_8 = vector.load %arg12[%swap3A, %swap3A_7] : memref<1x16xf32, #tpu.memory_space<vmem>>, vector<1x16xf32>
    tpu.vector_store %arg12[%swap3A, %swap3A_7], %dot_general3A_6 {strides = array<i32>} : memref<1x16xf32, #tpu.memory_space<vmem>>, vector<1x16xf32>,
    %get3A_9 = arith.constant 0 : index
    %get3A_10 = arith.constant 0 : index
    %get3A_11 = vector.load %arg1[%get3A_9, %get3A_10] : memref<10000x128xf32, #tpu.memory_space<vmem>>, vector<10000x128xf32>
    %get3A_12 = arith.constant 0 : index
    %get3A_13 = arith.constant 0 : index
    %get3A_14 = vector.load %arg2[%get3A_12, %get3A_13] : memref<10000x128xf32, #tpu.memory_space<vmem>>, vector<10000x128xf32>
    %add3A = arith.addf %get3A_11, %get3A_14 : vector<10000x128xf32>
    %get3A_15 = arith.constant 0 : index
    %get3A_16 = arith.constant 0 : index
    %get3A_17 = vector.load %arg3[%get3A_15, %get3A_16] : memref<128x128xf32, #tpu.memory_space<vmem>>, vector<128x128xf32>
    %get3A_18 = arith.constant 0 : index
    %get3A_19 = arith.constant 0 : index
    %get3A_20 = vector.load %arg4[%get3A_18, %get3A_19] : memref<1x128xf32, #tpu.memory_space<vmem>>, vector<1x128xf32>
    %get3A_21 = arith.constant 0 : index
    %get3A_22 = arith.constant 0 : index
    %get3A_23 = vector.load %arg5[%get3A_21, %get3A_22] : memref<1x128xf32, #tpu.memory_space<vmem>>, vector<1x128xf32>
    %get3A_24 = arith.constant 0 : index
    %get3A_25 = arith.constant 0 : index
    %get3A_26 = vector.load %arg6[%get3A_24, %get3A_25] : memref<128x128xf32, #tpu.memory_space<vmem>>, vector<128x128xf32>
    %get3A_27 = arith.constant 0 : index
    %get3A_28 = arith.constant 0 : index
    %get3A_29 = vector.load %arg7[%get3A_27, %get3A_28] : memref<1x128xf32, #tpu.memory_space<vmem>>, vector<1x128xf32>
    %get3A_30 = arith.constant 0 : index
    %get3A_31 = arith.constant 0 : index
    %get3A_32 = vector.load %arg8[%get3A_30, %get3A_31] : memref<1x128xf32, #tpu.memory_space<vmem>>, vector<1x128xf32>
    %dot_general3A_33 = arith.constant dense<0.000000e+00> : vector<10000x128xf32>
    %dot_general3A_34 = tpu.matmul %add3A, %get3A_17, %dot_general3A_33 {dimension_numbers = #tpu.dot_dimension_numbers<[1], [0], [0], [1], [0, 0, 1, 1], [], []>, transpose_lhs_hint = false} : vector<10000x128xf32>, vector<128x128xf32>, vector<10000x128xf32> -> vector<10000x128xf32>
    %reduce_sum3A_35 = arith.constant dense<0.000000e+00> : vector<128xf32>
    %reduce_sum3A_36 = vector.multi_reduction <add>, %dot_general3A_34, %reduce_sum3A_35 [0] : vector<10000x128xf32> to vector<128xf32>
    %broadcast_in_dim3A_37 = vector.shape_cast %reduce_sum3A_36 : vector<128xf32> to vector<1x128xf32>
    %div3A = arith.constant 1.000000e+04 : f32
    %div3A_38 = vector.broadcast %div3A : f32 to vector<1x128xf32>
    %div3A_39 = arith.divf %broadcast_in_dim3A_37, %div3A_38 : vector<1x128xf32>
    %sub3A = vector.broadcast %div3A_39 : vector<1x128xf32> to vector<10000x128xf32>
    %sub3A_40 = arith.subf %dot_general3A_34, %sub3A : vector<10000x128xf32>
    %mul3A = arith.mulf %sub3A_40, %sub3A_40 : vector<10000x128xf32>
    %reduce_sum3A_41 = arith.constant dense<0.000000e+00> : vector<128xf32>
    %reduce_sum3A_42 = vector.multi_reduction <add>, %mul3A, %reduce_sum3A_41 [0] : vector<10000x128xf32> to vector<128xf32>
    %broadcast_in_dim3A_43 = vector.shape_cast %reduce_sum3A_42 : vector<128xf32> to vector<1x128xf32>
    %div3A_44 = arith.constant 1.000000e+04 : f32
    %div3A_45 = vector.broadcast %div3A_44 : f32 to vector<1x128xf32>
    %div3A_46 = arith.divf %broadcast_in_dim3A_43, %div3A_45 : vector<1x128xf32>
    %add3A_47 = arith.constant 9.99999974E-6 : f32
    %add3A_48 = vector.broadcast %add3A_47 : f32 to vector<1x128xf32>
    %add3A_49 = arith.addf %div3A_46, %add3A_48 : vector<1x128xf32>
    %rsqrt3A = math.rsqrt %add3A_49 : vector<1x128xf32>
    %mul3A_50 = vector.broadcast %rsqrt3A : vector<1x128xf32> to vector<10000x128xf32>
    %mul3A_51 = arith.mulf %sub3A_40, %mul3A_50 : vector<10000x128xf32>
    %mul3A_52 = vector.broadcast %get3A_20 : vector<1x128xf32> to vector<10000x128xf32>
    %mul3A_53 = arith.mulf %mul3A_51, %mul3A_52 : vector<10000x128xf32>
    %add3A_54 = vector.broadcast %get3A_23 : vector<1x128xf32> to vector<10000x128xf32>
    %add3A_55 = arith.addf %mul3A_53, %add3A_54 : vector<10000x128xf32>
    %max3A = arith.constant 0.000000e+00 : f32
    %max3A_56 = vector.broadcast %max3A : f32 to vector<10000x128xf32>
    %max3A_57 = arith.maximumf %add3A_55, %max3A_56 : vector<10000x128xf32>
    %dot_general3A_58 = arith.constant dense<0.000000e+00> : vector<10000x128xf32>
    %dot_general3A_59 = tpu.matmul %max3A_57, %get3A_26, %dot_general3A_58 {dimension_numbers = #tpu.dot_dimension_numbers<[1], [0], [0], [1], [0, 0, 1, 1], [], []>, transpose_lhs_hint = false} : vector<10000x128xf32>, vector<128x128xf32>, vector<10000x128xf32> -> vector<10000x128xf32>
    %reduce_sum3A_60 = arith.constant dense<0.000000e+00> : vector<128xf32>
    %reduce_sum3A_61 = vector.multi_reduction <add>, %dot_general3A_59, %reduce_sum3A_60 [0] : vector<10000x128xf32> to vector<128xf32>
    %broadcast_in_dim3A_62 = vector.shape_cast %reduce_sum3A_61 : vector<128xf32> to vector<1x128xf32>
    %div3A_63 = arith.constant 1.000000e+04 : f32
    %div3A_64 = vector.broadcast %div3A_63 : f32 to vector<1x128xf32>
    %div3A_65 = arith.divf %broadcast_in_dim3A_62, %div3A_64 : vector<1x128xf32>
    %sub3A_66 = vector.broadcast %div3A_65 : vector<1x128xf32> to vector<10000x128xf32>
    %sub3A_67 = arith.subf %dot_general3A_59, %sub3A_66 : vector<10000x128xf32>
    %mul3A_68 = arith.mulf %sub3A_67, %sub3A_67 : vector<10000x128xf32>
    %reduce_sum3A_69 = arith.constant dense<0.000000e+00> : vector<128xf32>
    %reduce_sum3A_70 = vector.multi_reduction <add>, %mul3A_68, %reduce_sum3A_69 [0] : vector<10000x128xf32> to vector<128xf32>
    %broadcast_in_dim3A_71 = vector.shape_cast %reduce_sum3A_70 : vector<128xf32> to vector<1x128xf32>
    %div3A_72 = arith.constant 1.000000e+04 : f32
    %div3A_73 = vector.broadcast %div3A_72 : f32 to vector<1x128xf32>
    %div3A_74 = arith.divf %broadcast_in_dim3A_71, %div3A_73 : vector<1x128xf32>
    %add3A_75 = arith.constant 9.99999974E-6 : f32
    %add3A_76 = vector.broadcast %add3A_75 : f32 to vector<1x128xf32>
    %add3A_77 = arith.addf %div3A_74, %add3A_76 : vector<1x128xf32>
    %rsqrt3A_78 = math.rsqrt %add3A_77 : vector<1x128xf32>
    %mul3A_79 = vector.broadcast %rsqrt3A_78 : vector<1x128xf32> to vector<10000x128xf32>
    %mul3A_80 = arith.mulf %sub3A_67, %mul3A_79 : vector<10000x128xf32>
    %mul3A_81 = vector.broadcast %get3A_29 : vector<1x128xf32> to vector<10000x128xf32>
    %mul3A_82 = arith.mulf %mul3A_80, %mul3A_81 : vector<10000x128xf32>
    %add3A_83 = vector.broadcast %get3A_32 : vector<1x128xf32> to vector<10000x128xf32>
    %add3A_84 = arith.addf %mul3A_82, %add3A_83 : vector<10000x128xf32>
    %max3A_85 = arith.constant 0.000000e+00 : f32
    %max3A_86 = vector.broadcast %max3A_85 : f32 to vector<10000x128xf32>
    %max3A_87 = arith.maximumf %add3A_84, %max3A_86 : vector<10000x128xf32>
    %swap3A_88 = arith.constant 0 : index
    %swap3A_89 = arith.constant 0 : index
    %swap3A_90 = vector.load %arg11[%swap3A_88, %swap3A_89] : memref<10000x128xf32, #tpu.memory_space<vmem>>, vector<10000x128xf32>
    tpu.vector_store %arg11[%swap3A_88, %swap3A_89], %max3A_87 {strides = array<i32>} : memref<10000x128xf32, #tpu.memory_space<vmem>>, vector<10000x128xf32>,
    %reduce_sum3A_91 = arith.constant dense<0.000000e+00> : vector<128xf32>
    %reduce_sum3A_92 = vector.multi_reduction <add>, %max3A_87, %reduce_sum3A_91 [0] : vector<10000x128xf32> to vector<128xf32>
    %broadcast_in_dim3A_93 = vector.shape_cast %reduce_sum3A_92 : vector<128xf32> to vector<1x128xf32>
    %get3A_94 = arith.constant 0 : index
    %get3A_95 = arith.constant 0 : index
    %get3A_96 = vector.load %arg10[%get3A_94, %get3A_95] : memref<128x16xf32, #tpu.memory_space<vmem>>, vector<128x16xf32>
    %dot_general3A_97 = arith.constant dense<0.000000e+00> : vector<1x16xf32>
    %dot_general3A_98 = tpu.matmul %broadcast_in_dim3A_93, %get3A_96, %dot_general3A_97 {dimension_numbers = #tpu.dot_dimension_numbers<[1], [0], [0], [1], [0, 0, 1, 1], [], []>, transpose_lhs_hint = false} : vector<1x128xf32>, vector<128x16xf32>, vector<1x16xf32> -> vector<1x16xf32>
    %swap3A_99 = arith.constant 0 : index
    %swap3A_100 = arith.constant 0 : index
    %swap3A_101 = vector.load %arg13[%swap3A_99, %swap3A_100] : memref<1x16xf32, #tpu.memory_space<vmem>>, vector<1x16xf32>
    tpu.vector_store %arg13[%swap3A_99, %swap3A_100], %dot_general3A_98 {strides = array<i32>} : memref<1x16xf32, #tpu.memory_space<vmem>>, vector<1x16xf32>,
    return
  }
}

module attributes {stable_mosaic.version = 14 : i64} {
  func.func @_tc_layer_body(%arg0: memref<10000x128xf32, #tpu.memory_space<vmem>>, %arg1: memref<10000x128xf32, #tpu.memory_space<vmem>>, %arg2: memref<128x128xf32, #tpu.memory_space<vmem>>, %arg3: memref<1x128xf32, #tpu.memory_space<vmem>>, %arg4: memref<1x128xf32, #tpu.memory_space<vmem>>, %arg5: memref<128x128xf32, #tpu.memory_space<vmem>>, %arg6: memref<1x128xf32, #tpu.memory_space<vmem>>, %arg7: memref<1x128xf32, #tpu.memory_space<vmem>>, %arg8: memref<128x16xf32, #tpu.memory_space<vmem>>, %arg9: memref<10000x128xf32, #tpu.memory_space<vmem>>, %arg10: memref<1x16xf32, #tpu.memory_space<vmem>>) attributes {dimension_semantics = [], scalar_prefetch = 0 : i64, scratch_operands = 0 : i64, tpu.core_type = #tpu.core_type<tc>} {
    %get3A = arith.constant 0 : index
    %get3A_0 = arith.constant 0 : index
    %get3A_1 = vector.load %arg0[%get3A, %get3A_0] : memref<10000x128xf32, #tpu.memory_space<vmem>>, vector<10000x128xf32>
    %get3A_2 = arith.constant 0 : index
    %get3A_3 = arith.constant 0 : index
    %get3A_4 = vector.load %arg1[%get3A_2, %get3A_3] : memref<10000x128xf32, #tpu.memory_space<vmem>>, vector<10000x128xf32>
    %add3A = arith.addf %get3A_1, %get3A_4 : vector<10000x128xf32>
    %get3A_5 = arith.constant 0 : index
    %get3A_6 = arith.constant 0 : index
    %get3A_7 = vector.load %arg2[%get3A_5, %get3A_6] : memref<128x128xf32, #tpu.memory_space<vmem>>, vector<128x128xf32>
    %get3A_8 = arith.constant 0 : index
    %get3A_9 = arith.constant 0 : index
    %get3A_10 = vector.load %arg3[%get3A_8, %get3A_9] : memref<1x128xf32, #tpu.memory_space<vmem>>, vector<1x128xf32>
    %get3A_11 = arith.constant 0 : index
    %get3A_12 = arith.constant 0 : index
    %get3A_13 = vector.load %arg4[%get3A_11, %get3A_12] : memref<1x128xf32, #tpu.memory_space<vmem>>, vector<1x128xf32>
    %get3A_14 = arith.constant 0 : index
    %get3A_15 = arith.constant 0 : index
    %get3A_16 = vector.load %arg5[%get3A_14, %get3A_15] : memref<128x128xf32, #tpu.memory_space<vmem>>, vector<128x128xf32>
    %get3A_17 = arith.constant 0 : index
    %get3A_18 = arith.constant 0 : index
    %get3A_19 = vector.load %arg6[%get3A_17, %get3A_18] : memref<1x128xf32, #tpu.memory_space<vmem>>, vector<1x128xf32>
    %get3A_20 = arith.constant 0 : index
    %get3A_21 = arith.constant 0 : index
    %get3A_22 = vector.load %arg7[%get3A_20, %get3A_21] : memref<1x128xf32, #tpu.memory_space<vmem>>, vector<1x128xf32>
    %dot_general3A = arith.constant dense<0.000000e+00> : vector<10000x128xf32>
    %dot_general3A_23 = tpu.matmul %add3A, %get3A_7, %dot_general3A {dimension_numbers = #tpu.dot_dimension_numbers<[1], [0], [0], [1], [0, 0, 1, 1], [], []>, transpose_lhs_hint = false} : vector<10000x128xf32>, vector<128x128xf32>, vector<10000x128xf32> -> vector<10000x128xf32>
    %reduce_sum3A = arith.constant dense<0.000000e+00> : vector<128xf32>
    %reduce_sum3A_24 = vector.multi_reduction <add>, %dot_general3A_23, %reduce_sum3A [0] : vector<10000x128xf32> to vector<128xf32>
    %broadcast_in_dim3A = vector.shape_cast %reduce_sum3A_24 : vector<128xf32> to vector<1x128xf32>
    %div3A = arith.constant 1.000000e+04 : f32
    %div3A_25 = vector.broadcast %div3A : f32 to vector<1x128xf32>
    %div3A_26 = arith.divf %broadcast_in_dim3A, %div3A_25 : vector<1x128xf32>
    %sub3A = vector.broadcast %div3A_26 : vector<1x128xf32> to vector<10000x128xf32>
    %sub3A_27 = arith.subf %dot_general3A_23, %sub3A : vector<10000x128xf32>
    %mul3A = arith.mulf %sub3A_27, %sub3A_27 : vector<10000x128xf32>
    %reduce_sum3A_28 = arith.constant dense<0.000000e+00> : vector<128xf32>
    %reduce_sum3A_29 = vector.multi_reduction <add>, %mul3A, %reduce_sum3A_28 [0] : vector<10000x128xf32> to vector<128xf32>
    %broadcast_in_dim3A_30 = vector.shape_cast %reduce_sum3A_29 : vector<128xf32> to vector<1x128xf32>
    %div3A_31 = arith.constant 1.000000e+04 : f32
    %div3A_32 = vector.broadcast %div3A_31 : f32 to vector<1x128xf32>
    %div3A_33 = arith.divf %broadcast_in_dim3A_30, %div3A_32 : vector<1x128xf32>
    %add3A_34 = arith.constant 9.99999974E-6 : f32
    %add3A_35 = vector.broadcast %add3A_34 : f32 to vector<1x128xf32>
    %add3A_36 = arith.addf %div3A_33, %add3A_35 : vector<1x128xf32>
    %rsqrt3A = math.rsqrt %add3A_36 : vector<1x128xf32>
    %mul3A_37 = vector.broadcast %rsqrt3A : vector<1x128xf32> to vector<10000x128xf32>
    %mul3A_38 = arith.mulf %sub3A_27, %mul3A_37 : vector<10000x128xf32>
    %mul3A_39 = vector.broadcast %get3A_10 : vector<1x128xf32> to vector<10000x128xf32>
    %mul3A_40 = arith.mulf %mul3A_38, %mul3A_39 : vector<10000x128xf32>
    %add3A_41 = vector.broadcast %get3A_13 : vector<1x128xf32> to vector<10000x128xf32>
    %add3A_42 = arith.addf %mul3A_40, %add3A_41 : vector<10000x128xf32>
    %max3A = arith.constant 0.000000e+00 : f32
    %max3A_43 = vector.broadcast %max3A : f32 to vector<10000x128xf32>
    %max3A_44 = arith.maximumf %add3A_42, %max3A_43 : vector<10000x128xf32>
    %dot_general3A_45 = arith.constant dense<0.000000e+00> : vector<10000x128xf32>
    %dot_general3A_46 = tpu.matmul %max3A_44, %get3A_16, %dot_general3A_45 {dimension_numbers = #tpu.dot_dimension_numbers<[1], [0], [0], [1], [0, 0, 1, 1], [], []>, transpose_lhs_hint = false} : vector<10000x128xf32>, vector<128x128xf32>, vector<10000x128xf32> -> vector<10000x128xf32>
    %reduce_sum3A_47 = arith.constant dense<0.000000e+00> : vector<128xf32>
    %reduce_sum3A_48 = vector.multi_reduction <add>, %dot_general3A_46, %reduce_sum3A_47 [0] : vector<10000x128xf32> to vector<128xf32>
    %broadcast_in_dim3A_49 = vector.shape_cast %reduce_sum3A_48 : vector<128xf32> to vector<1x128xf32>
    %div3A_50 = arith.constant 1.000000e+04 : f32
    %div3A_51 = vector.broadcast %div3A_50 : f32 to vector<1x128xf32>
    %div3A_52 = arith.divf %broadcast_in_dim3A_49, %div3A_51 : vector<1x128xf32>
    %sub3A_53 = vector.broadcast %div3A_52 : vector<1x128xf32> to vector<10000x128xf32>
    %sub3A_54 = arith.subf %dot_general3A_46, %sub3A_53 : vector<10000x128xf32>
    %mul3A_55 = arith.mulf %sub3A_54, %sub3A_54 : vector<10000x128xf32>
    %reduce_sum3A_56 = arith.constant dense<0.000000e+00> : vector<128xf32>
    %reduce_sum3A_57 = vector.multi_reduction <add>, %mul3A_55, %reduce_sum3A_56 [0] : vector<10000x128xf32> to vector<128xf32>
    %broadcast_in_dim3A_58 = vector.shape_cast %reduce_sum3A_57 : vector<128xf32> to vector<1x128xf32>
    %div3A_59 = arith.constant 1.000000e+04 : f32
    %div3A_60 = vector.broadcast %div3A_59 : f32 to vector<1x128xf32>
    %div3A_61 = arith.divf %broadcast_in_dim3A_58, %div3A_60 : vector<1x128xf32>
    %add3A_62 = arith.constant 9.99999974E-6 : f32
    %add3A_63 = vector.broadcast %add3A_62 : f32 to vector<1x128xf32>
    %add3A_64 = arith.addf %div3A_61, %add3A_63 : vector<1x128xf32>
    %rsqrt3A_65 = math.rsqrt %add3A_64 : vector<1x128xf32>
    %mul3A_66 = vector.broadcast %rsqrt3A_65 : vector<1x128xf32> to vector<10000x128xf32>
    %mul3A_67 = arith.mulf %sub3A_54, %mul3A_66 : vector<10000x128xf32>
    %mul3A_68 = vector.broadcast %get3A_19 : vector<1x128xf32> to vector<10000x128xf32>
    %mul3A_69 = arith.mulf %mul3A_67, %mul3A_68 : vector<10000x128xf32>
    %add3A_70 = vector.broadcast %get3A_22 : vector<1x128xf32> to vector<10000x128xf32>
    %add3A_71 = arith.addf %mul3A_69, %add3A_70 : vector<10000x128xf32>
    %max3A_72 = arith.constant 0.000000e+00 : f32
    %max3A_73 = vector.broadcast %max3A_72 : f32 to vector<10000x128xf32>
    %max3A_74 = arith.maximumf %add3A_71, %max3A_73 : vector<10000x128xf32>
    %swap3A = arith.constant 0 : index
    %swap3A_75 = arith.constant 0 : index
    %swap3A_76 = vector.load %arg9[%swap3A, %swap3A_75] : memref<10000x128xf32, #tpu.memory_space<vmem>>, vector<10000x128xf32>
    tpu.vector_store %arg9[%swap3A, %swap3A_75], %max3A_74 {strides = array<i32>} : memref<10000x128xf32, #tpu.memory_space<vmem>>, vector<10000x128xf32>,
    %reduce_sum3A_77 = arith.constant dense<0.000000e+00> : vector<128xf32>
    %reduce_sum3A_78 = vector.multi_reduction <add>, %max3A_74, %reduce_sum3A_77 [0] : vector<10000x128xf32> to vector<128xf32>
    %broadcast_in_dim3A_79 = vector.shape_cast %reduce_sum3A_78 : vector<128xf32> to vector<1x128xf32>
    %get3A_80 = arith.constant 0 : index
    %get3A_81 = arith.constant 0 : index
    %get3A_82 = vector.load %arg8[%get3A_80, %get3A_81] : memref<128x16xf32, #tpu.memory_space<vmem>>, vector<128x16xf32>
    %dot_general3A_83 = arith.constant dense<0.000000e+00> : vector<1x16xf32>
    %dot_general3A_84 = tpu.matmul %broadcast_in_dim3A_79, %get3A_82, %dot_general3A_83 {dimension_numbers = #tpu.dot_dimension_numbers<[1], [0], [0], [1], [0, 0, 1, 1], [], []>, transpose_lhs_hint = false} : vector<1x128xf32>, vector<128x16xf32>, vector<1x16xf32> -> vector<1x16xf32>
    %swap3A_85 = arith.constant 0 : index
    %swap3A_86 = arith.constant 0 : index
    %swap3A_87 = vector.load %arg10[%swap3A_85, %swap3A_86] : memref<1x16xf32, #tpu.memory_space<vmem>>, vector<1x16xf32>
    tpu.vector_store %arg10[%swap3A_85, %swap3A_86], %dot_general3A_84 {strides = array<i32>} : memref<1x16xf32, #tpu.memory_space<vmem>>, vector<1x16xf32>,
    return
  }
}

module attributes {stable_mosaic.version = 14 : i64} {
  func.func @_tc_last_body(%arg0: memref<10000x128xf32, #tpu.memory_space<vmem>>, %arg1: memref<10000x128xf32, #tpu.memory_space<vmem>>, %arg2: memref<128x128xf32, #tpu.memory_space<vmem>>, %arg3: memref<1x128xf32, #tpu.memory_space<vmem>>, %arg4: memref<1x128xf32, #tpu.memory_space<vmem>>, %arg5: memref<128x1xf32, #tpu.memory_space<vmem>>, %arg6: memref<1x1xf32, #tpu.memory_space<vmem>>, %arg7: memref<1x1xf32, #tpu.memory_space<vmem>>, %arg8: memref<1x16xf32, #tpu.memory_space<vmem>>, %arg9: memref<6x16xf32, #tpu.memory_space<vmem>>, %arg10: memref<7x16xf32, #tpu.memory_space<vmem>>, %arg11: memref<1x16xf32, #tpu.memory_space<vmem>>) attributes {dimension_semantics = [], scalar_prefetch = 0 : i64, scratch_operands = 0 : i64, tpu.core_type = #tpu.core_type<tc>} {
    %get3A = arith.constant 0 : index
    %get3A_0 = arith.constant 0 : index
    %get3A_1 = vector.load %arg0[%get3A, %get3A_0] : memref<10000x128xf32, #tpu.memory_space<vmem>>, vector<10000x128xf32>
    %get3A_2 = arith.constant 0 : index
    %get3A_3 = arith.constant 0 : index
    %get3A_4 = vector.load %arg1[%get3A_2, %get3A_3] : memref<10000x128xf32, #tpu.memory_space<vmem>>, vector<10000x128xf32>
    %add3A = arith.addf %get3A_1, %get3A_4 : vector<10000x128xf32>
    %get3A_5 = arith.constant 0 : index
    %get3A_6 = arith.constant 0 : index
    %get3A_7 = vector.load %arg2[%get3A_5, %get3A_6] : memref<128x128xf32, #tpu.memory_space<vmem>>, vector<128x128xf32>
    %get3A_8 = arith.constant 0 : index
    %get3A_9 = arith.constant 0 : index
    %get3A_10 = vector.load %arg3[%get3A_8, %get3A_9] : memref<1x128xf32, #tpu.memory_space<vmem>>, vector<1x128xf32>
    %get3A_11 = arith.constant 0 : index
    %get3A_12 = arith.constant 0 : index
    %get3A_13 = vector.load %arg4[%get3A_11, %get3A_12] : memref<1x128xf32, #tpu.memory_space<vmem>>, vector<1x128xf32>
    %get3A_14 = arith.constant 0 : index
    %get3A_15 = arith.constant 0 : index
    %get3A_16 = vector.load %arg5[%get3A_14, %get3A_15] : memref<128x1xf32, #tpu.memory_space<vmem>>, vector<128x1xf32>
    %get3A_17 = arith.constant 0 : index
    %get3A_18 = arith.constant 0 : index
    %get3A_19 = vector.load %arg6[%get3A_17, %get3A_18] : memref<1x1xf32, #tpu.memory_space<vmem>>, vector<1x1xf32>
    %get3A_20 = arith.constant 0 : index
    %get3A_21 = arith.constant 0 : index
    %get3A_22 = vector.load %arg7[%get3A_20, %get3A_21] : memref<1x1xf32, #tpu.memory_space<vmem>>, vector<1x1xf32>
    %dot_general3A = arith.constant dense<0.000000e+00> : vector<10000x128xf32>
    %dot_general3A_23 = tpu.matmul %add3A, %get3A_7, %dot_general3A {dimension_numbers = #tpu.dot_dimension_numbers<[1], [0], [0], [1], [0, 0, 1, 1], [], []>, transpose_lhs_hint = false} : vector<10000x128xf32>, vector<128x128xf32>, vector<10000x128xf32> -> vector<10000x128xf32>
    %reduce_sum3A = arith.constant dense<0.000000e+00> : vector<128xf32>
    %reduce_sum3A_24 = vector.multi_reduction <add>, %dot_general3A_23, %reduce_sum3A [0] : vector<10000x128xf32> to vector<128xf32>
    %broadcast_in_dim3A = vector.shape_cast %reduce_sum3A_24 : vector<128xf32> to vector<1x128xf32>
    %div3A = arith.constant 1.000000e+04 : f32
    %div3A_25 = vector.broadcast %div3A : f32 to vector<1x128xf32>
    %div3A_26 = arith.divf %broadcast_in_dim3A, %div3A_25 : vector<1x128xf32>
    %sub3A = vector.broadcast %div3A_26 : vector<1x128xf32> to vector<10000x128xf32>
    %sub3A_27 = arith.subf %dot_general3A_23, %sub3A : vector<10000x128xf32>
    %mul3A = arith.mulf %sub3A_27, %sub3A_27 : vector<10000x128xf32>
    %reduce_sum3A_28 = arith.constant dense<0.000000e+00> : vector<128xf32>
    %reduce_sum3A_29 = vector.multi_reduction <add>, %mul3A, %reduce_sum3A_28 [0] : vector<10000x128xf32> to vector<128xf32>
    %broadcast_in_dim3A_30 = vector.shape_cast %reduce_sum3A_29 : vector<128xf32> to vector<1x128xf32>
    %div3A_31 = arith.constant 1.000000e+04 : f32
    %div3A_32 = vector.broadcast %div3A_31 : f32 to vector<1x128xf32>
    %div3A_33 = arith.divf %broadcast_in_dim3A_30, %div3A_32 : vector<1x128xf32>
    %add3A_34 = arith.constant 9.99999974E-6 : f32
    %add3A_35 = vector.broadcast %add3A_34 : f32 to vector<1x128xf32>
    %add3A_36 = arith.addf %div3A_33, %add3A_35 : vector<1x128xf32>
    %rsqrt3A = math.rsqrt %add3A_36 : vector<1x128xf32>
    %mul3A_37 = vector.broadcast %rsqrt3A : vector<1x128xf32> to vector<10000x128xf32>
    %mul3A_38 = arith.mulf %sub3A_27, %mul3A_37 : vector<10000x128xf32>
    %mul3A_39 = vector.broadcast %get3A_10 : vector<1x128xf32> to vector<10000x128xf32>
    %mul3A_40 = arith.mulf %mul3A_38, %mul3A_39 : vector<10000x128xf32>
    %add3A_41 = vector.broadcast %get3A_13 : vector<1x128xf32> to vector<10000x128xf32>
    %add3A_42 = arith.addf %mul3A_40, %add3A_41 : vector<10000x128xf32>
    %max3A = arith.constant 0.000000e+00 : f32
    %max3A_43 = vector.broadcast %max3A : f32 to vector<10000x128xf32>
    %max3A_44 = arith.maximumf %add3A_42, %max3A_43 : vector<10000x128xf32>
    %dot_general3A_45 = arith.constant dense<0.000000e+00> : vector<10000x1xf32>
    %dot_general3A_46 = tpu.matmul %max3A_44, %get3A_16, %dot_general3A_45 {dimension_numbers = #tpu.dot_dimension_numbers<[1], [0], [0], [1], [0, 0, 1, 1], [], []>, transpose_lhs_hint = false} : vector<10000x128xf32>, vector<128x1xf32>, vector<10000x1xf32> -> vector<10000x1xf32>
    %reduce_sum3A_47 = arith.constant dense<0.000000e+00> : vector<1xf32>
    %reduce_sum3A_48 = vector.multi_reduction <add>, %dot_general3A_46, %reduce_sum3A_47 [0] : vector<10000x1xf32> to vector<1xf32>
    %broadcast_in_dim3A_49 = vector.shape_cast %reduce_sum3A_48 : vector<1xf32> to vector<1x1xf32>
    %div3A_50 = arith.constant 1.000000e+04 : f32
    %div3A_51 = vector.broadcast %div3A_50 : f32 to vector<1x1xf32>
    %div3A_52 = arith.divf %broadcast_in_dim3A_49, %div3A_51 : vector<1x1xf32>
    %sub3A_53 = vector.broadcast %div3A_52 : vector<1x1xf32> to vector<10000x1xf32>
    %sub3A_54 = arith.subf %dot_general3A_46, %sub3A_53 : vector<10000x1xf32>
    %mul3A_55 = arith.mulf %sub3A_54, %sub3A_54 : vector<10000x1xf32>
    %reduce_sum3A_56 = arith.constant dense<0.000000e+00> : vector<1xf32>
    %reduce_sum3A_57 = vector.multi_reduction <add>, %mul3A_55, %reduce_sum3A_56 [0] : vector<10000x1xf32> to vector<1xf32>
    %broadcast_in_dim3A_58 = vector.shape_cast %reduce_sum3A_57 : vector<1xf32> to vector<1x1xf32>
    %div3A_59 = arith.constant 1.000000e+04 : f32
    %div3A_60 = vector.broadcast %div3A_59 : f32 to vector<1x1xf32>
    %div3A_61 = arith.divf %broadcast_in_dim3A_58, %div3A_60 : vector<1x1xf32>
    %add3A_62 = arith.constant 9.99999974E-6 : f32
    %add3A_63 = vector.broadcast %add3A_62 : f32 to vector<1x1xf32>
    %add3A_64 = arith.addf %div3A_61, %add3A_63 : vector<1x1xf32>
    %rsqrt3A_65 = math.rsqrt %add3A_64 : vector<1x1xf32>
    %mul3A_66 = vector.broadcast %rsqrt3A_65 : vector<1x1xf32> to vector<10000x1xf32>
    %mul3A_67 = arith.mulf %sub3A_54, %mul3A_66 : vector<10000x1xf32>
    %mul3A_68 = vector.broadcast %get3A_19 : vector<1x1xf32> to vector<10000x1xf32>
    %mul3A_69 = arith.mulf %mul3A_67, %mul3A_68 : vector<10000x1xf32>
    %add3A_70 = vector.broadcast %get3A_22 : vector<1x1xf32> to vector<10000x1xf32>
    %add3A_71 = arith.addf %mul3A_69, %add3A_70 : vector<10000x1xf32>
    %max3A_72 = arith.constant 0.000000e+00 : f32
    %max3A_73 = vector.broadcast %max3A_72 : f32 to vector<10000x1xf32>
    %max3A_74 = arith.maximumf %add3A_71, %max3A_73 : vector<10000x1xf32>
    %reduce_sum3A_75 = arith.constant dense<0.000000e+00> : vector<1xf32>
    %reduce_sum3A_76 = vector.multi_reduction <add>, %max3A_74, %reduce_sum3A_75 [0] : vector<10000x1xf32> to vector<1xf32>
    %broadcast_in_dim3A_77 = vector.shape_cast %reduce_sum3A_76 : vector<1xf32> to vector<1x1xf32>
    %get3A_78 = arith.constant 0 : index
    %get3A_79 = arith.constant 0 : index
    %get3A_80 = vector.load %arg8[%get3A_78, %get3A_79] : memref<1x16xf32, #tpu.memory_space<vmem>>, vector<1x16xf32>
    %dot_general3A_81 = arith.constant dense<0.000000e+00> : vector<1x16xf32>
    %dot_general3A_82 = tpu.matmul %broadcast_in_dim3A_77, %get3A_80, %dot_general3A_81 {dimension_numbers = #tpu.dot_dimension_numbers<[1], [0], [0], [1], [0, 0, 1, 1], [], []>, transpose_lhs_hint = false} : vector<1x1xf32>, vector<1x16xf32>, vector<1x16xf32> -> vector<1x16xf32>
    %get3A_83 = arith.constant 0 : index
    %get3A_84 = arith.constant 0 : index
    %get3A_85 = vector.load %arg9[%get3A_83, %get3A_84] : memref<6x16xf32, #tpu.memory_space<vmem>>, vector<6x16xf32>
    %reduce_sum3A_86 = arith.constant dense<0.000000e+00> : vector<16xf32>
    %reduce_sum3A_87 = vector.multi_reduction <add>, %get3A_85, %reduce_sum3A_86 [0] : vector<6x16xf32> to vector<16xf32>
    %broadcast_in_dim3A_88 = vector.shape_cast %reduce_sum3A_87 : vector<16xf32> to vector<1x16xf32>
    %add3A_89 = arith.addf %dot_general3A_82, %broadcast_in_dim3A_88 : vector<1x16xf32>
    %get3A_90 = arith.constant 0 : index
    %get3A_91 = arith.constant 0 : index
    %get3A_92 = vector.load %arg10[%get3A_90, %get3A_91] : memref<7x16xf32, #tpu.memory_space<vmem>>, vector<7x16xf32>
    %reduce_sum3A_93 = arith.constant dense<0.000000e+00> : vector<16xf32>
    %reduce_sum3A_94 = vector.multi_reduction <add>, %get3A_92, %reduce_sum3A_93 [0] : vector<7x16xf32> to vector<16xf32>
    %broadcast_in_dim3A_95 = vector.shape_cast %reduce_sum3A_94 : vector<16xf32> to vector<1x16xf32>
    %add3A_96 = arith.addf %add3A_89, %broadcast_in_dim3A_95 : vector<1x16xf32>
    %reduce_max3A = arith.constant dense<0xFF800000> : vector<1xf32>
    %reduce_max3A_97 = vector.multi_reduction <maximumf>, %add3A_96, %reduce_max3A [1] : vector<1x16xf32> to vector<1xf32>
    %broadcast_in_dim3A_98 = vector.shape_cast %reduce_max3A_97 : vector<1xf32> to vector<1x1xf32>
    %sub3A_99 = vector.broadcast %broadcast_in_dim3A_98 : vector<1x1xf32> to vector<1x16xf32>
    %sub3A_100 = arith.subf %add3A_96, %sub3A_99 : vector<1x16xf32>
    %exp3A = math.exp %sub3A_100 : vector<1x16xf32>
    %reduce_sum3A_101 = arith.constant dense<0.000000e+00> : vector<1xf32>
    %reduce_sum3A_102 = vector.multi_reduction <add>, %exp3A, %reduce_sum3A_101 [1] : vector<1x16xf32> to vector<1xf32>
    %broadcast_in_dim3A_103 = vector.shape_cast %reduce_sum3A_102 : vector<1xf32> to vector<1x1xf32>
    %log3A = math.log %broadcast_in_dim3A_103 : vector<1x1xf32>
    %sub3A_104 = vector.broadcast %log3A : vector<1x1xf32> to vector<1x16xf32>
    %sub3A_105 = arith.subf %sub3A_100, %sub3A_104 : vector<1x16xf32>
    %swap3A = arith.constant 0 : index
    %swap3A_106 = arith.constant 0 : index
    %swap3A_107 = vector.load %arg11[%swap3A, %swap3A_106] : memref<1x16xf32, #tpu.memory_space<vmem>>, vector<1x16xf32>
    tpu.vector_store %arg11[%swap3A, %swap3A_106], %sub3A_105 {strides = array<i32>} : memref<1x16xf32, #tpu.memory_space<vmem>>, vector<1x16xf32>,
    return
  }
}

</mosaic_0001>

<sc_bundles>
// kernel: kernel.14.cloned.1.call-start
scs
__scs_entry_jumppad:
0x0: {  	(pc) =	sbr.rel $0x88, $3  }
0x1: {  	(tag) =	ssettag $0x0;
	lr =	simm.s32 $0x1  }
0x2: {  	[smem:$0x3F6D] =	sst lr;
	_ =	strace $0xD0000000  }
0x3: {  	_ = 	snop  }
0x4: {  	_ = 	snop  }
0x5: {  	_ = 	snop  }
0x6: {  	_ = 	snop  }
0x7: {  	_ = 	snop  }
__scs_overlays_trampoline_lowered:
0x8: {  	[smem:$0x3F7C] =	sst s0  }
0x9: {  	[smem:$0x3F7D] =	sst s1  }
0xa: {  	[smem:$0x3F7E] =	sst s2  }
0xb: {  	[smem:$0x3F7F] =	sst s3  }
0xc: {  	[smem:$0x3F80] =	sst s4  }
0xd: {  	[smem:$0x3F81] =	sst s5  }
0xe: {  	[smem:$0x3F82] =	sst s6  }
0xf: {  	[smem:$0x3F83] =	sst s7  }
0x10: {  	[smem:$0x3F84] =	sst s8  }
0x11: {  	[smem:$0x3F85] =	sst s9;
	s0 =	simm.s32 @!p0 $0x0  }
0x12: {  	s1 =	sld [smem:$0x3F6B];
	s0 =	simm.s32 @p0 $0x1  }
0x13: {  	[smem:$0x3F86] =	sst s0;
	s0 =	simm.s32 @!p1 $0x0  }
0x14: {  	s2 =	sld [smem:$0x3F6A];
	s0 =	simm.s32 @p1 $0x1  }
0x15: {  	[smem:$0x3F87] =	sst s0;
	s0 =	simm.s32 @!p2 $0x0  }
0x16: {  	s3 =	sld [smem:$0x3FDB];
	s0 =	simm.s32 @p2 $0x1  }
0x17: {  	s4 =	simm.s32 $0x1BF5;
	[smem:$0x3F89] =	sst s0  }
0x18: {  	s0 =	sld [smem:$0x3F6C];
	_ =	swait.ge [sflag:s4], $0x0  }
0x19: {  	s7 =	sld [smem:$0x3F6D]  }
0x1a: {  	s8 =	sadd.s32 $0xFFFFE003, lr  }
0x1b: {  	s9 =	sadd.s32 $0xFFFFFEF7, lr;
	s5 =	simm.s32 $0xFFFFFFFF;
	p2 =	slt.u32 s8, $0xFFFFF086  }
0x1c: {  	p1 =	slt.u32 s9, $0xF7A;
	s5 =	simm.s32 @!p2 $0x0  }
0x1d: {  	s5 =	simm.s32 @p1 $0x1;
	p0 =	seq.s32 s7, s2  }
0x1e: {  	s7 =	smul.u32 @!p0 $0xF7A, s2;
	p2 =	seq.s32 @!p0 s5, $0x0  }
0x1f: {  	s9 =	smul.u32 $0xF7A, s1;
	s8 =	simm.s32 @!p0 $0x1BF5;
	p2 =	por !p2, p0  }
0x20: {  	[sflag:s8] =	ssyncset.s32 @!p0 $0xFFFFF086;
	s6 =	sadd.s32 @!p0 s3, s7;
	s7 =	simm.s32 @!p0 $0x108  }
0x21: {  	s3 =	sadd.s32 s3, s9;
	s6 =	sadd.s32 @!p0 $0x88, s6;
	s7 =	simm.s32 @p2 $0x1082  }
0x22: {  	[simem:s7], [sflag:s8] =	dma.local @!p0 [hbm:s6], $0xF7A  }
0x23: {  	s9 =	sor.u32 $0xD0000000, s2;
	s6 =	simm.s32 $0x108;
	_ =	swait.ge @!p0 [sflag:s8], $0x0  }
0x24: {  	s3 =	sadd.s32 $0x88, s3;
	s6 =	simm.s32 @!p1 $0x1082;
	[sflag:s4] =	ssyncset.s32 $0xFFFFF086  }
0x25: {  	[simem:s6], [sflag:s4] =	dma.local [hbm:s3], $0xF7A  }
0x26: {  	[smem:$0x3F6D] =	sst s1;
	(tag) =	ssettag s2;
	_ =	strace s9  }
0x27: {  	s1 =	sld [smem:$0x3F7D]  }
0x28: {  	s2 =	sld [smem:$0x3F7E]  }
0x29: {  	s4 =	sld [smem:$0x3F80]  }
0x2a: {  	p0 =	seq.s32 s5, $0x0;
	s5 =	sld [smem:$0x3F81]  }
0x2b: {  	s6 =	sld [smem:$0x3F82]  }
0x2c: {  	s7 =	sld [smem:$0x3F83]  }
0x2d: {  	s3 =	simm.s32 $0x108;
	s8 =	sld [smem:$0x3F84]  }
0x2e: {  	s3 =	simm.s32 @!p0 $0x1082;
	s9 =	sld [smem:$0x3F85]  }
0x2f: {  	lr =	sadd.s32 s0, s3;
	s0 =	sld [smem:$0x3F7C]  }
0x30: {  	s3 =	sld [smem:$0x3F7F]  }
0x31: {  	[smem:$0x3F88] =	sst s10  }
0x32: {  	s10 =	sld [smem:$0x3F86];
	_ =	sdelay $0x3  }
0x33: {  	p0 =	seq.s32 s10, $0x1;
	s10 =	sld [smem:$0x3F88];
	_ =	sdelay $0x3  }
0x34: {  	[smem:$0x3F88] =	sst s10  }
0x35: {  	s10 =	sld [smem:$0x3F87];
	_ =	sdelay $0x3  }
0x36: {  	p1 =	seq.s32 s10, $0x1;
	s10 =	sld [smem:$0x3F88];
	_ =	sdelay $0x3  }
0x37: {  	[smem:$0x3F88] =	sst s10  }
0x38: {  	s10 =	sld [smem:$0x3F89]  }
0x39: {  	_ = 	snop;
	(pc) =	sbr.ind lr, $3  }
0x3a: {  	_ = 	snop  }
0x3b: {  	_ = 	snop  }
0x3c: {  	p2 =	seq.s32 s10, $0x1;
	s10 =	sld [smem:$0x3F88]  }
0x3d: {  	_ =	shalt  }
0x3e: {  	_ =	shalt  }
0x3f: {  	_ =	shalt  }
0x40: {  	_ =	shalt  }
0x41: {  	_ =	shalt  }
0x42: {  	_ =	shalt  }
0x43: {  	_ =	shalt  }
0x44: {  	_ =	shalt  }
0x45: {  	_ =	shalt  }
0x46: {  	_ =	shalt  }
0x47: {  	_ =	shalt  }
0x48: {  	_ =	shalt  }
0x49: {  	_ =	shalt  }
0x4a: {  	_ =	shalt  }
0x4b: {  	_ =	shalt  }
0x4c: {  	_ =	shalt  }
0x4d: {  	_ =	shalt  }
0x4e: {  	_ =	shalt  }
0x4f: {  	_ =	shalt  }
0x50: {  	_ =	shalt  }
0x51: {  	_ =	shalt  }
0x52: {  	_ =	shalt  }
0x53: {  	_ =	shalt  }
0x54: {  	_ =	shalt  }
0x55: {  	_ =	shalt  }
0x56: {  	_ =	shalt  }
0x57: {  	_ =	shalt  }
0x58: {  	_ =	shalt  }
0x59: {  	_ =	shalt  }
0x5a: {  	_ =	shalt  }
0x5b: {  	_ =	shalt  }
0x5c: {  	_ =	shalt  }
0x5d: {  	_ =	shalt  }
0x5e: {  	_ =	shalt  }
0x5f: {  	_ =	shalt  }
0x60: {  	_ =	shalt  }
0x61: {  	_ =	shalt  }
0x62: {  	_ =	shalt  }
0x63: {  	_ =	shalt  }
0x64: {  	_ =	shalt  }
0x65: {  	_ =	shalt  }
0x66: {  	_ =	shalt  }
0x67: {  	_ =	shalt  }
0x68: {  	_ =	shalt  }
0x69: {  	_ =	shalt  }
0x6a: {  	_ =	shalt  }
0x6b: {  	_ =	shalt  }
0x6c: {  	_ =	shalt  }
0x6d: {  	_ =	shalt  }
0x6e: {  	_ =	shalt  }
0x6f: {  	_ =	shalt  }
0x70: {  	_ =	shalt  }
0x71: {  	_ =	shalt  }
0x72: {  	_ =	shalt  }
0x73: {  	_ =	shalt  }
0x74: {  	_ =	shalt  }
0x75: {  	_ =	shalt  }
0x76: {  	_ =	shalt  }
0x77: {  	_ =	shalt  }
0x78: {  	_ =	shalt  }
0x79: {  	_ =	shalt  }
0x7a: {  	_ =	shalt  }
0x7b: {  	_ =	shalt  }
0x7c: {  	_ =	shalt  }
0x7d: {  	_ =	shalt  }
0x7e: {  	_ =	shalt  }
0x7f: {  	_ =	shalt  }
0x80: {  	_ =	shalt  }
0x81: {  	_ =	shalt  }
0x82: {  	_ =	shalt  }
0x83: {  	_ =	shalt  }
0x84: {  	_ =	shalt  }
0x85: {  	_ =	shalt  }
0x86: {  	_ =	shalt  }
0x87: {  	_ =	shalt  }
.Lfunc_end0:
.L_simem_size_0:
called_computation_lowered:
.L_overlay_start_0:
0x88: {  	s2 =	sld [smem:$0x3FD9]  }
0x89: {  	s3 =	sld [smem:$0x3FFE];
	_ =	sdelay $0x1  }
0x8a: {  	s1 =	srdreg.scid  }
0x8b: {  	s0 =	sand.u32 $0x1, s1  }
0x8c: {  	s17 =	sshll.u32 s0, $0xA;
	s2 =	sadd.s32 s3, s2  }
0x8d: {  	s2 =	sadd.s32 s2, s17  }
0x8e: {  	[smem:$0x3F94] =	sst s2  }
0x8f: {  	_ = 	snop  }
0x90: {  	s2 =	sld [smem:$0x3FC9];
	(tm) =	ssettm $0x1  }
0x91: {  	s18 =	sld [smem:$0x3FFB];
	_ =	sdelay $0x3  }
0x92: {  	_ =	strace s18  }
0x93: {  	s3 =	sld [smem:$0x3FFC];
	_ =	sdelay $0x3  }
0x94: {  	_ =	strace s3  }
0x95: {  	s3 =	sld [smem:$0x3FFD];
	_ =	sdelay $0x3  }
0x96: {  	_ =	strace s3  }
0x97: {  	_ =	strace $0x8FFFFFFF  }
0x98: {  	s19 =	sld [smem:$0x3FDB];
	_ =	sdelay $0x1  }
0x99: {  	s4 =	simm.s32 $_scs_section_size  }
0x9a: {  	s5 =	simm.s32 $_size__tile_overlayer_lowered;
	s6 =	simm.s32 $_tile_overlayer_lowered  }
0x9b: {  	s22 =	simm.s32 $0x1BFF;
	s21 =	sshll.u32 s6, $0x1;
	s3 =	sadd.s32 s4, s19  }
0x9c: {  	s7 =	simm.s32 $0x0;
	s20 =	sshll.u32 s5, $0x1;
	s5 =	sadd.s32 s21, s3  }
0x9d: {  	[timem:s7], [sflag:s22] =	dma.local [hbm:s5], s20  }
0x9e: {  	_ =	swait.ge [sflag:s22], s20  }
0x9f: {  	s4 =	ssub.s32 $0x0, s20;
	[sflag:s22] =	ssyncset.done $0x0  }
0xa0: {  	[sflag:s22] =	ssyncadd.s32 s4;
	_ =	sdelay $0x1  }
0xa1: {  	s23 =	simm.s32 $0x1B8B  }
0xa2: {  	_ =	swait.ge [sflag:s23], $0x1  }
0xa3: {  	[sflag:s23] =	ssyncset.done $0x0  }
0xa4: {  	s25 =	simm.s32 $0x1B8E;
	s24 =	sld [smem:$0x3FFE];
	[sflag:s23] =	ssyncadd.s32 $0xFFFFFFFF  }
0xa5: {  	s26 =	simm.s32 $execute0_lowered;
	[smem:$0x3FD2] =	sst s25  }
0xa6: {  	s5 =	sshll.u32 s26, $0x1;
	_ =	strace $0x80000046;
	[dreg:$0x1] =	wrdreg $0xFFFFFFFF  }
0xa7: {  	s28 =	simm.s32 $_size_execute0_lowered;
	s3 =	sadd.s32 s3, s5;
	[dreg:$0x0] =	wrdreg $0x0  }
0xa8: {  	s5 =	sshll.u32 s28, $0x1;
	[dreg:$0x2] =	wrdreg s3  }
0xa9: {  	[dreg:$0x3] =	wrdreg s5  }
0xaa: {  	[dreg:$0x4] =	wrdreg $0xC0  }
0xab: {  	_ =	task [dreg:s7], $0x5FFFF  }
0xac: {  	[dreg:$0x1] =	wrdreg $0xFFFFFFFF  }
0xad: {  	[dreg:$0x0] =	wrdreg $0x60  }
0xae: {  	[dreg:$0x2] =	wrdreg s2  }
0xaf: {  	[dreg:$0x3] =	wrdreg s24  }
0xb0: {  	[dreg:$0x4] =	wrdreg $0x90000  }
0xb1: {  	[dreg:$0x5] =	wrdreg $0x9  }
0xb2: {  	_ =	task.clear_ibuf [dreg:s7], $0x6FFFF;
	_ =	strace $0x90000046  }
0xb3: {  	s29 =	simm.s32 $0x9;
	_ =	strace $0x80000048  }
0xb4: {  	_ =	swait.ge [sflag:s29], $0x1  }
0xb5: {  	[sflag:s29] =	ssyncadd.s32 $0xFFFFFFFF  }
0xb6: {  	_ =	strace $0x90000048  }
0xb7: {  	_ =	sfence  }
0xb8: {  	s30 =	sld [smem:$0x0];
	_ =	sdelay $0x2  }
0xb9: {  	s31 =	sshll.u32 s1, $0xD;
	s1 =	sshrl.u32 s1, $0x2  }
0xba: {  	s3 =	sand.u32 $0x4000, s31;
	s1 =	sadd.s32 s1, s30  }
0xbb: {  	s0 =	sor.u32 s3, s0;
	s1 =	sshll.u32 s1, $0x11  }
0xbc: {  	s0 =	sor.u32 s1, s0  }
0xbd: {  	s0 =	sadd.s32 $0x8F2B, s0  }
0xbe: {  	[sflag:s0] =	ssyncadd.remote.s32 $0x1  }
0xbf: {  	_ =	sfence.sel $0xFFFF  }
0xc0: {  	[dreg:$0x0] =	wrdreg $0xFFFFFFFF;
	(pc) =	sbr.abs _section_cstart, $3  }
0xc1: {  	[dreg:$0x1] =	wrdreg $0xFFFFFFFF  }
0xc2: {  	_ =	task.clear_ibuf [dreg:s7], $0x2FFFF;
	_ =	strace $0x9FFFFFFF  }
0xc3: {  	(tm) =	ssettm $0x7FFFFFFF  }
tec
execute0_lowered:
.L_overlay_start_1:
0x0: {  	(tag) =	ssettag $0x1  }
0x1: {  	s0 =	srdreg.scid;
	s1 =	rddreg [dreg:$0x0]  }
0x2: {  	s4 =	stileid.u32;
	s16 =	rddreg [dreg:$0x1]  }
0x3: {  	s3 =	rddreg [dreg:$0x2];
	s5 =	simm.s32 $0x0;
	s24 =	simm.s32 $0x2  }
0x4: {  	s28 =	simm.s32 $0x5000;
	s29 =	simm.s32 $0x1;
	s30 =	simm.s32 $0x0  }
0x5: {  	s0 =	sand.u32 $0x1, s0;
	s8 =	smul.u32 $0x2700, s4;
	[smem:$0x7FF] =	sst s5  }
0x6: {  	s26 =	smul.u32 $0x4E000, s4;
	s21 =	sadd.s32 $0x124800, s3;
	s9 =	sadd.s32 $0x24900, s1  }
0x7: {  	s23 =	sadd.s32 $0x138800, s3;
	s10 =	sadd.s32 $0x46D00, s16;
	s14 =	sadd.s32 $0x92900, s16  }
0x8: {  	s2 =	sshll.u32 s0, $0x4;
	_ =	strace $0x80000047;
	s6 =	ssub.s32 $0x2, s0  }
0x9: {  	s19 =	sor.u32 s4, s0;
	p3 =	sne.s32 s0, $0x0;
	s2 =	sor.u32 s4, s2  }
0xa: {  	s15 =	sadd.s32 s8, s16;
	s7 =	sshrl.u32 s6, $0x1;
	s5 =	sshrl.u32 s26, $0x2  }
0xb: {  	s8 =	sadd.s32 s1, s8;
	p1 =	seq.s32 @p3 s4, $0xF;
	p4 =	seq.s32 @!p3 s4, $0xF  }
0xc: {  	s26 =	simm.s32 $0x80;
	s2 =	smul.u32 $0x500, s2;
	s17 =	ssub.s32 s6, s7  }
0xd: {  	s5 =	sadd.s32 s5, s3;
	s31 =	sadd.s32 $0x1FC00, s15;
	s7 =	sadd.s32 $0x44500, s16  }
0xe: {  	s13 =	sadd.s32 $0x6E000, s15;
	s15 =	sadd.s32 $0x46E00, s15;
	p0 =	por !p1, !p3  }
0xf: {  	p1 =	por p1, !p3;
	p2 =	por !p4, p3;
	p3 =	por p4, p3  }
0x10: {  	p4 =	sne.s32 s19, $0x0;
	[dreg:$0x4] =	wrdreg s31;
	s17 =	smax.u32 s17, $0x1  }
0x11: {  	s18 =	sshrl.u32 @!p0 s21, $0x3;
	s0 =	sshll.u32 @!p1 s4, $0x6;
	s20 =	sshrl.u32 @!p1 s5, $0x3  }
0x12: {  	s21 =	sshrl.u32 @!p2 s21, $0x3;
	s23 =	sshrl.u32 @!p4 s23, $0x3;
	s2 =	sadd.s32 s2, s16  }
0x13: {  	s16 =	sadd.s32 $0x6B700, s16;
	s19 =	sor.u32 @!p1 $0x1C02, s0;
	s0 =	sshll.u32 @!p4 s4, $0x6  }
0x14: {  	s11 =	sadd.s32 $0xBC00, s2;
	s12 =	sadd.s32 $0x15C00, s2;
	s22 =	sor.u32 @!p4 $0x1C02, s0  }
.LBB2_1:
0x15: {  	s0 =	simm.s32 @!p0 $0x1FC2  }
0x16: {  	[spmem:s18], [sflag:s0] =	dma.local @!p0 [hbm:s7], $0x2800  }
0x17: {  	s0 =	simm.s32 @!p0 $0x2  }
0x18: {  	_ =	swait.ge @!p0 [sflag:s0], $0x2800  }
0x19: {  	[sflag:s0] =	ssyncset.done @!p0 $0x0  }
0x1a: {  	[sflag:s0] =	ssyncadd.s32 @!p0 $0xFFFFD800;
	s0 =	rddreg [dreg:$0x4]  }
0x1b: {  	[spmem:s20], [sflag:s19] =	dma.local @!p1 [hbm:s0], $0x2700  }
0x1c: {  	s0 =	simm.s32 @!p1 $0x2  }
0x1d: {  	_ =	swait.ge @!p1 [sflag:s0], $0x2700  }
0x1e: {  	[sflag:s0] =	ssyncset.done @!p1 $0x0  }
0x1f: {  	[sflag:s0] =	ssyncadd.s32 @!p1 $0xFFFFD900;
	s0 =	simm.s32 @!p2 $0x1FC2  }
0x20: {  	[spmem:s21], [sflag:s0] =	dma.local @!p2 [hbm:s9], $0x2800  }
0x21: {  	s2 =	stileid.u32;
	s0 =	simm.s32 @!p2 $0x2  }
0x22: {  	s2 =	sshll.u32 @!p3 s2, $0x6;
	_ =	swait.ge @!p2 [sflag:s0], $0x2800  }
0x23: {  	s31 =	sor.u32 @!p3 $0x1C02, s2;
	[sflag:s0] =	ssyncset.done @!p2 $0x0  }
0x24: {  	s2 =	sshrl.u32 @!p3 s5, $0x3;
	[sflag:s0] =	ssyncadd.s32 @!p2 $0xFFFFD800;
	s0 =	simm.s32 @!p3 $0x2  }
0x25: {  	[spmem:s2], [sflag:s31] =	dma.local @!p3 [hbm:s8], $0x2700  }
0x26: {  	_ =	swait.ge @!p3 [sflag:s0], $0x2700  }
0x27: {  	[sflag:s0] =	ssyncset.done @!p3 $0x0  }
0x28: {  	[sflag:s0] =	ssyncadd.s32 @!p3 $0xFFFFD900;
	s0 =	simm.s32 @!p4 $0x2  }
0x29: {  	[spmem:s23], [sflag:s22] =	dma.local @!p4 [hbm:s10], $0x100  }
0x2a: {  	_ =	swait.ge @!p4 [sflag:s0], $0x100  }
0x2b: {  	[sflag:s0] =	ssyncset.done @!p4 $0x0  }
0x2c: {  	s25 =	simm.s32 $0x0;
	[sflag:s0] =	ssyncadd.s32 @!p4 $0xFFFFFF00  }
0x2d: {  	[tilespmem:s25], [sflag:$0x2] =	stream.linear.gather [hbm4b:s11+s25], $0x2780, $0x38;
	[tilespmem:$0x1C900] =	vst v63  }
0x2e: {  	_ =	swait.ge [sflag:s24], $0x2780  }
0x2f: {  	[sflag:s24] =	ssyncset.done $0x0  }
0x30: {  	s4 =	simm.s32 $0x2800;
	[sflag:s24] =	ssyncadd.s32 $0xFFFFD880  }
0x31: {  	[tilespmem:s4], [sflag:$0x2] =	stream.linear.gather [hbm4b:s12+s25], $0x2780, $0x38;
	[tilespmem:$0x1C900] =	vst v63  }
0x32: {  	_ =	swait.ge [sflag:s24], $0x2780  }
0x33: {  	[sflag:s24] =	ssyncset.done $0x0  }
0x34: {  	[sflag:s24] =	ssyncadd.s32 $0xFFFFD880  }
0x35: {  	s6 =	simm.s32 $0x0;
	[bflag:$0x0] =	sbarrier.arrive $0xFFFF  }
0x36: {  	[tilespmem:s28], [sflag:$0x1] =	stream.indirect.gather [hbm4b:s1+s26], $0x80, s6, s26, $0xb8;
	[tilespmem:$0x1C900] =	vst v63  }
0x37: {  	_ =	swait.ge [sflag:s29], $0x4000  }
0x38: {  	[sflag:s29] =	ssyncset.done $0x0  }
0x39: {  	s25 =	simm.s32 $0x2800;
	[sflag:s29] =	ssyncadd.s32 $0xFFFFC000  }
0x3a: {  	[spmem:s3] =	stream.indirect.scatter.add.f32 [tilespmem:s28], [sflag:$0x2], $0x80, s25, s26, $0xb8;
	[tilespmem:$0x1C900] =	vst v63  }
0x3b: {  	_ =	swait.ge [sflag:s24], $0x4000  }
0x3c: {  	s0 =	simm.s32 $0x200;
	s25 =	simm.s32 $0x400;
	[sflag:s24] =	ssyncset.done $0x0  }
.LBB2_2:
0x3d: {  	s4 =	sshra.s32 s0, $0x2  }
0x3e: {  	[sflag:s24] =	ssyncadd.s32 $0xFFFFC000;
	s0 =	smov.u32 s25;
	s6 =	sadd.s32 $0x200, s25  }
0x3f: {  	[tilespmem:s28], [sflag:$0x1] =	stream.indirect.gather [hbm4b:s1+s26], $0x80, s4, s26, $0xb8;
	[tilespmem:$0x1C900] =	vst v63  }
0x40: {  	p5 =	sne.s32 s25, $0x9C00;
	_ =	swait.ge [sflag:s29], $0x4000  }
.Ltmp0:
0x41: {  	[sflag:s29] =	ssyncset.done $0x0;
	(pc) =	sbr.rel @p5 .LBB2_2-.Ltmp0, $4  }
0x42: {  	s4 =	sadd.s32 $0x2800, s4;
	[sflag:s29] =	ssyncadd.s32 $0xFFFFC000  }
0x43: {  	[spmem:s3] =	stream.indirect.scatter.add.f32 [tilespmem:s28], [sflag:$0x2], $0x80, s4, s26, $0xb8;
	[tilespmem:$0x1C900] =	vst v63  }
0x44: {  	_ =	swait.ge [sflag:s24], $0x4000  }
0x45: {  	s25 =	smov.u32 s6;
	[sflag:s24] =	ssyncset.done $0x0  }
0x46: {  	s0 =	sshra.s32 s0, $0x2;
	[sflag:s24] =	ssyncadd.s32 $0xFFFFC000  }
0x47: {  	[tilespmem:s28], [sflag:$0x1] =	stream.indirect.gather [hbm4b:s1+s26], $0x80, s0, s26, $0xb8;
	[tilespmem:$0x1C900] =	vst v63  }
0x48: {  	_ =	swait.ge [sflag:s29], $0x4000  }
0x49: {  	[sflag:s29] =	ssyncset.done $0x0  }
0x4a: {  	s0 =	sadd.s32 $0x2800, s0;
	[sflag:s29] =	ssyncadd.s32 $0xFFFFC000  }
0x4b: {  	[spmem:s3] =	stream.indirect.scatter.add.f32 [tilespmem:s28], [sflag:$0x2], $0x80, s0, s26, $0xb8;
	[tilespmem:$0x1C900] =	vst v63  }
0x4c: {  	_ =	swait.ge [sflag:s24], $0x4000  }
0x4d: {  	[sflag:s24] =	ssyncset.done $0x0  }
0x4e: {  	[sflag:s24] =	ssyncadd.s32 $0xFFFFC000  }
0x4f: {  	s0 =	simm.s32 @!p0 $0x1FC2;
	[bflag:$0x0] =	sbarrier.arrive $0xFFFF  }
0x50: {  	[hbm:s14], [sflag:s0] =	dma.local @!p0 [spmem:s18], $0x2800  }
0x51: {  	s0 =	simm.s32 @!p0 $0x2  }
0x52: {  	_ =	swait.ge @!p0 [sflag:s0], $0x2800  }
0x53: {  	[sflag:s0] =	ssyncset.done @!p0 $0x0  }
0x54: {  	[sflag:s0] =	ssyncadd.s32 @!p0 $0xFFFFD800;
	s0 =	simm.s32 @!p1 $0x2  }
0x55: {  	[hbm:s13], [sflag:s19] =	dma.local @!p1 [spmem:s20], $0x2700  }
0x56: {  	_ =	swait.ge @!p1 [sflag:s0], $0x2700  }
0x57: {  	[sflag:s0] =	ssyncset.done @!p1 $0x0  }
0x58: {  	[sflag:s0] =	ssyncadd.s32 @!p1 $0xFFFFD900;
	s0 =	simm.s32 @!p2 $0x1FC2  }
0x59: {  	[hbm:s16], [sflag:s0] =	dma.local @!p2 [spmem:s21], $0x2800  }
0x5a: {  	s0 =	simm.s32 @!p2 $0x2  }
0x5b: {  	s30 =	sadd.s32 $0x1, s30;
	_ =	swait.ge @!p2 [sflag:s0], $0x2800  }
0x5c: {  	p5 =	sne.s32 s30, s17;
	[sflag:s0] =	ssyncset.done @!p2 $0x0  }
.Ltmp1:
0x5d: {  	[sflag:s0] =	ssyncadd.s32 @!p2 $0xFFFFD800;
	s0 =	simm.s32 @!p3 $0x2;
	(pc) =	sbr.rel @p5 .LBB2_1-.Ltmp1, $4  }
0x5e: {  	[hbm:s15], [sflag:s31] =	dma.local @!p3 [spmem:s2], $0x2700  }
0x5f: {  	_ =	swait.ge @!p3 [sflag:s0], $0x2700  }
0x60: {  	[sflag:s0] =	ssyncset.done @!p3 $0x0  }
0x61: {  	[sflag:s0] =	ssyncadd.s32 @!p3 $0xFFFFD900  }
0x62: {  	_ =	sfence.sel $0x180000  }
0x63: {  	[bflag:$0x0] =	sbarrier.arrive $0xFFFF  }
0x64: {  	_ =	strace $0x90000047  }
0x65: {  	s0 =	stileid.u32;
	[bflag:$0x2] =	sbarrier.arrive $0xFFFF  }
0x66: {  	p0 =	sne.s32 s0, $0x0;
	s0 =	rddreg [dreg:$0x3]  }
0x67: {  	s0 =	sadd.s32 @!p0 $0x100000, s0  }
0x68: {  	[sflag:s0] =	ssyncadd.tile.s32 @!p0 $0x1;
	_ =	shalt  }
.Lfunc_end2:
_tile_overlayer_lowered:
.L_overlay_start_2:
0x69: {  	(tag) =	ssettag $0x2  }
0x6a: {  	s0 =	rddreg [dreg:$0x0];
	s2 =	stileid.u32  }
0x6b: {  	s1 =	rddreg [dreg:$0x1];
	p0 =	sne.s32 s2, $0x0  }
0x6c: {  	s3 =	rddreg [dreg:$0x2];
	[bflag:$0x3] =	sbarrier.arrive $0xFFFF;
	s2 =	simm.s32 @!p0 $0x1C02  }
0x6d: {  	[timem:s3], [sflag:s2] =	dma.local @!p0 [hbm:s0], s1  }
0x6e: {  	s0 =	simm.s32 @!p0 $0x2  }
0x6f: {  	_ =	swait.ge @!p0 [sflag:s0], s1  }
0x70: {  	s1 =	ssub.s32 @!p0 $0x0, s1;
	[sflag:s0] =	ssyncset.done @!p0 $0x0  }
0x71: {  	[sflag:s0] =	ssyncadd.s32 @!p0 s1  }
0x72: {  	[bflag:$0x3] =	sbarrier.arrive $0xFFFF  }
0x73: {  	_ =	shalt  }

// kernel: kernel.17.cloned.1.call-start
scs
__scs_entry_jumppad:
0x0: {  	(pc) =	sbr.rel $0x88, $3  }
0x1: {  	(tag) =	ssettag $0x0;
	lr =	simm.s32 $0x1  }
0x2: {  	[smem:$0x3F6D] =	sst lr;
	_ =	strace $0xD0000000  }
0x3: {  	_ = 	snop  }
0x4: {  	_ = 	snop  }
0x5: {  	_ = 	snop  }
0x6: {  	_ = 	snop  }
0x7: {  	_ = 	snop  }
__scs_overlays_trampoline_lowered:
0x8: {  	[smem:$0x3F7C] =	sst s0  }
0x9: {  	[smem:$0x3F7D] =	sst s1  }
0xa: {  	[smem:$0x3F7E] =	sst s2  }
0xb: {  	[smem:$0x3F7F] =	sst s3  }
0xc: {  	[smem:$0x3F80] =	sst s4  }
0xd: {  	[smem:$0x3F81] =	sst s5  }
0xe: {  	[smem:$0x3F82] =	sst s6  }
0xf: {  	[smem:$0x3F83] =	sst s7  }
0x10: {  	[smem:$0x3F84] =	sst s8  }
0x11: {  	[smem:$0x3F85] =	sst s9;
	s0 =	simm.s32 @!p0 $0x0  }
0x12: {  	s1 =	sld [smem:$0x3F6B];
	s0 =	simm.s32 @p0 $0x1  }
0x13: {  	[smem:$0x3F86] =	sst s0;
	s0 =	simm.s32 @!p1 $0x0  }
0x14: {  	s2 =	sld [smem:$0x3F6A];
	s0 =	simm.s32 @p1 $0x1  }
0x15: {  	[smem:$0x3F87] =	sst s0;
	s0 =	simm.s32 @!p2 $0x0  }
0x16: {  	s3 =	sld [smem:$0x3FDB];
	s0 =	simm.s32 @p2 $0x1  }
0x17: {  	s4 =	simm.s32 $0x1BF5;
	[smem:$0x3F89] =	sst s0  }
0x18: {  	s0 =	sld [smem:$0x3F6C];
	_ =	swait.ge [sflag:s4], $0x0  }
0x19: {  	s7 =	sld [smem:$0x3F6D]  }
0x1a: {  	s8 =	sadd.s32 $0xFFFFE003, lr  }
0x1b: {  	s9 =	sadd.s32 $0xFFFFFEF7, lr;
	s5 =	simm.s32 $0xFFFFFFFF;
	p2 =	slt.u32 s8, $0xFFFFF086  }
0x1c: {  	p1 =	slt.u32 s9, $0xF7A;
	s5 =	simm.s32 @!p2 $0x0  }
0x1d: {  	s5 =	simm.s32 @p1 $0x1;
	p0 =	seq.s32 s7, s2  }
0x1e: {  	s7 =	smul.u32 @!p0 $0xF7A, s2;
	p2 =	seq.s32 @!p0 s5, $0x0  }
0x1f: {  	s9 =	smul.u32 $0xF7A, s1;
	s8 =	simm.s32 @!p0 $0x1BF5;
	p2 =	por !p2, p0  }
0x20: {  	[sflag:s8] =	ssyncset.s32 @!p0 $0xFFFFF086;
	s6 =	sadd.s32 @!p0 s3, s7;
	s7 =	simm.s32 @!p0 $0x108  }
0x21: {  	s3 =	sadd.s32 s3, s9;
	s6 =	sadd.s32 @!p0 $0x88, s6;
	s7 =	simm.s32 @p2 $0x1082  }
0x22: {  	[simem:s7], [sflag:s8] =	dma.local @!p0 [hbm:s6], $0xF7A  }
0x23: {  	s9 =	sor.u32 $0xD0000000, s2;
	s6 =	simm.s32 $0x108;
	_ =	swait.ge @!p0 [sflag:s8], $0x0  }
0x24: {  	s3 =	sadd.s32 $0x88, s3;
	s6 =	simm.s32 @!p1 $0x1082;
	[sflag:s4] =	ssyncset.s32 $0xFFFFF086  }
0x25: {  	[simem:s6], [sflag:s4] =	dma.local [hbm:s3], $0xF7A  }
0x26: {  	[smem:$0x3F6D] =	sst s1;
	(tag) =	ssettag s2;
	_ =	strace s9  }
0x27: {  	s1 =	sld [smem:$0x3F7D]  }
0x28: {  	s2 =	sld [smem:$0x3F7E]  }
0x29: {  	s4 =	sld [smem:$0x3F80]  }
0x2a: {  	p0 =	seq.s32 s5, $0x0;
	s5 =	sld [smem:$0x3F81]  }
0x2b: {  	s6 =	sld [smem:$0x3F82]  }
0x2c: {  	s7 =	sld [smem:$0x3F83]  }
0x2d: {  	s3 =	simm.s32 $0x108;
	s8 =	sld [smem:$0x3F84]  }
0x2e: {  	s3 =	simm.s32 @!p0 $0x1082;
	s9 =	sld [smem:$0x3F85]  }
0x2f: {  	lr =	sadd.s32 s0, s3;
	s0 =	sld [smem:$0x3F7C]  }
0x30: {  	s3 =	sld [smem:$0x3F7F]  }
0x31: {  	[smem:$0x3F88] =	sst s10  }
0x32: {  	s10 =	sld [smem:$0x3F86];
	_ =	sdelay $0x3  }
0x33: {  	p0 =	seq.s32 s10, $0x1;
	s10 =	sld [smem:$0x3F88];
	_ =	sdelay $0x3  }
0x34: {  	[smem:$0x3F88] =	sst s10  }
0x35: {  	s10 =	sld [smem:$0x3F87];
	_ =	sdelay $0x3  }
0x36: {  	p1 =	seq.s32 s10, $0x1;
	s10 =	sld [smem:$0x3F88];
	_ =	sdelay $0x3  }
0x37: {  	[smem:$0x3F88] =	sst s10  }
0x38: {  	s10 =	sld [smem:$0x3F89]  }
0x39: {  	_ = 	snop;
	(pc) =	sbr.ind lr, $3  }
0x3a: {  	_ = 	snop  }
0x3b: {  	_ = 	snop  }
0x3c: {  	p2 =	seq.s32 s10, $0x1;
	s10 =	sld [smem:$0x3F88]  }
0x3d: {  	_ =	shalt  }
0x3e: {  	_ =	shalt  }
0x3f: {  	_ =	shalt  }
0x40: {  	_ =	shalt  }
0x41: {  	_ =	shalt  }
0x42: {  	_ =	shalt  }
0x43: {  	_ =	shalt  }
0x44: {  	_ =	shalt  }
0x45: {  	_ =	shalt  }
0x46: {  	_ =	shalt  }
0x47: {  	_ =	shalt  }
0x48: {  	_ =	shalt  }
0x49: {  	_ =	shalt  }
0x4a: {  	_ =	shalt  }
0x4b: {  	_ =	shalt  }
0x4c: {  	_ =	shalt  }
0x4d: {  	_ =	shalt  }
0x4e: {  	_ =	shalt  }
0x4f: {  	_ =	shalt  }
0x50: {  	_ =	shalt  }
0x51: {  	_ =	shalt  }
0x52: {  	_ =	shalt  }
0x53: {  	_ =	shalt  }
0x54: {  	_ =	shalt  }
0x55: {  	_ =	shalt  }
0x56: {  	_ =	shalt  }
0x57: {  	_ =	shalt  }
0x58: {  	_ =	shalt  }
0x59: {  	_ =	shalt  }
0x5a: {  	_ =	shalt  }
0x5b: {  	_ =	shalt  }
0x5c: {  	_ =	shalt  }
0x5d: {  	_ =	shalt  }
0x5e: {  	_ =	shalt  }
0x5f: {  	_ =	shalt  }
0x60: {  	_ =	shalt  }
0x61: {  	_ =	shalt  }
0x62: {  	_ =	shalt  }
0x63: {  	_ =	shalt  }
0x64: {  	_ =	shalt  }
0x65: {  	_ =	shalt  }
0x66: {  	_ =	shalt  }
0x67: {  	_ =	shalt  }
0x68: {  	_ =	shalt  }
0x69: {  	_ =	shalt  }
0x6a: {  	_ =	shalt  }
0x6b: {  	_ =	shalt  }
0x6c: {  	_ =	shalt  }
0x6d: {  	_ =	shalt  }
0x6e: {  	_ =	shalt  }
0x6f: {  	_ =	shalt  }
0x70: {  	_ =	shalt  }
0x71: {  	_ =	shalt  }
0x72: {  	_ =	shalt  }
0x73: {  	_ =	shalt  }
0x74: {  	_ =	shalt  }
0x75: {  	_ =	shalt  }
0x76: {  	_ =	shalt  }
0x77: {  	_ =	shalt  }
0x78: {  	_ =	shalt  }
0x79: {  	_ =	shalt  }
0x7a: {  	_ =	shalt  }
0x7b: {  	_ =	shalt  }
0x7c: {  	_ =	shalt  }
0x7d: {  	_ =	shalt  }
0x7e: {  	_ =	shalt  }
0x7f: {  	_ =	shalt  }
0x80: {  	_ =	shalt  }
0x81: {  	_ =	shalt  }
0x82: {  	_ =	shalt  }
0x83: {  	_ =	shalt  }
0x84: {  	_ =	shalt  }
0x85: {  	_ =	shalt  }
0x86: {  	_ =	shalt  }
0x87: {  	_ =	shalt  }
.Lfunc_end0:
.L_simem_size_0:
called_computation.1_lowered:
.L_overlay_start_0:
0x88: {  	s2 =	sld [smem:$0x3FD9]  }
0x89: {  	s3 =	sld [smem:$0x3FFE];
	_ =	sdelay $0x1  }
0x8a: {  	s1 =	srdreg.scid  }
0x8b: {  	s0 =	sand.u32 $0x1, s1  }
0x8c: {  	s16 =	sshll.u32 s0, $0xA;
	s2 =	sadd.s32 s3, s2  }
0x8d: {  	s2 =	sadd.s32 s2, s16  }
0x8e: {  	[smem:$0x3F94] =	sst s2  }
0x8f: {  	_ = 	snop  }
0x90: {  	(tm) =	ssettm $0x1  }
0x91: {  	s17 =	sld [smem:$0x3FFB];
	_ =	sdelay $0x3  }
0x92: {  	_ =	strace s17  }
0x93: {  	s2 =	sld [smem:$0x3FFC];
	_ =	sdelay $0x3  }
0x94: {  	_ =	strace s2  }
0x95: {  	s2 =	sld [smem:$0x3FFD];
	_ =	sdelay $0x3  }
0x96: {  	_ =	strace s2  }
0x97: {  	_ =	strace $0x8FFFFFFF  }
0x98: {  	s18 =	sld [smem:$0x3FDB];
	_ =	sdelay $0x1  }
0x99: {  	s19 =	simm.s32 $_scs_section_size  }
0x9a: {  	s4 =	simm.s32 $_size__tile_overlayer_lowered;
	s5 =	simm.s32 $_tile_overlayer_lowered  }
0x9b: {  	s22 =	simm.s32 $0x1BFF;
	s21 =	sshll.u32 s5, $0x1;
	s2 =	sadd.s32 s19, s18  }
0x9c: {  	s6 =	simm.s32 $0x0;
	s20 =	sshll.u32 s4, $0x1;
	s4 =	sadd.s32 s21, s2  }
0x9d: {  	[timem:s6], [sflag:s22] =	dma.local [hbm:s4], s20  }
0x9e: {  	_ =	swait.ge [sflag:s22], s20  }
0x9f: {  	s3 =	ssub.s32 $0x0, s20;
	[sflag:s22] =	ssyncset.done $0x0  }
0xa0: {  	[sflag:s22] =	ssyncadd.s32 s3;
	_ =	sdelay $0x1  }
0xa1: {  	s23 =	simm.s32 $0x1B8B  }
0xa2: {  	_ =	swait.ge [sflag:s23], $0x1  }
0xa3: {  	[sflag:s23] =	ssyncset.done $0x0  }
0xa4: {  	s25 =	simm.s32 $0x1B8E;
	s24 =	sld [smem:$0x3FFE];
	[sflag:s23] =	ssyncadd.s32 $0xFFFFFFFF  }
0xa5: {  	s26 =	simm.s32 $execute0_lowered;
	[smem:$0x3FD2] =	sst s25  }
0xa6: {  	s4 =	sshll.u32 s26, $0x1;
	_ =	strace $0x80000049;
	[dreg:$0x1] =	wrdreg $0xFFFFFFFF  }
0xa7: {  	s28 =	simm.s32 $_size_execute0_lowered;
	s2 =	sadd.s32 s2, s4;
	[dreg:$0x0] =	wrdreg $0x0  }
0xa8: {  	s4 =	sshll.u32 s28, $0x1;
	[dreg:$0x2] =	wrdreg s2  }
0xa9: {  	[dreg:$0x3] =	wrdreg s4  }
0xaa: {  	[dreg:$0x4] =	wrdreg $0xC0  }
0xab: {  	_ =	task [dreg:s6], $0x5FFFF  }
0xac: {  	[dreg:$0x1] =	wrdreg $0xFFFFFFFF  }
0xad: {  	[dreg:$0x0] =	wrdreg $0x60  }
0xae: {  	[dreg:$0x2] =	wrdreg s24  }
0xaf: {  	[dreg:$0x3] =	wrdreg $0x90000  }
0xb0: {  	[dreg:$0x4] =	wrdreg $0x9  }
0xb1: {  	_ =	task.clear_ibuf [dreg:s6], $0x5FFFF;
	_ =	strace $0x90000049  }
0xb2: {  	s29 =	simm.s32 $0x9;
	_ =	strace $0x8000004B  }
0xb3: {  	_ =	swait.ge [sflag:s29], $0x1  }
0xb4: {  	[sflag:s29] =	ssyncadd.s32 $0xFFFFFFFF  }
0xb5: {  	_ =	strace $0x9000004B  }
0xb6: {  	_ =	sfence  }
0xb7: {  	s30 =	sld [smem:$0x0];
	_ =	sdelay $0x2  }
0xb8: {  	s31 =	sshll.u32 s1, $0xD;
	s1 =	sshrl.u32 s1, $0x2  }
0xb9: {  	s3 =	sand.u32 $0x4000, s31;
	s1 =	sadd.s32 s1, s30  }
0xba: {  	s0 =	sor.u32 s3, s0;
	s1 =	sshll.u32 s1, $0x11  }
0xbb: {  	s0 =	sor.u32 s1, s0  }
0xbc: {  	s0 =	sadd.s32 $0x8F2B, s0  }
0xbd: {  	[sflag:s0] =	ssyncadd.remote.s32 $0x1  }
0xbe: {  	_ =	sfence.sel $0xFFFF  }
0xbf: {  	[dreg:$0x0] =	wrdreg $0xFFFFFFFF;
	(pc) =	sbr.abs _section_cstart, $3  }
0xc0: {  	[dreg:$0x1] =	wrdreg $0xFFFFFFFF  }
0xc1: {  	_ =	task.clear_ibuf [dreg:s6], $0x2FFFF;
	_ =	strace $0x9FFFFFFF  }
0xc2: {  	(tm) =	ssettm $0x7FFFFFFF  }
0xc3: {  	_ =	shalt  }
tec
execute0_lowered:
.L_overlay_start_1:
0x0: {  	(tag) =	ssettag $0x1  }
0x1: {  	s0 =	srdreg.scid;
	s1 =	rddreg [dreg:$0x0]  }
0x2: {  	s22 =	stileid.u32;
	s2 =	rddreg [dreg:$0x1]  }
0x3: {  	s25 =	simm.s32 $0x0;
	s24 =	simm.s32 $0x2;
	s28 =	simm.s32 $0x5000  }
0x4: {  	s29 =	simm.s32 $0x1;
	s30 =	simm.s32 $0x0;
	s0 =	sand.u32 $0x1, s0  }
0x5: {  	[smem:$0x7FF] =	sst s25;
	s8 =	smul.u32 $0x2700, s22;
	s21 =	sadd.s32 $0x124800, s2  }
0x6: {  	s6 =	smul.u32 $0x4E000, s22;
	s9 =	sadd.s32 $0x6B700, s1;
	s23 =	sadd.s32 $0x138800, s2  }
0x7: {  	s10 =	sadd.s32 $0x46D00, s1;
	s14 =	sadd.s32 $0xB9B00, s1;
	s16 =	sadd.s32 $0x92900, s1  }
0x8: {  	s3 =	sshll.u32 s0, $0x4;
	_ =	strace $0x8000004A;
	s26 =	ssub.s32 $0x2, s0  }
0x9: {  	s19 =	sor.u32 s22, s0;
	p3 =	sne.s32 s0, $0x0;
	s4 =	sor.u32 s22, s3  }
0xa: {  	s15 =	sadd.s32 s8, s1;
	s7 =	sshrl.u32 s26, $0x1;
	s6 =	sshrl.u32 s6, $0x2  }
0xb: {  	p1 =	seq.s32 @p3 s22, $0xF;
	p4 =	seq.s32 @!p3 s22, $0xF;
	s5 =	smul.u32 $0x500, s4  }
0xc: {  	s4 =	sadd.s32 $0x46E00, s1;
	s17 =	ssub.s32 s26, s7;
	s31 =	sadd.s32 $0x1FC00, s15  }
0xd: {  	s7 =	sadd.s32 $0x44500, s1;
	s13 =	sadd.s32 $0x95200, s15;
	s15 =	sadd.s32 $0x6E000, s15  }
0xe: {  	p0 =	por !p1, !p3;
	p1 =	por p1, !p3;
	p2 =	por !p4, p3  }
0xf: {  	p3 =	por p4, p3;
	p4 =	sne.s32 s19, $0x0;
	s26 =	simm.s32 $0x80  }
0x10: {  	[dreg:$0x3] =	wrdreg s31;
	s8 =	sadd.s32 s4, s8;
	s17 =	smax.u32 s17, $0x1  }
0x11: {  	s18 =	sshrl.u32 @!p0 s21, $0x3;
	s0 =	sshll.u32 @!p1 s22, $0x6;
	s21 =	sshrl.u32 @!p2 s21, $0x3  }
0x12: {  	s23 =	sshrl.u32 @!p4 s23, $0x3;
	s12 =	sadd.s32 s5, s1;
	s5 =	sadd.s32 s6, s2  }
0x13: {  	s19 =	sor.u32 @!p1 $0x1C02, s0;
	s0 =	sshll.u32 @!p4 s22, $0x6;
	s11 =	sadd.s32 $0xBC00, s12  }
0x14: {  	s12 =	sadd.s32 $0x15C00, s12;
	s20 =	sshrl.u32 @!p1 s5, $0x3;
	s22 =	sor.u32 @!p4 $0x1C02, s0  }
.LBB2_1:
0x15: {  	s0 =	simm.s32 @!p0 $0x1FC2  }
0x16: {  	[spmem:s18], [sflag:s0] =	dma.local @!p0 [hbm:s7], $0x2800  }
0x17: {  	s0 =	simm.s32 @!p0 $0x2  }
0x18: {  	_ =	swait.ge @!p0 [sflag:s0], $0x2800  }
0x19: {  	[sflag:s0] =	ssyncset.done @!p0 $0x0  }
0x1a: {  	[sflag:s0] =	ssyncadd.s32 @!p0 $0xFFFFD800;
	s0 =	rddreg [dreg:$0x3]  }
0x1b: {  	[spmem:s20], [sflag:s19] =	dma.local @!p1 [hbm:s0], $0x2700  }
0x1c: {  	s0 =	simm.s32 @!p1 $0x2  }
0x1d: {  	_ =	swait.ge @!p1 [sflag:s0], $0x2700  }
0x1e: {  	[sflag:s0] =	ssyncset.done @!p1 $0x0  }
0x1f: {  	[sflag:s0] =	ssyncadd.s32 @!p1 $0xFFFFD900;
	s0 =	simm.s32 @!p2 $0x1FC2  }
0x20: {  	[spmem:s21], [sflag:s0] =	dma.local @!p2 [hbm:s9], $0x2800  }
0x21: {  	s1 =	stileid.u32;
	s0 =	simm.s32 @!p2 $0x2  }
0x22: {  	s1 =	sshll.u32 @!p3 s1, $0x6;
	_ =	swait.ge @!p2 [sflag:s0], $0x2800  }
0x23: {  	s31 =	sor.u32 @!p3 $0x1C02, s1;
	[sflag:s0] =	ssyncset.done @!p2 $0x0  }
0x24: {  	s1 =	sshrl.u32 @!p3 s5, $0x3;
	[sflag:s0] =	ssyncadd.s32 @!p2 $0xFFFFD800;
	s0 =	simm.s32 @!p3 $0x2  }
0x25: {  	[spmem:s1], [sflag:s31] =	dma.local @!p3 [hbm:s8], $0x2700  }
0x26: {  	_ =	swait.ge @!p3 [sflag:s0], $0x2700  }
0x27: {  	[sflag:s0] =	ssyncset.done @!p3 $0x0  }
0x28: {  	[sflag:s0] =	ssyncadd.s32 @!p3 $0xFFFFD900;
	s0 =	simm.s32 @!p4 $0x2  }
0x29: {  	[spmem:s23], [sflag:s22] =	dma.local @!p4 [hbm:s10], $0x100  }
0x2a: {  	_ =	swait.ge @!p4 [sflag:s0], $0x100  }
0x2b: {  	[sflag:s0] =	ssyncset.done @!p4 $0x0  }
0x2c: {  	s25 =	simm.s32 $0x0;
	[sflag:s0] =	ssyncadd.s32 @!p4 $0xFFFFFF00  }
0x2d: {  	[tilespmem:s25], [sflag:$0x2] =	stream.linear.gather [hbm4b:s11+s25], $0x2780, $0x38;
	[tilespmem:$0x1C900] =	vst v63  }
0x2e: {  	_ =	swait.ge [sflag:s24], $0x2780  }
0x2f: {  	[sflag:s24] =	ssyncset.done $0x0  }
0x30: {  	s3 =	simm.s32 $0x2800;
	[sflag:s24] =	ssyncadd.s32 $0xFFFFD880  }
0x31: {  	[tilespmem:s3], [sflag:$0x2] =	stream.linear.gather [hbm4b:s12+s25], $0x2780, $0x38;
	[tilespmem:$0x1C900] =	vst v63  }
0x32: {  	_ =	swait.ge [sflag:s24], $0x2780  }
0x33: {  	[sflag:s24] =	ssyncset.done $0x0  }
0x34: {  	[sflag:s24] =	ssyncadd.s32 $0xFFFFD880  }
0x35: {  	s6 =	simm.s32 $0x0;
	[bflag:$0x0] =	sbarrier.arrive $0xFFFF  }
0x36: {  	[tilespmem:s28], [sflag:$0x1] =	stream.indirect.gather [hbm4b:s4+s26], $0x80, s6, s26, $0xb8;
	[tilespmem:$0x1C900] =	vst v63  }
0x37: {  	_ =	swait.ge [sflag:s29], $0x4000  }
0x38: {  	[sflag:s29] =	ssyncset.done $0x0  }
0x39: {  	s25 =	simm.s32 $0x2800;
	[sflag:s29] =	ssyncadd.s32 $0xFFFFC000  }
0x3a: {  	[spmem:s2] =	stream.indirect.scatter.add.f32 [tilespmem:s28], [sflag:$0x2], $0x80, s25, s26, $0xb8;
	[tilespmem:$0x1C900] =	vst v63  }
0x3b: {  	_ =	swait.ge [sflag:s24], $0x4000  }
0x3c: {  	s0 =	simm.s32 $0x200;
	s25 =	simm.s32 $0x400;
	[sflag:s24] =	ssyncset.done $0x0  }
.LBB2_2:
0x3d: {  	s3 =	sshra.s32 s0, $0x2  }
0x3e: {  	[sflag:s24] =	ssyncadd.s32 $0xFFFFC000;
	s0 =	smov.u32 s25;
	s6 =	sadd.s32 $0x200, s25  }
0x3f: {  	[tilespmem:s28], [sflag:$0x1] =	stream.indirect.gather [hbm4b:s4+s26], $0x80, s3, s26, $0xb8;
	[tilespmem:$0x1C900] =	vst v63  }
0x40: {  	p5 =	sne.s32 s25, $0x9C00;
	_ =	swait.ge [sflag:s29], $0x4000  }
.Ltmp0:
0x41: {  	[sflag:s29] =	ssyncset.done $0x0;
	(pc) =	sbr.rel @p5 .LBB2_2-.Ltmp0, $4  }
0x42: {  	s3 =	sadd.s32 $0x2800, s3;
	[sflag:s29] =	ssyncadd.s32 $0xFFFFC000  }
0x43: {  	[spmem:s2] =	stream.indirect.scatter.add.f32 [tilespmem:s28], [sflag:$0x2], $0x80, s3, s26, $0xb8;
	[tilespmem:$0x1C900] =	vst v63  }
0x44: {  	_ =	swait.ge [sflag:s24], $0x4000  }
0x45: {  	s25 =	smov.u32 s6;
	[sflag:s24] =	ssyncset.done $0x0  }
0x46: {  	s0 =	sshra.s32 s0, $0x2;
	[sflag:s24] =	ssyncadd.s32 $0xFFFFC000  }
0x47: {  	[tilespmem:s28], [sflag:$0x1] =	stream.indirect.gather [hbm4b:s4+s26], $0x80, s0, s26, $0xb8;
	[tilespmem:$0x1C900] =	vst v63  }
0x48: {  	_ =	swait.ge [sflag:s29], $0x4000  }
0x49: {  	[sflag:s29] =	ssyncset.done $0x0  }
0x4a: {  	s0 =	sadd.s32 $0x2800, s0;
	[sflag:s29] =	ssyncadd.s32 $0xFFFFC000  }
0x4b: {  	[spmem:s2] =	stream.indirect.scatter.add.f32 [tilespmem:s28], [sflag:$0x2], $0x80, s0, s26, $0xb8;
	[tilespmem:$0x1C900] =	vst v63  }
0x4c: {  	_ =	swait.ge [sflag:s24], $0x4000  }
0x4d: {  	[sflag:s24] =	ssyncset.done $0x0  }
0x4e: {  	[sflag:s24] =	ssyncadd.s32 $0xFFFFC000  }
0x4f: {  	s0 =	simm.s32 @!p0 $0x1FC2;
	[bflag:$0x0] =	sbarrier.arrive $0xFFFF  }
0x50: {  	[hbm:s14], [sflag:s0] =	dma.local @!p0 [spmem:s18], $0x2800  }
0x51: {  	s0 =	simm.s32 @!p0 $0x2  }
0x52: {  	_ =	swait.ge @!p0 [sflag:s0], $0x2800  }
0x53: {  	[sflag:s0] =	ssyncset.done @!p0 $0x0  }
0x54: {  	[sflag:s0] =	ssyncadd.s32 @!p0 $0xFFFFD800;
	s0 =	simm.s32 @!p1 $0x2  }
0x55: {  	[hbm:s13], [sflag:s19] =	dma.local @!p1 [spmem:s20], $0x2700  }
0x56: {  	_ =	swait.ge @!p1 [sflag:s0], $0x2700  }
0x57: {  	[sflag:s0] =	ssyncset.done @!p1 $0x0  }
0x58: {  	[sflag:s0] =	ssyncadd.s32 @!p1 $0xFFFFD900;
	s0 =	simm.s32 @!p2 $0x1FC2  }
0x59: {  	[hbm:s16], [sflag:s0] =	dma.local @!p2 [spmem:s21], $0x2800  }
0x5a: {  	s0 =	simm.s32 @!p2 $0x2  }
0x5b: {  	s30 =	sadd.s32 $0x1, s30;
	_ =	swait.ge @!p2 [sflag:s0], $0x2800  }
0x5c: {  	p5 =	sne.s32 s30, s17;
	[sflag:s0] =	ssyncset.done @!p2 $0x0  }
.Ltmp1:
0x5d: {  	[sflag:s0] =	ssyncadd.s32 @!p2 $0xFFFFD800;
	s0 =	simm.s32 @!p3 $0x2;
	(pc) =	sbr.rel @p5 .LBB2_1-.Ltmp1, $4  }
0x5e: {  	[hbm:s15], [sflag:s31] =	dma.local @!p3 [spmem:s1], $0x2700  }
0x5f: {  	_ =	swait.ge @!p3 [sflag:s0], $0x2700  }
0x60: {  	[sflag:s0] =	ssyncset.done @!p3 $0x0  }
0x61: {  	[sflag:s0] =	ssyncadd.s32 @!p3 $0xFFFFD900  }
0x62: {  	_ =	sfence.sel $0x180000  }
0x63: {  	[bflag:$0x0] =	sbarrier.arrive $0xFFFF  }
0x64: {  	_ =	strace $0x9000004A  }
0x65: {  	s0 =	stileid.u32;
	[bflag:$0x2] =	sbarrier.arrive $0xFFFF  }
0x66: {  	p0 =	sne.s32 s0, $0x0;
	s0 =	rddreg [dreg:$0x2]  }
0x67: {  	s0 =	sadd.s32 @!p0 $0x100000, s0  }
0x68: {  	[sflag:s0] =	ssyncadd.tile.s32 @!p0 $0x1;
	_ =	shalt  }
.Lfunc_end2:
_tile_overlayer_lowered:
.L_overlay_start_2:
0x69: {  	(tag) =	ssettag $0x2  }
0x6a: {  	s0 =	rddreg [dreg:$0x0];
	s2 =	stileid.u32  }
0x6b: {  	s1 =	rddreg [dreg:$0x1];
	p0 =	sne.s32 s2, $0x0  }
0x6c: {  	s3 =	rddreg [dreg:$0x2];
	[bflag:$0x3] =	sbarrier.arrive $0xFFFF;
	s2 =	simm.s32 @!p0 $0x1C02  }
0x6d: {  	[timem:s3], [sflag:s2] =	dma.local @!p0 [hbm:s0], s1  }
0x6e: {  	s0 =	simm.s32 @!p0 $0x2  }
0x6f: {  	_ =	swait.ge @!p0 [sflag:s0], s1  }
0x70: {  	s1 =	ssub.s32 @!p0 $0x0, s1;
	[sflag:s0] =	ssyncset.done @!p0 $0x0  }
0x71: {  	[sflag:s0] =	ssyncadd.s32 @!p0 s1  }
0x72: {  	[bflag:$0x3] =	sbarrier.arrive $0xFFFF  }
0x73: {  	_ =	shalt  }

// kernel: kernel.20.cloned.1.call-start
scs
__scs_entry_jumppad:
0x0: {  	(pc) =	sbr.rel $0x88, $3  }
0x1: {  	(tag) =	ssettag $0x0;
	lr =	simm.s32 $0x1  }
0x2: {  	[smem:$0x3F6D] =	sst lr;
	_ =	strace $0xD0000000  }
0x3: {  	_ = 	snop  }
0x4: {  	_ = 	snop  }
0x5: {  	_ = 	snop  }
0x6: {  	_ = 	snop  }
0x7: {  	_ = 	snop  }
__scs_overlays_trampoline_lowered:
0x8: {  	[smem:$0x3F7C] =	sst s0  }
0x9: {  	[smem:$0x3F7D] =	sst s1  }
0xa: {  	[smem:$0x3F7E] =	sst s2  }
0xb: {  	[smem:$0x3F7F] =	sst s3  }
0xc: {  	[smem:$0x3F80] =	sst s4  }
0xd: {  	[smem:$0x3F81] =	sst s5  }
0xe: {  	[smem:$0x3F82] =	sst s6  }
0xf: {  	[smem:$0x3F83] =	sst s7  }
0x10: {  	[smem:$0x3F84] =	sst s8  }
0x11: {  	[smem:$0x3F85] =	sst s9;
	s0 =	simm.s32 @!p0 $0x0  }
0x12: {  	s1 =	sld [smem:$0x3F6B];
	s0 =	simm.s32 @p0 $0x1  }
0x13: {  	[smem:$0x3F86] =	sst s0;
	s0 =	simm.s32 @!p1 $0x0  }
0x14: {  	s2 =	sld [smem:$0x3F6A];
	s0 =	simm.s32 @p1 $0x1  }
0x15: {  	[smem:$0x3F87] =	sst s0;
	s0 =	simm.s32 @!p2 $0x0  }
0x16: {  	s3 =	sld [smem:$0x3FDB];
	s0 =	simm.s32 @p2 $0x1  }
0x17: {  	s4 =	simm.s32 $0x1BF5;
	[smem:$0x3F89] =	sst s0  }
0x18: {  	s0 =	sld [smem:$0x3F6C];
	_ =	swait.ge [sflag:s4], $0x0  }
0x19: {  	s7 =	sld [smem:$0x3F6D]  }
0x1a: {  	s8 =	sadd.s32 $0xFFFFE003, lr  }
0x1b: {  	s9 =	sadd.s32 $0xFFFFFEF7, lr;
	s5 =	simm.s32 $0xFFFFFFFF;
	p2 =	slt.u32 s8, $0xFFFFF086  }
0x1c: {  	p1 =	slt.u32 s9, $0xF7A;
	s5 =	simm.s32 @!p2 $0x0  }
0x1d: {  	s5 =	simm.s32 @p1 $0x1;
	p0 =	seq.s32 s7, s2  }
0x1e: {  	s7 =	smul.u32 @!p0 $0xF7A, s2;
	p2 =	seq.s32 @!p0 s5, $0x0  }
0x1f: {  	s9 =	smul.u32 $0xF7A, s1;
	s8 =	simm.s32 @!p0 $0x1BF5;
	p2 =	por !p2, p0  }
0x20: {  	[sflag:s8] =	ssyncset.s32 @!p0 $0xFFFFF086;
	s6 =	sadd.s32 @!p0 s3, s7;
	s7 =	simm.s32 @!p0 $0x108  }
0x21: {  	s3 =	sadd.s32 s3, s9;
	s6 =	sadd.s32 @!p0 $0x88, s6;
	s7 =	simm.s32 @p2 $0x1082  }
0x22: {  	[simem:s7], [sflag:s8] =	dma.local @!p0 [hbm:s6], $0xF7A  }
0x23: {  	s9 =	sor.u32 $0xD0000000, s2;
	s6 =	simm.s32 $0x108;
	_ =	swait.ge @!p0 [sflag:s8], $0x0  }
0x24: {  	s3 =	sadd.s32 $0x88, s3;
	s6 =	simm.s32 @!p1 $0x1082;
	[sflag:s4] =	ssyncset.s32 $0xFFFFF086  }
0x25: {  	[simem:s6], [sflag:s4] =	dma.local [hbm:s3], $0xF7A  }
0x26: {  	[smem:$0x3F6D] =	sst s1;
	(tag) =	ssettag s2;
	_ =	strace s9  }
0x27: {  	s1 =	sld [smem:$0x3F7D]  }
0x28: {  	s2 =	sld [smem:$0x3F7E]  }
0x29: {  	s4 =	sld [smem:$0x3F80]  }
0x2a: {  	p0 =	seq.s32 s5, $0x0;
	s5 =	sld [smem:$0x3F81]  }
0x2b: {  	s6 =	sld [smem:$0x3F82]  }
0x2c: {  	s7 =	sld [smem:$0x3F83]  }
0x2d: {  	s3 =	simm.s32 $0x108;
	s8 =	sld [smem:$0x3F84]  }
0x2e: {  	s3 =	simm.s32 @!p0 $0x1082;
	s9 =	sld [smem:$0x3F85]  }
0x2f: {  	lr =	sadd.s32 s0, s3;
	s0 =	sld [smem:$0x3F7C]  }
0x30: {  	s3 =	sld [smem:$0x3F7F]  }
0x31: {  	[smem:$0x3F88] =	sst s10  }
0x32: {  	s10 =	sld [smem:$0x3F86];
	_ =	sdelay $0x3  }
0x33: {  	p0 =	seq.s32 s10, $0x1;
	s10 =	sld [smem:$0x3F88];
	_ =	sdelay $0x3  }
0x34: {  	[smem:$0x3F88] =	sst s10  }
0x35: {  	s10 =	sld [smem:$0x3F87];
	_ =	sdelay $0x3  }
0x36: {  	p1 =	seq.s32 s10, $0x1;
	s10 =	sld [smem:$0x3F88];
	_ =	sdelay $0x3  }
0x37: {  	[smem:$0x3F88] =	sst s10  }
0x38: {  	s10 =	sld [smem:$0x3F89]  }
0x39: {  	_ = 	snop;
	(pc) =	sbr.ind lr, $3  }
0x3a: {  	_ = 	snop  }
0x3b: {  	_ = 	snop  }
0x3c: {  	p2 =	seq.s32 s10, $0x1;
	s10 =	sld [smem:$0x3F88]  }
0x3d: {  	_ =	shalt  }
0x3e: {  	_ =	shalt  }
0x3f: {  	_ =	shalt  }
0x40: {  	_ =	shalt  }
0x41: {  	_ =	shalt  }
0x42: {  	_ =	shalt  }
0x43: {  	_ =	shalt  }
0x44: {  	_ =	shalt  }
0x45: {  	_ =	shalt  }
0x46: {  	_ =	shalt  }
0x47: {  	_ =	shalt  }
0x48: {  	_ =	shalt  }
0x49: {  	_ =	shalt  }
0x4a: {  	_ =	shalt  }
0x4b: {  	_ =	shalt  }
0x4c: {  	_ =	shalt  }
0x4d: {  	_ =	shalt  }
0x4e: {  	_ =	shalt  }
0x4f: {  	_ =	shalt  }
0x50: {  	_ =	shalt  }
0x51: {  	_ =	shalt  }
0x52: {  	_ =	shalt  }
0x53: {  	_ =	shalt  }
0x54: {  	_ =	shalt  }
0x55: {  	_ =	shalt  }
0x56: {  	_ =	shalt  }
0x57: {  	_ =	shalt  }
0x58: {  	_ =	shalt  }
0x59: {  	_ =	shalt  }
0x5a: {  	_ =	shalt  }
0x5b: {  	_ =	shalt  }
0x5c: {  	_ =	shalt  }
0x5d: {  	_ =	shalt  }
0x5e: {  	_ =	shalt  }
0x5f: {  	_ =	shalt  }
0x60: {  	_ =	shalt  }
0x61: {  	_ =	shalt  }
0x62: {  	_ =	shalt  }
0x63: {  	_ =	shalt  }
0x64: {  	_ =	shalt  }
0x65: {  	_ =	shalt  }
0x66: {  	_ =	shalt  }
0x67: {  	_ =	shalt  }
0x68: {  	_ =	shalt  }
0x69: {  	_ =	shalt  }
0x6a: {  	_ =	shalt  }
0x6b: {  	_ =	shalt  }
0x6c: {  	_ =	shalt  }
0x6d: {  	_ =	shalt  }
0x6e: {  	_ =	shalt  }
0x6f: {  	_ =	shalt  }
0x70: {  	_ =	shalt  }
0x71: {  	_ =	shalt  }
0x72: {  	_ =	shalt  }
0x73: {  	_ =	shalt  }
0x74: {  	_ =	shalt  }
0x75: {  	_ =	shalt  }
0x76: {  	_ =	shalt  }
0x77: {  	_ =	shalt  }
0x78: {  	_ =	shalt  }
0x79: {  	_ =	shalt  }
0x7a: {  	_ =	shalt  }
0x7b: {  	_ =	shalt  }
0x7c: {  	_ =	shalt  }
0x7d: {  	_ =	shalt  }
0x7e: {  	_ =	shalt  }
0x7f: {  	_ =	shalt  }
0x80: {  	_ =	shalt  }
0x81: {  	_ =	shalt  }
0x82: {  	_ =	shalt  }
0x83: {  	_ =	shalt  }
0x84: {  	_ =	shalt  }
0x85: {  	_ =	shalt  }
0x86: {  	_ =	shalt  }
0x87: {  	_ =	shalt  }
.Lfunc_end0:
.L_simem_size_0:
called_computation.2_lowered:
.L_overlay_start_0:
0x88: {  	s2 =	sld [smem:$0x3FD9]  }
0x89: {  	s3 =	sld [smem:$0x3FFE];
	_ =	sdelay $0x1  }
0x8a: {  	s1 =	srdreg.scid  }
0x8b: {  	s0 =	sand.u32 $0x1, s1  }
0x8c: {  	s16 =	sshll.u32 s0, $0xA;
	s2 =	sadd.s32 s3, s2  }
0x8d: {  	s2 =	sadd.s32 s2, s16  }
0x8e: {  	[smem:$0x3F94] =	sst s2  }
0x8f: {  	_ = 	snop  }
0x90: {  	(tm) =	ssettm $0x1  }
0x91: {  	s17 =	sld [smem:$0x3FFB];
	_ =	sdelay $0x3  }
0x92: {  	_ =	strace s17  }
0x93: {  	s2 =	sld [smem:$0x3FFC];
	_ =	sdelay $0x3  }
0x94: {  	_ =	strace s2  }
0x95: {  	s2 =	sld [smem:$0x3FFD];
	_ =	sdelay $0x3  }
0x96: {  	_ =	strace s2  }
0x97: {  	_ =	strace $0x8FFFFFFF  }
0x98: {  	s18 =	sld [smem:$0x3FDB];
	_ =	sdelay $0x1  }
0x99: {  	s19 =	simm.s32 $_scs_section_size  }
0x9a: {  	s4 =	simm.s32 $_size__tile_overlayer_lowered;
	s5 =	simm.s32 $_tile_overlayer_lowered  }
0x9b: {  	s22 =	simm.s32 $0x1BFF;
	s21 =	sshll.u32 s5, $0x1;
	s2 =	sadd.s32 s19, s18  }
0x9c: {  	s6 =	simm.s32 $0x0;
	s20 =	sshll.u32 s4, $0x1;
	s4 =	sadd.s32 s21, s2  }
0x9d: {  	[timem:s6], [sflag:s22] =	dma.local [hbm:s4], s20  }
0x9e: {  	_ =	swait.ge [sflag:s22], s20  }
0x9f: {  	s3 =	ssub.s32 $0x0, s20;
	[sflag:s22] =	ssyncset.done $0x0  }
0xa0: {  	[sflag:s22] =	ssyncadd.s32 s3;
	_ =	sdelay $0x1  }
0xa1: {  	s23 =	simm.s32 $0x1B8B  }
0xa2: {  	_ =	swait.ge [sflag:s23], $0x1  }
0xa3: {  	[sflag:s23] =	ssyncset.done $0x0  }
0xa4: {  	s25 =	simm.s32 $0x1B8E;
	s24 =	sld [smem:$0x3FFE];
	[sflag:s23] =	ssyncadd.s32 $0xFFFFFFFF  }
0xa5: {  	s26 =	simm.s32 $execute0_lowered;
	[smem:$0x3FD2] =	sst s25  }
0xa6: {  	s4 =	sshll.u32 s26, $0x1;
	_ =	strace $0x8000004C;
	[dreg:$0x1] =	wrdreg $0xFFFFFFFF  }
0xa7: {  	s28 =	simm.s32 $_size_execute0_lowered;
	s2 =	sadd.s32 s2, s4;
	[dreg:$0x0] =	wrdreg $0x0  }
0xa8: {  	s4 =	sshll.u32 s28, $0x1;
	[dreg:$0x2] =	wrdreg s2  }
0xa9: {  	[dreg:$0x3] =	wrdreg s4  }
0xaa: {  	[dreg:$0x4] =	wrdreg $0xC0  }
0xab: {  	_ =	task [dreg:s6], $0x5FFFF  }
0xac: {  	[dreg:$0x1] =	wrdreg $0xFFFFFFFF  }
0xad: {  	[dreg:$0x0] =	wrdreg $0x60  }
0xae: {  	[dreg:$0x2] =	wrdreg s24  }
0xaf: {  	[dreg:$0x3] =	wrdreg $0x90000  }
0xb0: {  	[dreg:$0x4] =	wrdreg $0x9  }
0xb1: {  	_ =	task.clear_ibuf [dreg:s6], $0x5FFFF;
	_ =	strace $0x9000004C  }
0xb2: {  	s29 =	simm.s32 $0x9;
	_ =	strace $0x8000004E  }
0xb3: {  	_ =	swait.ge [sflag:s29], $0x1  }
0xb4: {  	[sflag:s29] =	ssyncadd.s32 $0xFFFFFFFF  }
0xb5: {  	_ =	strace $0x9000004E  }
0xb6: {  	_ =	sfence  }
0xb7: {  	s30 =	sld [smem:$0x0];
	_ =	sdelay $0x2  }
0xb8: {  	s31 =	sshll.u32 s1, $0xD;
	s1 =	sshrl.u32 s1, $0x2  }
0xb9: {  	s3 =	sand.u32 $0x4000, s31;
	s1 =	sadd.s32 s1, s30  }
0xba: {  	s0 =	sor.u32 s3, s0;
	s1 =	sshll.u32 s1, $0x11  }
0xbb: {  	s0 =	sor.u32 s1, s0  }
0xbc: {  	s0 =	sadd.s32 $0x8F2B, s0  }
0xbd: {  	[sflag:s0] =	ssyncadd.remote.s32 $0x1  }
0xbe: {  	_ =	sfence.sel $0xFFFF  }
0xbf: {  	[dreg:$0x0] =	wrdreg $0xFFFFFFFF;
	(pc) =	sbr.abs _section_cstart, $3  }
0xc0: {  	[dreg:$0x1] =	wrdreg $0xFFFFFFFF  }
0xc1: {  	_ =	task.clear_ibuf [dreg:s6], $0x2FFFF;
	_ =	strace $0x9FFFFFFF  }
0xc2: {  	(tm) =	ssettm $0x7FFFFFFF  }
0xc3: {  	_ =	shalt  }
tec
execute0_lowered:
.L_overlay_start_1:
0x0: {  	(tag) =	ssettag $0x1  }
0x1: {  	s0 =	srdreg.scid;
	s1 =	rddreg [dreg:$0x0]  }
0x2: {  	s22 =	stileid.u32;
	s2 =	rddreg [dreg:$0x1]  }
0x3: {  	s25 =	simm.s32 $0x0;
	s24 =	simm.s32 $0x2;
	s28 =	simm.s32 $0x5000  }
0x4: {  	s29 =	simm.s32 $0x1;
	s30 =	simm.s32 $0x0;
	s0 =	sand.u32 $0x1, s0  }
0x5: {  	[smem:$0x7FF] =	sst s25;
	s8 =	smul.u32 $0x2700, s22;
	s21 =	sadd.s32 $0x124800, s2  }
0x6: {  	s6 =	smul.u32 $0x4E000, s22;
	s9 =	sadd.s32 $0x6B700, s1;
	s23 =	sadd.s32 $0x138800, s2  }
0x7: {  	s10 =	sadd.s32 $0x46D00, s1;
	s14 =	sadd.s32 $0xB9B00, s1;
	s16 =	sadd.s32 $0x92900, s1  }
0x8: {  	s3 =	sshll.u32 s0, $0x4;
	_ =	strace $0x8000004D;
	s26 =	ssub.s32 $0x2, s0  }
0x9: {  	s19 =	sor.u32 s22, s0;
	p3 =	sne.s32 s0, $0x0;
	s4 =	sor.u32 s22, s3  }
0xa: {  	s15 =	sadd.s32 s8, s1;
	s7 =	sshrl.u32 s26, $0x1;
	s6 =	sshrl.u32 s6, $0x2  }
0xb: {  	p1 =	seq.s32 @p3 s22, $0xF;
	p4 =	seq.s32 @!p3 s22, $0xF;
	s5 =	smul.u32 $0x500, s4  }
0xc: {  	s4 =	sadd.s32 $0x46E00, s1;
	s17 =	ssub.s32 s26, s7;
	s31 =	sadd.s32 $0x1FC00, s15  }
0xd: {  	s7 =	sadd.s32 $0x44500, s1;
	s13 =	sadd.s32 $0x95200, s15;
	s15 =	sadd.s32 $0x6E000, s15  }
0xe: {  	p0 =	por !p1, !p3;
	p1 =	por p1, !p3;
	p2 =	por !p4, p3  }
0xf: {  	p3 =	por p4, p3;
	p4 =	sne.s32 s19, $0x0;
	s26 =	simm.s32 $0x80  }
0x10: {  	[dreg:$0x3] =	wrdreg s31;
	s8 =	sadd.s32 s4, s8;
	s17 =	smax.u32 s17, $0x1  }
0x11: {  	s18 =	sshrl.u32 @!p0 s21, $0x3;
	s0 =	sshll.u32 @!p1 s22, $0x6;
	s21 =	sshrl.u32 @!p2 s21, $0x3  }
0x12: {  	s23 =	sshrl.u32 @!p4 s23, $0x3;
	s12 =	sadd.s32 s5, s1;
	s5 =	sadd.s32 s6, s2  }
0x13: {  	s19 =	sor.u32 @!p1 $0x1C02, s0;
	s0 =	sshll.u32 @!p4 s22, $0x6;
	s11 =	sadd.s32 $0xBC00, s12  }
0x14: {  	s12 =	sadd.s32 $0x15C00, s12;
	s20 =	sshrl.u32 @!p1 s5, $0x3;
	s22 =	sor.u32 @!p4 $0x1C02, s0  }
.LBB2_1:
0x15: {  	s0 =	simm.s32 @!p0 $0x1FC2  }
0x16: {  	[spmem:s18], [sflag:s0] =	dma.local @!p0 [hbm:s7], $0x2800  }
0x17: {  	s0 =	simm.s32 @!p0 $0x2  }
0x18: {  	_ =	swait.ge @!p0 [sflag:s0], $0x2800  }
0x19: {  	[sflag:s0] =	ssyncset.done @!p0 $0x0  }
0x1a: {  	[sflag:s0] =	ssyncadd.s32 @!p0 $0xFFFFD800;
	s0 =	rddreg [dreg:$0x3]  }
0x1b: {  	[spmem:s20], [sflag:s19] =	dma.local @!p1 [hbm:s0], $0x2700  }
0x1c: {  	s0 =	simm.s32 @!p1 $0x2  }
0x1d: {  	_ =	swait.ge @!p1 [sflag:s0], $0x2700  }
0x1e: {  	[sflag:s0] =	ssyncset.done @!p1 $0x0  }
0x1f: {  	[sflag:s0] =	ssyncadd.s32 @!p1 $0xFFFFD900;
	s0 =	simm.s32 @!p2 $0x1FC2  }
0x20: {  	[spmem:s21], [sflag:s0] =	dma.local @!p2 [hbm:s9], $0x2800  }
0x21: {  	s1 =	stileid.u32;
	s0 =	simm.s32 @!p2 $0x2  }
0x22: {  	s1 =	sshll.u32 @!p3 s1, $0x6;
	_ =	swait.ge @!p2 [sflag:s0], $0x2800  }
0x23: {  	s31 =	sor.u32 @!p3 $0x1C02, s1;
	[sflag:s0] =	ssyncset.done @!p2 $0x0  }
0x24: {  	s1 =	sshrl.u32 @!p3 s5, $0x3;
	[sflag:s0] =	ssyncadd.s32 @!p2 $0xFFFFD800;
	s0 =	simm.s32 @!p3 $0x2  }
0x25: {  	[spmem:s1], [sflag:s31] =	dma.local @!p3 [hbm:s8], $0x2700  }
0x26: {  	_ =	swait.ge @!p3 [sflag:s0], $0x2700  }
0x27: {  	[sflag:s0] =	ssyncset.done @!p3 $0x0  }
0x28: {  	[sflag:s0] =	ssyncadd.s32 @!p3 $0xFFFFD900;
	s0 =	simm.s32 @!p4 $0x2  }
0x29: {  	[spmem:s23], [sflag:s22] =	dma.local @!p4 [hbm:s10], $0x100  }
0x2a: {  	_ =	swait.ge @!p4 [sflag:s0], $0x100  }
0x2b: {  	[sflag:s0] =	ssyncset.done @!p4 $0x0  }
0x2c: {  	s25 =	simm.s32 $0x0;
	[sflag:s0] =	ssyncadd.s32 @!p4 $0xFFFFFF00  }
0x2d: {  	[tilespmem:s25], [sflag:$0x2] =	stream.linear.gather [hbm4b:s11+s25], $0x2780, $0x38;
	[tilespmem:$0x1C900] =	vst v63  }
0x2e: {  	_ =	swait.ge [sflag:s24], $0x2780  }
0x2f: {  	[sflag:s24] =	ssyncset.done $0x0  }
0x30: {  	s3 =	simm.s32 $0x2800;
	[sflag:s24] =	ssyncadd.s32 $0xFFFFD880  }
0x31: {  	[tilespmem:s3], [sflag:$0x2] =	stream.linear.gather [hbm4b:s12+s25], $0x2780, $0x38;
	[tilespmem:$0x1C900] =	vst v63  }
0x32: {  	_ =	swait.ge [sflag:s24], $0x2780  }
0x33: {  	[sflag:s24] =	ssyncset.done $0x0  }
0x34: {  	[sflag:s24] =	ssyncadd.s32 $0xFFFFD880  }
0x35: {  	s6 =	simm.s32 $0x0;
	[bflag:$0x0] =	sbarrier.arrive $0xFFFF  }
0x36: {  	[tilespmem:s28], [sflag:$0x1] =	stream.indirect.gather [hbm4b:s4+s26], $0x80, s6, s26, $0xb8;
	[tilespmem:$0x1C900] =	vst v63  }
0x37: {  	_ =	swait.ge [sflag:s29], $0x4000  }
0x38: {  	[sflag:s29] =	ssyncset.done $0x0  }
0x39: {  	s25 =	simm.s32 $0x2800;
	[sflag:s29] =	ssyncadd.s32 $0xFFFFC000  }
0x3a: {  	[spmem:s2] =	stream.indirect.scatter.add.f32 [tilespmem:s28], [sflag:$0x2], $0x80, s25, s26, $0xb8;
	[tilespmem:$0x1C900] =	vst v63  }
0x3b: {  	_ =	swait.ge [sflag:s24], $0x4000  }
0x3c: {  	s0 =	simm.s32 $0x200;
	s25 =	simm.s32 $0x400;
	[sflag:s24] =	ssyncset.done $0x0  }
.LBB2_2:
0x3d: {  	s3 =	sshra.s32 s0, $0x2  }
0x3e: {  	[sflag:s24] =	ssyncadd.s32 $0xFFFFC000;
	s0 =	smov.u32 s25;
	s6 =	sadd.s32 $0x200, s25  }
0x3f: {  	[tilespmem:s28], [sflag:$0x1] =	stream.indirect.gather [hbm4b:s4+s26], $0x80, s3, s26, $0xb8;
	[tilespmem:$0x1C900] =	vst v63  }
0x40: {  	p5 =	sne.s32 s25, $0x9C00;
	_ =	swait.ge [sflag:s29], $0x4000  }
.Ltmp0:
0x41: {  	[sflag:s29] =	ssyncset.done $0x0;
	(pc) =	sbr.rel @p5 .LBB2_2-.Ltmp0, $4  }
0x42: {  	s3 =	sadd.s32 $0x2800, s3;
	[sflag:s29] =	ssyncadd.s32 $0xFFFFC000  }
0x43: {  	[spmem:s2] =	stream.indirect.scatter.add.f32 [tilespmem:s28], [sflag:$0x2], $0x80, s3, s26, $0xb8;
	[tilespmem:$0x1C900] =	vst v63  }
0x44: {  	_ =	swait.ge [sflag:s24], $0x4000  }
0x45: {  	s25 =	smov.u32 s6;
	[sflag:s24] =	ssyncset.done $0x0  }
0x46: {  	s0 =	sshra.s32 s0, $0x2;
	[sflag:s24] =	ssyncadd.s32 $0xFFFFC000  }
0x47: {  	[tilespmem:s28], [sflag:$0x1] =	stream.indirect.gather [hbm4b:s4+s26], $0x80, s0, s26, $0xb8;
	[tilespmem:$0x1C900] =	vst v63  }
0x48: {  	_ =	swait.ge [sflag:s29], $0x4000  }
0x49: {  	[sflag:s29] =	ssyncset.done $0x0  }
0x4a: {  	s0 =	sadd.s32 $0x2800, s0;
	[sflag:s29] =	ssyncadd.s32 $0xFFFFC000  }
0x4b: {  	[spmem:s2] =	stream.indirect.scatter.add.f32 [tilespmem:s28], [sflag:$0x2], $0x80, s0, s26, $0xb8;
	[tilespmem:$0x1C900] =	vst v63  }
0x4c: {  	_ =	swait.ge [sflag:s24], $0x4000  }
0x4d: {  	[sflag:s24] =	ssyncset.done $0x0  }
0x4e: {  	[sflag:s24] =	ssyncadd.s32 $0xFFFFC000  }
0x4f: {  	s0 =	simm.s32 @!p0 $0x1FC2;
	[bflag:$0x0] =	sbarrier.arrive $0xFFFF  }
0x50: {  	[hbm:s14], [sflag:s0] =	dma.local @!p0 [spmem:s18], $0x2800  }
0x51: {  	s0 =	simm.s32 @!p0 $0x2  }
0x52: {  	_ =	swait.ge @!p0 [sflag:s0], $0x2800  }
0x53: {  	[sflag:s0] =	ssyncset.done @!p0 $0x0  }
0x54: {  	[sflag:s0] =	ssyncadd.s32 @!p0 $0xFFFFD800;
	s0 =	simm.s32 @!p1 $0x2  }
0x55: {  	[hbm:s13], [sflag:s19] =	dma.local @!p1 [spmem:s20], $0x2700  }
0x56: {  	_ =	swait.ge @!p1 [sflag:s0], $0x2700  }
0x57: {  	[sflag:s0] =	ssyncset.done @!p1 $0x0  }
0x58: {  	[sflag:s0] =	ssyncadd.s32 @!p1 $0xFFFFD900;
	s0 =	simm.s32 @!p2 $0x1FC2  }
0x59: {  	[hbm:s16], [sflag:s0] =	dma.local @!p2 [spmem:s21], $0x2800  }
0x5a: {  	s0 =	simm.s32 @!p2 $0x2  }
0x5b: {  	s30 =	sadd.s32 $0x1, s30;
	_ =	swait.ge @!p2 [sflag:s0], $0x2800  }
0x5c: {  	p5 =	sne.s32 s30, s17;
	[sflag:s0] =	ssyncset.done @!p2 $0x0  }
.Ltmp1:
0x5d: {  	[sflag:s0] =	ssyncadd.s32 @!p2 $0xFFFFD800;
	s0 =	simm.s32 @!p3 $0x2;
	(pc) =	sbr.rel @p5 .LBB2_1-.Ltmp1, $4  }
0x5e: {  	[hbm:s15], [sflag:s31] =	dma.local @!p3 [spmem:s1], $0x2700  }
0x5f: {  	_ =	swait.ge @!p3 [sflag:s0], $0x2700  }
0x60: {  	[sflag:s0] =	ssyncset.done @!p3 $0x0  }
0x61: {  	[sflag:s0] =	ssyncadd.s32 @!p3 $0xFFFFD900  }
0x62: {  	_ =	sfence.sel $0x180000  }
0x63: {  	[bflag:$0x0] =	sbarrier.arrive $0xFFFF  }
0x64: {  	_ =	strace $0x9000004D  }
0x65: {  	s0 =	stileid.u32;
	[bflag:$0x2] =	sbarrier.arrive $0xFFFF  }
0x66: {  	p0 =	sne.s32 s0, $0x0;
	s0 =	rddreg [dreg:$0x2]  }
0x67: {  	s0 =	sadd.s32 @!p0 $0x100000, s0  }
0x68: {  	[sflag:s0] =	ssyncadd.tile.s32 @!p0 $0x1;
	_ =	shalt  }
.Lfunc_end2:
_tile_overlayer_lowered:
.L_overlay_start_2:
0x69: {  	(tag) =	ssettag $0x2  }
0x6a: {  	s0 =	rddreg [dreg:$0x0];
	s2 =	stileid.u32  }
0x6b: {  	s1 =	rddreg [dreg:$0x1];
	p0 =	sne.s32 s2, $0x0  }
0x6c: {  	s3 =	rddreg [dreg:$0x2];
	[bflag:$0x3] =	sbarrier.arrive $0xFFFF;
	s2 =	simm.s32 @!p0 $0x1C02  }
0x6d: {  	[timem:s3], [sflag:s2] =	dma.local @!p0 [hbm:s0], s1  }
0x6e: {  	s0 =	simm.s32 @!p0 $0x2  }
0x6f: {  	_ =	swait.ge @!p0 [sflag:s0], s1  }
0x70: {  	s1 =	ssub.s32 @!p0 $0x0, s1;
	[sflag:s0] =	ssyncset.done @!p0 $0x0  }
0x71: {  	[sflag:s0] =	ssyncadd.s32 @!p0 s1  }
0x72: {  	[bflag:$0x3] =	sbarrier.arrive $0xFFFF  }
0x73: {  	_ =	shalt  }

// kernel: kernel.23.cloned.1.call-start
scs
__scs_entry_jumppad:
0x0: {  	(pc) =	sbr.rel $0x88, $3  }
0x1: {  	(tag) =	ssettag $0x0;
	lr =	simm.s32 $0x1  }
0x2: {  	[smem:$0x3F6D] =	sst lr;
	_ =	strace $0xD0000000  }
0x3: {  	_ = 	snop  }
0x4: {  	_ = 	snop  }
0x5: {  	_ = 	snop  }
0x6: {  	_ = 	snop  }
0x7: {  	_ = 	snop  }
__scs_overlays_trampoline_lowered:
0x8: {  	[smem:$0x3F7C] =	sst s0  }
0x9: {  	[smem:$0x3F7D] =	sst s1  }
0xa: {  	[smem:$0x3F7E] =	sst s2  }
0xb: {  	[smem:$0x3F7F] =	sst s3  }
0xc: {  	[smem:$0x3F80] =	sst s4  }
0xd: {  	[smem:$0x3F81] =	sst s5  }
0xe: {  	[smem:$0x3F82] =	sst s6  }
0xf: {  	[smem:$0x3F83] =	sst s7  }
0x10: {  	[smem:$0x3F84] =	sst s8  }
0x11: {  	[smem:$0x3F85] =	sst s9;
	s0 =	simm.s32 @!p0 $0x0  }
0x12: {  	s1 =	sld [smem:$0x3F6B];
	s0 =	simm.s32 @p0 $0x1  }
0x13: {  	[smem:$0x3F86] =	sst s0;
	s0 =	simm.s32 @!p1 $0x0  }
0x14: {  	s2 =	sld [smem:$0x3F6A];
	s0 =	simm.s32 @p1 $0x1  }
0x15: {  	[smem:$0x3F87] =	sst s0;
	s0 =	simm.s32 @!p2 $0x0  }
0x16: {  	s3 =	sld [smem:$0x3FDB];
	s0 =	simm.s32 @p2 $0x1  }
0x17: {  	s4 =	simm.s32 $0x1BF5;
	[smem:$0x3F89] =	sst s0  }
0x18: {  	s0 =	sld [smem:$0x3F6C];
	_ =	swait.ge [sflag:s4], $0x0  }
0x19: {  	s7 =	sld [smem:$0x3F6D]  }
0x1a: {  	s8 =	sadd.s32 $0xFFFFE003, lr  }
0x1b: {  	s9 =	sadd.s32 $0xFFFFFEF7, lr;
	s5 =	simm.s32 $0xFFFFFFFF;
	p2 =	slt.u32 s8, $0xFFFFF086  }
0x1c: {  	p1 =	slt.u32 s9, $0xF7A;
	s5 =	simm.s32 @!p2 $0x0  }
0x1d: {  	s5 =	simm.s32 @p1 $0x1;
	p0 =	seq.s32 s7, s2  }
0x1e: {  	s7 =	smul.u32 @!p0 $0xF7A, s2;
	p2 =	seq.s32 @!p0 s5, $0x0  }
0x1f: {  	s9 =	smul.u32 $0xF7A, s1;
	s8 =	simm.s32 @!p0 $0x1BF5;
	p2 =	por !p2, p0  }
0x20: {  	[sflag:s8] =	ssyncset.s32 @!p0 $0xFFFFF086;
	s6 =	sadd.s32 @!p0 s3, s7;
	s7 =	simm.s32 @!p0 $0x108  }
0x21: {  	s3 =	sadd.s32 s3, s9;
	s6 =	sadd.s32 @!p0 $0x88, s6;
	s7 =	simm.s32 @p2 $0x1082  }
0x22: {  	[simem:s7], [sflag:s8] =	dma.local @!p0 [hbm:s6], $0xF7A  }
0x23: {  	s9 =	sor.u32 $0xD0000000, s2;
	s6 =	simm.s32 $0x108;
	_ =	swait.ge @!p0 [sflag:s8], $0x0  }
0x24: {  	s3 =	sadd.s32 $0x88, s3;
	s6 =	simm.s32 @!p1 $0x1082;
	[sflag:s4] =	ssyncset.s32 $0xFFFFF086  }
0x25: {  	[simem:s6], [sflag:s4] =	dma.local [hbm:s3], $0xF7A  }
0x26: {  	[smem:$0x3F6D] =	sst s1;
	(tag) =	ssettag s2;
	_ =	strace s9  }
0x27: {  	s1 =	sld [smem:$0x3F7D]  }
0x28: {  	s2 =	sld [smem:$0x3F7E]  }
0x29: {  	s4 =	sld [smem:$0x3F80]  }
0x2a: {  	p0 =	seq.s32 s5, $0x0;
	s5 =	sld [smem:$0x3F81]  }
0x2b: {  	s6 =	sld [smem:$0x3F82]  }
0x2c: {  	s7 =	sld [smem:$0x3F83]  }
0x2d: {  	s3 =	simm.s32 $0x108;
	s8 =	sld [smem:$0x3F84]  }
0x2e: {  	s3 =	simm.s32 @!p0 $0x1082;
	s9 =	sld [smem:$0x3F85]  }
0x2f: {  	lr =	sadd.s32 s0, s3;
	s0 =	sld [smem:$0x3F7C]  }
0x30: {  	s3 =	sld [smem:$0x3F7F]  }
0x31: {  	[smem:$0x3F88] =	sst s10  }
0x32: {  	s10 =	sld [smem:$0x3F86];
	_ =	sdelay $0x3  }
0x33: {  	p0 =	seq.s32 s10, $0x1;
	s10 =	sld [smem:$0x3F88];
	_ =	sdelay $0x3  }
0x34: {  	[smem:$0x3F88] =	sst s10  }
0x35: {  	s10 =	sld [smem:$0x3F87];
	_ =	sdelay $0x3  }
0x36: {  	p1 =	seq.s32 s10, $0x1;
	s10 =	sld [smem:$0x3F88];
	_ =	sdelay $0x3  }
0x37: {  	[smem:$0x3F88] =	sst s10  }
0x38: {  	s10 =	sld [smem:$0x3F89]  }
0x39: {  	_ = 	snop;
	(pc) =	sbr.ind lr, $3  }
0x3a: {  	_ = 	snop  }
0x3b: {  	_ = 	snop  }
0x3c: {  	p2 =	seq.s32 s10, $0x1;
	s10 =	sld [smem:$0x3F88]  }
0x3d: {  	_ =	shalt  }
0x3e: {  	_ =	shalt  }
0x3f: {  	_ =	shalt  }
0x40: {  	_ =	shalt  }
0x41: {  	_ =	shalt  }
0x42: {  	_ =	shalt  }
0x43: {  	_ =	shalt  }
0x44: {  	_ =	shalt  }
0x45: {  	_ =	shalt  }
0x46: {  	_ =	shalt  }
0x47: {  	_ =	shalt  }
0x48: {  	_ =	shalt  }
0x49: {  	_ =	shalt  }
0x4a: {  	_ =	shalt  }
0x4b: {  	_ =	shalt  }
0x4c: {  	_ =	shalt  }
0x4d: {  	_ =	shalt  }
0x4e: {  	_ =	shalt  }
0x4f: {  	_ =	shalt  }
0x50: {  	_ =	shalt  }
0x51: {  	_ =	shalt  }
0x52: {  	_ =	shalt  }
0x53: {  	_ =	shalt  }
0x54: {  	_ =	shalt  }
0x55: {  	_ =	shalt  }
0x56: {  	_ =	shalt  }
0x57: {  	_ =	shalt  }
0x58: {  	_ =	shalt  }
0x59: {  	_ =	shalt  }
0x5a: {  	_ =	shalt  }
0x5b: {  	_ =	shalt  }
0x5c: {  	_ =	shalt  }
0x5d: {  	_ =	shalt  }
0x5e: {  	_ =	shalt  }
0x5f: {  	_ =	shalt  }
0x60: {  	_ =	shalt  }
0x61: {  	_ =	shalt  }
0x62: {  	_ =	shalt  }
0x63: {  	_ =	shalt  }
0x64: {  	_ =	shalt  }
0x65: {  	_ =	shalt  }
0x66: {  	_ =	shalt  }
0x67: {  	_ =	shalt  }
0x68: {  	_ =	shalt  }
0x69: {  	_ =	shalt  }
0x6a: {  	_ =	shalt  }
0x6b: {  	_ =	shalt  }
0x6c: {  	_ =	shalt  }
0x6d: {  	_ =	shalt  }
0x6e: {  	_ =	shalt  }
0x6f: {  	_ =	shalt  }
0x70: {  	_ =	shalt  }
0x71: {  	_ =	shalt  }
0x72: {  	_ =	shalt  }
0x73: {  	_ =	shalt  }
0x74: {  	_ =	shalt  }
0x75: {  	_ =	shalt  }
0x76: {  	_ =	shalt  }
0x77: {  	_ =	shalt  }
0x78: {  	_ =	shalt  }
0x79: {  	_ =	shalt  }
0x7a: {  	_ =	shalt  }
0x7b: {  	_ =	shalt  }
0x7c: {  	_ =	shalt  }
0x7d: {  	_ =	shalt  }
0x7e: {  	_ =	shalt  }
0x7f: {  	_ =	shalt  }
0x80: {  	_ =	shalt  }
0x81: {  	_ =	shalt  }
0x82: {  	_ =	shalt  }
0x83: {  	_ =	shalt  }
0x84: {  	_ =	shalt  }
0x85: {  	_ =	shalt  }
0x86: {  	_ =	shalt  }
0x87: {  	_ =	shalt  }
.Lfunc_end0:
.L_simem_size_0:
called_computation.3_lowered:
.L_overlay_start_0:
0x88: {  	s2 =	sld [smem:$0x3FD9]  }
0x89: {  	s3 =	sld [smem:$0x3FFE];
	_ =	sdelay $0x1  }
0x8a: {  	s1 =	srdreg.scid  }
0x8b: {  	s0 =	sand.u32 $0x1, s1  }
0x8c: {  	s16 =	sshll.u32 s0, $0xA;
	s2 =	sadd.s32 s3, s2  }
0x8d: {  	s2 =	sadd.s32 s2, s16  }
0x8e: {  	[smem:$0x3F94] =	sst s2  }
0x8f: {  	_ = 	snop  }
0x90: {  	(tm) =	ssettm $0x1  }
0x91: {  	s17 =	sld [smem:$0x3FFB];
	_ =	sdelay $0x3  }
0x92: {  	_ =	strace s17  }
0x93: {  	s2 =	sld [smem:$0x3FFC];
	_ =	sdelay $0x3  }
0x94: {  	_ =	strace s2  }
0x95: {  	s2 =	sld [smem:$0x3FFD];
	_ =	sdelay $0x3  }
0x96: {  	_ =	strace s2  }
0x97: {  	_ =	strace $0x8FFFFFFF  }
0x98: {  	s18 =	sld [smem:$0x3FDB];
	_ =	sdelay $0x1  }
0x99: {  	s19 =	simm.s32 $_scs_section_size  }
0x9a: {  	s4 =	simm.s32 $_size__tile_overlayer_lowered;
	s5 =	simm.s32 $_tile_overlayer_lowered  }
0x9b: {  	s22 =	simm.s32 $0x1BFF;
	s21 =	sshll.u32 s5, $0x1;
	s2 =	sadd.s32 s19, s18  }
0x9c: {  	s6 =	simm.s32 $0x0;
	s20 =	sshll.u32 s4, $0x1;
	s4 =	sadd.s32 s21, s2  }
0x9d: {  	[timem:s6], [sflag:s22] =	dma.local [hbm:s4], s20  }
0x9e: {  	_ =	swait.ge [sflag:s22], s20  }
0x9f: {  	s3 =	ssub.s32 $0x0, s20;
	[sflag:s22] =	ssyncset.done $0x0  }
0xa0: {  	[sflag:s22] =	ssyncadd.s32 s3;
	_ =	sdelay $0x1  }
0xa1: {  	s23 =	simm.s32 $0x1B8B  }
0xa2: {  	_ =	swait.ge [sflag:s23], $0x1  }
0xa3: {  	[sflag:s23] =	ssyncset.done $0x0  }
0xa4: {  	s25 =	simm.s32 $0x1B8E;
	s24 =	sld [smem:$0x3FFE];
	[sflag:s23] =	ssyncadd.s32 $0xFFFFFFFF  }
0xa5: {  	s26 =	simm.s32 $execute0_lowered;
	[smem:$0x3FD2] =	sst s25  }
0xa6: {  	s4 =	sshll.u32 s26, $0x1;
	_ =	strace $0x8000004F;
	[dreg:$0x1] =	wrdreg $0xFFFFFFFF  }
0xa7: {  	s28 =	simm.s32 $_size_execute0_lowered;
	s2 =	sadd.s32 s2, s4;
	[dreg:$0x0] =	wrdreg $0x0  }
0xa8: {  	s4 =	sshll.u32 s28, $0x1;
	[dreg:$0x2] =	wrdreg s2  }
0xa9: {  	[dreg:$0x3] =	wrdreg s4  }
0xaa: {  	[dreg:$0x4] =	wrdreg $0xC0  }
0xab: {  	_ =	task [dreg:s6], $0x5FFFF  }
0xac: {  	[dreg:$0x1] =	wrdreg $0xFFFFFFFF  }
0xad: {  	[dreg:$0x0] =	wrdreg $0x60  }
0xae: {  	[dreg:$0x2] =	wrdreg s24  }
0xaf: {  	[dreg:$0x3] =	wrdreg $0x90000  }
0xb0: {  	[dreg:$0x4] =	wrdreg $0x9  }
0xb1: {  	_ =	task.clear_ibuf [dreg:s6], $0x5FFFF;
	_ =	strace $0x9000004F  }
0xb2: {  	s29 =	simm.s32 $0x9;
	_ =	strace $0x80000051  }
0xb3: {  	_ =	swait.ge [sflag:s29], $0x1  }
0xb4: {  	[sflag:s29] =	ssyncadd.s32 $0xFFFFFFFF  }
0xb5: {  	_ =	strace $0x90000051  }
0xb6: {  	_ =	sfence  }
0xb7: {  	s30 =	sld [smem:$0x0];
	_ =	sdelay $0x2  }
0xb8: {  	s31 =	sshll.u32 s1, $0xD;
	s1 =	sshrl.u32 s1, $0x2  }
0xb9: {  	s3 =	sand.u32 $0x4000, s31;
	s1 =	sadd.s32 s1, s30  }
0xba: {  	s0 =	sor.u32 s3, s0;
	s1 =	sshll.u32 s1, $0x11  }
0xbb: {  	s0 =	sor.u32 s1, s0  }
0xbc: {  	s0 =	sadd.s32 $0x8F2B, s0  }
0xbd: {  	[sflag:s0] =	ssyncadd.remote.s32 $0x1  }
0xbe: {  	_ =	sfence.sel $0xFFFF  }
0xbf: {  	[dreg:$0x0] =	wrdreg $0xFFFFFFFF;
	(pc) =	sbr.abs _section_cstart, $3  }
0xc0: {  	[dreg:$0x1] =	wrdreg $0xFFFFFFFF  }
0xc1: {  	_ =	task.clear_ibuf [dreg:s6], $0x2FFFF;
	_ =	strace $0x9FFFFFFF  }
0xc2: {  	(tm) =	ssettm $0x7FFFFFFF  }
0xc3: {  	_ =	shalt  }
tec
execute0_lowered:
.L_overlay_start_1:
0x0: {  	(tag) =	ssettag $0x1  }
0x1: {  	s0 =	srdreg.scid;
	s1 =	rddreg [dreg:$0x0]  }
0x2: {  	s22 =	stileid.u32;
	s2 =	rddreg [dreg:$0x1]  }
0x3: {  	s25 =	simm.s32 $0x0;
	s24 =	simm.s32 $0x2;
	s28 =	simm.s32 $0x5000  }
0x4: {  	s29 =	simm.s32 $0x1;
	s30 =	simm.s32 $0x0;
	s0 =	sand.u32 $0x1, s0  }
0x5: {  	[smem:$0x7FF] =	sst s25;
	s8 =	smul.u32 $0x2700, s22;
	s21 =	sadd.s32 $0x124800, s2  }
0x6: {  	s6 =	smul.u32 $0x4E000, s22;
	s9 =	sadd.s32 $0x6B700, s1;
	s23 =	sadd.s32 $0x138800, s2  }
0x7: {  	s10 =	sadd.s32 $0x46D00, s1;
	s14 =	sadd.s32 $0xB9B00, s1;
	s16 =	sadd.s32 $0x92900, s1  }
0x8: {  	s3 =	sshll.u32 s0, $0x4;
	_ =	strace $0x80000050;
	s26 =	ssub.s32 $0x2, s0  }
0x9: {  	s19 =	sor.u32 s22, s0;
	p3 =	sne.s32 s0, $0x0;
	s4 =	sor.u32 s22, s3  }
0xa: {  	s15 =	sadd.s32 s8, s1;
	s7 =	sshrl.u32 s26, $0x1;
	s6 =	sshrl.u32 s6, $0x2  }
0xb: {  	p1 =	seq.s32 @p3 s22, $0xF;
	p4 =	seq.s32 @!p3 s22, $0xF;
	s5 =	smul.u32 $0x500, s4  }
0xc: {  	s4 =	sadd.s32 $0x46E00, s1;
	s17 =	ssub.s32 s26, s7;
	s31 =	sadd.s32 $0x1FC00, s15  }
0xd: {  	s7 =	sadd.s32 $0x44500, s1;
	s13 =	sadd.s32 $0x95200, s15;
	s15 =	sadd.s32 $0x6E000, s15  }
0xe: {  	p0 =	por !p1, !p3;
	p1 =	por p1, !p3;
	p2 =	por !p4, p3  }
0xf: {  	p3 =	por p4, p3;
	p4 =	sne.s32 s19, $0x0;
	s26 =	simm.s32 $0x80  }
0x10: {  	[dreg:$0x3] =	wrdreg s31;
	s8 =	sadd.s32 s4, s8;
	s17 =	smax.u32 s17, $0x1  }
0x11: {  	s18 =	sshrl.u32 @!p0 s21, $0x3;
	s0 =	sshll.u32 @!p1 s22, $0x6;
	s21 =	sshrl.u32 @!p2 s21, $0x3  }
0x12: {  	s23 =	sshrl.u32 @!p4 s23, $0x3;
	s12 =	sadd.s32 s5, s1;
	s5 =	sadd.s32 s6, s2  }
0x13: {  	s19 =	sor.u32 @!p1 $0x1C02, s0;
	s0 =	sshll.u32 @!p4 s22, $0x6;
	s11 =	sadd.s32 $0xBC00, s12  }
0x14: {  	s12 =	sadd.s32 $0x15C00, s12;
	s20 =	sshrl.u32 @!p1 s5, $0x3;
	s22 =	sor.u32 @!p4 $0x1C02, s0  }
.LBB2_1:
0x15: {  	s0 =	simm.s32 @!p0 $0x1FC2  }
0x16: {  	[spmem:s18], [sflag:s0] =	dma.local @!p0 [hbm:s7], $0x2800  }
0x17: {  	s0 =	simm.s32 @!p0 $0x2  }
0x18: {  	_ =	swait.ge @!p0 [sflag:s0], $0x2800  }
0x19: {  	[sflag:s0] =	ssyncset.done @!p0 $0x0  }
0x1a: {  	[sflag:s0] =	ssyncadd.s32 @!p0 $0xFFFFD800;
	s0 =	rddreg [dreg:$0x3]  }
0x1b: {  	[spmem:s20], [sflag:s19] =	dma.local @!p1 [hbm:s0], $0x2700  }
0x1c: {  	s0 =	simm.s32 @!p1 $0x2  }
0x1d: {  	_ =	swait.ge @!p1 [sflag:s0], $0x2700  }
0x1e: {  	[sflag:s0] =	ssyncset.done @!p1 $0x0  }
0x1f: {  	[sflag:s0] =	ssyncadd.s32 @!p1 $0xFFFFD900;
	s0 =	simm.s32 @!p2 $0x1FC2  }
0x20: {  	[spmem:s21], [sflag:s0] =	dma.local @!p2 [hbm:s9], $0x2800  }
0x21: {  	s1 =	stileid.u32;
	s0 =	simm.s32 @!p2 $0x2  }
0x22: {  	s1 =	sshll.u32 @!p3 s1, $0x6;
	_ =	swait.ge @!p2 [sflag:s0], $0x2800  }
0x23: {  	s31 =	sor.u32 @!p3 $0x1C02, s1;
	[sflag:s0] =	ssyncset.done @!p2 $0x0  }
0x24: {  	s1 =	sshrl.u32 @!p3 s5, $0x3;
	[sflag:s0] =	ssyncadd.s32 @!p2 $0xFFFFD800;
	s0 =	simm.s32 @!p3 $0x2  }
0x25: {  	[spmem:s1], [sflag:s31] =	dma.local @!p3 [hbm:s8], $0x2700  }
0x26: {  	_ =	swait.ge @!p3 [sflag:s0], $0x2700  }
0x27: {  	[sflag:s0] =	ssyncset.done @!p3 $0x0  }
0x28: {  	[sflag:s0] =	ssyncadd.s32 @!p3 $0xFFFFD900;
	s0 =	simm.s32 @!p4 $0x2  }
0x29: {  	[spmem:s23], [sflag:s22] =	dma.local @!p4 [hbm:s10], $0x100  }
0x2a: {  	_ =	swait.ge @!p4 [sflag:s0], $0x100  }
0x2b: {  	[sflag:s0] =	ssyncset.done @!p4 $0x0  }
0x2c: {  	s25 =	simm.s32 $0x0;
	[sflag:s0] =	ssyncadd.s32 @!p4 $0xFFFFFF00  }
0x2d: {  	[tilespmem:s25], [sflag:$0x2] =	stream.linear.gather [hbm4b:s11+s25], $0x2780, $0x38;
	[tilespmem:$0x1C900] =	vst v63  }
0x2e: {  	_ =	swait.ge [sflag:s24], $0x2780  }
0x2f: {  	[sflag:s24] =	ssyncset.done $0x0  }
0x30: {  	s3 =	simm.s32 $0x2800;
	[sflag:s24] =	ssyncadd.s32 $0xFFFFD880  }
0x31: {  	[tilespmem:s3], [sflag:$0x2] =	stream.linear.gather [hbm4b:s12+s25], $0x2780, $0x38;
	[tilespmem:$0x1C900] =	vst v63  }
0x32: {  	_ =	swait.ge [sflag:s24], $0x2780  }
0x33: {  	[sflag:s24] =	ssyncset.done $0x0  }
0x34: {  	[sflag:s24] =	ssyncadd.s32 $0xFFFFD880  }
0x35: {  	s6 =	simm.s32 $0x0;
	[bflag:$0x0] =	sbarrier.arrive $0xFFFF  }
0x36: {  	[tilespmem:s28], [sflag:$0x1] =	stream.indirect.gather [hbm4b:s4+s26], $0x80, s6, s26, $0xb8;
	[tilespmem:$0x1C900] =	vst v63  }
0x37: {  	_ =	swait.ge [sflag:s29], $0x4000  }
0x38: {  	[sflag:s29] =	ssyncset.done $0x0  }
0x39: {  	s25 =	simm.s32 $0x2800;
	[sflag:s29] =	ssyncadd.s32 $0xFFFFC000  }
0x3a: {  	[spmem:s2] =	stream.indirect.scatter.add.f32 [tilespmem:s28], [sflag:$0x2], $0x80, s25, s26, $0xb8;
	[tilespmem:$0x1C900] =	vst v63  }
0x3b: {  	_ =	swait.ge [sflag:s24], $0x4000  }
0x3c: {  	s0 =	simm.s32 $0x200;
	s25 =	simm.s32 $0x400;
	[sflag:s24] =	ssyncset.done $0x0  }
.LBB2_2:
0x3d: {  	s3 =	sshra.s32 s0, $0x2  }
0x3e: {  	[sflag:s24] =	ssyncadd.s32 $0xFFFFC000;
	s0 =	smov.u32 s25;
	s6 =	sadd.s32 $0x200, s25  }
0x3f: {  	[tilespmem:s28], [sflag:$0x1] =	stream.indirect.gather [hbm4b:s4+s26], $0x80, s3, s26, $0xb8;
	[tilespmem:$0x1C900] =	vst v63  }
0x40: {  	p5 =	sne.s32 s25, $0x9C00;
	_ =	swait.ge [sflag:s29], $0x4000  }
.Ltmp0:
0x41: {  	[sflag:s29] =	ssyncset.done $0x0;
	(pc) =	sbr.rel @p5 .LBB2_2-.Ltmp0, $4  }
0x42: {  	s3 =	sadd.s32 $0x2800, s3;
	[sflag:s29] =	ssyncadd.s32 $0xFFFFC000  }
0x43: {  	[spmem:s2] =	stream.indirect.scatter.add.f32 [tilespmem:s28], [sflag:$0x2], $0x80, s3, s26, $0xb8;
	[tilespmem:$0x1C900] =	vst v63  }
0x44: {  	_ =	swait.ge [sflag:s24], $0x4000  }
0x45: {  	s25 =	smov.u32 s6;
	[sflag:s24] =	ssyncset.done $0x0  }
0x46: {  	s0 =	sshra.s32 s0, $0x2;
	[sflag:s24] =	ssyncadd.s32 $0xFFFFC000  }
0x47: {  	[tilespmem:s28], [sflag:$0x1] =	stream.indirect.gather [hbm4b:s4+s26], $0x80, s0, s26, $0xb8;
	[tilespmem:$0x1C900] =	vst v63  }
0x48: {  	_ =	swait.ge [sflag:s29], $0x4000  }
0x49: {  	[sflag:s29] =	ssyncset.done $0x0  }
0x4a: {  	s0 =	sadd.s32 $0x2800, s0;
	[sflag:s29] =	ssyncadd.s32 $0xFFFFC000  }
0x4b: {  	[spmem:s2] =	stream.indirect.scatter.add.f32 [tilespmem:s28], [sflag:$0x2], $0x80, s0, s26, $0xb8;
	[tilespmem:$0x1C900] =	vst v63  }
0x4c: {  	_ =	swait.ge [sflag:s24], $0x4000  }
0x4d: {  	[sflag:s24] =	ssyncset.done $0x0  }
0x4e: {  	[sflag:s24] =	ssyncadd.s32 $0xFFFFC000  }
0x4f: {  	s0 =	simm.s32 @!p0 $0x1FC2;
	[bflag:$0x0] =	sbarrier.arrive $0xFFFF  }
0x50: {  	[hbm:s14], [sflag:s0] =	dma.local @!p0 [spmem:s18], $0x2800  }
0x51: {  	s0 =	simm.s32 @!p0 $0x2  }
0x52: {  	_ =	swait.ge @!p0 [sflag:s0], $0x2800  }
0x53: {  	[sflag:s0] =	ssyncset.done @!p0 $0x0  }
0x54: {  	[sflag:s0] =	ssyncadd.s32 @!p0 $0xFFFFD800;
	s0 =	simm.s32 @!p1 $0x2  }
0x55: {  	[hbm:s13], [sflag:s19] =	dma.local @!p1 [spmem:s20], $0x2700  }
0x56: {  	_ =	swait.ge @!p1 [sflag:s0], $0x2700  }
0x57: {  	[sflag:s0] =	ssyncset.done @!p1 $0x0  }
0x58: {  	[sflag:s0] =	ssyncadd.s32 @!p1 $0xFFFFD900;
	s0 =	simm.s32 @!p2 $0x1FC2  }
0x59: {  	[hbm:s16], [sflag:s0] =	dma.local @!p2 [spmem:s21], $0x2800  }
0x5a: {  	s0 =	simm.s32 @!p2 $0x2  }
0x5b: {  	s30 =	sadd.s32 $0x1, s30;
	_ =	swait.ge @!p2 [sflag:s0], $0x2800  }
0x5c: {  	p5 =	sne.s32 s30, s17;
	[sflag:s0] =	ssyncset.done @!p2 $0x0  }
.Ltmp1:
0x5d: {  	[sflag:s0] =	ssyncadd.s32 @!p2 $0xFFFFD800;
	s0 =	simm.s32 @!p3 $0x2;
	(pc) =	sbr.rel @p5 .LBB2_1-.Ltmp1, $4  }
0x5e: {  	[hbm:s15], [sflag:s31] =	dma.local @!p3 [spmem:s1], $0x2700  }
0x5f: {  	_ =	swait.ge @!p3 [sflag:s0], $0x2700  }
0x60: {  	[sflag:s0] =	ssyncset.done @!p3 $0x0  }
0x61: {  	[sflag:s0] =	ssyncadd.s32 @!p3 $0xFFFFD900  }
0x62: {  	_ =	sfence.sel $0x180000  }
0x63: {  	[bflag:$0x0] =	sbarrier.arrive $0xFFFF  }
0x64: {  	_ =	strace $0x90000050  }
0x65: {  	s0 =	stileid.u32;
	[bflag:$0x2] =	sbarrier.arrive $0xFFFF  }
0x66: {  	p0 =	sne.s32 s0, $0x0;
	s0 =	rddreg [dreg:$0x2]  }
0x67: {  	s0 =	sadd.s32 @!p0 $0x100000, s0  }
0x68: {  	[sflag:s0] =	ssyncadd.tile.s32 @!p0 $0x1;
	_ =	shalt  }
.Lfunc_end2:
_tile_overlayer_lowered:
.L_overlay_start_2:
0x69: {  	(tag) =	ssettag $0x2  }
0x6a: {  	s0 =	rddreg [dreg:$0x0];
	s2 =	stileid.u32  }
0x6b: {  	s1 =	rddreg [dreg:$0x1];
	p0 =	sne.s32 s2, $0x0  }
0x6c: {  	s3 =	rddreg [dreg:$0x2];
	[bflag:$0x3] =	sbarrier.arrive $0xFFFF;
	s2 =	simm.s32 @!p0 $0x1C02  }
0x6d: {  	[timem:s3], [sflag:s2] =	dma.local @!p0 [hbm:s0], s1  }
0x6e: {  	s0 =	simm.s32 @!p0 $0x2  }
0x6f: {  	_ =	swait.ge @!p0 [sflag:s0], s1  }
0x70: {  	s1 =	ssub.s32 @!p0 $0x0, s1;
	[sflag:s0] =	ssyncset.done @!p0 $0x0  }
0x71: {  	[sflag:s0] =	ssyncadd.s32 @!p0 s1  }
0x72: {  	[bflag:$0x3] =	sbarrier.arrive $0xFFFF  }
0x73: {  	_ =	shalt  }

// kernel: kernel.26.cloned.1.call-start
scs
__scs_entry_jumppad:
0x0: {  	(pc) =	sbr.rel $0x88, $3  }
0x1: {  	(tag) =	ssettag $0x0;
	lr =	simm.s32 $0x1  }
0x2: {  	[smem:$0x3F6D] =	sst lr;
	_ =	strace $0xD0000000  }
0x3: {  	_ = 	snop  }
0x4: {  	_ = 	snop  }
0x5: {  	_ = 	snop  }
0x6: {  	_ = 	snop  }
0x7: {  	_ = 	snop  }
__scs_overlays_trampoline_lowered:
0x8: {  	[smem:$0x3F7C] =	sst s0  }
0x9: {  	[smem:$0x3F7D] =	sst s1  }
0xa: {  	[smem:$0x3F7E] =	sst s2  }
0xb: {  	[smem:$0x3F7F] =	sst s3  }
0xc: {  	[smem:$0x3F80] =	sst s4  }
0xd: {  	[smem:$0x3F81] =	sst s5  }
0xe: {  	[smem:$0x3F82] =	sst s6  }
0xf: {  	[smem:$0x3F83] =	sst s7  }
0x10: {  	[smem:$0x3F84] =	sst s8  }
0x11: {  	[smem:$0x3F85] =	sst s9;
	s0 =	simm.s32 @!p0 $0x0  }
0x12: {  	s1 =	sld [smem:$0x3F6B];
	s0 =	simm.s32 @p0 $0x1  }
0x13: {  	[smem:$0x3F86] =	sst s0;
	s0 =	simm.s32 @!p1 $0x0  }
0x14: {  	s2 =	sld [smem:$0x3F6A];
	s0 =	simm.s32 @p1 $0x1  }
0x15: {  	[smem:$0x3F87] =	sst s0;
	s0 =	simm.s32 @!p2 $0x0  }
0x16: {  	s3 =	sld [smem:$0x3FDB];
	s0 =	simm.s32 @p2 $0x1  }
0x17: {  	s4 =	simm.s32 $0x1BF5;
	[smem:$0x3F89] =	sst s0  }
0x18: {  	s0 =	sld [smem:$0x3F6C];
	_ =	swait.ge [sflag:s4], $0x0  }
0x19: {  	s7 =	sld [smem:$0x3F6D]  }
0x1a: {  	s8 =	sadd.s32 $0xFFFFE003, lr  }
0x1b: {  	s9 =	sadd.s32 $0xFFFFFEF7, lr;
	s5 =	simm.s32 $0xFFFFFFFF;
	p2 =	slt.u32 s8, $0xFFFFF086  }
0x1c: {  	p1 =	slt.u32 s9, $0xF7A;
	s5 =	simm.s32 @!p2 $0x0  }
0x1d: {  	s5 =	simm.s32 @p1 $0x1;
	p0 =	seq.s32 s7, s2  }
0x1e: {  	s7 =	smul.u32 @!p0 $0xF7A, s2;
	p2 =	seq.s32 @!p0 s5, $0x0  }
0x1f: {  	s9 =	smul.u32 $0xF7A, s1;
	s8 =	simm.s32 @!p0 $0x1BF5;
	p2 =	por !p2, p0  }
0x20: {  	[sflag:s8] =	ssyncset.s32 @!p0 $0xFFFFF086;
	s6 =	sadd.s32 @!p0 s3, s7;
	s7 =	simm.s32 @!p0 $0x108  }
0x21: {  	s3 =	sadd.s32 s3, s9;
	s6 =	sadd.s32 @!p0 $0x88, s6;
	s7 =	simm.s32 @p2 $0x1082  }
0x22: {  	[simem:s7], [sflag:s8] =	dma.local @!p0 [hbm:s6], $0xF7A  }
0x23: {  	s9 =	sor.u32 $0xD0000000, s2;
	s6 =	simm.s32 $0x108;
	_ =	swait.ge @!p0 [sflag:s8], $0x0  }
0x24: {  	s3 =	sadd.s32 $0x88, s3;
	s6 =	simm.s32 @!p1 $0x1082;
	[sflag:s4] =	ssyncset.s32 $0xFFFFF086  }
0x25: {  	[simem:s6], [sflag:s4] =	dma.local [hbm:s3], $0xF7A  }
0x26: {  	[smem:$0x3F6D] =	sst s1;
	(tag) =	ssettag s2;
	_ =	strace s9  }
0x27: {  	s1 =	sld [smem:$0x3F7D]  }
0x28: {  	s2 =	sld [smem:$0x3F7E]  }
0x29: {  	s4 =	sld [smem:$0x3F80]  }
0x2a: {  	p0 =	seq.s32 s5, $0x0;
	s5 =	sld [smem:$0x3F81]  }
0x2b: {  	s6 =	sld [smem:$0x3F82]  }
0x2c: {  	s7 =	sld [smem:$0x3F83]  }
0x2d: {  	s3 =	simm.s32 $0x108;
	s8 =	sld [smem:$0x3F84]  }
0x2e: {  	s3 =	simm.s32 @!p0 $0x1082;
	s9 =	sld [smem:$0x3F85]  }
0x2f: {  	lr =	sadd.s32 s0, s3;
	s0 =	sld [smem:$0x3F7C]  }
0x30: {  	s3 =	sld [smem:$0x3F7F]  }
0x31: {  	[smem:$0x3F88] =	sst s10  }
0x32: {  	s10 =	sld [smem:$0x3F86];
	_ =	sdelay $0x3  }
0x33: {  	p0 =	seq.s32 s10, $0x1;
	s10 =	sld [smem:$0x3F88];
	_ =	sdelay $0x3  }
0x34: {  	[smem:$0x3F88] =	sst s10  }
0x35: {  	s10 =	sld [smem:$0x3F87];
	_ =	sdelay $0x3  }
0x36: {  	p1 =	seq.s32 s10, $0x1;
	s10 =	sld [smem:$0x3F88];
	_ =	sdelay $0x3  }
0x37: {  	[smem:$0x3F88] =	sst s10  }
0x38: {  	s10 =	sld [smem:$0x3F89]  }
0x39: {  	_ = 	snop;
	(pc) =	sbr.ind lr, $3  }
0x3a: {  	_ = 	snop  }
0x3b: {  	_ = 	snop  }
0x3c: {  	p2 =	seq.s32 s10, $0x1;
	s10 =	sld [smem:$0x3F88]  }
0x3d: {  	_ =	shalt  }
0x3e: {  	_ =	shalt  }
0x3f: {  	_ =	shalt  }
0x40: {  	_ =	shalt  }
0x41: {  	_ =	shalt  }
0x42: {  	_ =	shalt  }
0x43: {  	_ =	shalt  }
0x44: {  	_ =	shalt  }
0x45: {  	_ =	shalt  }
0x46: {  	_ =	shalt  }
0x47: {  	_ =	shalt  }
0x48: {  	_ =	shalt  }
0x49: {  	_ =	shalt  }
0x4a: {  	_ =	shalt  }
0x4b: {  	_ =	shalt  }
0x4c: {  	_ =	shalt  }
0x4d: {  	_ =	shalt  }
0x4e: {  	_ =	shalt  }
0x4f: {  	_ =	shalt  }
0x50: {  	_ =	shalt  }
0x51: {  	_ =	shalt  }
0x52: {  	_ =	shalt  }
0x53: {  	_ =	shalt  }
0x54: {  	_ =	shalt  }
0x55: {  	_ =	shalt  }
0x56: {  	_ =	shalt  }
0x57: {  	_ =	shalt  }
0x58: {  	_ =	shalt  }
0x59: {  	_ =	shalt  }
0x5a: {  	_ =	shalt  }
0x5b: {  	_ =	shalt  }
0x5c: {  	_ =	shalt  }
0x5d: {  	_ =	shalt  }
0x5e: {  	_ =	shalt  }
0x5f: {  	_ =	shalt  }
0x60: {  	_ =	shalt  }
0x61: {  	_ =	shalt  }
0x62: {  	_ =	shalt  }
0x63: {  	_ =	shalt  }
0x64: {  	_ =	shalt  }
0x65: {  	_ =	shalt  }
0x66: {  	_ =	shalt  }
0x67: {  	_ =	shalt  }
0x68: {  	_ =	shalt  }
0x69: {  	_ =	shalt  }
0x6a: {  	_ =	shalt  }
0x6b: {  	_ =	shalt  }
0x6c: {  	_ =	shalt  }
0x6d: {  	_ =	shalt  }
0x6e: {  	_ =	shalt  }
0x6f: {  	_ =	shalt  }
0x70: {  	_ =	shalt  }
0x71: {  	_ =	shalt  }
0x72: {  	_ =	shalt  }
0x73: {  	_ =	shalt  }
0x74: {  	_ =	shalt  }
0x75: {  	_ =	shalt  }
0x76: {  	_ =	shalt  }
0x77: {  	_ =	shalt  }
0x78: {  	_ =	shalt  }
0x79: {  	_ =	shalt  }
0x7a: {  	_ =	shalt  }
0x7b: {  	_ =	shalt  }
0x7c: {  	_ =	shalt  }
0x7d: {  	_ =	shalt  }
0x7e: {  	_ =	shalt  }
0x7f: {  	_ =	shalt  }
0x80: {  	_ =	shalt  }
0x81: {  	_ =	shalt  }
0x82: {  	_ =	shalt  }
0x83: {  	_ =	shalt  }
0x84: {  	_ =	shalt  }
0x85: {  	_ =	shalt  }
0x86: {  	_ =	shalt  }
0x87: {  	_ =	shalt  }
.Lfunc_end0:
.L_simem_size_0:
called_computation.4_lowered:
.L_overlay_start_0:
0x88: {  	s2 =	sld [smem:$0x3FD9]  }
0x89: {  	s3 =	sld [smem:$0x3FFE];
	_ =	sdelay $0x1  }
0x8a: {  	s1 =	srdreg.scid  }
0x8b: {  	s0 =	sand.u32 $0x1, s1  }
0x8c: {  	s16 =	sshll.u32 s0, $0xA;
	s2 =	sadd.s32 s3, s2  }
0x8d: {  	s2 =	sadd.s32 s2, s16  }
0x8e: {  	[smem:$0x3F94] =	sst s2  }
0x8f: {  	_ = 	snop  }
0x90: {  	(tm) =	ssettm $0x1  }
0x91: {  	s17 =	sld [smem:$0x3FFB];
	_ =	sdelay $0x3  }
0x92: {  	_ =	strace s17  }
0x93: {  	s2 =	sld [smem:$0x3FFC];
	_ =	sdelay $0x3  }
0x94: {  	_ =	strace s2  }
0x95: {  	s2 =	sld [smem:$0x3FFD];
	_ =	sdelay $0x3  }
0x96: {  	_ =	strace s2  }
0x97: {  	_ =	strace $0x8FFFFFFF  }
0x98: {  	s18 =	sld [smem:$0x3FDB];
	_ =	sdelay $0x1  }
0x99: {  	s19 =	simm.s32 $_scs_section_size  }
0x9a: {  	s4 =	simm.s32 $_size__tile_overlayer_lowered;
	s5 =	simm.s32 $_tile_overlayer_lowered  }
0x9b: {  	s22 =	simm.s32 $0x1BFF;
	s21 =	sshll.u32 s5, $0x1;
	s2 =	sadd.s32 s19, s18  }
0x9c: {  	s6 =	simm.s32 $0x0;
	s20 =	sshll.u32 s4, $0x1;
	s4 =	sadd.s32 s21, s2  }
0x9d: {  	[timem:s6], [sflag:s22] =	dma.local [hbm:s4], s20  }
0x9e: {  	_ =	swait.ge [sflag:s22], s20  }
0x9f: {  	s3 =	ssub.s32 $0x0, s20;
	[sflag:s22] =	ssyncset.done $0x0  }
0xa0: {  	[sflag:s22] =	ssyncadd.s32 s3;
	_ =	sdelay $0x1  }
0xa1: {  	s23 =	simm.s32 $0x1B8B  }
0xa2: {  	_ =	swait.ge [sflag:s23], $0x1  }
0xa3: {  	[sflag:s23] =	ssyncset.done $0x0  }
0xa4: {  	s25 =	simm.s32 $0x1B8E;
	s24 =	sld [smem:$0x3FFE];
	[sflag:s23] =	ssyncadd.s32 $0xFFFFFFFF  }
0xa5: {  	s26 =	simm.s32 $execute0_lowered;
	[smem:$0x3FD2] =	sst s25  }
0xa6: {  	s4 =	sshll.u32 s26, $0x1;
	_ =	strace $0x80000052;
	[dreg:$0x1] =	wrdreg $0xFFFFFFFF  }
0xa7: {  	s28 =	simm.s32 $_size_execute0_lowered;
	s2 =	sadd.s32 s2, s4;
	[dreg:$0x0] =	wrdreg $0x0  }
0xa8: {  	s4 =	sshll.u32 s28, $0x1;
	[dreg:$0x2] =	wrdreg s2  }
0xa9: {  	[dreg:$0x3] =	wrdreg s4  }
0xaa: {  	[dreg:$0x4] =	wrdreg $0xC0  }
0xab: {  	_ =	task [dreg:s6], $0x5FFFF  }
0xac: {  	[dreg:$0x1] =	wrdreg $0xFFFFFFFF  }
0xad: {  	[dreg:$0x0] =	wrdreg $0x60  }
0xae: {  	[dreg:$0x2] =	wrdreg s24  }
0xaf: {  	[dreg:$0x3] =	wrdreg $0x90000  }
0xb0: {  	[dreg:$0x4] =	wrdreg $0x9  }
0xb1: {  	_ =	task.clear_ibuf [dreg:s6], $0x5FFFF;
	_ =	strace $0x90000052  }
0xb2: {  	s29 =	simm.s32 $0x9;
	_ =	strace $0x80000054  }
0xb3: {  	_ =	swait.ge [sflag:s29], $0x1  }
0xb4: {  	[sflag:s29] =	ssyncadd.s32 $0xFFFFFFFF  }
0xb5: {  	_ =	strace $0x90000054  }
0xb6: {  	_ =	sfence  }
0xb7: {  	s30 =	sld [smem:$0x0];
	_ =	sdelay $0x2  }
0xb8: {  	s31 =	sshll.u32 s1, $0xD;
	s1 =	sshrl.u32 s1, $0x2  }
0xb9: {  	s3 =	sand.u32 $0x4000, s31;
	s1 =	sadd.s32 s1, s30  }
0xba: {  	s0 =	sor.u32 s3, s0;
	s1 =	sshll.u32 s1, $0x11  }
0xbb: {  	s0 =	sor.u32 s1, s0  }
0xbc: {  	s0 =	sadd.s32 $0x8F2B, s0  }
0xbd: {  	[sflag:s0] =	ssyncadd.remote.s32 $0x1  }
0xbe: {  	_ =	sfence.sel $0xFFFF  }
0xbf: {  	[dreg:$0x0] =	wrdreg $0xFFFFFFFF;
	(pc) =	sbr.abs _section_cstart, $3  }
0xc0: {  	[dreg:$0x1] =	wrdreg $0xFFFFFFFF  }
0xc1: {  	_ =	task.clear_ibuf [dreg:s6], $0x2FFFF;
	_ =	strace $0x9FFFFFFF  }
0xc2: {  	(tm) =	ssettm $0x7FFFFFFF  }
0xc3: {  	_ =	shalt  }
tec
execute0_lowered:
.L_overlay_start_1:
0x0: {  	(tag) =	ssettag $0x1  }
0x1: {  	s0 =	srdreg.scid;
	s1 =	rddreg [dreg:$0x0]  }
0x2: {  	s22 =	stileid.u32;
	s2 =	rddreg [dreg:$0x1]  }
0x3: {  	s25 =	simm.s32 $0x0;
	s24 =	simm.s32 $0x2;
	s28 =	simm.s32 $0x5000  }
0x4: {  	s29 =	simm.s32 $0x1;
	s30 =	simm.s32 $0x0;
	s0 =	sand.u32 $0x1, s0  }
0x5: {  	[smem:$0x7FF] =	sst s25;
	s8 =	smul.u32 $0x2700, s22;
	s21 =	sadd.s32 $0x124800, s2  }
0x6: {  	s6 =	smul.u32 $0x4E000, s22;
	s9 =	sadd.s32 $0x6B700, s1;
	s23 =	sadd.s32 $0x138800, s2  }
0x7: {  	s10 =	sadd.s32 $0x46D00, s1;
	s14 =	sadd.s32 $0xB9B00, s1;
	s16 =	sadd.s32 $0x92900, s1  }
0x8: {  	s3 =	sshll.u32 s0, $0x4;
	_ =	strace $0x80000053;
	s26 =	ssub.s32 $0x2, s0  }
0x9: {  	s19 =	sor.u32 s22, s0;
	p3 =	sne.s32 s0, $0x0;
	s4 =	sor.u32 s22, s3  }
0xa: {  	s15 =	sadd.s32 s8, s1;
	s7 =	sshrl.u32 s26, $0x1;
	s6 =	sshrl.u32 s6, $0x2  }
0xb: {  	p1 =	seq.s32 @p3 s22, $0xF;
	p4 =	seq.s32 @!p3 s22, $0xF;
	s5 =	smul.u32 $0x500, s4  }
0xc: {  	s4 =	sadd.s32 $0x46E00, s1;
	s17 =	ssub.s32 s26, s7;
	s31 =	sadd.s32 $0x1FC00, s15  }
0xd: {  	s7 =	sadd.s32 $0x44500, s1;
	s13 =	sadd.s32 $0x95200, s15;
	s15 =	sadd.s32 $0x6E000, s15  }
0xe: {  	p0 =	por !p1, !p3;
	p1 =	por p1, !p3;
	p2 =	por !p4, p3  }
0xf: {  	p3 =	por p4, p3;
	p4 =	sne.s32 s19, $0x0;
	s26 =	simm.s32 $0x80  }
0x10: {  	[dreg:$0x3] =	wrdreg s31;
	s8 =	sadd.s32 s4, s8;
	s17 =	smax.u32 s17, $0x1  }
0x11: {  	s18 =	sshrl.u32 @!p0 s21, $0x3;
	s0 =	sshll.u32 @!p1 s22, $0x6;
	s21 =	sshrl.u32 @!p2 s21, $0x3  }
0x12: {  	s23 =	sshrl.u32 @!p4 s23, $0x3;
	s12 =	sadd.s32 s5, s1;
	s5 =	sadd.s32 s6, s2  }
0x13: {  	s19 =	sor.u32 @!p1 $0x1C02, s0;
	s0 =	sshll.u32 @!p4 s22, $0x6;
	s11 =	sadd.s32 $0xBC00, s12  }
0x14: {  	s12 =	sadd.s32 $0x15C00, s12;
	s20 =	sshrl.u32 @!p1 s5, $0x3;
	s22 =	sor.u32 @!p4 $0x1C02, s0  }
.LBB2_1:
0x15: {  	s0 =	simm.s32 @!p0 $0x1FC2  }
0x16: {  	[spmem:s18], [sflag:s0] =	dma.local @!p0 [hbm:s7], $0x2800  }
0x17: {  	s0 =	simm.s32 @!p0 $0x2  }
0x18: {  	_ =	swait.ge @!p0 [sflag:s0], $0x2800  }
0x19: {  	[sflag:s0] =	ssyncset.done @!p0 $0x0  }
0x1a: {  	[sflag:s0] =	ssyncadd.s32 @!p0 $0xFFFFD800;
	s0 =	rddreg [dreg:$0x3]  }
0x1b: {  	[spmem:s20], [sflag:s19] =	dma.local @!p1 [hbm:s0], $0x2700  }
0x1c: {  	s0 =	simm.s32 @!p1 $0x2  }
0x1d: {  	_ =	swait.ge @!p1 [sflag:s0], $0x2700  }
0x1e: {  	[sflag:s0] =	ssyncset.done @!p1 $0x0  }
0x1f: {  	[sflag:s0] =	ssyncadd.s32 @!p1 $0xFFFFD900;
	s0 =	simm.s32 @!p2 $0x1FC2  }
0x20: {  	[spmem:s21], [sflag:s0] =	dma.local @!p2 [hbm:s9], $0x2800  }
0x21: {  	s1 =	stileid.u32;
	s0 =	simm.s32 @!p2 $0x2  }
0x22: {  	s1 =	sshll.u32 @!p3 s1, $0x6;
	_ =	swait.ge @!p2 [sflag:s0], $0x2800  }
0x23: {  	s31 =	sor.u32 @!p3 $0x1C02, s1;
	[sflag:s0] =	ssyncset.done @!p2 $0x0  }
0x24: {  	s1 =	sshrl.u32 @!p3 s5, $0x3;
	[sflag:s0] =	ssyncadd.s32 @!p2 $0xFFFFD800;
	s0 =	simm.s32 @!p3 $0x2  }
0x25: {  	[spmem:s1], [sflag:s31] =	dma.local @!p3 [hbm:s8], $0x2700  }
0x26: {  	_ =	swait.ge @!p3 [sflag:s0], $0x2700  }
0x27: {  	[sflag:s0] =	ssyncset.done @!p3 $0x0  }
0x28: {  	[sflag:s0] =	ssyncadd.s32 @!p3 $0xFFFFD900;
	s0 =	simm.s32 @!p4 $0x2  }
0x29: {  	[spmem:s23], [sflag:s22] =	dma.local @!p4 [hbm:s10], $0x100  }
0x2a: {  	_ =	swait.ge @!p4 [sflag:s0], $0x100  }
0x2b: {  	[sflag:s0] =	ssyncset.done @!p4 $0x0  }
0x2c: {  	s25 =	simm.s32 $0x0;
	[sflag:s0] =	ssyncadd.s32 @!p4 $0xFFFFFF00  }
0x2d: {  	[tilespmem:s25], [sflag:$0x2] =	stream.linear.gather [hbm4b:s11+s25], $0x2780, $0x38;
	[tilespmem:$0x1C900] =	vst v63  }
0x2e: {  	_ =	swait.ge [sflag:s24], $0x2780  }
0x2f: {  	[sflag:s24] =	ssyncset.done $0x0  }
0x30: {  	s3 =	simm.s32 $0x2800;
	[sflag:s24] =	ssyncadd.s32 $0xFFFFD880  }
0x31: {  	[tilespmem:s3], [sflag:$0x2] =	stream.linear.gather [hbm4b:s12+s25], $0x2780, $0x38;
	[tilespmem:$0x1C900] =	vst v63  }
0x32: {  	_ =	swait.ge [sflag:s24], $0x2780  }
0x33: {  	[sflag:s24] =	ssyncset.done $0x0  }
0x34: {  	[sflag:s24] =	ssyncadd.s32 $0xFFFFD880  }
0x35: {  	s6 =	simm.s32 $0x0;
	[bflag:$0x0] =	sbarrier.arrive $0xFFFF  }
0x36: {  	[tilespmem:s28], [sflag:$0x1] =	stream.indirect.gather [hbm4b:s4+s26], $0x80, s6, s26, $0xb8;
	[tilespmem:$0x1C900] =	vst v63  }
0x37: {  	_ =	swait.ge [sflag:s29], $0x4000  }
0x38: {  	[sflag:s29] =	ssyncset.done $0x0  }
0x39: {  	s25 =	simm.s32 $0x2800;
	[sflag:s29] =	ssyncadd.s32 $0xFFFFC000  }
0x3a: {  	[spmem:s2] =	stream.indirect.scatter.add.f32 [tilespmem:s28], [sflag:$0x2], $0x80, s25, s26, $0xb8;
	[tilespmem:$0x1C900] =	vst v63  }
0x3b: {  	_ =	swait.ge [sflag:s24], $0x4000  }
0x3c: {  	s0 =	simm.s32 $0x200;
	s25 =	simm.s32 $0x400;
	[sflag:s24] =	ssyncset.done $0x0  }
.LBB2_2:
0x3d: {  	s3 =	sshra.s32 s0, $0x2  }
0x3e: {  	[sflag:s24] =	ssyncadd.s32 $0xFFFFC000;
	s0 =	smov.u32 s25;
	s6 =	sadd.s32 $0x200, s25  }
0x3f: {  	[tilespmem:s28], [sflag:$0x1] =	stream.indirect.gather [hbm4b:s4+s26], $0x80, s3, s26, $0xb8;
	[tilespmem:$0x1C900] =	vst v63  }
0x40: {  	p5 =	sne.s32 s25, $0x9C00;
	_ =	swait.ge [sflag:s29], $0x4000  }
.Ltmp0:
0x41: {  	[sflag:s29] =	ssyncset.done $0x0;
	(pc) =	sbr.rel @p5 .LBB2_2-.Ltmp0, $4  }
0x42: {  	s3 =	sadd.s32 $0x2800, s3;
	[sflag:s29] =	ssyncadd.s32 $0xFFFFC000  }
0x43: {  	[spmem:s2] =	stream.indirect.scatter.add.f32 [tilespmem:s28], [sflag:$0x2], $0x80, s3, s26, $0xb8;
	[tilespmem:$0x1C900] =	vst v63  }
0x44: {  	_ =	swait.ge [sflag:s24], $0x4000  }
0x45: {  	s25 =	smov.u32 s6;
	[sflag:s24] =	ssyncset.done $0x0  }
0x46: {  	s0 =	sshra.s32 s0, $0x2;
	[sflag:s24] =	ssyncadd.s32 $0xFFFFC000  }
0x47: {  	[tilespmem:s28], [sflag:$0x1] =	stream.indirect.gather [hbm4b:s4+s26], $0x80, s0, s26, $0xb8;
	[tilespmem:$0x1C900] =	vst v63  }
0x48: {  	_ =	swait.ge [sflag:s29], $0x4000  }
0x49: {  	[sflag:s29] =	ssyncset.done $0x0  }
0x4a: {  	s0 =	sadd.s32 $0x2800, s0;
	[sflag:s29] =	ssyncadd.s32 $0xFFFFC000  }
0x4b: {  	[spmem:s2] =	stream.indirect.scatter.add.f32 [tilespmem:s28], [sflag:$0x2], $0x80, s0, s26, $0xb8;
	[tilespmem:$0x1C900] =	vst v63  }
0x4c: {  	_ =	swait.ge [sflag:s24], $0x4000  }
0x4d: {  	[sflag:s24] =	ssyncset.done $0x0  }
0x4e: {  	[sflag:s24] =	ssyncadd.s32 $0xFFFFC000  }
0x4f: {  	s0 =	simm.s32 @!p0 $0x1FC2;
	[bflag:$0x0] =	sbarrier.arrive $0xFFFF  }
0x50: {  	[hbm:s14], [sflag:s0] =	dma.local @!p0 [spmem:s18], $0x2800  }
0x51: {  	s0 =	simm.s32 @!p0 $0x2  }
0x52: {  	_ =	swait.ge @!p0 [sflag:s0], $0x2800  }
0x53: {  	[sflag:s0] =	ssyncset.done @!p0 $0x0  }
0x54: {  	[sflag:s0] =	ssyncadd.s32 @!p0 $0xFFFFD800;
	s0 =	simm.s32 @!p1 $0x2  }
0x55: {  	[hbm:s13], [sflag:s19] =	dma.local @!p1 [spmem:s20], $0x2700  }
0x56: {  	_ =	swait.ge @!p1 [sflag:s0], $0x2700  }
0x57: {  	[sflag:s0] =	ssyncset.done @!p1 $0x0  }
0x58: {  	[sflag:s0] =	ssyncadd.s32 @!p1 $0xFFFFD900;
	s0 =	simm.s32 @!p2 $0x1FC2  }
0x59: {  	[hbm:s16], [sflag:s0] =	dma.local @!p2 [spmem:s21], $0x2800  }
0x5a: {  	s0 =	simm.s32 @!p2 $0x2  }
0x5b: {  	s30 =	sadd.s32 $0x1, s30;
	_ =	swait.ge @!p2 [sflag:s0], $0x2800  }
0x5c: {  	p5 =	sne.s32 s30, s17;
	[sflag:s0] =	ssyncset.done @!p2 $0x0  }
.Ltmp1:
0x5d: {  	[sflag:s0] =	ssyncadd.s32 @!p2 $0xFFFFD800;
	s0 =	simm.s32 @!p3 $0x2;
	(pc) =	sbr.rel @p5 .LBB2_1-.Ltmp1, $4  }
0x5e: {  	[hbm:s15], [sflag:s31] =	dma.local @!p3 [spmem:s1], $0x2700  }
0x5f: {  	_ =	swait.ge @!p3 [sflag:s0], $0x2700  }
0x60: {  	[sflag:s0] =	ssyncset.done @!p3 $0x0  }
0x61: {  	[sflag:s0] =	ssyncadd.s32 @!p3 $0xFFFFD900  }
0x62: {  	_ =	sfence.sel $0x180000  }
0x63: {  	[bflag:$0x0] =	sbarrier.arrive $0xFFFF  }
0x64: {  	_ =	strace $0x90000053  }
0x65: {  	s0 =	stileid.u32;
	[bflag:$0x2] =	sbarrier.arrive $0xFFFF  }
0x66: {  	p0 =	sne.s32 s0, $0x0;
	s0 =	rddreg [dreg:$0x2]  }
0x67: {  	s0 =	sadd.s32 @!p0 $0x100000, s0  }
0x68: {  	[sflag:s0] =	ssyncadd.tile.s32 @!p0 $0x1;
	_ =	shalt  }
.Lfunc_end2:
_tile_overlayer_lowered:
.L_overlay_start_2:
0x69: {  	(tag) =	ssettag $0x2  }
0x6a: {  	s0 =	rddreg [dreg:$0x0];
	s2 =	stileid.u32  }
0x6b: {  	s1 =	rddreg [dreg:$0x1];
	p0 =	sne.s32 s2, $0x0  }
0x6c: {  	s3 =	rddreg [dreg:$0x2];
	[bflag:$0x3] =	sbarrier.arrive $0xFFFF;
	s2 =	simm.s32 @!p0 $0x1C02  }
0x6d: {  	[timem:s3], [sflag:s2] =	dma.local @!p0 [hbm:s0], s1  }
0x6e: {  	s0 =	simm.s32 @!p0 $0x2  }
0x6f: {  	_ =	swait.ge @!p0 [sflag:s0], s1  }
0x70: {  	s1 =	ssub.s32 @!p0 $0x0, s1;
	[sflag:s0] =	ssyncset.done @!p0 $0x0  }
0x71: {  	[sflag:s0] =	ssyncadd.s32 @!p0 s1  }
0x72: {  	[bflag:$0x3] =	sbarrier.arrive $0xFFFF  }
0x73: {  	_ =	shalt  }

// kernel: kernel.29.cloned.1.call-start
scs
__scs_entry_jumppad:
0x0: {  	(pc) =	sbr.rel $0x88, $3  }
0x1: {  	(tag) =	ssettag $0x0;
	lr =	simm.s32 $0x1  }
0x2: {  	[smem:$0x3F6D] =	sst lr;
	_ =	strace $0xD0000000  }
0x3: {  	_ = 	snop  }
0x4: {  	_ = 	snop  }
0x5: {  	_ = 	snop  }
0x6: {  	_ = 	snop  }
0x7: {  	_ = 	snop  }
__scs_overlays_trampoline_lowered:
0x8: {  	[smem:$0x3F7C] =	sst s0  }
0x9: {  	[smem:$0x3F7D] =	sst s1  }
0xa: {  	[smem:$0x3F7E] =	sst s2  }
0xb: {  	[smem:$0x3F7F] =	sst s3  }
0xc: {  	[smem:$0x3F80] =	sst s4  }
0xd: {  	[smem:$0x3F81] =	sst s5  }
0xe: {  	[smem:$0x3F82] =	sst s6  }
0xf: {  	[smem:$0x3F83] =	sst s7  }
0x10: {  	[smem:$0x3F84] =	sst s8  }
0x11: {  	[smem:$0x3F85] =	sst s9;
	s0 =	simm.s32 @!p0 $0x0  }
0x12: {  	s1 =	sld [smem:$0x3F6B];
	s0 =	simm.s32 @p0 $0x1  }
0x13: {  	[smem:$0x3F86] =	sst s0;
	s0 =	simm.s32 @!p1 $0x0  }
0x14: {  	s2 =	sld [smem:$0x3F6A];
	s0 =	simm.s32 @p1 $0x1  }
0x15: {  	[smem:$0x3F87] =	sst s0;
	s0 =	simm.s32 @!p2 $0x0  }
0x16: {  	s3 =	sld [smem:$0x3FDB];
	s0 =	simm.s32 @p2 $0x1  }
0x17: {  	s4 =	simm.s32 $0x1BF5;
	[smem:$0x3F89] =	sst s0  }
0x18: {  	s0 =	sld [smem:$0x3F6C];
	_ =	swait.ge [sflag:s4], $0x0  }
0x19: {  	s7 =	sld [smem:$0x3F6D]  }
0x1a: {  	s8 =	sadd.s32 $0xFFFFE003, lr  }
0x1b: {  	s9 =	sadd.s32 $0xFFFFFEF7, lr;
	s5 =	simm.s32 $0xFFFFFFFF;
	p2 =	slt.u32 s8, $0xFFFFF086  }
0x1c: {  	p1 =	slt.u32 s9, $0xF7A;
	s5 =	simm.s32 @!p2 $0x0  }
0x1d: {  	s5 =	simm.s32 @p1 $0x1;
	p0 =	seq.s32 s7, s2  }
0x1e: {  	s7 =	smul.u32 @!p0 $0xF7A, s2;
	p2 =	seq.s32 @!p0 s5, $0x0  }
0x1f: {  	s9 =	smul.u32 $0xF7A, s1;
	s8 =	simm.s32 @!p0 $0x1BF5;
	p2 =	por !p2, p0  }
0x20: {  	[sflag:s8] =	ssyncset.s32 @!p0 $0xFFFFF086;
	s6 =	sadd.s32 @!p0 s3, s7;
	s7 =	simm.s32 @!p0 $0x108  }
0x21: {  	s3 =	sadd.s32 s3, s9;
	s6 =	sadd.s32 @!p0 $0x88, s6;
	s7 =	simm.s32 @p2 $0x1082  }
0x22: {  	[simem:s7], [sflag:s8] =	dma.local @!p0 [hbm:s6], $0xF7A  }
0x23: {  	s9 =	sor.u32 $0xD0000000, s2;
	s6 =	simm.s32 $0x108;
	_ =	swait.ge @!p0 [sflag:s8], $0x0  }
0x24: {  	s3 =	sadd.s32 $0x88, s3;
	s6 =	simm.s32 @!p1 $0x1082;
	[sflag:s4] =	ssyncset.s32 $0xFFFFF086  }
0x25: {  	[simem:s6], [sflag:s4] =	dma.local [hbm:s3], $0xF7A  }
0x26: {  	[smem:$0x3F6D] =	sst s1;
	(tag) =	ssettag s2;
	_ =	strace s9  }
0x27: {  	s1 =	sld [smem:$0x3F7D]  }
0x28: {  	s2 =	sld [smem:$0x3F7E]  }
0x29: {  	s4 =	sld [smem:$0x3F80]  }
0x2a: {  	p0 =	seq.s32 s5, $0x0;
	s5 =	sld [smem:$0x3F81]  }
0x2b: {  	s6 =	sld [smem:$0x3F82]  }
0x2c: {  	s7 =	sld [smem:$0x3F83]  }
0x2d: {  	s3 =	simm.s32 $0x108;
	s8 =	sld [smem:$0x3F84]  }
0x2e: {  	s3 =	simm.s32 @!p0 $0x1082;
	s9 =	sld [smem:$0x3F85]  }
0x2f: {  	lr =	sadd.s32 s0, s3;
	s0 =	sld [smem:$0x3F7C]  }
0x30: {  	s3 =	sld [smem:$0x3F7F]  }
0x31: {  	[smem:$0x3F88] =	sst s10  }
0x32: {  	s10 =	sld [smem:$0x3F86];
	_ =	sdelay $0x3  }
0x33: {  	p0 =	seq.s32 s10, $0x1;
	s10 =	sld [smem:$0x3F88];
	_ =	sdelay $0x3  }
0x34: {  	[smem:$0x3F88] =	sst s10  }
0x35: {  	s10 =	sld [smem:$0x3F87];
	_ =	sdelay $0x3  }
0x36: {  	p1 =	seq.s32 s10, $0x1;
	s10 =	sld [smem:$0x3F88];
	_ =	sdelay $0x3  }
0x37: {  	[smem:$0x3F88] =	sst s10  }
0x38: {  	s10 =	sld [smem:$0x3F89]  }
0x39: {  	_ = 	snop;
	(pc) =	sbr.ind lr, $3  }
0x3a: {  	_ = 	snop  }
0x3b: {  	_ = 	snop  }
0x3c: {  	p2 =	seq.s32 s10, $0x1;
	s10 =	sld [smem:$0x3F88]  }
0x3d: {  	_ =	shalt  }
0x3e: {  	_ =	shalt  }
0x3f: {  	_ =	shalt  }
0x40: {  	_ =	shalt  }
0x41: {  	_ =	shalt  }
0x42: {  	_ =	shalt  }
0x43: {  	_ =	shalt  }
0x44: {  	_ =	shalt  }
0x45: {  	_ =	shalt  }
0x46: {  	_ =	shalt  }
0x47: {  	_ =	shalt  }
0x48: {  	_ =	shalt  }
0x49: {  	_ =	shalt  }
0x4a: {  	_ =	shalt  }
0x4b: {  	_ =	shalt  }
0x4c: {  	_ =	shalt  }
0x4d: {  	_ =	shalt  }
0x4e: {  	_ =	shalt  }
0x4f: {  	_ =	shalt  }
0x50: {  	_ =	shalt  }
0x51: {  	_ =	shalt  }
0x52: {  	_ =	shalt  }
0x53: {  	_ =	shalt  }
0x54: {  	_ =	shalt  }
0x55: {  	_ =	shalt  }
0x56: {  	_ =	shalt  }
0x57: {  	_ =	shalt  }
0x58: {  	_ =	shalt  }
0x59: {  	_ =	shalt  }
0x5a: {  	_ =	shalt  }
0x5b: {  	_ =	shalt  }
0x5c: {  	_ =	shalt  }
0x5d: {  	_ =	shalt  }
0x5e: {  	_ =	shalt  }
0x5f: {  	_ =	shalt  }
0x60: {  	_ =	shalt  }
0x61: {  	_ =	shalt  }
0x62: {  	_ =	shalt  }
0x63: {  	_ =	shalt  }
0x64: {  	_ =	shalt  }
0x65: {  	_ =	shalt  }
0x66: {  	_ =	shalt  }
0x67: {  	_ =	shalt  }
0x68: {  	_ =	shalt  }
0x69: {  	_ =	shalt  }
0x6a: {  	_ =	shalt  }
0x6b: {  	_ =	shalt  }
0x6c: {  	_ =	shalt  }
0x6d: {  	_ =	shalt  }
0x6e: {  	_ =	shalt  }
0x6f: {  	_ =	shalt  }
0x70: {  	_ =	shalt  }
0x71: {  	_ =	shalt  }
0x72: {  	_ =	shalt  }
0x73: {  	_ =	shalt  }
0x74: {  	_ =	shalt  }
0x75: {  	_ =	shalt  }
0x76: {  	_ =	shalt  }
0x77: {  	_ =	shalt  }
0x78: {  	_ =	shalt  }
0x79: {  	_ =	shalt  }
0x7a: {  	_ =	shalt  }
0x7b: {  	_ =	shalt  }
0x7c: {  	_ =	shalt  }
0x7d: {  	_ =	shalt  }
0x7e: {  	_ =	shalt  }
0x7f: {  	_ =	shalt  }
0x80: {  	_ =	shalt  }
0x81: {  	_ =	shalt  }
0x82: {  	_ =	shalt  }
0x83: {  	_ =	shalt  }
0x84: {  	_ =	shalt  }
0x85: {  	_ =	shalt  }
0x86: {  	_ =	shalt  }
0x87: {  	_ =	shalt  }
.Lfunc_end0:
.L_simem_size_0:
called_computation.5_lowered:
.L_overlay_start_0:
0x88: {  	s2 =	sld [smem:$0x3FD9]  }
0x89: {  	s3 =	sld [smem:$0x3FFE];
	_ =	sdelay $0x1  }
0x8a: {  	s1 =	srdreg.scid  }
0x8b: {  	s0 =	sand.u32 $0x1, s1  }
0x8c: {  	s16 =	sshll.u32 s0, $0xA;
	s2 =	sadd.s32 s3, s2  }
0x8d: {  	s2 =	sadd.s32 s2, s16  }
0x8e: {  	[smem:$0x3F94] =	sst s2  }
0x8f: {  	_ = 	snop  }
0x90: {  	(tm) =	ssettm $0x1  }
0x91: {  	s17 =	sld [smem:$0x3FFB];
	_ =	sdelay $0x3  }
0x92: {  	_ =	strace s17  }
0x93: {  	s2 =	sld [smem:$0x3FFC];
	_ =	sdelay $0x3  }
0x94: {  	_ =	strace s2  }
0x95: {  	s2 =	sld [smem:$0x3FFD];
	_ =	sdelay $0x3  }
0x96: {  	_ =	strace s2  }
0x97: {  	_ =	strace $0x8FFFFFFF  }
0x98: {  	s18 =	sld [smem:$0x3FDB];
	_ =	sdelay $0x1  }
0x99: {  	s19 =	simm.s32 $_scs_section_size  }
0x9a: {  	s4 =	simm.s32 $_size__tile_overlayer_lowered;
	s5 =	simm.s32 $_tile_overlayer_lowered  }
0x9b: {  	s22 =	simm.s32 $0x1BFF;
	s21 =	sshll.u32 s5, $0x1;
	s2 =	sadd.s32 s19, s18  }
0x9c: {  	s6 =	simm.s32 $0x0;
	s20 =	sshll.u32 s4, $0x1;
	s4 =	sadd.s32 s21, s2  }
0x9d: {  	[timem:s6], [sflag:s22] =	dma.local [hbm:s4], s20  }
0x9e: {  	_ =	swait.ge [sflag:s22], s20  }
0x9f: {  	s3 =	ssub.s32 $0x0, s20;
	[sflag:s22] =	ssyncset.done $0x0  }
0xa0: {  	[sflag:s22] =	ssyncadd.s32 s3;
	_ =	sdelay $0x1  }
0xa1: {  	s23 =	simm.s32 $0x1B8B  }
0xa2: {  	_ =	swait.ge [sflag:s23], $0x1  }
0xa3: {  	[sflag:s23] =	ssyncset.done $0x0  }
0xa4: {  	s25 =	simm.s32 $0x1B8E;
	s24 =	sld [smem:$0x3FFE];
	[sflag:s23] =	ssyncadd.s32 $0xFFFFFFFF  }
0xa5: {  	s26 =	simm.s32 $execute0_lowered;
	[smem:$0x3FD2] =	sst s25  }
0xa6: {  	s4 =	sshll.u32 s26, $0x1;
	_ =	strace $0x80000055;
	[dreg:$0x1] =	wrdreg $0xFFFFFFFF  }
0xa7: {  	s28 =	simm.s32 $_size_execute0_lowered;
	s2 =	sadd.s32 s2, s4;
	[dreg:$0x0] =	wrdreg $0x0  }
0xa8: {  	s4 =	sshll.u32 s28, $0x1;
	[dreg:$0x2] =	wrdreg s2  }
0xa9: {  	[dreg:$0x3] =	wrdreg s4  }
0xaa: {  	[dreg:$0x4] =	wrdreg $0xC0  }
0xab: {  	_ =	task [dreg:s6], $0x5FFFF  }
0xac: {  	[dreg:$0x1] =	wrdreg $0xFFFFFFFF  }
0xad: {  	[dreg:$0x0] =	wrdreg $0x60  }
0xae: {  	[dreg:$0x2] =	wrdreg s24  }
0xaf: {  	[dreg:$0x3] =	wrdreg $0x90000  }
0xb0: {  	[dreg:$0x4] =	wrdreg $0x9  }
0xb1: {  	_ =	task.clear_ibuf [dreg:s6], $0x5FFFF;
	_ =	strace $0x90000055  }
0xb2: {  	s29 =	simm.s32 $0x9;
	_ =	strace $0x80000057  }
0xb3: {  	_ =	swait.ge [sflag:s29], $0x1  }
0xb4: {  	[sflag:s29] =	ssyncadd.s32 $0xFFFFFFFF  }
0xb5: {  	_ =	strace $0x90000057  }
0xb6: {  	_ =	sfence  }
0xb7: {  	s30 =	sld [smem:$0x0];
	_ =	sdelay $0x2  }
0xb8: {  	s31 =	sshll.u32 s1, $0xD;
	s1 =	sshrl.u32 s1, $0x2  }
0xb9: {  	s3 =	sand.u32 $0x4000, s31;
	s1 =	sadd.s32 s1, s30  }
0xba: {  	s0 =	sor.u32 s3, s0;
	s1 =	sshll.u32 s1, $0x11  }
0xbb: {  	s0 =	sor.u32 s1, s0  }
0xbc: {  	s0 =	sadd.s32 $0x8F2B, s0  }
0xbd: {  	[sflag:s0] =	ssyncadd.remote.s32 $0x1  }
0xbe: {  	_ =	sfence.sel $0xFFFF  }
0xbf: {  	[dreg:$0x0] =	wrdreg $0xFFFFFFFF;
	(pc) =	sbr.abs _section_cstart, $3  }
0xc0: {  	[dreg:$0x1] =	wrdreg $0xFFFFFFFF  }
0xc1: {  	_ =	task.clear_ibuf [dreg:s6], $0x2FFFF;
	_ =	strace $0x9FFFFFFF  }
0xc2: {  	(tm) =	ssettm $0x7FFFFFFF  }
0xc3: {  	_ =	shalt  }
tec
execute0_lowered:
.L_overlay_start_1:
0x0: {  	(tag) =	ssettag $0x1  }
0x1: {  	s0 =	srdreg.scid;
	s1 =	rddreg [dreg:$0x0]  }
0x2: {  	s22 =	stileid.u32;
	s2 =	rddreg [dreg:$0x1]  }
0x3: {  	s25 =	simm.s32 $0x0;
	s24 =	simm.s32 $0x2;
	s28 =	simm.s32 $0x5000  }
0x4: {  	s29 =	simm.s32 $0x1;
	s30 =	simm.s32 $0x0;
	s0 =	sand.u32 $0x1, s0  }
0x5: {  	[smem:$0x7FF] =	sst s25;
	s8 =	smul.u32 $0x2700, s22;
	s21 =	sadd.s32 $0x124800, s2  }
0x6: {  	s6 =	smul.u32 $0x4E000, s22;
	s9 =	sadd.s32 $0x6B700, s1;
	s23 =	sadd.s32 $0x138800, s2  }
0x7: {  	s10 =	sadd.s32 $0x46D00, s1;
	s14 =	sadd.s32 $0xB9B00, s1;
	s16 =	sadd.s32 $0x92900, s1  }
0x8: {  	s3 =	sshll.u32 s0, $0x4;
	_ =	strace $0x80000056;
	s26 =	ssub.s32 $0x2, s0  }
0x9: {  	s19 =	sor.u32 s22, s0;
	p3 =	sne.s32 s0, $0x0;
	s4 =	sor.u32 s22, s3  }
0xa: {  	s15 =	sadd.s32 s8, s1;
	s7 =	sshrl.u32 s26, $0x1;
	s6 =	sshrl.u32 s6, $0x2  }
0xb: {  	p1 =	seq.s32 @p3 s22, $0xF;
	p4 =	seq.s32 @!p3 s22, $0xF;
	s5 =	smul.u32 $0x500, s4  }
0xc: {  	s4 =	sadd.s32 $0x46E00, s1;
	s17 =	ssub.s32 s26, s7;
	s31 =	sadd.s32 $0x1FC00, s15  }
0xd: {  	s7 =	sadd.s32 $0x44500, s1;
	s13 =	sadd.s32 $0x95200, s15;
	s15 =	sadd.s32 $0x6E000, s15  }
0xe: {  	p0 =	por !p1, !p3;
	p1 =	por p1, !p3;
	p2 =	por !p4, p3  }
0xf: {  	p3 =	por p4, p3;
	p4 =	sne.s32 s19, $0x0;
	s26 =	simm.s32 $0x80  }
0x10: {  	[dreg:$0x3] =	wrdreg s31;
	s8 =	sadd.s32 s4, s8;
	s17 =	smax.u32 s17, $0x1  }
0x11: {  	s18 =	sshrl.u32 @!p0 s21, $0x3;
	s0 =	sshll.u32 @!p1 s22, $0x6;
	s21 =	sshrl.u32 @!p2 s21, $0x3  }
0x12: {  	s23 =	sshrl.u32 @!p4 s23, $0x3;
	s12 =	sadd.s32 s5, s1;
	s5 =	sadd.s32 s6, s2  }
0x13: {  	s19 =	sor.u32 @!p1 $0x1C02, s0;
	s0 =	sshll.u32 @!p4 s22, $0x6;
	s11 =	sadd.s32 $0xBC00, s12  }
0x14: {  	s12 =	sadd.s32 $0x15C00, s12;
	s20 =	sshrl.u32 @!p1 s5, $0x3;
	s22 =	sor.u32 @!p4 $0x1C02, s0  }
.LBB2_1:
0x15: {  	s0 =	simm.s32 @!p0 $0x1FC2  }
0x16: {  	[spmem:s18], [sflag:s0] =	dma.local @!p0 [hbm:s7], $0x2800  }
0x17: {  	s0 =	simm.s32 @!p0 $0x2  }
0x18: {  	_ =	swait.ge @!p0 [sflag:s0], $0x2800  }
0x19: {  	[sflag:s0] =	ssyncset.done @!p0 $0x0  }
0x1a: {  	[sflag:s0] =	ssyncadd.s32 @!p0 $0xFFFFD800;
	s0 =	rddreg [dreg:$0x3]  }
0x1b: {  	[spmem:s20], [sflag:s19] =	dma.local @!p1 [hbm:s0], $0x2700  }
0x1c: {  	s0 =	simm.s32 @!p1 $0x2  }
0x1d: {  	_ =	swait.ge @!p1 [sflag:s0], $0x2700  }
0x1e: {  	[sflag:s0] =	ssyncset.done @!p1 $0x0  }
0x1f: {  	[sflag:s0] =	ssyncadd.s32 @!p1 $0xFFFFD900;
	s0 =	simm.s32 @!p2 $0x1FC2  }
0x20: {  	[spmem:s21], [sflag:s0] =	dma.local @!p2 [hbm:s9], $0x2800  }
0x21: {  	s1 =	stileid.u32;
	s0 =	simm.s32 @!p2 $0x2  }
0x22: {  	s1 =	sshll.u32 @!p3 s1, $0x6;
	_ =	swait.ge @!p2 [sflag:s0], $0x2800  }
0x23: {  	s31 =	sor.u32 @!p3 $0x1C02, s1;
	[sflag:s0] =	ssyncset.done @!p2 $0x0  }
0x24: {  	s1 =	sshrl.u32 @!p3 s5, $0x3;
	[sflag:s0] =	ssyncadd.s32 @!p2 $0xFFFFD800;
	s0 =	simm.s32 @!p3 $0x2  }
0x25: {  	[spmem:s1], [sflag:s31] =	dma.local @!p3 [hbm:s8], $0x2700  }
0x26: {  	_ =	swait.ge @!p3 [sflag:s0], $0x2700  }
0x27: {  	[sflag:s0] =	ssyncset.done @!p3 $0x0  }
0x28: {  	[sflag:s0] =	ssyncadd.s32 @!p3 $0xFFFFD900;
	s0 =	simm.s32 @!p4 $0x2  }
0x29: {  	[spmem:s23], [sflag:s22] =	dma.local @!p4 [hbm:s10], $0x100  }
0x2a: {  	_ =	swait.ge @!p4 [sflag:s0], $0x100  }
0x2b: {  	[sflag:s0] =	ssyncset.done @!p4 $0x0  }
0x2c: {  	s25 =	simm.s32 $0x0;
	[sflag:s0] =	ssyncadd.s32 @!p4 $0xFFFFFF00  }
0x2d: {  	[tilespmem:s25], [sflag:$0x2] =	stream.linear.gather [hbm4b:s11+s25], $0x2780, $0x38;
	[tilespmem:$0x1C900] =	vst v63  }
0x2e: {  	_ =	swait.ge [sflag:s24], $0x2780  }
0x2f: {  	[sflag:s24] =	ssyncset.done $0x0  }
0x30: {  	s3 =	simm.s32 $0x2800;
	[sflag:s24] =	ssyncadd.s32 $0xFFFFD880  }
0x31: {  	[tilespmem:s3], [sflag:$0x2] =	stream.linear.gather [hbm4b:s12+s25], $0x2780, $0x38;
	[tilespmem:$0x1C900] =	vst v63  }
0x32: {  	_ =	swait.ge [sflag:s24], $0x2780  }
0x33: {  	[sflag:s24] =	ssyncset.done $0x0  }
0x34: {  	[sflag:s24] =	ssyncadd.s32 $0xFFFFD880  }
0x35: {  	s6 =	simm.s32 $0x0;
	[bflag:$0x0] =	sbarrier.arrive $0xFFFF  }
0x36: {  	[tilespmem:s28], [sflag:$0x1] =	stream.indirect.gather [hbm4b:s4+s26], $0x80, s6, s26, $0xb8;
	[tilespmem:$0x1C900] =	vst v63  }
0x37: {  	_ =	swait.ge [sflag:s29], $0x4000  }
0x38: {  	[sflag:s29] =	ssyncset.done $0x0  }
0x39: {  	s25 =	simm.s32 $0x2800;
	[sflag:s29] =	ssyncadd.s32 $0xFFFFC000  }
0x3a: {  	[spmem:s2] =	stream.indirect.scatter.add.f32 [tilespmem:s28], [sflag:$0x2], $0x80, s25, s26, $0xb8;
	[tilespmem:$0x1C900] =	vst v63  }
0x3b: {  	_ =	swait.ge [sflag:s24], $0x4000  }
0x3c: {  	s0 =	simm.s32 $0x200;
	s25 =	simm.s32 $0x400;
	[sflag:s24] =	ssyncset.done $0x0  }
.LBB2_2:
0x3d: {  	s3 =	sshra.s32 s0, $0x2  }
0x3e: {  	[sflag:s24] =	ssyncadd.s32 $0xFFFFC000;
	s0 =	smov.u32 s25;
	s6 =	sadd.s32 $0x200, s25  }
0x3f: {  	[tilespmem:s28], [sflag:$0x1] =	stream.indirect.gather [hbm4b:s4+s26], $0x80, s3, s26, $0xb8;
	[tilespmem:$0x1C900] =	vst v63  }
0x40: {  	p5 =	sne.s32 s25, $0x9C00;
	_ =	swait.ge [sflag:s29], $0x4000  }
.Ltmp0:
0x41: {  	[sflag:s29] =	ssyncset.done $0x0;
	(pc) =	sbr.rel @p5 .LBB2_2-.Ltmp0, $4  }
0x42: {  	s3 =	sadd.s32 $0x2800, s3;
	[sflag:s29] =	ssyncadd.s32 $0xFFFFC000  }
0x43: {  	[spmem:s2] =	stream.indirect.scatter.add.f32 [tilespmem:s28], [sflag:$0x2], $0x80, s3, s26, $0xb8;
	[tilespmem:$0x1C900] =	vst v63  }
0x44: {  	_ =	swait.ge [sflag:s24], $0x4000  }
0x45: {  	s25 =	smov.u32 s6;
	[sflag:s24] =	ssyncset.done $0x0  }
0x46: {  	s0 =	sshra.s32 s0, $0x2;
	[sflag:s24] =	ssyncadd.s32 $0xFFFFC000  }
0x47: {  	[tilespmem:s28], [sflag:$0x1] =	stream.indirect.gather [hbm4b:s4+s26], $0x80, s0, s26, $0xb8;
	[tilespmem:$0x1C900] =	vst v63  }
0x48: {  	_ =	swait.ge [sflag:s29], $0x4000  }
0x49: {  	[sflag:s29] =	ssyncset.done $0x0  }
0x4a: {  	s0 =	sadd.s32 $0x2800, s0;
	[sflag:s29] =	ssyncadd.s32 $0xFFFFC000  }
0x4b: {  	[spmem:s2] =	stream.indirect.scatter.add.f32 [tilespmem:s28], [sflag:$0x2], $0x80, s0, s26, $0xb8;
	[tilespmem:$0x1C900] =	vst v63  }
0x4c: {  	_ =	swait.ge [sflag:s24], $0x4000  }
0x4d: {  	[sflag:s24] =	ssyncset.done $0x0  }
0x4e: {  	[sflag:s24] =	ssyncadd.s32 $0xFFFFC000  }
0x4f: {  	s0 =	simm.s32 @!p0 $0x1FC2;
	[bflag:$0x0] =	sbarrier.arrive $0xFFFF  }
0x50: {  	[hbm:s14], [sflag:s0] =	dma.local @!p0 [spmem:s18], $0x2800  }
0x51: {  	s0 =	simm.s32 @!p0 $0x2  }
0x52: {  	_ =	swait.ge @!p0 [sflag:s0], $0x2800  }
0x53: {  	[sflag:s0] =	ssyncset.done @!p0 $0x0  }
0x54: {  	[sflag:s0] =	ssyncadd.s32 @!p0 $0xFFFFD800;
	s0 =	simm.s32 @!p1 $0x2  }
0x55: {  	[hbm:s13], [sflag:s19] =	dma.local @!p1 [spmem:s20], $0x2700  }
0x56: {  	_ =	swait.ge @!p1 [sflag:s0], $0x2700  }
0x57: {  	[sflag:s0] =	ssyncset.done @!p1 $0x0  }
0x58: {  	[sflag:s0] =	ssyncadd.s32 @!p1 $0xFFFFD900;
	s0 =	simm.s32 @!p2 $0x1FC2  }
0x59: {  	[hbm:s16], [sflag:s0] =	dma.local @!p2 [spmem:s21], $0x2800  }
0x5a: {  	s0 =	simm.s32 @!p2 $0x2  }
0x5b: {  	s30 =	sadd.s32 $0x1, s30;
	_ =	swait.ge @!p2 [sflag:s0], $0x2800  }
0x5c: {  	p5 =	sne.s32 s30, s17;
	[sflag:s0] =	ssyncset.done @!p2 $0x0  }
.Ltmp1:
0x5d: {  	[sflag:s0] =	ssyncadd.s32 @!p2 $0xFFFFD800;
	s0 =	simm.s32 @!p3 $0x2;
	(pc) =	sbr.rel @p5 .LBB2_1-.Ltmp1, $4  }
0x5e: {  	[hbm:s15], [sflag:s31] =	dma.local @!p3 [spmem:s1], $0x2700  }
0x5f: {  	_ =	swait.ge @!p3 [sflag:s0], $0x2700  }
0x60: {  	[sflag:s0] =	ssyncset.done @!p3 $0x0  }
0x61: {  	[sflag:s0] =	ssyncadd.s32 @!p3 $0xFFFFD900  }
0x62: {  	_ =	sfence.sel $0x180000  }
0x63: {  	[bflag:$0x0] =	sbarrier.arrive $0xFFFF  }
0x64: {  	_ =	strace $0x90000056  }
0x65: {  	s0 =	stileid.u32;
	[bflag:$0x2] =	sbarrier.arrive $0xFFFF  }
0x66: {  	p0 =	sne.s32 s0, $0x0;
	s0 =	rddreg [dreg:$0x2]  }
0x67: {  	s0 =	sadd.s32 @!p0 $0x100000, s0  }
0x68: {  	[sflag:s0] =	ssyncadd.tile.s32 @!p0 $0x1;
	_ =	shalt  }
.Lfunc_end2:
_tile_overlayer_lowered:
.L_overlay_start_2:
0x69: {  	(tag) =	ssettag $0x2  }
0x6a: {  	s0 =	rddreg [dreg:$0x0];
	s2 =	stileid.u32  }
0x6b: {  	s1 =	rddreg [dreg:$0x1];
	p0 =	sne.s32 s2, $0x0  }
0x6c: {  	s3 =	rddreg [dreg:$0x2];
	[bflag:$0x3] =	sbarrier.arrive $0xFFFF;
	s2 =	simm.s32 @!p0 $0x1C02  }
0x6d: {  	[timem:s3], [sflag:s2] =	dma.local @!p0 [hbm:s0], s1  }
0x6e: {  	s0 =	simm.s32 @!p0 $0x2  }
0x6f: {  	_ =	swait.ge @!p0 [sflag:s0], s1  }
0x70: {  	s1 =	ssub.s32 @!p0 $0x0, s1;
	[sflag:s0] =	ssyncset.done @!p0 $0x0  }
0x71: {  	[sflag:s0] =	ssyncadd.s32 @!p0 s1  }
0x72: {  	[bflag:$0x3] =	sbarrier.arrive $0xFFFF  }
0x73: {  	_ =	shalt  }

</sc_bundles>
